<compile_context>
chip_gen: v7x
topology: tpu7x:2x2x1
jax: 0.10.2.dev20260603
libtpu: 0.0.44.dev20260713+nightly
codegen_flags: <defaults>
</compile_context>

<pallas_src>
import functools

import jax
import jax.numpy as jnp
from jax import lax
from jax.experimental import pallas as pl
from jax.experimental.pallas import tpu as pltpu
from jax.experimental.pallas import tpu_sc as plsc

N = 100000
B = 16384
D = 128
TB = 2 * B
NW = 32
RPW = 3128
GPW = TB // NW
GCH = 256
CCH = 136
CTL = 40
ICH = 4096
MAXU = 3200
SCH = 128

_mesh = plsc.VectorSubcoreMesh(core_axis_name="c", subcore_axis_name="s")


def _wid():
    return lax.axis_index("s") * 2 + lax.axis_index("c")


@functools.partial(
    pl.kernel,
    out_type=jax.ShapeDtypeStruct((TB, D), jnp.float32),
    mesh=_mesh,
    compiler_params=pltpu.CompilerParams(needs_layout_passes=False),
    scratch_types=[
        pltpu.VMEM((GCH,), jnp.int32),
        pltpu.VMEM((GCH,), jnp.int32),
        pltpu.VMEM((GCH, D), jnp.float32),
        pltpu.VMEM((GCH, D), jnp.float32),
        [pltpu.SemaphoreType.DMA] * 2,
        [pltpu.SemaphoreType.DMA] * 2,
    ],
)
def _gather(ids_hbm, table_hbm, out_hbm, idx0, idx1, rows0, rows1,
            gsem, wsem):
    base = pl.multiple_of(_wid() * GPW, GPW)
    nc = GPW // GCH
    idx = [idx0, idx1]
    rows = [rows0, rows1]
    for c in range(nc):
        b = c % 2
        off = pl.multiple_of(base + c * GCH, GCH)
        if c >= 2:
            pltpu.make_async_copy(
                rows[b],
                out_hbm.at[pl.ds(pl.multiple_of(off - 2 * GCH, GCH), GCH)],
                wsem[b]).wait()
        pltpu.sync_copy(ids_hbm.at[pl.ds(off, GCH)], idx[b])
        pltpu.async_copy(table_hbm.at[idx[b]], rows[b], gsem[b]).wait()
        pltpu.async_copy(rows[b], out_hbm.at[pl.ds(off, GCH)], wsem[b])
    for c in range(nc - 2, nc):
        b = c % 2
        off = pl.multiple_of(base + c * GCH, GCH)
        pltpu.make_async_copy(rows[b], out_hbm.at[pl.ds(off, GCH)],
                              wsem[b]).wait()


def _mlp_body(x_ref, g_ref, wn_ref, bn_ref, wd_ref, bd_ref, o_ref):
    x = x_ref[...]
    g = g_ref[...]
    shift = lax.dot_general(
        x, wn_ref[...], (((1,), (1,)), ((), ())),
        precision=lax.Precision.HIGHEST,
        preferred_element_type=jnp.float32) + bn_ref[...]
    h = g + shift
    o_ref[...] = lax.dot_general(
        h, wd_ref[...], (((1,), (1,)), ((), ())),
        precision=lax.Precision.HIGHEST,
        preferred_element_type=jnp.float32) + bd_ref[...] + g


def _mlp(x, g, wn, bn, wd, bd):
    bm = 2048
    grid = (TB // bm,)
    return pl.pallas_call(
        _mlp_body,
        grid=grid,
        in_specs=[
            pl.BlockSpec((bm, D), lambda i: (i, 0)),
            pl.BlockSpec((bm, D), lambda i: (i, 0)),
            pl.BlockSpec((D, D), lambda i: (0, 0)),
            pl.BlockSpec((1, D), lambda i: (0, 0)),
            pl.BlockSpec((D, D), lambda i: (0, 0)),
            pl.BlockSpec((1, D), lambda i: (0, 0)),
        ],
        out_specs=pl.BlockSpec((bm, D), lambda i: (i, 0)),
        out_shape=jax.ShapeDtypeStruct((TB, D), jnp.float32),
    )(x, g, wn, bn, wd, bd)


@functools.partial(
    pl.kernel,
    out_type=jax.ShapeDtypeStruct((N, D), jnp.float32),
    mesh=_mesh,
    compiler_params=pltpu.CompilerParams(needs_layout_passes=False),
    scratch_types=[
        pltpu.VMEM((CCH, D), jnp.float32),
        pltpu.VMEM((CCH, D), jnp.float32),
        pltpu.VMEM((CTL, D), jnp.float32),
        [pltpu.SemaphoreType.DMA] * 2,
        [pltpu.SemaphoreType.DMA] * 2,
        pltpu.SemaphoreType.DMA,
        pltpu.VMEM((TB,), jnp.int32),
        pltpu.VMEM((16,), jnp.int32),
        pltpu.VMEM((MAXU,), jnp.int32),
        pltpu.VMEM((MAXU,), jnp.int32),
        pltpu.VMEM((MAXU,), jnp.int32),
        pltpu.VMEM((SCH,), jnp.int32),
        pltpu.VMEM((SCH,), jnp.int32),
        pltpu.VMEM((SCH, D), jnp.float32),
        pltpu.SemaphoreType.DMA,
        pltpu.SemaphoreType.DMA,
    ],
)
def _scatter(prev_hbm, ids_hbm, emb_hbm, out_hbm, cb0, cb1, ctbuf,
             rsem, wsem, isem, idsv, sidv,
             winner, upos, uid, posw, idw, rowb, sem, sem2):
    w = _wid()
    lo = w * RPW
    lane = lax.iota(jnp.int32, 16)
    last = w == NW - 1

    pltpu.async_copy(ids_hbm, idsv, isem)

    def init_body(j, _):
        winner[pl.ds(j * 16, 16)] = jnp.full((16,), -1, jnp.int32)
        return 0
    lax.fori_loop(0, MAXU // 16, init_body, 0)

    pltpu.make_async_copy(ids_hbm, idsv, isem).wait()

    def scan_range(s, e):
        def scan_vreg(i, _):
            idv = idsv[pl.ds(i * 16, 16)]
            inr = (idv >= lo) & (idv < lo + RPW)
            nactive = plsc.all_reduce_population_count(inr)

            @pl.when(nactive[0] > 0)
            def _():
                key = (idv << 4) | lane
                pos = i * 16 + lane
                sk, spos = plsc.sort_key_val(key, pos, descending=True)
                sid = sk >> 4
                sidv[...] = sid
                prev_s = plsc.load_gather(sidv, [jnp.maximum(lane - 1, 0)])
                run_start = (sid != prev_s) | (lane == 0)
                slocal = sid - lo
                m = run_start & (slocal >= 0) & (slocal < RPW)
                cur = plsc.load_gather(winner, [slocal], mask=m)
                plsc.store_scatter(winner, [slocal],
                                   jnp.maximum(cur, spos), mask=m)
            return 0
        lax.fori_loop(s, e, scan_vreg, 0)

    cb = [cb0, cb1]
    nfull = jnp.where(last, 22, 23)
    NV = TB // 16
    VPS = NV // 23

    for c in range(23):
        b = c % 2

        @pl.when(c < nfull)
        def _(c=c, b=b):
            off = pl.multiple_of(lo + c * CCH, 8)
            if c >= 2:
                pltpu.make_async_copy(
                    cb[b],
                    out_hbm.at[pl.ds(pl.multiple_of(lo + (c - 2) * CCH, 8),
                                     CCH)],
                    wsem[b]).wait()
            pltpu.async_copy(prev_hbm.at[pl.ds(off, CCH)], cb[b], rsem[b])

        scan_range(c * VPS, (c + 1) * VPS if c < 22 else NV)

        @pl.when(c < nfull)
        def _(c=c, b=b):
            off = pl.multiple_of(lo + c * CCH, 8)
            pltpu.make_async_copy(prev_hbm.at[pl.ds(off, CCH)], cb[b],
                                  rsem[b]).wait()
            pltpu.async_copy(cb[b], out_hbm.at[pl.ds(off, CCH)], wsem[b])

    @pl.when(last)
    def _():
        off = pl.multiple_of(lo + 22 * CCH, 8)
        pltpu.sync_copy(prev_hbm.at[pl.ds(off, CTL)], ctbuf)
        pltpu.async_copy(ctbuf, out_hbm.at[pl.ds(off, CTL)], rsem[0])
        pltpu.make_async_copy(ctbuf, out_hbm.at[pl.ds(off, CTL)],
                              rsem[0]).wait()

    for b in range(2):
        pltpu.make_async_copy(cb[b], out_hbm.at[pl.ds(lo, CCH)],
                              wsem[b]).wait()

    def compact_body(j, off):
        wv = winner[pl.ds(j * 16, 16)]
        m = wv >= 0
        tgt = off + plsc.cumsum(m.astype(jnp.int32)) - 1
        plsc.store_scatter(upos, [tgt], wv, mask=m)
        plsc.store_scatter(uid, [tgt], lo + j * 16 + lane, mask=m)
        return off + jnp.sum(m.astype(jnp.int32))
    cnt = lax.fori_loop(0, MAXU // 16, compact_body, jnp.int32(0))

    cnt_pad = ((cnt + SCH - 1) // SCH) * SCH

    @pl.when(cnt > 0)
    def _():
        zero16 = jnp.zeros((16,), jnp.int32)
        p0 = plsc.load_gather(upos, [zero16])
        i0 = plsc.load_gather(uid, [zero16])

        def fill_body(j, _):
            vv = j * 16 + lane
            m = (vv >= cnt) & (vv < cnt_pad)
            upos[pl.ds(j * 16, 16)] = jnp.where(m, p0, upos[pl.ds(j * 16, 16)])
            uid[pl.ds(j * 16, 16)] = jnp.where(m, i0, uid[pl.ds(j * 16, 16)])
            return 0
        lax.fori_loop(cnt // 16, cnt_pad // 16, fill_body, 0)

    nch = cnt_pad // SCH

    def scat_body(c, _):
        @pl.when(c < nch)
        def _():
            for kk in range(SCH // 16):
                posw[pl.ds(kk * 16, 16)] = upos[pl.ds(c * SCH + kk * 16, 16)]
                idw[pl.ds(kk * 16, 16)] = uid[pl.ds(c * SCH + kk * 16, 16)]
            pltpu.async_copy(emb_hbm.at[posw], rowb, sem).wait()
            pltpu.async_copy(rowb, out_hbm.at[idw], sem2).wait()
        return 0
    lax.fori_loop(0, MAXU // SCH, scat_body, 0)


def kernel(src_node_ids, dst_node_ids, previous_embedding,
           batch_src_neighbor_embedding, batch_dst_neighbor_embedding,
           W_neighbor, b_neighbor, W_node, b_node):
    ids = jnp.concatenate([src_node_ids, dst_node_ids])
    x = jnp.concatenate([batch_src_neighbor_embedding,
                         batch_dst_neighbor_embedding], axis=0)
    gathered = _gather(ids, previous_embedding)
    emb = _mlp(x, gathered, W_neighbor, b_neighbor.reshape(1, D),
               W_node, b_node.reshape(1, D))
    return _scatter(previous_embedding, ids, emb)

# --- scband reference (transcript-rebuilt; emitter-appended) ---
"""Pipeline reference for scband-batch-embedding-updater-63410897158926 (READ-ONLY COPY).

The authoritative reference and input builder live on the scoring server;
editing this copy changes nothing except your own understanding.
"""

import jax, jax.numpy as jnp
import numpy as np

N = 100000
B = 16384
DIM_NIG = 128
DIM_NODE = 128


def setup_inputs(seed: int = 0) -> dict:
    key = jax.random.key(seed)
    ks = jax.random.split(key, 10)
    src_node_ids = jax.random.randint(ks[0], (B,), 0, N, dtype=jnp.int64 if jax.config.jax_enable_x64 else jnp.int32).astype(jnp.int32)
    dst_node_ids = jax.random.randint(ks[1], (B,), 0, N, dtype=jnp.int32)
    previous_embedding = jax.random.normal(ks[2], (N, DIM_NODE), dtype=jnp.float32)
    batch_src_neighbor_embedding = jax.random.normal(ks[3], (B, DIM_NIG), dtype=jnp.float32)
    batch_dst_neighbor_embedding = jax.random.normal(ks[4], (B, DIM_NIG), dtype=jnp.float32)
    lim_n = 1.0 / np.sqrt(DIM_NIG)
    lim_d = 1.0 / np.sqrt(DIM_NODE)
    W_neighbor = jax.random.uniform(ks[5], (DIM_NODE, DIM_NIG), minval=-lim_n, maxval=lim_n, dtype=jnp.float32)
    b_neighbor = jax.random.uniform(ks[6], (DIM_NODE,), minval=-lim_n, maxval=lim_n, dtype=jnp.float32)
    W_node = jax.random.uniform(ks[7], (DIM_NODE, DIM_NODE), minval=-lim_d, maxval=lim_d, dtype=jnp.float32)
    b_node = jax.random.uniform(ks[8], (DIM_NODE,), minval=-lim_d, maxval=lim_d, dtype=jnp.float32)
    return {
        "src_node_ids": src_node_ids,
        "dst_node_ids": dst_node_ids,
        "previous_embedding": previous_embedding,
        "batch_src_neighbor_embedding": batch_src_neighbor_embedding,
        "batch_dst_neighbor_embedding": batch_dst_neighbor_embedding,
        "W_neighbor": W_neighbor,
        "b_neighbor": b_neighbor,
        "W_node": W_node,
        "b_node": b_node,
    }


def reference(src_node_ids, dst_node_ids, previous_embedding,
              batch_src_neighbor_embedding, batch_dst_neighbor_embedding,
              W_neighbor, b_neighbor, W_node, b_node):
    src_prev = jnp.take(previous_embedding, src_node_ids, axis=0)
    dst_prev = jnp.take(previous_embedding, dst_node_ids, axis=0)
    src_shift = batch_src_neighbor_embedding @ W_neighbor.T + b_neighbor
    dst_shift = batch_dst_neighbor_embedding @ W_neighbor.T + b_neighbor
    src_node_embedding = (src_prev + src_shift) @ W_node.T + b_node + src_prev
    dst_node_embedding = (dst_prev + dst_shift) @ W_node.T + b_node + dst_prev
    updated = jax.lax.stop_gradient(previous_embedding)
    updated = updated.at[src_node_ids].set(src_node_embedding)
    updated = updated.at[dst_node_ids].set(dst_node_embedding)
    return updated

if __name__ == "__main__":
    import jax
    _d = setup_inputs()
    print(jax.jit(kernel)(*tuple(_d.values())))

</pallas_src>

<mosaic_0001>
#map = affine_map<(d0, d1) -> (0, 0)>
#map1 = affine_map<(d0, d1) -> (0)>
module attributes {stable_mosaic.version = 14 : i64} {
  func.func @_scatter(%arg0: i32, %arg1: i32, %arg2: memref<100000x128xf32, #tpu.memory_space<hbm>>, %arg3: memref<32768xi32, #tpu.memory_space<hbm>>, %arg4: memref<32768x128xf32, #tpu.memory_space<hbm>>, %arg5: memref<100000x128xf32, #tpu.memory_space<hbm>>, %arg6: memref<136x128xf32, #tpu.memory_space<vmem>>, %arg7: memref<136x128xf32, #tpu.memory_space<vmem>>, %arg8: memref<40x128xf32, #tpu.memory_space<vmem>>, %arg9: memref<!tpu.dma_semaphore, #tpu.memory_space<semaphore_mem>>, %arg10: memref<!tpu.dma_semaphore, #tpu.memory_space<semaphore_mem>>, %arg11: memref<!tpu.dma_semaphore, #tpu.memory_space<semaphore_mem>>, %arg12: memref<!tpu.dma_semaphore, #tpu.memory_space<semaphore_mem>>, %arg13: memref<!tpu.dma_semaphore, #tpu.memory_space<semaphore_mem>>, %arg14: memref<32768xi32, #tpu.memory_space<vmem>>, %arg15: memref<16xi32, #tpu.memory_space<vmem>>, %arg16: memref<3200xi32, #tpu.memory_space<vmem>>, %arg17: memref<3200xi32, #tpu.memory_space<vmem>>, %arg18: memref<3200xi32, #tpu.memory_space<vmem>>, %arg19: memref<128xi32, #tpu.memory_space<vmem>>, %arg20: memref<128xi32, #tpu.memory_space<vmem>>, %arg21: memref<128x128xf32, #tpu.memory_space<vmem>>, %arg22: memref<!tpu.dma_semaphore, #tpu.memory_space<semaphore_mem>>, %arg23: memref<!tpu.dma_semaphore, #tpu.memory_space<semaphore_mem>>) attributes {dimension_semantics = [#tpu.dimension_semantics<core_parallel>, #tpu.dimension_semantics<subcore_parallel>], iteration_bounds = array<i64: 2, 16>, scalar_prefetch = 0 : i64, scratch_operands = 18 : i64, tpu.core_type = #tpu.core_type<sc_vector_subcore>, window_params = [{transform_indices = #map}, {transform_indices = #map1}, {transform_indices = #map}, {transform_indices = #map}]} {
    %mul3A = arith.constant 2 : i32
    %mul3A_0 = arith.muli %arg1, %mul3A : i32
    %add3A = arith.addi %mul3A_0, %arg0 : i32
    %mul3A_1 = arith.constant 3128 : i32
    %mul3A_2 = arith.muli %add3A, %mul3A_1 : i32
    %iota3A = tpu.iota {dimensions = array<i32: 0>} : vector<16xi32>
    %eq3A = arith.constant 31 : i32
    %eq3A_3 = arith.cmpi eq, %add3A, %eq3A : i32
    tpu.enqueue_dma source(%arg3 : memref<32768xi32, #tpu.memory_space<hbm>>) target(%arg14 : memref<32768xi32, #tpu.memory_space<vmem>>) target_semaphore(%arg13 : memref<!tpu.dma_semaphore, #tpu.memory_space<semaphore_mem>>)
    %scan3A = arith.constant 0 : i32
    %scan3A_4 = arith.constant 0 : i32
    %scan3A_5 = arith.constant 200 : i32
    %scan3A_6 = arith.addi %scan3A_4, %scan3A_5 : i32
    %scan3A_7 = arith.constant 1 : i32
    %scan3A_8 = scf.for %scan3A_476 = %scan3A_4 to %scan3A_6 step %scan3A_7 iter_args(%scan3A_477 = %scan3A) -> (i32)  : i32 {
      %broadcast_in_dim3A = arith.constant -1 : i32
      %broadcast_in_dim3A_478 = vector.broadcast %broadcast_in_dim3A : i32 to vector<16xi32>
      %mul3A_479 = arith.constant 16 : i32
      %mul3A_480 = arith.muli %scan3A_476, %mul3A_479 : i32
      %swap3A = arith.index_cast %mul3A_480 : i32 to index
      %swap3A_481 = tpu.vector_load %arg16[%swap3A] {strides = array<i32>} : memref<3200xi32, #tpu.memory_space<vmem>>, vector<16xi32>,
      tpu.vector_store %arg16[%swap3A], %broadcast_in_dim3A_478 {strides = array<i32>} : memref<3200xi32, #tpu.memory_space<vmem>>, vector<16xi32>,
      %scan3A_482 = arith.constant 0 : i32
      scf.yield %scan3A_482 : i32
    }
    %scan3A_9 = arith.constant 200 : i32
    tpu.wait_dma2 semaphore(%arg13 : memref<!tpu.dma_semaphore, #tpu.memory_space<semaphore_mem>>) src(%arg3 : memref<32768xi32, #tpu.memory_space<hbm>>) dst(%arg14 : memref<32768xi32, #tpu.memory_space<vmem>>)
    %jit3A = arith.constant 22 : i32
    %jit3A_10 = arith.constant 23 : i32
    %select_n3A = arith.select %eq3A_3, %jit3A, %jit3A_10 : i32
    %gt3A = arith.constant 0 : i32
    %gt3A_11 = arith.cmpi sgt, %select_n3A, %gt3A : i32
    %convert_element_type3A = arith.extui %gt3A_11 : i1 to i32
    %cond3A = arith.constant 0 : i32
    %cond3A_12 = arith.cmpi ne, %convert_element_type3A, %cond3A : i32
    scf.if %cond3A_12 {
      %add3A_476 = arith.constant 0 : i32
      %add3A_477 = arith.addi %mul3A_2, %add3A_476 : i32
      %multiple_of3A = tpu.assume_multiple %add3A_477, 8 : i32
      %dma_start3A = arith.constant 0 : i32
      %dma_start3A_478 = tpu.memref_slice %arg2[%multiple_of3A, %dma_start3A] : memref<100000x128xf32, #tpu.memory_space<hbm>> -> memref<136x128xf32, #tpu.memory_space<hbm>>
      %dma_start3A_479 = arith.constant 0 : i32
      %dma_start3A_480 = tpu.memref_slice %arg2[%multiple_of3A, %dma_start3A_479] : memref<100000x128xf32, #tpu.memory_space<hbm>> -> memref<136x128xf32, #tpu.memory_space<hbm>>
      tpu.enqueue_dma source(%dma_start3A_480 : memref<136x128xf32, #tpu.memory_space<hbm>>) target(%arg6 : memref<136x128xf32, #tpu.memory_space<vmem>>) target_semaphore(%arg9 : memref<!tpu.dma_semaphore, #tpu.memory_space<semaphore_mem>>)
    } else {
    }
    %scan3A_13 = arith.constant 0 : i32
    %scan3A_14 = arith.constant 0 : i32
    %scan3A_15 = arith.constant 89 : i32
    %scan3A_16 = arith.addi %scan3A_14, %scan3A_15 : i32
    %scan3A_17 = arith.constant 1 : i32
    %scan3A_18 = scf.for %scan3A_476 = %scan3A_14 to %scan3A_16 step %scan3A_17 iter_args(%scan3A_477 = %scan3A_13) -> (i32)  : i32 {
      %mul3A_478 = arith.constant 16 : i32
      %mul3A_479 = arith.muli %scan3A_476, %mul3A_478 : i32
      %get3A = arith.index_cast %mul3A_479 : i32 to index
      %get3A_480 = tpu.vector_load %arg14[%get3A] {strides = array<i32>} : memref<32768xi32, #tpu.memory_space<vmem>>, vector<16xi32>,
      %ge3A = vector.broadcast %mul3A_2 : i32 to vector<16xi32>
      %ge3A_481 = arith.cmpi sge, %get3A_480, %ge3A : vector<16xi32>
      %add3A_482 = arith.constant 3128 : i32
      %add3A_483 = arith.addi %mul3A_2, %add3A_482 : i32
      %lt3A = vector.broadcast %add3A_483 : i32 to vector<16xi32>
      %lt3A_484 = arith.cmpi slt, %get3A_480, %lt3A : vector<16xi32>
      %and3A_485 = arith.andi %ge3A_481, %lt3A_484 : vector<16xi1>
      %all_reduce_population_count3A = tpu.all_reduce %and3A_485 {dim = 0 : i64, kind = #tpu.reduction_kind<sum>} : vector<16xi1> -> vector<16xi32>
      %slice3A = vector.extract_strided_slice %all_reduce_population_count3A {offsets = [0], sizes = [1], strides = [1]} : vector<16xi32> to vector<1xi32>
      %squeeze3A = vector.extract %slice3A[0] : i32 from vector<1xi32>
      %gt3A_486 = arith.constant 0 : i32
      %gt3A_487 = arith.cmpi sgt, %squeeze3A, %gt3A_486 : i32
      %convert_element_type3A_488 = arith.extui %gt3A_487 : i1 to i32
      %cond3A_489 = arith.constant 0 : i32
      %cond3A_490 = arith.cmpi ne, %convert_element_type3A_488, %cond3A_489 : i32
      scf.if %cond3A_490 {
        %shift_left3A = arith.constant 4 : i32
        %shift_left3A_492 = vector.broadcast %shift_left3A : i32 to vector<16xi32>
        %shift_left3A_493 = arith.shli %get3A_480, %shift_left3A_492 : vector<16xi32>
        %or3A = arith.ori %shift_left3A_493, %iota3A : vector<16xi32>
        %mul3A_494 = arith.constant 16 : i32
        %mul3A_495 = arith.muli %scan3A_476, %mul3A_494 : i32
        %add3A_496 = vector.broadcast %mul3A_495 : i32 to vector<16xi32>
        %add3A_497 = arith.addi %add3A_496, %iota3A : vector<16xi32>
        %masked_sort3A = arith.constant dense<true> : vector<16xi1>
        %masked_sort3A_498 = arith.constant -2147483648 : i32
        %masked_sort3A_499 = vector.broadcast %masked_sort3A_498 : i32 to vector<16xi32>
        %masked_sort3A_500 = arith.xori %or3A, %masked_sort3A_499 : vector<16xi32>
        %masked_sort3A_501, %masked_sort3A_502, %masked_sort3A_503 = tpu.sort %masked_sort3A_500, %add3A_497 masked %masked_sort3A {descending = true} : (vector<16xi32>, vector<16xi32>, vector<16xi1>) -> (vector<16xi1>, vector<16xi32>, vector<16xi32>)
        %masked_sort3A_504 = arith.xori %masked_sort3A_502, %masked_sort3A_499 : vector<16xi32>
        %shift_right_arithmetic3A = arith.constant 4 : i32
        %shift_right_arithmetic3A_505 = vector.broadcast %shift_right_arithmetic3A : i32 to vector<16xi32>
        %shift_right_arithmetic3A_506 = arith.shrsi %masked_sort3A_504, %shift_right_arithmetic3A_505 : vector<16xi32>
        %swap3A = arith.constant 0 : index
        %swap3A_507 = tpu.vector_load %arg15[%swap3A] {strides = array<i32>} : memref<16xi32, #tpu.memory_space<vmem>>, vector<16xi32>,
        tpu.vector_store %arg15[%swap3A], %shift_right_arithmetic3A_506 {strides = array<i32>} : memref<16xi32, #tpu.memory_space<vmem>>, vector<16xi32>,
        %sub3A_508 = arith.constant 1 : i32
        %sub3A_509 = vector.broadcast %sub3A_508 : i32 to vector<16xi32>
        %sub3A_510 = arith.subi %iota3A, %sub3A_509 : vector<16xi32>
        %max3A = arith.constant 0 : i32
        %max3A_511 = vector.broadcast %max3A : i32 to vector<16xi32>
        %max3A_512 = arith.maxsi %sub3A_510, %max3A_511 : vector<16xi32>
        %gather3A = tpu.vector_load_idx %arg15[%max3A_512] : memref<16xi32, #tpu.memory_space<vmem>>[vector<16xi32>], vector<16xi32>,
        %ne3A_513 = arith.cmpi ne, %shift_right_arithmetic3A_506, %gather3A : vector<16xi32>
        %eq3A_514 = arith.constant 0 : i32
        %eq3A_515 = vector.broadcast %eq3A_514 : i32 to vector<16xi32>
        %eq3A_516 = arith.cmpi eq, %iota3A, %eq3A_515 : vector<16xi32>
        %or3A_517 = arith.ori %ne3A_513, %eq3A_516 : vector<16xi1>
        %sub3A_518 = vector.broadcast %mul3A_2 : i32 to vector<16xi32>
        %sub3A_519 = arith.subi %shift_right_arithmetic3A_506, %sub3A_518 : vector<16xi32>
        %ge3A_520 = arith.constant 0 : i32
        %ge3A_521 = vector.broadcast %ge3A_520 : i32 to vector<16xi32>
        %ge3A_522 = arith.cmpi sge, %sub3A_519, %ge3A_521 : vector<16xi32>
        %and3A_523 = arith.andi %or3A_517, %ge3A_522 : vector<16xi1>
        %lt3A_524 = arith.constant 3128 : i32
        %lt3A_525 = vector.broadcast %lt3A_524 : i32 to vector<16xi32>
        %lt3A_526 = arith.cmpi slt, %sub3A_519, %lt3A_525 : vector<16xi32>
        %and3A_527 = arith.andi %and3A_523, %lt3A_526 : vector<16xi1>
        %gather3A_528 = tpu.vector_load_idx %arg16[%sub3A_519] masked %and3A_527 : memref<3200xi32, #tpu.memory_space<vmem>>[vector<16xi32>], vector<16xi32>, vector<16xi1>
        %max3A_529 = arith.maxsi %gather3A_528, %masked_sort3A_503 : vector<16xi32>
        tpu.vector_store_idx %arg16[%sub3A_519], %max3A_529 masked %and3A_527 : memref<3200xi32, #tpu.memory_space<vmem>>[vector<16xi32>], vector<16xi32>, vector<16xi1>
      } else {
      }
      %scan3A_491 = arith.constant 0 : i32
      scf.yield %scan3A_491 : i32
    }
    %scan3A_19 = arith.constant 89 : i32
    %gt3A_20 = arith.constant 0 : i32
    %gt3A_21 = arith.cmpi sgt, %select_n3A, %gt3A_20 : i32
    %convert_element_type3A_22 = arith.extui %gt3A_21 : i1 to i32
    %cond3A_23 = arith.constant 0 : i32
    %cond3A_24 = arith.cmpi ne, %convert_element_type3A_22, %cond3A_23 : i32
    scf.if %cond3A_24 {
      %add3A_476 = arith.constant 0 : i32
      %add3A_477 = arith.addi %mul3A_2, %add3A_476 : i32
      %multiple_of3A = tpu.assume_multiple %add3A_477, 8 : i32
      %dma_wait3A_478 = arith.constant 0 : i32
      %dma_wait3A_479 = tpu.memref_slice %arg2[%multiple_of3A, %dma_wait3A_478] : memref<100000x128xf32, #tpu.memory_space<hbm>> -> memref<136x128xf32, #tpu.memory_space<hbm>>
      %dma_wait3A_480 = arith.constant 0 : i32
      %dma_wait3A_481 = tpu.memref_slice %arg2[%multiple_of3A, %dma_wait3A_480] : memref<100000x128xf32, #tpu.memory_space<hbm>> -> memref<136x128xf32, #tpu.memory_space<hbm>>
      tpu.wait_dma2 semaphore(%arg9 : memref<!tpu.dma_semaphore, #tpu.memory_space<semaphore_mem>>) src(%dma_wait3A_481 : memref<136x128xf32, #tpu.memory_space<hbm>>) dst(%arg6 : memref<136x128xf32, #tpu.memory_space<vmem>>)
      %dma_start3A = arith.constant 0 : i32
      %dma_start3A_482 = tpu.memref_slice %arg5[%multiple_of3A, %dma_start3A] : memref<100000x128xf32, #tpu.memory_space<hbm>> -> memref<136x128xf32, #tpu.memory_space<hbm>>
      %dma_start3A_483 = arith.constant 0 : i32
      %dma_start3A_484 = tpu.memref_slice %arg5[%multiple_of3A, %dma_start3A_483] : memref<100000x128xf32, #tpu.memory_space<hbm>> -> memref<136x128xf32, #tpu.memory_space<hbm>>
      tpu.enqueue_dma source(%arg6 : memref<136x128xf32, #tpu.memory_space<vmem>>) target(%dma_start3A_484 : memref<136x128xf32, #tpu.memory_space<hbm>>) target_semaphore(%arg11 : memref<!tpu.dma_semaphore, #tpu.memory_space<semaphore_mem>>)
    } else {
    }
    %gt3A_25 = arith.constant 1 : i32
    %gt3A_26 = arith.cmpi sgt, %select_n3A, %gt3A_25 : i32
    %convert_element_type3A_27 = arith.extui %gt3A_26 : i1 to i32
    %cond3A_28 = arith.constant 0 : i32
    %cond3A_29 = arith.cmpi ne, %convert_element_type3A_27, %cond3A_28 : i32
    scf.if %cond3A_29 {
      %add3A_476 = arith.constant 136 : i32
      %add3A_477 = arith.addi %mul3A_2, %add3A_476 : i32
      %multiple_of3A = tpu.assume_multiple %add3A_477, 8 : i32
      %dma_start3A = arith.constant 0 : i32
      %dma_start3A_478 = tpu.memref_slice %arg2[%multiple_of3A, %dma_start3A] : memref<100000x128xf32, #tpu.memory_space<hbm>> -> memref<136x128xf32, #tpu.memory_space<hbm>>
      %dma_start3A_479 = arith.constant 0 : i32
      %dma_start3A_480 = tpu.memref_slice %arg2[%multiple_of3A, %dma_start3A_479] : memref<100000x128xf32, #tpu.memory_space<hbm>> -> memref<136x128xf32, #tpu.memory_space<hbm>>
      tpu.enqueue_dma source(%dma_start3A_480 : memref<136x128xf32, #tpu.memory_space<hbm>>) target(%arg7 : memref<136x128xf32, #tpu.memory_space<vmem>>) target_semaphore(%arg10 : memref<!tpu.dma_semaphore, #tpu.memory_space<semaphore_mem>>)
    } else {
    }
    %scan3A_30 = arith.constant 0 : i32
    %scan3A_31 = arith.constant 89 : i32
    %scan3A_32 = arith.constant 89 : i32
    %scan3A_33 = arith.addi %scan3A_31, %scan3A_32 : i32
    %scan3A_34 = arith.constant 1 : i32
    %scan3A_35 = scf.for %scan3A_476 = %scan3A_31 to %scan3A_33 step %scan3A_34 iter_args(%scan3A_477 = %scan3A_30) -> (i32)  : i32 {
      %mul3A_478 = arith.constant 16 : i32
      %mul3A_479 = arith.muli %scan3A_476, %mul3A_478 : i32
      %get3A = arith.index_cast %mul3A_479 : i32 to index
      %get3A_480 = tpu.vector_load %arg14[%get3A] {strides = array<i32>} : memref<32768xi32, #tpu.memory_space<vmem>>, vector<16xi32>,
      %ge3A = vector.broadcast %mul3A_2 : i32 to vector<16xi32>
      %ge3A_481 = arith.cmpi sge, %get3A_480, %ge3A : vector<16xi32>
      %add3A_482 = arith.constant 3128 : i32
      %add3A_483 = arith.addi %mul3A_2, %add3A_482 : i32
      %lt3A = vector.broadcast %add3A_483 : i32 to vector<16xi32>
      %lt3A_484 = arith.cmpi slt, %get3A_480, %lt3A : vector<16xi32>
      %and3A_485 = arith.andi %ge3A_481, %lt3A_484 : vector<16xi1>
      %all_reduce_population_count3A = tpu.all_reduce %and3A_485 {dim = 0 : i64, kind = #tpu.reduction_kind<sum>} : vector<16xi1> -> vector<16xi32>
      %slice3A = vector.extract_strided_slice %all_reduce_population_count3A {offsets = [0], sizes = [1], strides = [1]} : vector<16xi32> to vector<1xi32>
      %squeeze3A = vector.extract %slice3A[0] : i32 from vector<1xi32>
      %gt3A_486 = arith.constant 0 : i32
      %gt3A_487 = arith.cmpi sgt, %squeeze3A, %gt3A_486 : i32
      %convert_element_type3A_488 = arith.extui %gt3A_487 : i1 to i32
      %cond3A_489 = arith.constant 0 : i32
      %cond3A_490 = arith.cmpi ne, %convert_element_type3A_488, %cond3A_489 : i32
      scf.if %cond3A_490 {
        %shift_left3A = arith.constant 4 : i32
        %shift_left3A_492 = vector.broadcast %shift_left3A : i32 to vector<16xi32>
        %shift_left3A_493 = arith.shli %get3A_480, %shift_left3A_492 : vector<16xi32>
        %or3A = arith.ori %shift_left3A_493, %iota3A : vector<16xi32>
        %mul3A_494 = arith.constant 16 : i32
        %mul3A_495 = arith.muli %scan3A_476, %mul3A_494 : i32
        %add3A_496 = vector.broadcast %mul3A_495 : i32 to vector<16xi32>
        %add3A_497 = arith.addi %add3A_496, %iota3A : vector<16xi32>
        %masked_sort3A = arith.constant dense<true> : vector<16xi1>
        %masked_sort3A_498 = arith.constant -2147483648 : i32
        %masked_sort3A_499 = vector.broadcast %masked_sort3A_498 : i32 to vector<16xi32>
        %masked_sort3A_500 = arith.xori %or3A, %masked_sort3A_499 : vector<16xi32>
        %masked_sort3A_501, %masked_sort3A_502, %masked_sort3A_503 = tpu.sort %masked_sort3A_500, %add3A_497 masked %masked_sort3A {descending = true} : (vector<16xi32>, vector<16xi32>, vector<16xi1>) -> (vector<16xi1>, vector<16xi32>, vector<16xi32>)
        %masked_sort3A_504 = arith.xori %masked_sort3A_502, %masked_sort3A_499 : vector<16xi32>
        %shift_right_arithmetic3A = arith.constant 4 : i32
        %shift_right_arithmetic3A_505 = vector.broadcast %shift_right_arithmetic3A : i32 to vector<16xi32>
        %shift_right_arithmetic3A_506 = arith.shrsi %masked_sort3A_504, %shift_right_arithmetic3A_505 : vector<16xi32>
        %swap3A = arith.constant 0 : index
        %swap3A_507 = tpu.vector_load %arg15[%swap3A] {strides = array<i32>} : memref<16xi32, #tpu.memory_space<vmem>>, vector<16xi32>,
        tpu.vector_store %arg15[%swap3A], %shift_right_arithmetic3A_506 {strides = array<i32>} : memref<16xi32, #tpu.memory_space<vmem>>, vector<16xi32>,
        %sub3A_508 = arith.constant 1 : i32
        %sub3A_509 = vector.broadcast %sub3A_508 : i32 to vector<16xi32>
        %sub3A_510 = arith.subi %iota3A, %sub3A_509 : vector<16xi32>
        %max3A = arith.constant 0 : i32
        %max3A_511 = vector.broadcast %max3A : i32 to vector<16xi32>
        %max3A_512 = arith.maxsi %sub3A_510, %max3A_511 : vector<16xi32>
        %gather3A = tpu.vector_load_idx %arg15[%max3A_512] : memref<16xi32, #tpu.memory_space<vmem>>[vector<16xi32>], vector<16xi32>,
        %ne3A_513 = arith.cmpi ne, %shift_right_arithmetic3A_506, %gather3A : vector<16xi32>
        %eq3A_514 = arith.constant 0 : i32
        %eq3A_515 = vector.broadcast %eq3A_514 : i32 to vector<16xi32>
        %eq3A_516 = arith.cmpi eq, %iota3A, %eq3A_515 : vector<16xi32>
        %or3A_517 = arith.ori %ne3A_513, %eq3A_516 : vector<16xi1>
        %sub3A_518 = vector.broadcast %mul3A_2 : i32 to vector<16xi32>
        %sub3A_519 = arith.subi %shift_right_arithmetic3A_506, %sub3A_518 : vector<16xi32>
        %ge3A_520 = arith.constant 0 : i32
        %ge3A_521 = vector.broadcast %ge3A_520 : i32 to vector<16xi32>
        %ge3A_522 = arith.cmpi sge, %sub3A_519, %ge3A_521 : vector<16xi32>
        %and3A_523 = arith.andi %or3A_517, %ge3A_522 : vector<16xi1>
        %lt3A_524 = arith.constant 3128 : i32
        %lt3A_525 = vector.broadcast %lt3A_524 : i32 to vector<16xi32>
        %lt3A_526 = arith.cmpi slt, %sub3A_519, %lt3A_525 : vector<16xi32>
        %and3A_527 = arith.andi %and3A_523, %lt3A_526 : vector<16xi1>
        %gather3A_528 = tpu.vector_load_idx %arg16[%sub3A_519] masked %and3A_527 : memref<3200xi32, #tpu.memory_space<vmem>>[vector<16xi32>], vector<16xi32>, vector<16xi1>
        %max3A_529 = arith.maxsi %gather3A_528, %masked_sort3A_503 : vector<16xi32>
        tpu.vector_store_idx %arg16[%sub3A_519], %max3A_529 masked %and3A_527 : memref<3200xi32, #tpu.memory_space<vmem>>[vector<16xi32>], vector<16xi32>, vector<16xi1>
      } else {
      }
      %scan3A_491 = arith.constant 0 : i32
      scf.yield %scan3A_491 : i32
    }
    %scan3A_36 = arith.constant 89 : i32
    %gt3A_37 = arith.constant 1 : i32
    %gt3A_38 = arith.cmpi sgt, %select_n3A, %gt3A_37 : i32
    %convert_element_type3A_39 = arith.extui %gt3A_38 : i1 to i32
    %cond3A_40 = arith.constant 0 : i32
    %cond3A_41 = arith.cmpi ne, %convert_element_type3A_39, %cond3A_40 : i32
    scf.if %cond3A_41 {
      %add3A_476 = arith.constant 136 : i32
      %add3A_477 = arith.addi %mul3A_2, %add3A_476 : i32
      %multiple_of3A = tpu.assume_multiple %add3A_477, 8 : i32
      %dma_wait3A_478 = arith.constant 0 : i32
      %dma_wait3A_479 = tpu.memref_slice %arg2[%multiple_of3A, %dma_wait3A_478] : memref<100000x128xf32, #tpu.memory_space<hbm>> -> memref<136x128xf32, #tpu.memory_space<hbm>>
      %dma_wait3A_480 = arith.constant 0 : i32
      %dma_wait3A_481 = tpu.memref_slice %arg2[%multiple_of3A, %dma_wait3A_480] : memref<100000x128xf32, #tpu.memory_space<hbm>> -> memref<136x128xf32, #tpu.memory_space<hbm>>
      tpu.wait_dma2 semaphore(%arg10 : memref<!tpu.dma_semaphore, #tpu.memory_space<semaphore_mem>>) src(%dma_wait3A_481 : memref<136x128xf32, #tpu.memory_space<hbm>>) dst(%arg7 : memref<136x128xf32, #tpu.memory_space<vmem>>)
      %dma_start3A = arith.constant 0 : i32
      %dma_start3A_482 = tpu.memref_slice %arg5[%multiple_of3A, %dma_start3A] : memref<100000x128xf32, #tpu.memory_space<hbm>> -> memref<136x128xf32, #tpu.memory_space<hbm>>
      %dma_start3A_483 = arith.constant 0 : i32
      %dma_start3A_484 = tpu.memref_slice %arg5[%multiple_of3A, %dma_start3A_483] : memref<100000x128xf32, #tpu.memory_space<hbm>> -> memref<136x128xf32, #tpu.memory_space<hbm>>
      tpu.enqueue_dma source(%arg7 : memref<136x128xf32, #tpu.memory_space<vmem>>) target(%dma_start3A_484 : memref<136x128xf32, #tpu.memory_space<hbm>>) target_semaphore(%arg12 : memref<!tpu.dma_semaphore, #tpu.memory_space<semaphore_mem>>)
    } else {
    }
    %gt3A_42 = arith.constant 2 : i32
    %gt3A_43 = arith.cmpi sgt, %select_n3A, %gt3A_42 : i32
    %convert_element_type3A_44 = arith.extui %gt3A_43 : i1 to i32
    %cond3A_45 = arith.constant 0 : i32
    %cond3A_46 = arith.cmpi ne, %convert_element_type3A_44, %cond3A_45 : i32
    scf.if %cond3A_46 {
      %add3A_476 = arith.constant 272 : i32
      %add3A_477 = arith.addi %mul3A_2, %add3A_476 : i32
      %multiple_of3A = tpu.assume_multiple %add3A_477, 8 : i32
      %add3A_478 = arith.constant 0 : i32
      %add3A_479 = arith.addi %mul3A_2, %add3A_478 : i32
      %multiple_of3A_480 = tpu.assume_multiple %add3A_479, 8 : i32
      %dma_wait3A_481 = arith.constant 0 : i32
      %dma_wait3A_482 = tpu.memref_slice %arg5[%multiple_of3A_480, %dma_wait3A_481] : memref<100000x128xf32, #tpu.memory_space<hbm>> -> memref<136x128xf32, #tpu.memory_space<hbm>>
      %dma_wait3A_483 = arith.constant 0 : i32
      %dma_wait3A_484 = tpu.memref_slice %arg5[%multiple_of3A_480, %dma_wait3A_483] : memref<100000x128xf32, #tpu.memory_space<hbm>> -> memref<136x128xf32, #tpu.memory_space<hbm>>
      tpu.wait_dma2 semaphore(%arg11 : memref<!tpu.dma_semaphore, #tpu.memory_space<semaphore_mem>>) src(%arg6 : memref<136x128xf32, #tpu.memory_space<vmem>>) dst(%dma_wait3A_484 : memref<136x128xf32, #tpu.memory_space<hbm>>)
      %dma_start3A = arith.constant 0 : i32
      %dma_start3A_485 = tpu.memref_slice %arg2[%multiple_of3A, %dma_start3A] : memref<100000x128xf32, #tpu.memory_space<hbm>> -> memref<136x128xf32, #tpu.memory_space<hbm>>
      %dma_start3A_486 = arith.constant 0 : i32
      %dma_start3A_487 = tpu.memref_slice %arg2[%multiple_of3A, %dma_start3A_486] : memref<100000x128xf32, #tpu.memory_space<hbm>> -> memref<136x128xf32, #tpu.memory_space<hbm>>
      tpu.enqueue_dma source(%dma_start3A_487 : memref<136x128xf32, #tpu.memory_space<hbm>>) target(%arg6 : memref<136x128xf32, #tpu.memory_space<vmem>>) target_semaphore(%arg9 : memref<!tpu.dma_semaphore, #tpu.memory_space<semaphore_mem>>)
    } else {
    }
    %scan3A_47 = arith.constant 0 : i32
    %scan3A_48 = arith.constant 178 : i32
    %scan3A_49 = arith.constant 89 : i32
    %scan3A_50 = arith.addi %scan3A_48, %scan3A_49 : i32
    %scan3A_51 = arith.constant 1 : i32
    %scan3A_52 = scf.for %scan3A_476 = %scan3A_48 to %scan3A_50 step %scan3A_51 iter_args(%scan3A_477 = %scan3A_47) -> (i32)  : i32 {
      %mul3A_478 = arith.constant 16 : i32
      %mul3A_479 = arith.muli %scan3A_476, %mul3A_478 : i32
      %get3A = arith.index_cast %mul3A_479 : i32 to index
      %get3A_480 = tpu.vector_load %arg14[%get3A] {strides = array<i32>} : memref<32768xi32, #tpu.memory_space<vmem>>, vector<16xi32>,
      %ge3A = vector.broadcast %mul3A_2 : i32 to vector<16xi32>
      %ge3A_481 = arith.cmpi sge, %get3A_480, %ge3A : vector<16xi32>
      %add3A_482 = arith.constant 3128 : i32
      %add3A_483 = arith.addi %mul3A_2, %add3A_482 : i32
      %lt3A = vector.broadcast %add3A_483 : i32 to vector<16xi32>
      %lt3A_484 = arith.cmpi slt, %get3A_480, %lt3A : vector<16xi32>
      %and3A_485 = arith.andi %ge3A_481, %lt3A_484 : vector<16xi1>
      %all_reduce_population_count3A = tpu.all_reduce %and3A_485 {dim = 0 : i64, kind = #tpu.reduction_kind<sum>} : vector<16xi1> -> vector<16xi32>
      %slice3A = vector.extract_strided_slice %all_reduce_population_count3A {offsets = [0], sizes = [1], strides = [1]} : vector<16xi32> to vector<1xi32>
      %squeeze3A = vector.extract %slice3A[0] : i32 from vector<1xi32>
      %gt3A_486 = arith.constant 0 : i32
      %gt3A_487 = arith.cmpi sgt, %squeeze3A, %gt3A_486 : i32
      %convert_element_type3A_488 = arith.extui %gt3A_487 : i1 to i32
      %cond3A_489 = arith.constant 0 : i32
      %cond3A_490 = arith.cmpi ne, %convert_element_type3A_488, %cond3A_489 : i32
      scf.if %cond3A_490 {
        %shift_left3A = arith.constant 4 : i32
        %shift_left3A_492 = vector.broadcast %shift_left3A : i32 to vector<16xi32>
        %shift_left3A_493 = arith.shli %get3A_480, %shift_left3A_492 : vector<16xi32>
        %or3A = arith.ori %shift_left3A_493, %iota3A : vector<16xi32>
        %mul3A_494 = arith.constant 16 : i32
        %mul3A_495 = arith.muli %scan3A_476, %mul3A_494 : i32
        %add3A_496 = vector.broadcast %mul3A_495 : i32 to vector<16xi32>
        %add3A_497 = arith.addi %add3A_496, %iota3A : vector<16xi32>
        %masked_sort3A = arith.constant dense<true> : vector<16xi1>
        %masked_sort3A_498 = arith.constant -2147483648 : i32
        %masked_sort3A_499 = vector.broadcast %masked_sort3A_498 : i32 to vector<16xi32>
        %masked_sort3A_500 = arith.xori %or3A, %masked_sort3A_499 : vector<16xi32>
        %masked_sort3A_501, %masked_sort3A_502, %masked_sort3A_503 = tpu.sort %masked_sort3A_500, %add3A_497 masked %masked_sort3A {descending = true} : (vector<16xi32>, vector<16xi32>, vector<16xi1>) -> (vector<16xi1>, vector<16xi32>, vector<16xi32>)
        %masked_sort3A_504 = arith.xori %masked_sort3A_502, %masked_sort3A_499 : vector<16xi32>
        %shift_right_arithmetic3A = arith.constant 4 : i32
        %shift_right_arithmetic3A_505 = vector.broadcast %shift_right_arithmetic3A : i32 to vector<16xi32>
        %shift_right_arithmetic3A_506 = arith.shrsi %masked_sort3A_504, %shift_right_arithmetic3A_505 : vector<16xi32>
        %swap3A = arith.constant 0 : index
        %swap3A_507 = tpu.vector_load %arg15[%swap3A] {strides = array<i32>} : memref<16xi32, #tpu.memory_space<vmem>>, vector<16xi32>,
        tpu.vector_store %arg15[%swap3A], %shift_right_arithmetic3A_506 {strides = array<i32>} : memref<16xi32, #tpu.memory_space<vmem>>, vector<16xi32>,
        %sub3A_508 = arith.constant 1 : i32
        %sub3A_509 = vector.broadcast %sub3A_508 : i32 to vector<16xi32>
        %sub3A_510 = arith.subi %iota3A, %sub3A_509 : vector<16xi32>
        %max3A = arith.constant 0 : i32
        %max3A_511 = vector.broadcast %max3A : i32 to vector<16xi32>
        %max3A_512 = arith.maxsi %sub3A_510, %max3A_511 : vector<16xi32>
        %gather3A = tpu.vector_load_idx %arg15[%max3A_512] : memref<16xi32, #tpu.memory_space<vmem>>[vector<16xi32>], vector<16xi32>,
        %ne3A_513 = arith.cmpi ne, %shift_right_arithmetic3A_506, %gather3A : vector<16xi32>
        %eq3A_514 = arith.constant 0 : i32
        %eq3A_515 = vector.broadcast %eq3A_514 : i32 to vector<16xi32>
        %eq3A_516 = arith.cmpi eq, %iota3A, %eq3A_515 : vector<16xi32>
        %or3A_517 = arith.ori %ne3A_513, %eq3A_516 : vector<16xi1>
        %sub3A_518 = vector.broadcast %mul3A_2 : i32 to vector<16xi32>
        %sub3A_519 = arith.subi %shift_right_arithmetic3A_506, %sub3A_518 : vector<16xi32>
        %ge3A_520 = arith.constant 0 : i32
        %ge3A_521 = vector.broadcast %ge3A_520 : i32 to vector<16xi32>
        %ge3A_522 = arith.cmpi sge, %sub3A_519, %ge3A_521 : vector<16xi32>
        %and3A_523 = arith.andi %or3A_517, %ge3A_522 : vector<16xi1>
        %lt3A_524 = arith.constant 3128 : i32
        %lt3A_525 = vector.broadcast %lt3A_524 : i32 to vector<16xi32>
        %lt3A_526 = arith.cmpi slt, %sub3A_519, %lt3A_525 : vector<16xi32>
        %and3A_527 = arith.andi %and3A_523, %lt3A_526 : vector<16xi1>
        %gather3A_528 = tpu.vector_load_idx %arg16[%sub3A_519] masked %and3A_527 : memref<3200xi32, #tpu.memory_space<vmem>>[vector<16xi32>], vector<16xi32>, vector<16xi1>
        %max3A_529 = arith.maxsi %gather3A_528, %masked_sort3A_503 : vector<16xi32>
        tpu.vector_store_idx %arg16[%sub3A_519], %max3A_529 masked %and3A_527 : memref<3200xi32, #tpu.memory_space<vmem>>[vector<16xi32>], vector<16xi32>, vector<16xi1>
      } else {
      }
      %scan3A_491 = arith.constant 0 : i32
      scf.yield %scan3A_491 : i32
    }
    %scan3A_53 = arith.constant 89 : i32
    %gt3A_54 = arith.constant 2 : i32
    %gt3A_55 = arith.cmpi sgt, %select_n3A, %gt3A_54 : i32
    %convert_element_type3A_56 = arith.extui %gt3A_55 : i1 to i32
    %cond3A_57 = arith.constant 0 : i32
    %cond3A_58 = arith.cmpi ne, %convert_element_type3A_56, %cond3A_57 : i32
    scf.if %cond3A_58 {
      %add3A_476 = arith.constant 272 : i32
      %add3A_477 = arith.addi %mul3A_2, %add3A_476 : i32
      %multiple_of3A = tpu.assume_multiple %add3A_477, 8 : i32
      %dma_wait3A_478 = arith.constant 0 : i32
      %dma_wait3A_479 = tpu.memref_slice %arg2[%multiple_of3A, %dma_wait3A_478] : memref<100000x128xf32, #tpu.memory_space<hbm>> -> memref<136x128xf32, #tpu.memory_space<hbm>>
      %dma_wait3A_480 = arith.constant 0 : i32
      %dma_wait3A_481 = tpu.memref_slice %arg2[%multiple_of3A, %dma_wait3A_480] : memref<100000x128xf32, #tpu.memory_space<hbm>> -> memref<136x128xf32, #tpu.memory_space<hbm>>
      tpu.wait_dma2 semaphore(%arg9 : memref<!tpu.dma_semaphore, #tpu.memory_space<semaphore_mem>>) src(%dma_wait3A_481 : memref<136x128xf32, #tpu.memory_space<hbm>>) dst(%arg6 : memref<136x128xf32, #tpu.memory_space<vmem>>)
      %dma_start3A = arith.constant 0 : i32
      %dma_start3A_482 = tpu.memref_slice %arg5[%multiple_of3A, %dma_start3A] : memref<100000x128xf32, #tpu.memory_space<hbm>> -> memref<136x128xf32, #tpu.memory_space<hbm>>
      %dma_start3A_483 = arith.constant 0 : i32
      %dma_start3A_484 = tpu.memref_slice %arg5[%multiple_of3A, %dma_start3A_483] : memref<100000x128xf32, #tpu.memory_space<hbm>> -> memref<136x128xf32, #tpu.memory_space<hbm>>
      tpu.enqueue_dma source(%arg6 : memref<136x128xf32, #tpu.memory_space<vmem>>) target(%dma_start3A_484 : memref<136x128xf32, #tpu.memory_space<hbm>>) target_semaphore(%arg11 : memref<!tpu.dma_semaphore, #tpu.memory_space<semaphore_mem>>)
    } else {
    }
    %gt3A_59 = arith.constant 3 : i32
    %gt3A_60 = arith.cmpi sgt, %select_n3A, %gt3A_59 : i32
    %convert_element_type3A_61 = arith.extui %gt3A_60 : i1 to i32
    %cond3A_62 = arith.constant 0 : i32
    %cond3A_63 = arith.cmpi ne, %convert_element_type3A_61, %cond3A_62 : i32
    scf.if %cond3A_63 {
      %add3A_476 = arith.constant 408 : i32
      %add3A_477 = arith.addi %mul3A_2, %add3A_476 : i32
      %multiple_of3A = tpu.assume_multiple %add3A_477, 8 : i32
      %add3A_478 = arith.constant 136 : i32
      %add3A_479 = arith.addi %mul3A_2, %add3A_478 : i32
      %multiple_of3A_480 = tpu.assume_multiple %add3A_479, 8 : i32
      %dma_wait3A_481 = arith.constant 0 : i32
      %dma_wait3A_482 = tpu.memref_slice %arg5[%multiple_of3A_480, %dma_wait3A_481] : memref<100000x128xf32, #tpu.memory_space<hbm>> -> memref<136x128xf32, #tpu.memory_space<hbm>>
      %dma_wait3A_483 = arith.constant 0 : i32
      %dma_wait3A_484 = tpu.memref_slice %arg5[%multiple_of3A_480, %dma_wait3A_483] : memref<100000x128xf32, #tpu.memory_space<hbm>> -> memref<136x128xf32, #tpu.memory_space<hbm>>
      tpu.wait_dma2 semaphore(%arg12 : memref<!tpu.dma_semaphore, #tpu.memory_space<semaphore_mem>>) src(%arg7 : memref<136x128xf32, #tpu.memory_space<vmem>>) dst(%dma_wait3A_484 : memref<136x128xf32, #tpu.memory_space<hbm>>)
      %dma_start3A = arith.constant 0 : i32
      %dma_start3A_485 = tpu.memref_slice %arg2[%multiple_of3A, %dma_start3A] : memref<100000x128xf32, #tpu.memory_space<hbm>> -> memref<136x128xf32, #tpu.memory_space<hbm>>
      %dma_start3A_486 = arith.constant 0 : i32
      %dma_start3A_487 = tpu.memref_slice %arg2[%multiple_of3A, %dma_start3A_486] : memref<100000x128xf32, #tpu.memory_space<hbm>> -> memref<136x128xf32, #tpu.memory_space<hbm>>
      tpu.enqueue_dma source(%dma_start3A_487 : memref<136x128xf32, #tpu.memory_space<hbm>>) target(%arg7 : memref<136x128xf32, #tpu.memory_space<vmem>>) target_semaphore(%arg10 : memref<!tpu.dma_semaphore, #tpu.memory_space<semaphore_mem>>)
    } else {
    }
    %scan3A_64 = arith.constant 0 : i32
    %scan3A_65 = arith.constant 267 : i32
    %scan3A_66 = arith.constant 89 : i32
    %scan3A_67 = arith.addi %scan3A_65, %scan3A_66 : i32
    %scan3A_68 = arith.constant 1 : i32
    %scan3A_69 = scf.for %scan3A_476 = %scan3A_65 to %scan3A_67 step %scan3A_68 iter_args(%scan3A_477 = %scan3A_64) -> (i32)  : i32 {
      %mul3A_478 = arith.constant 16 : i32
      %mul3A_479 = arith.muli %scan3A_476, %mul3A_478 : i32
      %get3A = arith.index_cast %mul3A_479 : i32 to index
      %get3A_480 = tpu.vector_load %arg14[%get3A] {strides = array<i32>} : memref<32768xi32, #tpu.memory_space<vmem>>, vector<16xi32>,
      %ge3A = vector.broadcast %mul3A_2 : i32 to vector<16xi32>
      %ge3A_481 = arith.cmpi sge, %get3A_480, %ge3A : vector<16xi32>
      %add3A_482 = arith.constant 3128 : i32
      %add3A_483 = arith.addi %mul3A_2, %add3A_482 : i32
      %lt3A = vector.broadcast %add3A_483 : i32 to vector<16xi32>
      %lt3A_484 = arith.cmpi slt, %get3A_480, %lt3A : vector<16xi32>
      %and3A_485 = arith.andi %ge3A_481, %lt3A_484 : vector<16xi1>
      %all_reduce_population_count3A = tpu.all_reduce %and3A_485 {dim = 0 : i64, kind = #tpu.reduction_kind<sum>} : vector<16xi1> -> vector<16xi32>
      %slice3A = vector.extract_strided_slice %all_reduce_population_count3A {offsets = [0], sizes = [1], strides = [1]} : vector<16xi32> to vector<1xi32>
      %squeeze3A = vector.extract %slice3A[0] : i32 from vector<1xi32>
      %gt3A_486 = arith.constant 0 : i32
      %gt3A_487 = arith.cmpi sgt, %squeeze3A, %gt3A_486 : i32
      %convert_element_type3A_488 = arith.extui %gt3A_487 : i1 to i32
      %cond3A_489 = arith.constant 0 : i32
      %cond3A_490 = arith.cmpi ne, %convert_element_type3A_488, %cond3A_489 : i32
      scf.if %cond3A_490 {
        %shift_left3A = arith.constant 4 : i32
        %shift_left3A_492 = vector.broadcast %shift_left3A : i32 to vector<16xi32>
        %shift_left3A_493 = arith.shli %get3A_480, %shift_left3A_492 : vector<16xi32>
        %or3A = arith.ori %shift_left3A_493, %iota3A : vector<16xi32>
        %mul3A_494 = arith.constant 16 : i32
        %mul3A_495 = arith.muli %scan3A_476, %mul3A_494 : i32
        %add3A_496 = vector.broadcast %mul3A_495 : i32 to vector<16xi32>
        %add3A_497 = arith.addi %add3A_496, %iota3A : vector<16xi32>
        %masked_sort3A = arith.constant dense<true> : vector<16xi1>
        %masked_sort3A_498 = arith.constant -2147483648 : i32
        %masked_sort3A_499 = vector.broadcast %masked_sort3A_498 : i32 to vector<16xi32>
        %masked_sort3A_500 = arith.xori %or3A, %masked_sort3A_499 : vector<16xi32>
        %masked_sort3A_501, %masked_sort3A_502, %masked_sort3A_503 = tpu.sort %masked_sort3A_500, %add3A_497 masked %masked_sort3A {descending = true} : (vector<16xi32>, vector<16xi32>, vector<16xi1>) -> (vector<16xi1>, vector<16xi32>, vector<16xi32>)
        %masked_sort3A_504 = arith.xori %masked_sort3A_502, %masked_sort3A_499 : vector<16xi32>
        %shift_right_arithmetic3A = arith.constant 4 : i32
        %shift_right_arithmetic3A_505 = vector.broadcast %shift_right_arithmetic3A : i32 to vector<16xi32>
        %shift_right_arithmetic3A_506 = arith.shrsi %masked_sort3A_504, %shift_right_arithmetic3A_505 : vector<16xi32>
        %swap3A = arith.constant 0 : index
        %swap3A_507 = tpu.vector_load %arg15[%swap3A] {strides = array<i32>} : memref<16xi32, #tpu.memory_space<vmem>>, vector<16xi32>,
        tpu.vector_store %arg15[%swap3A], %shift_right_arithmetic3A_506 {strides = array<i32>} : memref<16xi32, #tpu.memory_space<vmem>>, vector<16xi32>,
        %sub3A_508 = arith.constant 1 : i32
        %sub3A_509 = vector.broadcast %sub3A_508 : i32 to vector<16xi32>
        %sub3A_510 = arith.subi %iota3A, %sub3A_509 : vector<16xi32>
        %max3A = arith.constant 0 : i32
        %max3A_511 = vector.broadcast %max3A : i32 to vector<16xi32>
        %max3A_512 = arith.maxsi %sub3A_510, %max3A_511 : vector<16xi32>
        %gather3A = tpu.vector_load_idx %arg15[%max3A_512] : memref<16xi32, #tpu.memory_space<vmem>>[vector<16xi32>], vector<16xi32>,
        %ne3A_513 = arith.cmpi ne, %shift_right_arithmetic3A_506, %gather3A : vector<16xi32>
        %eq3A_514 = arith.constant 0 : i32
        %eq3A_515 = vector.broadcast %eq3A_514 : i32 to vector<16xi32>
        %eq3A_516 = arith.cmpi eq, %iota3A, %eq3A_515 : vector<16xi32>
        %or3A_517 = arith.ori %ne3A_513, %eq3A_516 : vector<16xi1>
        %sub3A_518 = vector.broadcast %mul3A_2 : i32 to vector<16xi32>
        %sub3A_519 = arith.subi %shift_right_arithmetic3A_506, %sub3A_518 : vector<16xi32>
        %ge3A_520 = arith.constant 0 : i32
        %ge3A_521 = vector.broadcast %ge3A_520 : i32 to vector<16xi32>
        %ge3A_522 = arith.cmpi sge, %sub3A_519, %ge3A_521 : vector<16xi32>
        %and3A_523 = arith.andi %or3A_517, %ge3A_522 : vector<16xi1>
        %lt3A_524 = arith.constant 3128 : i32
        %lt3A_525 = vector.broadcast %lt3A_524 : i32 to vector<16xi32>
        %lt3A_526 = arith.cmpi slt, %sub3A_519, %lt3A_525 : vector<16xi32>
        %and3A_527 = arith.andi %and3A_523, %lt3A_526 : vector<16xi1>
        %gather3A_528 = tpu.vector_load_idx %arg16[%sub3A_519] masked %and3A_527 : memref<3200xi32, #tpu.memory_space<vmem>>[vector<16xi32>], vector<16xi32>, vector<16xi1>
        %max3A_529 = arith.maxsi %gather3A_528, %masked_sort3A_503 : vector<16xi32>
        tpu.vector_store_idx %arg16[%sub3A_519], %max3A_529 masked %and3A_527 : memref<3200xi32, #tpu.memory_space<vmem>>[vector<16xi32>], vector<16xi32>, vector<16xi1>
      } else {
      }
      %scan3A_491 = arith.constant 0 : i32
      scf.yield %scan3A_491 : i32
    }
    %scan3A_70 = arith.constant 89 : i32
    %gt3A_71 = arith.constant 3 : i32
    %gt3A_72 = arith.cmpi sgt, %select_n3A, %gt3A_71 : i32
    %convert_element_type3A_73 = arith.extui %gt3A_72 : i1 to i32
    %cond3A_74 = arith.constant 0 : i32
    %cond3A_75 = arith.cmpi ne, %convert_element_type3A_73, %cond3A_74 : i32
    scf.if %cond3A_75 {
      %add3A_476 = arith.constant 408 : i32
      %add3A_477 = arith.addi %mul3A_2, %add3A_476 : i32
      %multiple_of3A = tpu.assume_multiple %add3A_477, 8 : i32
      %dma_wait3A_478 = arith.constant 0 : i32
      %dma_wait3A_479 = tpu.memref_slice %arg2[%multiple_of3A, %dma_wait3A_478] : memref<100000x128xf32, #tpu.memory_space<hbm>> -> memref<136x128xf32, #tpu.memory_space<hbm>>
      %dma_wait3A_480 = arith.constant 0 : i32
      %dma_wait3A_481 = tpu.memref_slice %arg2[%multiple_of3A, %dma_wait3A_480] : memref<100000x128xf32, #tpu.memory_space<hbm>> -> memref<136x128xf32, #tpu.memory_space<hbm>>
      tpu.wait_dma2 semaphore(%arg10 : memref<!tpu.dma_semaphore, #tpu.memory_space<semaphore_mem>>) src(%dma_wait3A_481 : memref<136x128xf32, #tpu.memory_space<hbm>>) dst(%arg7 : memref<136x128xf32, #tpu.memory_space<vmem>>)
      %dma_start3A = arith.constant 0 : i32
      %dma_start3A_482 = tpu.memref_slice %arg5[%multiple_of3A, %dma_start3A] : memref<100000x128xf32, #tpu.memory_space<hbm>> -> memref<136x128xf32, #tpu.memory_space<hbm>>
      %dma_start3A_483 = arith.constant 0 : i32
      %dma_start3A_484 = tpu.memref_slice %arg5[%multiple_of3A, %dma_start3A_483] : memref<100000x128xf32, #tpu.memory_space<hbm>> -> memref<136x128xf32, #tpu.memory_space<hbm>>
      tpu.enqueue_dma source(%arg7 : memref<136x128xf32, #tpu.memory_space<vmem>>) target(%dma_start3A_484 : memref<136x128xf32, #tpu.memory_space<hbm>>) target_semaphore(%arg12 : memref<!tpu.dma_semaphore, #tpu.memory_space<semaphore_mem>>)
    } else {
    }
    %gt3A_76 = arith.constant 4 : i32
    %gt3A_77 = arith.cmpi sgt, %select_n3A, %gt3A_76 : i32
    %convert_element_type3A_78 = arith.extui %gt3A_77 : i1 to i32
    %cond3A_79 = arith.constant 0 : i32
    %cond3A_80 = arith.cmpi ne, %convert_element_type3A_78, %cond3A_79 : i32
    scf.if %cond3A_80 {
      %add3A_476 = arith.constant 544 : i32
      %add3A_477 = arith.addi %mul3A_2, %add3A_476 : i32
      %multiple_of3A = tpu.assume_multiple %add3A_477, 8 : i32
      %add3A_478 = arith.constant 272 : i32
      %add3A_479 = arith.addi %mul3A_2, %add3A_478 : i32
      %multiple_of3A_480 = tpu.assume_multiple %add3A_479, 8 : i32
      %dma_wait3A_481 = arith.constant 0 : i32
      %dma_wait3A_482 = tpu.memref_slice %arg5[%multiple_of3A_480, %dma_wait3A_481] : memref<100000x128xf32, #tpu.memory_space<hbm>> -> memref<136x128xf32, #tpu.memory_space<hbm>>
      %dma_wait3A_483 = arith.constant 0 : i32
      %dma_wait3A_484 = tpu.memref_slice %arg5[%multiple_of3A_480, %dma_wait3A_483] : memref<100000x128xf32, #tpu.memory_space<hbm>> -> memref<136x128xf32, #tpu.memory_space<hbm>>
      tpu.wait_dma2 semaphore(%arg11 : memref<!tpu.dma_semaphore, #tpu.memory_space<semaphore_mem>>) src(%arg6 : memref<136x128xf32, #tpu.memory_space<vmem>>) dst(%dma_wait3A_484 : memref<136x128xf32, #tpu.memory_space<hbm>>)
      %dma_start3A = arith.constant 0 : i32
      %dma_start3A_485 = tpu.memref_slice %arg2[%multiple_of3A, %dma_start3A] : memref<100000x128xf32, #tpu.memory_space<hbm>> -> memref<136x128xf32, #tpu.memory_space<hbm>>
      %dma_start3A_486 = arith.constant 0 : i32
      %dma_start3A_487 = tpu.memref_slice %arg2[%multiple_of3A, %dma_start3A_486] : memref<100000x128xf32, #tpu.memory_space<hbm>> -> memref<136x128xf32, #tpu.memory_space<hbm>>
      tpu.enqueue_dma source(%dma_start3A_487 : memref<136x128xf32, #tpu.memory_space<hbm>>) target(%arg6 : memref<136x128xf32, #tpu.memory_space<vmem>>) target_semaphore(%arg9 : memref<!tpu.dma_semaphore, #tpu.memory_space<semaphore_mem>>)
    } else {
    }
    %scan3A_81 = arith.constant 0 : i32
    %scan3A_82 = arith.constant 356 : i32
    %scan3A_83 = arith.constant 89 : i32
    %scan3A_84 = arith.addi %scan3A_82, %scan3A_83 : i32
    %scan3A_85 = arith.constant 1 : i32
    %scan3A_86 = scf.for %scan3A_476 = %scan3A_82 to %scan3A_84 step %scan3A_85 iter_args(%scan3A_477 = %scan3A_81) -> (i32)  : i32 {
      %mul3A_478 = arith.constant 16 : i32
      %mul3A_479 = arith.muli %scan3A_476, %mul3A_478 : i32
      %get3A = arith.index_cast %mul3A_479 : i32 to index
      %get3A_480 = tpu.vector_load %arg14[%get3A] {strides = array<i32>} : memref<32768xi32, #tpu.memory_space<vmem>>, vector<16xi32>,
      %ge3A = vector.broadcast %mul3A_2 : i32 to vector<16xi32>
      %ge3A_481 = arith.cmpi sge, %get3A_480, %ge3A : vector<16xi32>
      %add3A_482 = arith.constant 3128 : i32
      %add3A_483 = arith.addi %mul3A_2, %add3A_482 : i32
      %lt3A = vector.broadcast %add3A_483 : i32 to vector<16xi32>
      %lt3A_484 = arith.cmpi slt, %get3A_480, %lt3A : vector<16xi32>
      %and3A_485 = arith.andi %ge3A_481, %lt3A_484 : vector<16xi1>
      %all_reduce_population_count3A = tpu.all_reduce %and3A_485 {dim = 0 : i64, kind = #tpu.reduction_kind<sum>} : vector<16xi1> -> vector<16xi32>
      %slice3A = vector.extract_strided_slice %all_reduce_population_count3A {offsets = [0], sizes = [1], strides = [1]} : vector<16xi32> to vector<1xi32>
      %squeeze3A = vector.extract %slice3A[0] : i32 from vector<1xi32>
      %gt3A_486 = arith.constant 0 : i32
      %gt3A_487 = arith.cmpi sgt, %squeeze3A, %gt3A_486 : i32
      %convert_element_type3A_488 = arith.extui %gt3A_487 : i1 to i32
      %cond3A_489 = arith.constant 0 : i32
      %cond3A_490 = arith.cmpi ne, %convert_element_type3A_488, %cond3A_489 : i32
      scf.if %cond3A_490 {
        %shift_left3A = arith.constant 4 : i32
        %shift_left3A_492 = vector.broadcast %shift_left3A : i32 to vector<16xi32>
        %shift_left3A_493 = arith.shli %get3A_480, %shift_left3A_492 : vector<16xi32>
        %or3A = arith.ori %shift_left3A_493, %iota3A : vector<16xi32>
        %mul3A_494 = arith.constant 16 : i32
        %mul3A_495 = arith.muli %scan3A_476, %mul3A_494 : i32
        %add3A_496 = vector.broadcast %mul3A_495 : i32 to vector<16xi32>
        %add3A_497 = arith.addi %add3A_496, %iota3A : vector<16xi32>
        %masked_sort3A = arith.constant dense<true> : vector<16xi1>
        %masked_sort3A_498 = arith.constant -2147483648 : i32
        %masked_sort3A_499 = vector.broadcast %masked_sort3A_498 : i32 to vector<16xi32>
        %masked_sort3A_500 = arith.xori %or3A, %masked_sort3A_499 : vector<16xi32>
        %masked_sort3A_501, %masked_sort3A_502, %masked_sort3A_503 = tpu.sort %masked_sort3A_500, %add3A_497 masked %masked_sort3A {descending = true} : (vector<16xi32>, vector<16xi32>, vector<16xi1>) -> (vector<16xi1>, vector<16xi32>, vector<16xi32>)
        %masked_sort3A_504 = arith.xori %masked_sort3A_502, %masked_sort3A_499 : vector<16xi32>
        %shift_right_arithmetic3A = arith.constant 4 : i32
        %shift_right_arithmetic3A_505 = vector.broadcast %shift_right_arithmetic3A : i32 to vector<16xi32>
        %shift_right_arithmetic3A_506 = arith.shrsi %masked_sort3A_504, %shift_right_arithmetic3A_505 : vector<16xi32>
        %swap3A = arith.constant 0 : index
        %swap3A_507 = tpu.vector_load %arg15[%swap3A] {strides = array<i32>} : memref<16xi32, #tpu.memory_space<vmem>>, vector<16xi32>,
        tpu.vector_store %arg15[%swap3A], %shift_right_arithmetic3A_506 {strides = array<i32>} : memref<16xi32, #tpu.memory_space<vmem>>, vector<16xi32>,
        %sub3A_508 = arith.constant 1 : i32
        %sub3A_509 = vector.broadcast %sub3A_508 : i32 to vector<16xi32>
        %sub3A_510 = arith.subi %iota3A, %sub3A_509 : vector<16xi32>
        %max3A = arith.constant 0 : i32
        %max3A_511 = vector.broadcast %max3A : i32 to vector<16xi32>
        %max3A_512 = arith.maxsi %sub3A_510, %max3A_511 : vector<16xi32>
        %gather3A = tpu.vector_load_idx %arg15[%max3A_512] : memref<16xi32, #tpu.memory_space<vmem>>[vector<16xi32>], vector<16xi32>,
        %ne3A_513 = arith.cmpi ne, %shift_right_arithmetic3A_506, %gather3A : vector<16xi32>
        %eq3A_514 = arith.constant 0 : i32
        %eq3A_515 = vector.broadcast %eq3A_514 : i32 to vector<16xi32>
        %eq3A_516 = arith.cmpi eq, %iota3A, %eq3A_515 : vector<16xi32>
        %or3A_517 = arith.ori %ne3A_513, %eq3A_516 : vector<16xi1>
        %sub3A_518 = vector.broadcast %mul3A_2 : i32 to vector<16xi32>
        %sub3A_519 = arith.subi %shift_right_arithmetic3A_506, %sub3A_518 : vector<16xi32>
        %ge3A_520 = arith.constant 0 : i32
        %ge3A_521 = vector.broadcast %ge3A_520 : i32 to vector<16xi32>
        %ge3A_522 = arith.cmpi sge, %sub3A_519, %ge3A_521 : vector<16xi32>
        %and3A_523 = arith.andi %or3A_517, %ge3A_522 : vector<16xi1>
        %lt3A_524 = arith.constant 3128 : i32
        %lt3A_525 = vector.broadcast %lt3A_524 : i32 to vector<16xi32>
        %lt3A_526 = arith.cmpi slt, %sub3A_519, %lt3A_525 : vector<16xi32>
        %and3A_527 = arith.andi %and3A_523, %lt3A_526 : vector<16xi1>
        %gather3A_528 = tpu.vector_load_idx %arg16[%sub3A_519] masked %and3A_527 : memref<3200xi32, #tpu.memory_space<vmem>>[vector<16xi32>], vector<16xi32>, vector<16xi1>
        %max3A_529 = arith.maxsi %gather3A_528, %masked_sort3A_503 : vector<16xi32>
        tpu.vector_store_idx %arg16[%sub3A_519], %max3A_529 masked %and3A_527 : memref<3200xi32, #tpu.memory_space<vmem>>[vector<16xi32>], vector<16xi32>, vector<16xi1>
      } else {
      }
      %scan3A_491 = arith.constant 0 : i32
      scf.yield %scan3A_491 : i32
    }
    %scan3A_87 = arith.constant 89 : i32
    %gt3A_88 = arith.constant 4 : i32
    %gt3A_89 = arith.cmpi sgt, %select_n3A, %gt3A_88 : i32
    %convert_element_type3A_90 = arith.extui %gt3A_89 : i1 to i32
    %cond3A_91 = arith.constant 0 : i32
    %cond3A_92 = arith.cmpi ne, %convert_element_type3A_90, %cond3A_91 : i32
    scf.if %cond3A_92 {
      %add3A_476 = arith.constant 544 : i32
      %add3A_477 = arith.addi %mul3A_2, %add3A_476 : i32
      %multiple_of3A = tpu.assume_multiple %add3A_477, 8 : i32
      %dma_wait3A_478 = arith.constant 0 : i32
      %dma_wait3A_479 = tpu.memref_slice %arg2[%multiple_of3A, %dma_wait3A_478] : memref<100000x128xf32, #tpu.memory_space<hbm>> -> memref<136x128xf32, #tpu.memory_space<hbm>>
      %dma_wait3A_480 = arith.constant 0 : i32
      %dma_wait3A_481 = tpu.memref_slice %arg2[%multiple_of3A, %dma_wait3A_480] : memref<100000x128xf32, #tpu.memory_space<hbm>> -> memref<136x128xf32, #tpu.memory_space<hbm>>
      tpu.wait_dma2 semaphore(%arg9 : memref<!tpu.dma_semaphore, #tpu.memory_space<semaphore_mem>>) src(%dma_wait3A_481 : memref<136x128xf32, #tpu.memory_space<hbm>>) dst(%arg6 : memref<136x128xf32, #tpu.memory_space<vmem>>)
      %dma_start3A = arith.constant 0 : i32
      %dma_start3A_482 = tpu.memref_slice %arg5[%multiple_of3A, %dma_start3A] : memref<100000x128xf32, #tpu.memory_space<hbm>> -> memref<136x128xf32, #tpu.memory_space<hbm>>
      %dma_start3A_483 = arith.constant 0 : i32
      %dma_start3A_484 = tpu.memref_slice %arg5[%multiple_of3A, %dma_start3A_483] : memref<100000x128xf32, #tpu.memory_space<hbm>> -> memref<136x128xf32, #tpu.memory_space<hbm>>
      tpu.enqueue_dma source(%arg6 : memref<136x128xf32, #tpu.memory_space<vmem>>) target(%dma_start3A_484 : memref<136x128xf32, #tpu.memory_space<hbm>>) target_semaphore(%arg11 : memref<!tpu.dma_semaphore, #tpu.memory_space<semaphore_mem>>)
    } else {
    }
    %gt3A_93 = arith.constant 5 : i32
    %gt3A_94 = arith.cmpi sgt, %select_n3A, %gt3A_93 : i32
    %convert_element_type3A_95 = arith.extui %gt3A_94 : i1 to i32
    %cond3A_96 = arith.constant 0 : i32
    %cond3A_97 = arith.cmpi ne, %convert_element_type3A_95, %cond3A_96 : i32
    scf.if %cond3A_97 {
      %add3A_476 = arith.constant 680 : i32
      %add3A_477 = arith.addi %mul3A_2, %add3A_476 : i32
      %multiple_of3A = tpu.assume_multiple %add3A_477, 8 : i32
      %add3A_478 = arith.constant 408 : i32
      %add3A_479 = arith.addi %mul3A_2, %add3A_478 : i32
      %multiple_of3A_480 = tpu.assume_multiple %add3A_479, 8 : i32
      %dma_wait3A_481 = arith.constant 0 : i32
      %dma_wait3A_482 = tpu.memref_slice %arg5[%multiple_of3A_480, %dma_wait3A_481] : memref<100000x128xf32, #tpu.memory_space<hbm>> -> memref<136x128xf32, #tpu.memory_space<hbm>>
      %dma_wait3A_483 = arith.constant 0 : i32
      %dma_wait3A_484 = tpu.memref_slice %arg5[%multiple_of3A_480, %dma_wait3A_483] : memref<100000x128xf32, #tpu.memory_space<hbm>> -> memref<136x128xf32, #tpu.memory_space<hbm>>
      tpu.wait_dma2 semaphore(%arg12 : memref<!tpu.dma_semaphore, #tpu.memory_space<semaphore_mem>>) src(%arg7 : memref<136x128xf32, #tpu.memory_space<vmem>>) dst(%dma_wait3A_484 : memref<136x128xf32, #tpu.memory_space<hbm>>)
      %dma_start3A = arith.constant 0 : i32
      %dma_start3A_485 = tpu.memref_slice %arg2[%multiple_of3A, %dma_start3A] : memref<100000x128xf32, #tpu.memory_space<hbm>> -> memref<136x128xf32, #tpu.memory_space<hbm>>
      %dma_start3A_486 = arith.constant 0 : i32
      %dma_start3A_487 = tpu.memref_slice %arg2[%multiple_of3A, %dma_start3A_486] : memref<100000x128xf32, #tpu.memory_space<hbm>> -> memref<136x128xf32, #tpu.memory_space<hbm>>
      tpu.enqueue_dma source(%dma_start3A_487 : memref<136x128xf32, #tpu.memory_space<hbm>>) target(%arg7 : memref<136x128xf32, #tpu.memory_space<vmem>>) target_semaphore(%arg10 : memref<!tpu.dma_semaphore, #tpu.memory_space<semaphore_mem>>)
    } else {
    }
    %scan3A_98 = arith.constant 0 : i32
    %scan3A_99 = arith.constant 445 : i32
    %scan3A_100 = arith.constant 89 : i32
    %scan3A_101 = arith.addi %scan3A_99, %scan3A_100 : i32
    %scan3A_102 = arith.constant 1 : i32
    %scan3A_103 = scf.for %scan3A_476 = %scan3A_99 to %scan3A_101 step %scan3A_102 iter_args(%scan3A_477 = %scan3A_98) -> (i32)  : i32 {
      %mul3A_478 = arith.constant 16 : i32
      %mul3A_479 = arith.muli %scan3A_476, %mul3A_478 : i32
      %get3A = arith.index_cast %mul3A_479 : i32 to index
      %get3A_480 = tpu.vector_load %arg14[%get3A] {strides = array<i32>} : memref<32768xi32, #tpu.memory_space<vmem>>, vector<16xi32>,
      %ge3A = vector.broadcast %mul3A_2 : i32 to vector<16xi32>
      %ge3A_481 = arith.cmpi sge, %get3A_480, %ge3A : vector<16xi32>
      %add3A_482 = arith.constant 3128 : i32
      %add3A_483 = arith.addi %mul3A_2, %add3A_482 : i32
      %lt3A = vector.broadcast %add3A_483 : i32 to vector<16xi32>
      %lt3A_484 = arith.cmpi slt, %get3A_480, %lt3A : vector<16xi32>
      %and3A_485 = arith.andi %ge3A_481, %lt3A_484 : vector<16xi1>
      %all_reduce_population_count3A = tpu.all_reduce %and3A_485 {dim = 0 : i64, kind = #tpu.reduction_kind<sum>} : vector<16xi1> -> vector<16xi32>
      %slice3A = vector.extract_strided_slice %all_reduce_population_count3A {offsets = [0], sizes = [1], strides = [1]} : vector<16xi32> to vector<1xi32>
      %squeeze3A = vector.extract %slice3A[0] : i32 from vector<1xi32>
      %gt3A_486 = arith.constant 0 : i32
      %gt3A_487 = arith.cmpi sgt, %squeeze3A, %gt3A_486 : i32
      %convert_element_type3A_488 = arith.extui %gt3A_487 : i1 to i32
      %cond3A_489 = arith.constant 0 : i32
      %cond3A_490 = arith.cmpi ne, %convert_element_type3A_488, %cond3A_489 : i32
      scf.if %cond3A_490 {
        %shift_left3A = arith.constant 4 : i32
        %shift_left3A_492 = vector.broadcast %shift_left3A : i32 to vector<16xi32>
        %shift_left3A_493 = arith.shli %get3A_480, %shift_left3A_492 : vector<16xi32>
        %or3A = arith.ori %shift_left3A_493, %iota3A : vector<16xi32>
        %mul3A_494 = arith.constant 16 : i32
        %mul3A_495 = arith.muli %scan3A_476, %mul3A_494 : i32
        %add3A_496 = vector.broadcast %mul3A_495 : i32 to vector<16xi32>
        %add3A_497 = arith.addi %add3A_496, %iota3A : vector<16xi32>
        %masked_sort3A = arith.constant dense<true> : vector<16xi1>
        %masked_sort3A_498 = arith.constant -2147483648 : i32
        %masked_sort3A_499 = vector.broadcast %masked_sort3A_498 : i32 to vector<16xi32>
        %masked_sort3A_500 = arith.xori %or3A, %masked_sort3A_499 : vector<16xi32>
        %masked_sort3A_501, %masked_sort3A_502, %masked_sort3A_503 = tpu.sort %masked_sort3A_500, %add3A_497 masked %masked_sort3A {descending = true} : (vector<16xi32>, vector<16xi32>, vector<16xi1>) -> (vector<16xi1>, vector<16xi32>, vector<16xi32>)
        %masked_sort3A_504 = arith.xori %masked_sort3A_502, %masked_sort3A_499 : vector<16xi32>
        %shift_right_arithmetic3A = arith.constant 4 : i32
        %shift_right_arithmetic3A_505 = vector.broadcast %shift_right_arithmetic3A : i32 to vector<16xi32>
        %shift_right_arithmetic3A_506 = arith.shrsi %masked_sort3A_504, %shift_right_arithmetic3A_505 : vector<16xi32>
        %swap3A = arith.constant 0 : index
        %swap3A_507 = tpu.vector_load %arg15[%swap3A] {strides = array<i32>} : memref<16xi32, #tpu.memory_space<vmem>>, vector<16xi32>,
        tpu.vector_store %arg15[%swap3A], %shift_right_arithmetic3A_506 {strides = array<i32>} : memref<16xi32, #tpu.memory_space<vmem>>, vector<16xi32>,
        %sub3A_508 = arith.constant 1 : i32
        %sub3A_509 = vector.broadcast %sub3A_508 : i32 to vector<16xi32>
        %sub3A_510 = arith.subi %iota3A, %sub3A_509 : vector<16xi32>
        %max3A = arith.constant 0 : i32
        %max3A_511 = vector.broadcast %max3A : i32 to vector<16xi32>
        %max3A_512 = arith.maxsi %sub3A_510, %max3A_511 : vector<16xi32>
        %gather3A = tpu.vector_load_idx %arg15[%max3A_512] : memref<16xi32, #tpu.memory_space<vmem>>[vector<16xi32>], vector<16xi32>,
        %ne3A_513 = arith.cmpi ne, %shift_right_arithmetic3A_506, %gather3A : vector<16xi32>
        %eq3A_514 = arith.constant 0 : i32
        %eq3A_515 = vector.broadcast %eq3A_514 : i32 to vector<16xi32>
        %eq3A_516 = arith.cmpi eq, %iota3A, %eq3A_515 : vector<16xi32>
        %or3A_517 = arith.ori %ne3A_513, %eq3A_516 : vector<16xi1>
        %sub3A_518 = vector.broadcast %mul3A_2 : i32 to vector<16xi32>
        %sub3A_519 = arith.subi %shift_right_arithmetic3A_506, %sub3A_518 : vector<16xi32>
        %ge3A_520 = arith.constant 0 : i32
        %ge3A_521 = vector.broadcast %ge3A_520 : i32 to vector<16xi32>
        %ge3A_522 = arith.cmpi sge, %sub3A_519, %ge3A_521 : vector<16xi32>
        %and3A_523 = arith.andi %or3A_517, %ge3A_522 : vector<16xi1>
        %lt3A_524 = arith.constant 3128 : i32
        %lt3A_525 = vector.broadcast %lt3A_524 : i32 to vector<16xi32>
        %lt3A_526 = arith.cmpi slt, %sub3A_519, %lt3A_525 : vector<16xi32>
        %and3A_527 = arith.andi %and3A_523, %lt3A_526 : vector<16xi1>
        %gather3A_528 = tpu.vector_load_idx %arg16[%sub3A_519] masked %and3A_527 : memref<3200xi32, #tpu.memory_space<vmem>>[vector<16xi32>], vector<16xi32>, vector<16xi1>
        %max3A_529 = arith.maxsi %gather3A_528, %masked_sort3A_503 : vector<16xi32>
        tpu.vector_store_idx %arg16[%sub3A_519], %max3A_529 masked %and3A_527 : memref<3200xi32, #tpu.memory_space<vmem>>[vector<16xi32>], vector<16xi32>, vector<16xi1>
      } else {
      }
      %scan3A_491 = arith.constant 0 : i32
      scf.yield %scan3A_491 : i32
    }
    %scan3A_104 = arith.constant 89 : i32
    %gt3A_105 = arith.constant 5 : i32
    %gt3A_106 = arith.cmpi sgt, %select_n3A, %gt3A_105 : i32
    %convert_element_type3A_107 = arith.extui %gt3A_106 : i1 to i32
    %cond3A_108 = arith.constant 0 : i32
    %cond3A_109 = arith.cmpi ne, %convert_element_type3A_107, %cond3A_108 : i32
    scf.if %cond3A_109 {
      %add3A_476 = arith.constant 680 : i32
      %add3A_477 = arith.addi %mul3A_2, %add3A_476 : i32
      %multiple_of3A = tpu.assume_multiple %add3A_477, 8 : i32
      %dma_wait3A_478 = arith.constant 0 : i32
      %dma_wait3A_479 = tpu.memref_slice %arg2[%multiple_of3A, %dma_wait3A_478] : memref<100000x128xf32, #tpu.memory_space<hbm>> -> memref<136x128xf32, #tpu.memory_space<hbm>>
      %dma_wait3A_480 = arith.constant 0 : i32
      %dma_wait3A_481 = tpu.memref_slice %arg2[%multiple_of3A, %dma_wait3A_480] : memref<100000x128xf32, #tpu.memory_space<hbm>> -> memref<136x128xf32, #tpu.memory_space<hbm>>
      tpu.wait_dma2 semaphore(%arg10 : memref<!tpu.dma_semaphore, #tpu.memory_space<semaphore_mem>>) src(%dma_wait3A_481 : memref<136x128xf32, #tpu.memory_space<hbm>>) dst(%arg7 : memref<136x128xf32, #tpu.memory_space<vmem>>)
      %dma_start3A = arith.constant 0 : i32
      %dma_start3A_482 = tpu.memref_slice %arg5[%multiple_of3A, %dma_start3A] : memref<100000x128xf32, #tpu.memory_space<hbm>> -> memref<136x128xf32, #tpu.memory_space<hbm>>
      %dma_start3A_483 = arith.constant 0 : i32
      %dma_start3A_484 = tpu.memref_slice %arg5[%multiple_of3A, %dma_start3A_483] : memref<100000x128xf32, #tpu.memory_space<hbm>> -> memref<136x128xf32, #tpu.memory_space<hbm>>
      tpu.enqueue_dma source(%arg7 : memref<136x128xf32, #tpu.memory_space<vmem>>) target(%dma_start3A_484 : memref<136x128xf32, #tpu.memory_space<hbm>>) target_semaphore(%arg12 : memref<!tpu.dma_semaphore, #tpu.memory_space<semaphore_mem>>)
    } else {
    }
    %gt3A_110 = arith.constant 6 : i32
    %gt3A_111 = arith.cmpi sgt, %select_n3A, %gt3A_110 : i32
    %convert_element_type3A_112 = arith.extui %gt3A_111 : i1 to i32
    %cond3A_113 = arith.constant 0 : i32
    %cond3A_114 = arith.cmpi ne, %convert_element_type3A_112, %cond3A_113 : i32
    scf.if %cond3A_114 {
      %add3A_476 = arith.constant 816 : i32
      %add3A_477 = arith.addi %mul3A_2, %add3A_476 : i32
      %multiple_of3A = tpu.assume_multiple %add3A_477, 8 : i32
      %add3A_478 = arith.constant 544 : i32
      %add3A_479 = arith.addi %mul3A_2, %add3A_478 : i32
      %multiple_of3A_480 = tpu.assume_multiple %add3A_479, 8 : i32
      %dma_wait3A_481 = arith.constant 0 : i32
      %dma_wait3A_482 = tpu.memref_slice %arg5[%multiple_of3A_480, %dma_wait3A_481] : memref<100000x128xf32, #tpu.memory_space<hbm>> -> memref<136x128xf32, #tpu.memory_space<hbm>>
      %dma_wait3A_483 = arith.constant 0 : i32
      %dma_wait3A_484 = tpu.memref_slice %arg5[%multiple_of3A_480, %dma_wait3A_483] : memref<100000x128xf32, #tpu.memory_space<hbm>> -> memref<136x128xf32, #tpu.memory_space<hbm>>
      tpu.wait_dma2 semaphore(%arg11 : memref<!tpu.dma_semaphore, #tpu.memory_space<semaphore_mem>>) src(%arg6 : memref<136x128xf32, #tpu.memory_space<vmem>>) dst(%dma_wait3A_484 : memref<136x128xf32, #tpu.memory_space<hbm>>)
      %dma_start3A = arith.constant 0 : i32
      %dma_start3A_485 = tpu.memref_slice %arg2[%multiple_of3A, %dma_start3A] : memref<100000x128xf32, #tpu.memory_space<hbm>> -> memref<136x128xf32, #tpu.memory_space<hbm>>
      %dma_start3A_486 = arith.constant 0 : i32
      %dma_start3A_487 = tpu.memref_slice %arg2[%multiple_of3A, %dma_start3A_486] : memref<100000x128xf32, #tpu.memory_space<hbm>> -> memref<136x128xf32, #tpu.memory_space<hbm>>
      tpu.enqueue_dma source(%dma_start3A_487 : memref<136x128xf32, #tpu.memory_space<hbm>>) target(%arg6 : memref<136x128xf32, #tpu.memory_space<vmem>>) target_semaphore(%arg9 : memref<!tpu.dma_semaphore, #tpu.memory_space<semaphore_mem>>)
    } else {
    }
    %scan3A_115 = arith.constant 0 : i32
    %scan3A_116 = arith.constant 534 : i32
    %scan3A_117 = arith.constant 89 : i32
    %scan3A_118 = arith.addi %scan3A_116, %scan3A_117 : i32
    %scan3A_119 = arith.constant 1 : i32
    %scan3A_120 = scf.for %scan3A_476 = %scan3A_116 to %scan3A_118 step %scan3A_119 iter_args(%scan3A_477 = %scan3A_115) -> (i32)  : i32 {
      %mul3A_478 = arith.constant 16 : i32
      %mul3A_479 = arith.muli %scan3A_476, %mul3A_478 : i32
      %get3A = arith.index_cast %mul3A_479 : i32 to index
      %get3A_480 = tpu.vector_load %arg14[%get3A] {strides = array<i32>} : memref<32768xi32, #tpu.memory_space<vmem>>, vector<16xi32>,
      %ge3A = vector.broadcast %mul3A_2 : i32 to vector<16xi32>
      %ge3A_481 = arith.cmpi sge, %get3A_480, %ge3A : vector<16xi32>
      %add3A_482 = arith.constant 3128 : i32
      %add3A_483 = arith.addi %mul3A_2, %add3A_482 : i32
      %lt3A = vector.broadcast %add3A_483 : i32 to vector<16xi32>
      %lt3A_484 = arith.cmpi slt, %get3A_480, %lt3A : vector<16xi32>
      %and3A_485 = arith.andi %ge3A_481, %lt3A_484 : vector<16xi1>
      %all_reduce_population_count3A = tpu.all_reduce %and3A_485 {dim = 0 : i64, kind = #tpu.reduction_kind<sum>} : vector<16xi1> -> vector<16xi32>
      %slice3A = vector.extract_strided_slice %all_reduce_population_count3A {offsets = [0], sizes = [1], strides = [1]} : vector<16xi32> to vector<1xi32>
      %squeeze3A = vector.extract %slice3A[0] : i32 from vector<1xi32>
      %gt3A_486 = arith.constant 0 : i32
      %gt3A_487 = arith.cmpi sgt, %squeeze3A, %gt3A_486 : i32
      %convert_element_type3A_488 = arith.extui %gt3A_487 : i1 to i32
      %cond3A_489 = arith.constant 0 : i32
      %cond3A_490 = arith.cmpi ne, %convert_element_type3A_488, %cond3A_489 : i32
      scf.if %cond3A_490 {
        %shift_left3A = arith.constant 4 : i32
        %shift_left3A_492 = vector.broadcast %shift_left3A : i32 to vector<16xi32>
        %shift_left3A_493 = arith.shli %get3A_480, %shift_left3A_492 : vector<16xi32>
        %or3A = arith.ori %shift_left3A_493, %iota3A : vector<16xi32>
        %mul3A_494 = arith.constant 16 : i32
        %mul3A_495 = arith.muli %scan3A_476, %mul3A_494 : i32
        %add3A_496 = vector.broadcast %mul3A_495 : i32 to vector<16xi32>
        %add3A_497 = arith.addi %add3A_496, %iota3A : vector<16xi32>
        %masked_sort3A = arith.constant dense<true> : vector<16xi1>
        %masked_sort3A_498 = arith.constant -2147483648 : i32
        %masked_sort3A_499 = vector.broadcast %masked_sort3A_498 : i32 to vector<16xi32>
        %masked_sort3A_500 = arith.xori %or3A, %masked_sort3A_499 : vector<16xi32>
        %masked_sort3A_501, %masked_sort3A_502, %masked_sort3A_503 = tpu.sort %masked_sort3A_500, %add3A_497 masked %masked_sort3A {descending = true} : (vector<16xi32>, vector<16xi32>, vector<16xi1>) -> (vector<16xi1>, vector<16xi32>, vector<16xi32>)
        %masked_sort3A_504 = arith.xori %masked_sort3A_502, %masked_sort3A_499 : vector<16xi32>
        %shift_right_arithmetic3A = arith.constant 4 : i32
        %shift_right_arithmetic3A_505 = vector.broadcast %shift_right_arithmetic3A : i32 to vector<16xi32>
        %shift_right_arithmetic3A_506 = arith.shrsi %masked_sort3A_504, %shift_right_arithmetic3A_505 : vector<16xi32>
        %swap3A = arith.constant 0 : index
        %swap3A_507 = tpu.vector_load %arg15[%swap3A] {strides = array<i32>} : memref<16xi32, #tpu.memory_space<vmem>>, vector<16xi32>,
        tpu.vector_store %arg15[%swap3A], %shift_right_arithmetic3A_506 {strides = array<i32>} : memref<16xi32, #tpu.memory_space<vmem>>, vector<16xi32>,
        %sub3A_508 = arith.constant 1 : i32
        %sub3A_509 = vector.broadcast %sub3A_508 : i32 to vector<16xi32>
        %sub3A_510 = arith.subi %iota3A, %sub3A_509 : vector<16xi32>
        %max3A = arith.constant 0 : i32
        %max3A_511 = vector.broadcast %max3A : i32 to vector<16xi32>
        %max3A_512 = arith.maxsi %sub3A_510, %max3A_511 : vector<16xi32>
        %gather3A = tpu.vector_load_idx %arg15[%max3A_512] : memref<16xi32, #tpu.memory_space<vmem>>[vector<16xi32>], vector<16xi32>,
        %ne3A_513 = arith.cmpi ne, %shift_right_arithmetic3A_506, %gather3A : vector<16xi32>
        %eq3A_514 = arith.constant 0 : i32
        %eq3A_515 = vector.broadcast %eq3A_514 : i32 to vector<16xi32>
        %eq3A_516 = arith.cmpi eq, %iota3A, %eq3A_515 : vector<16xi32>
        %or3A_517 = arith.ori %ne3A_513, %eq3A_516 : vector<16xi1>
        %sub3A_518 = vector.broadcast %mul3A_2 : i32 to vector<16xi32>
        %sub3A_519 = arith.subi %shift_right_arithmetic3A_506, %sub3A_518 : vector<16xi32>
        %ge3A_520 = arith.constant 0 : i32
        %ge3A_521 = vector.broadcast %ge3A_520 : i32 to vector<16xi32>
        %ge3A_522 = arith.cmpi sge, %sub3A_519, %ge3A_521 : vector<16xi32>
        %and3A_523 = arith.andi %or3A_517, %ge3A_522 : vector<16xi1>
        %lt3A_524 = arith.constant 3128 : i32
        %lt3A_525 = vector.broadcast %lt3A_524 : i32 to vector<16xi32>
        %lt3A_526 = arith.cmpi slt, %sub3A_519, %lt3A_525 : vector<16xi32>
        %and3A_527 = arith.andi %and3A_523, %lt3A_526 : vector<16xi1>
        %gather3A_528 = tpu.vector_load_idx %arg16[%sub3A_519] masked %and3A_527 : memref<3200xi32, #tpu.memory_space<vmem>>[vector<16xi32>], vector<16xi32>, vector<16xi1>
        %max3A_529 = arith.maxsi %gather3A_528, %masked_sort3A_503 : vector<16xi32>
        tpu.vector_store_idx %arg16[%sub3A_519], %max3A_529 masked %and3A_527 : memref<3200xi32, #tpu.memory_space<vmem>>[vector<16xi32>], vector<16xi32>, vector<16xi1>
      } else {
      }
      %scan3A_491 = arith.constant 0 : i32
      scf.yield %scan3A_491 : i32
    }
    %scan3A_121 = arith.constant 89 : i32
    %gt3A_122 = arith.constant 6 : i32
    %gt3A_123 = arith.cmpi sgt, %select_n3A, %gt3A_122 : i32
    %convert_element_type3A_124 = arith.extui %gt3A_123 : i1 to i32
    %cond3A_125 = arith.constant 0 : i32
    %cond3A_126 = arith.cmpi ne, %convert_element_type3A_124, %cond3A_125 : i32
    scf.if %cond3A_126 {
      %add3A_476 = arith.constant 816 : i32
      %add3A_477 = arith.addi %mul3A_2, %add3A_476 : i32
      %multiple_of3A = tpu.assume_multiple %add3A_477, 8 : i32
      %dma_wait3A_478 = arith.constant 0 : i32
      %dma_wait3A_479 = tpu.memref_slice %arg2[%multiple_of3A, %dma_wait3A_478] : memref<100000x128xf32, #tpu.memory_space<hbm>> -> memref<136x128xf32, #tpu.memory_space<hbm>>
      %dma_wait3A_480 = arith.constant 0 : i32
      %dma_wait3A_481 = tpu.memref_slice %arg2[%multiple_of3A, %dma_wait3A_480] : memref<100000x128xf32, #tpu.memory_space<hbm>> -> memref<136x128xf32, #tpu.memory_space<hbm>>
      tpu.wait_dma2 semaphore(%arg9 : memref<!tpu.dma_semaphore, #tpu.memory_space<semaphore_mem>>) src(%dma_wait3A_481 : memref<136x128xf32, #tpu.memory_space<hbm>>) dst(%arg6 : memref<136x128xf32, #tpu.memory_space<vmem>>)
      %dma_start3A = arith.constant 0 : i32
      %dma_start3A_482 = tpu.memref_slice %arg5[%multiple_of3A, %dma_start3A] : memref<100000x128xf32, #tpu.memory_space<hbm>> -> memref<136x128xf32, #tpu.memory_space<hbm>>
      %dma_start3A_483 = arith.constant 0 : i32
      %dma_start3A_484 = tpu.memref_slice %arg5[%multiple_of3A, %dma_start3A_483] : memref<100000x128xf32, #tpu.memory_space<hbm>> -> memref<136x128xf32, #tpu.memory_space<hbm>>
      tpu.enqueue_dma source(%arg6 : memref<136x128xf32, #tpu.memory_space<vmem>>) target(%dma_start3A_484 : memref<136x128xf32, #tpu.memory_space<hbm>>) target_semaphore(%arg11 : memref<!tpu.dma_semaphore, #tpu.memory_space<semaphore_mem>>)
    } else {
    }
    %gt3A_127 = arith.constant 7 : i32
    %gt3A_128 = arith.cmpi sgt, %select_n3A, %gt3A_127 : i32
    %convert_element_type3A_129 = arith.extui %gt3A_128 : i1 to i32
    %cond3A_130 = arith.constant 0 : i32
    %cond3A_131 = arith.cmpi ne, %convert_element_type3A_129, %cond3A_130 : i32
    scf.if %cond3A_131 {
      %add3A_476 = arith.constant 952 : i32
      %add3A_477 = arith.addi %mul3A_2, %add3A_476 : i32
      %multiple_of3A = tpu.assume_multiple %add3A_477, 8 : i32
      %add3A_478 = arith.constant 680 : i32
      %add3A_479 = arith.addi %mul3A_2, %add3A_478 : i32
      %multiple_of3A_480 = tpu.assume_multiple %add3A_479, 8 : i32
      %dma_wait3A_481 = arith.constant 0 : i32
      %dma_wait3A_482 = tpu.memref_slice %arg5[%multiple_of3A_480, %dma_wait3A_481] : memref<100000x128xf32, #tpu.memory_space<hbm>> -> memref<136x128xf32, #tpu.memory_space<hbm>>
      %dma_wait3A_483 = arith.constant 0 : i32
      %dma_wait3A_484 = tpu.memref_slice %arg5[%multiple_of3A_480, %dma_wait3A_483] : memref<100000x128xf32, #tpu.memory_space<hbm>> -> memref<136x128xf32, #tpu.memory_space<hbm>>
      tpu.wait_dma2 semaphore(%arg12 : memref<!tpu.dma_semaphore, #tpu.memory_space<semaphore_mem>>) src(%arg7 : memref<136x128xf32, #tpu.memory_space<vmem>>) dst(%dma_wait3A_484 : memref<136x128xf32, #tpu.memory_space<hbm>>)
      %dma_start3A = arith.constant 0 : i32
      %dma_start3A_485 = tpu.memref_slice %arg2[%multiple_of3A, %dma_start3A] : memref<100000x128xf32, #tpu.memory_space<hbm>> -> memref<136x128xf32, #tpu.memory_space<hbm>>
      %dma_start3A_486 = arith.constant 0 : i32
      %dma_start3A_487 = tpu.memref_slice %arg2[%multiple_of3A, %dma_start3A_486] : memref<100000x128xf32, #tpu.memory_space<hbm>> -> memref<136x128xf32, #tpu.memory_space<hbm>>
      tpu.enqueue_dma source(%dma_start3A_487 : memref<136x128xf32, #tpu.memory_space<hbm>>) target(%arg7 : memref<136x128xf32, #tpu.memory_space<vmem>>) target_semaphore(%arg10 : memref<!tpu.dma_semaphore, #tpu.memory_space<semaphore_mem>>)
    } else {
    }
    %scan3A_132 = arith.constant 0 : i32
    %scan3A_133 = arith.constant 623 : i32
    %scan3A_134 = arith.constant 89 : i32
    %scan3A_135 = arith.addi %scan3A_133, %scan3A_134 : i32
    %scan3A_136 = arith.constant 1 : i32
    %scan3A_137 = scf.for %scan3A_476 = %scan3A_133 to %scan3A_135 step %scan3A_136 iter_args(%scan3A_477 = %scan3A_132) -> (i32)  : i32 {
      %mul3A_478 = arith.constant 16 : i32
      %mul3A_479 = arith.muli %scan3A_476, %mul3A_478 : i32
      %get3A = arith.index_cast %mul3A_479 : i32 to index
      %get3A_480 = tpu.vector_load %arg14[%get3A] {strides = array<i32>} : memref<32768xi32, #tpu.memory_space<vmem>>, vector<16xi32>,
      %ge3A = vector.broadcast %mul3A_2 : i32 to vector<16xi32>
      %ge3A_481 = arith.cmpi sge, %get3A_480, %ge3A : vector<16xi32>
      %add3A_482 = arith.constant 3128 : i32
      %add3A_483 = arith.addi %mul3A_2, %add3A_482 : i32
      %lt3A = vector.broadcast %add3A_483 : i32 to vector<16xi32>
      %lt3A_484 = arith.cmpi slt, %get3A_480, %lt3A : vector<16xi32>
      %and3A_485 = arith.andi %ge3A_481, %lt3A_484 : vector<16xi1>
      %all_reduce_population_count3A = tpu.all_reduce %and3A_485 {dim = 0 : i64, kind = #tpu.reduction_kind<sum>} : vector<16xi1> -> vector<16xi32>
      %slice3A = vector.extract_strided_slice %all_reduce_population_count3A {offsets = [0], sizes = [1], strides = [1]} : vector<16xi32> to vector<1xi32>
      %squeeze3A = vector.extract %slice3A[0] : i32 from vector<1xi32>
      %gt3A_486 = arith.constant 0 : i32
      %gt3A_487 = arith.cmpi sgt, %squeeze3A, %gt3A_486 : i32
      %convert_element_type3A_488 = arith.extui %gt3A_487 : i1 to i32
      %cond3A_489 = arith.constant 0 : i32
      %cond3A_490 = arith.cmpi ne, %convert_element_type3A_488, %cond3A_489 : i32
      scf.if %cond3A_490 {
        %shift_left3A = arith.constant 4 : i32
        %shift_left3A_492 = vector.broadcast %shift_left3A : i32 to vector<16xi32>
        %shift_left3A_493 = arith.shli %get3A_480, %shift_left3A_492 : vector<16xi32>
        %or3A = arith.ori %shift_left3A_493, %iota3A : vector<16xi32>
        %mul3A_494 = arith.constant 16 : i32
        %mul3A_495 = arith.muli %scan3A_476, %mul3A_494 : i32
        %add3A_496 = vector.broadcast %mul3A_495 : i32 to vector<16xi32>
        %add3A_497 = arith.addi %add3A_496, %iota3A : vector<16xi32>
        %masked_sort3A = arith.constant dense<true> : vector<16xi1>
        %masked_sort3A_498 = arith.constant -2147483648 : i32
        %masked_sort3A_499 = vector.broadcast %masked_sort3A_498 : i32 to vector<16xi32>
        %masked_sort3A_500 = arith.xori %or3A, %masked_sort3A_499 : vector<16xi32>
        %masked_sort3A_501, %masked_sort3A_502, %masked_sort3A_503 = tpu.sort %masked_sort3A_500, %add3A_497 masked %masked_sort3A {descending = true} : (vector<16xi32>, vector<16xi32>, vector<16xi1>) -> (vector<16xi1>, vector<16xi32>, vector<16xi32>)
        %masked_sort3A_504 = arith.xori %masked_sort3A_502, %masked_sort3A_499 : vector<16xi32>
        %shift_right_arithmetic3A = arith.constant 4 : i32
        %shift_right_arithmetic3A_505 = vector.broadcast %shift_right_arithmetic3A : i32 to vector<16xi32>
        %shift_right_arithmetic3A_506 = arith.shrsi %masked_sort3A_504, %shift_right_arithmetic3A_505 : vector<16xi32>
        %swap3A = arith.constant 0 : index
        %swap3A_507 = tpu.vector_load %arg15[%swap3A] {strides = array<i32>} : memref<16xi32, #tpu.memory_space<vmem>>, vector<16xi32>,
        tpu.vector_store %arg15[%swap3A], %shift_right_arithmetic3A_506 {strides = array<i32>} : memref<16xi32, #tpu.memory_space<vmem>>, vector<16xi32>,
        %sub3A_508 = arith.constant 1 : i32
        %sub3A_509 = vector.broadcast %sub3A_508 : i32 to vector<16xi32>
        %sub3A_510 = arith.subi %iota3A, %sub3A_509 : vector<16xi32>
        %max3A = arith.constant 0 : i32
        %max3A_511 = vector.broadcast %max3A : i32 to vector<16xi32>
        %max3A_512 = arith.maxsi %sub3A_510, %max3A_511 : vector<16xi32>
        %gather3A = tpu.vector_load_idx %arg15[%max3A_512] : memref<16xi32, #tpu.memory_space<vmem>>[vector<16xi32>], vector<16xi32>,
        %ne3A_513 = arith.cmpi ne, %shift_right_arithmetic3A_506, %gather3A : vector<16xi32>
        %eq3A_514 = arith.constant 0 : i32
        %eq3A_515 = vector.broadcast %eq3A_514 : i32 to vector<16xi32>
        %eq3A_516 = arith.cmpi eq, %iota3A, %eq3A_515 : vector<16xi32>
        %or3A_517 = arith.ori %ne3A_513, %eq3A_516 : vector<16xi1>
        %sub3A_518 = vector.broadcast %mul3A_2 : i32 to vector<16xi32>
        %sub3A_519 = arith.subi %shift_right_arithmetic3A_506, %sub3A_518 : vector<16xi32>
        %ge3A_520 = arith.constant 0 : i32
        %ge3A_521 = vector.broadcast %ge3A_520 : i32 to vector<16xi32>
        %ge3A_522 = arith.cmpi sge, %sub3A_519, %ge3A_521 : vector<16xi32>
        %and3A_523 = arith.andi %or3A_517, %ge3A_522 : vector<16xi1>
        %lt3A_524 = arith.constant 3128 : i32
        %lt3A_525 = vector.broadcast %lt3A_524 : i32 to vector<16xi32>
        %lt3A_526 = arith.cmpi slt, %sub3A_519, %lt3A_525 : vector<16xi32>
        %and3A_527 = arith.andi %and3A_523, %lt3A_526 : vector<16xi1>
        %gather3A_528 = tpu.vector_load_idx %arg16[%sub3A_519] masked %and3A_527 : memref<3200xi32, #tpu.memory_space<vmem>>[vector<16xi32>], vector<16xi32>, vector<16xi1>
        %max3A_529 = arith.maxsi %gather3A_528, %masked_sort3A_503 : vector<16xi32>
        tpu.vector_store_idx %arg16[%sub3A_519], %max3A_529 masked %and3A_527 : memref<3200xi32, #tpu.memory_space<vmem>>[vector<16xi32>], vector<16xi32>, vector<16xi1>
      } else {
      }
      %scan3A_491 = arith.constant 0 : i32
      scf.yield %scan3A_491 : i32
    }
    %scan3A_138 = arith.constant 89 : i32
    %gt3A_139 = arith.constant 7 : i32
    %gt3A_140 = arith.cmpi sgt, %select_n3A, %gt3A_139 : i32
    %convert_element_type3A_141 = arith.extui %gt3A_140 : i1 to i32
    %cond3A_142 = arith.constant 0 : i32
    %cond3A_143 = arith.cmpi ne, %convert_element_type3A_141, %cond3A_142 : i32
    scf.if %cond3A_143 {
      %add3A_476 = arith.constant 952 : i32
      %add3A_477 = arith.addi %mul3A_2, %add3A_476 : i32
      %multiple_of3A = tpu.assume_multiple %add3A_477, 8 : i32
      %dma_wait3A_478 = arith.constant 0 : i32
      %dma_wait3A_479 = tpu.memref_slice %arg2[%multiple_of3A, %dma_wait3A_478] : memref<100000x128xf32, #tpu.memory_space<hbm>> -> memref<136x128xf32, #tpu.memory_space<hbm>>
      %dma_wait3A_480 = arith.constant 0 : i32
      %dma_wait3A_481 = tpu.memref_slice %arg2[%multiple_of3A, %dma_wait3A_480] : memref<100000x128xf32, #tpu.memory_space<hbm>> -> memref<136x128xf32, #tpu.memory_space<hbm>>
      tpu.wait_dma2 semaphore(%arg10 : memref<!tpu.dma_semaphore, #tpu.memory_space<semaphore_mem>>) src(%dma_wait3A_481 : memref<136x128xf32, #tpu.memory_space<hbm>>) dst(%arg7 : memref<136x128xf32, #tpu.memory_space<vmem>>)
      %dma_start3A = arith.constant 0 : i32
      %dma_start3A_482 = tpu.memref_slice %arg5[%multiple_of3A, %dma_start3A] : memref<100000x128xf32, #tpu.memory_space<hbm>> -> memref<136x128xf32, #tpu.memory_space<hbm>>
      %dma_start3A_483 = arith.constant 0 : i32
      %dma_start3A_484 = tpu.memref_slice %arg5[%multiple_of3A, %dma_start3A_483] : memref<100000x128xf32, #tpu.memory_space<hbm>> -> memref<136x128xf32, #tpu.memory_space<hbm>>
      tpu.enqueue_dma source(%arg7 : memref<136x128xf32, #tpu.memory_space<vmem>>) target(%dma_start3A_484 : memref<136x128xf32, #tpu.memory_space<hbm>>) target_semaphore(%arg12 : memref<!tpu.dma_semaphore, #tpu.memory_space<semaphore_mem>>)
    } else {
    }
    %gt3A_144 = arith.constant 8 : i32
    %gt3A_145 = arith.cmpi sgt, %select_n3A, %gt3A_144 : i32
    %convert_element_type3A_146 = arith.extui %gt3A_145 : i1 to i32
    %cond3A_147 = arith.constant 0 : i32
    %cond3A_148 = arith.cmpi ne, %convert_element_type3A_146, %cond3A_147 : i32
    scf.if %cond3A_148 {
      %add3A_476 = arith.constant 1088 : i32
      %add3A_477 = arith.addi %mul3A_2, %add3A_476 : i32
      %multiple_of3A = tpu.assume_multiple %add3A_477, 8 : i32
      %add3A_478 = arith.constant 816 : i32
      %add3A_479 = arith.addi %mul3A_2, %add3A_478 : i32
      %multiple_of3A_480 = tpu.assume_multiple %add3A_479, 8 : i32
      %dma_wait3A_481 = arith.constant 0 : i32
      %dma_wait3A_482 = tpu.memref_slice %arg5[%multiple_of3A_480, %dma_wait3A_481] : memref<100000x128xf32, #tpu.memory_space<hbm>> -> memref<136x128xf32, #tpu.memory_space<hbm>>
      %dma_wait3A_483 = arith.constant 0 : i32
      %dma_wait3A_484 = tpu.memref_slice %arg5[%multiple_of3A_480, %dma_wait3A_483] : memref<100000x128xf32, #tpu.memory_space<hbm>> -> memref<136x128xf32, #tpu.memory_space<hbm>>
      tpu.wait_dma2 semaphore(%arg11 : memref<!tpu.dma_semaphore, #tpu.memory_space<semaphore_mem>>) src(%arg6 : memref<136x128xf32, #tpu.memory_space<vmem>>) dst(%dma_wait3A_484 : memref<136x128xf32, #tpu.memory_space<hbm>>)
      %dma_start3A = arith.constant 0 : i32
      %dma_start3A_485 = tpu.memref_slice %arg2[%multiple_of3A, %dma_start3A] : memref<100000x128xf32, #tpu.memory_space<hbm>> -> memref<136x128xf32, #tpu.memory_space<hbm>>
      %dma_start3A_486 = arith.constant 0 : i32
      %dma_start3A_487 = tpu.memref_slice %arg2[%multiple_of3A, %dma_start3A_486] : memref<100000x128xf32, #tpu.memory_space<hbm>> -> memref<136x128xf32, #tpu.memory_space<hbm>>
      tpu.enqueue_dma source(%dma_start3A_487 : memref<136x128xf32, #tpu.memory_space<hbm>>) target(%arg6 : memref<136x128xf32, #tpu.memory_space<vmem>>) target_semaphore(%arg9 : memref<!tpu.dma_semaphore, #tpu.memory_space<semaphore_mem>>)
    } else {
    }
    %scan3A_149 = arith.constant 0 : i32
    %scan3A_150 = arith.constant 712 : i32
    %scan3A_151 = arith.constant 89 : i32
    %scan3A_152 = arith.addi %scan3A_150, %scan3A_151 : i32
    %scan3A_153 = arith.constant 1 : i32
    %scan3A_154 = scf.for %scan3A_476 = %scan3A_150 to %scan3A_152 step %scan3A_153 iter_args(%scan3A_477 = %scan3A_149) -> (i32)  : i32 {
      %mul3A_478 = arith.constant 16 : i32
      %mul3A_479 = arith.muli %scan3A_476, %mul3A_478 : i32
      %get3A = arith.index_cast %mul3A_479 : i32 to index
      %get3A_480 = tpu.vector_load %arg14[%get3A] {strides = array<i32>} : memref<32768xi32, #tpu.memory_space<vmem>>, vector<16xi32>,
      %ge3A = vector.broadcast %mul3A_2 : i32 to vector<16xi32>
      %ge3A_481 = arith.cmpi sge, %get3A_480, %ge3A : vector<16xi32>
      %add3A_482 = arith.constant 3128 : i32
      %add3A_483 = arith.addi %mul3A_2, %add3A_482 : i32
      %lt3A = vector.broadcast %add3A_483 : i32 to vector<16xi32>
      %lt3A_484 = arith.cmpi slt, %get3A_480, %lt3A : vector<16xi32>
      %and3A_485 = arith.andi %ge3A_481, %lt3A_484 : vector<16xi1>
      %all_reduce_population_count3A = tpu.all_reduce %and3A_485 {dim = 0 : i64, kind = #tpu.reduction_kind<sum>} : vector<16xi1> -> vector<16xi32>
      %slice3A = vector.extract_strided_slice %all_reduce_population_count3A {offsets = [0], sizes = [1], strides = [1]} : vector<16xi32> to vector<1xi32>
      %squeeze3A = vector.extract %slice3A[0] : i32 from vector<1xi32>
      %gt3A_486 = arith.constant 0 : i32
      %gt3A_487 = arith.cmpi sgt, %squeeze3A, %gt3A_486 : i32
      %convert_element_type3A_488 = arith.extui %gt3A_487 : i1 to i32
      %cond3A_489 = arith.constant 0 : i32
      %cond3A_490 = arith.cmpi ne, %convert_element_type3A_488, %cond3A_489 : i32
      scf.if %cond3A_490 {
        %shift_left3A = arith.constant 4 : i32
        %shift_left3A_492 = vector.broadcast %shift_left3A : i32 to vector<16xi32>
        %shift_left3A_493 = arith.shli %get3A_480, %shift_left3A_492 : vector<16xi32>
        %or3A = arith.ori %shift_left3A_493, %iota3A : vector<16xi32>
        %mul3A_494 = arith.constant 16 : i32
        %mul3A_495 = arith.muli %scan3A_476, %mul3A_494 : i32
        %add3A_496 = vector.broadcast %mul3A_495 : i32 to vector<16xi32>
        %add3A_497 = arith.addi %add3A_496, %iota3A : vector<16xi32>
        %masked_sort3A = arith.constant dense<true> : vector<16xi1>
        %masked_sort3A_498 = arith.constant -2147483648 : i32
        %masked_sort3A_499 = vector.broadcast %masked_sort3A_498 : i32 to vector<16xi32>
        %masked_sort3A_500 = arith.xori %or3A, %masked_sort3A_499 : vector<16xi32>
        %masked_sort3A_501, %masked_sort3A_502, %masked_sort3A_503 = tpu.sort %masked_sort3A_500, %add3A_497 masked %masked_sort3A {descending = true} : (vector<16xi32>, vector<16xi32>, vector<16xi1>) -> (vector<16xi1>, vector<16xi32>, vector<16xi32>)
        %masked_sort3A_504 = arith.xori %masked_sort3A_502, %masked_sort3A_499 : vector<16xi32>
        %shift_right_arithmetic3A = arith.constant 4 : i32
        %shift_right_arithmetic3A_505 = vector.broadcast %shift_right_arithmetic3A : i32 to vector<16xi32>
        %shift_right_arithmetic3A_506 = arith.shrsi %masked_sort3A_504, %shift_right_arithmetic3A_505 : vector<16xi32>
        %swap3A = arith.constant 0 : index
        %swap3A_507 = tpu.vector_load %arg15[%swap3A] {strides = array<i32>} : memref<16xi32, #tpu.memory_space<vmem>>, vector<16xi32>,
        tpu.vector_store %arg15[%swap3A], %shift_right_arithmetic3A_506 {strides = array<i32>} : memref<16xi32, #tpu.memory_space<vmem>>, vector<16xi32>,
        %sub3A_508 = arith.constant 1 : i32
        %sub3A_509 = vector.broadcast %sub3A_508 : i32 to vector<16xi32>
        %sub3A_510 = arith.subi %iota3A, %sub3A_509 : vector<16xi32>
        %max3A = arith.constant 0 : i32
        %max3A_511 = vector.broadcast %max3A : i32 to vector<16xi32>
        %max3A_512 = arith.maxsi %sub3A_510, %max3A_511 : vector<16xi32>
        %gather3A = tpu.vector_load_idx %arg15[%max3A_512] : memref<16xi32, #tpu.memory_space<vmem>>[vector<16xi32>], vector<16xi32>,
        %ne3A_513 = arith.cmpi ne, %shift_right_arithmetic3A_506, %gather3A : vector<16xi32>
        %eq3A_514 = arith.constant 0 : i32
        %eq3A_515 = vector.broadcast %eq3A_514 : i32 to vector<16xi32>
        %eq3A_516 = arith.cmpi eq, %iota3A, %eq3A_515 : vector<16xi32>
        %or3A_517 = arith.ori %ne3A_513, %eq3A_516 : vector<16xi1>
        %sub3A_518 = vector.broadcast %mul3A_2 : i32 to vector<16xi32>
        %sub3A_519 = arith.subi %shift_right_arithmetic3A_506, %sub3A_518 : vector<16xi32>
        %ge3A_520 = arith.constant 0 : i32
        %ge3A_521 = vector.broadcast %ge3A_520 : i32 to vector<16xi32>
        %ge3A_522 = arith.cmpi sge, %sub3A_519, %ge3A_521 : vector<16xi32>
        %and3A_523 = arith.andi %or3A_517, %ge3A_522 : vector<16xi1>
        %lt3A_524 = arith.constant 3128 : i32
        %lt3A_525 = vector.broadcast %lt3A_524 : i32 to vector<16xi32>
        %lt3A_526 = arith.cmpi slt, %sub3A_519, %lt3A_525 : vector<16xi32>
        %and3A_527 = arith.andi %and3A_523, %lt3A_526 : vector<16xi1>
        %gather3A_528 = tpu.vector_load_idx %arg16[%sub3A_519] masked %and3A_527 : memref<3200xi32, #tpu.memory_space<vmem>>[vector<16xi32>], vector<16xi32>, vector<16xi1>
        %max3A_529 = arith.maxsi %gather3A_528, %masked_sort3A_503 : vector<16xi32>
        tpu.vector_store_idx %arg16[%sub3A_519], %max3A_529 masked %and3A_527 : memref<3200xi32, #tpu.memory_space<vmem>>[vector<16xi32>], vector<16xi32>, vector<16xi1>
      } else {
      }
      %scan3A_491 = arith.constant 0 : i32
      scf.yield %scan3A_491 : i32
    }
    %scan3A_155 = arith.constant 89 : i32
    %gt3A_156 = arith.constant 8 : i32
    %gt3A_157 = arith.cmpi sgt, %select_n3A, %gt3A_156 : i32
    %convert_element_type3A_158 = arith.extui %gt3A_157 : i1 to i32
    %cond3A_159 = arith.constant 0 : i32
    %cond3A_160 = arith.cmpi ne, %convert_element_type3A_158, %cond3A_159 : i32
    scf.if %cond3A_160 {
      %add3A_476 = arith.constant 1088 : i32
      %add3A_477 = arith.addi %mul3A_2, %add3A_476 : i32
      %multiple_of3A = tpu.assume_multiple %add3A_477, 8 : i32
      %dma_wait3A_478 = arith.constant 0 : i32
      %dma_wait3A_479 = tpu.memref_slice %arg2[%multiple_of3A, %dma_wait3A_478] : memref<100000x128xf32, #tpu.memory_space<hbm>> -> memref<136x128xf32, #tpu.memory_space<hbm>>
      %dma_wait3A_480 = arith.constant 0 : i32
      %dma_wait3A_481 = tpu.memref_slice %arg2[%multiple_of3A, %dma_wait3A_480] : memref<100000x128xf32, #tpu.memory_space<hbm>> -> memref<136x128xf32, #tpu.memory_space<hbm>>
      tpu.wait_dma2 semaphore(%arg9 : memref<!tpu.dma_semaphore, #tpu.memory_space<semaphore_mem>>) src(%dma_wait3A_481 : memref<136x128xf32, #tpu.memory_space<hbm>>) dst(%arg6 : memref<136x128xf32, #tpu.memory_space<vmem>>)
      %dma_start3A = arith.constant 0 : i32
      %dma_start3A_482 = tpu.memref_slice %arg5[%multiple_of3A, %dma_start3A] : memref<100000x128xf32, #tpu.memory_space<hbm>> -> memref<136x128xf32, #tpu.memory_space<hbm>>
      %dma_start3A_483 = arith.constant 0 : i32
      %dma_start3A_484 = tpu.memref_slice %arg5[%multiple_of3A, %dma_start3A_483] : memref<100000x128xf32, #tpu.memory_space<hbm>> -> memref<136x128xf32, #tpu.memory_space<hbm>>
      tpu.enqueue_dma source(%arg6 : memref<136x128xf32, #tpu.memory_space<vmem>>) target(%dma_start3A_484 : memref<136x128xf32, #tpu.memory_space<hbm>>) target_semaphore(%arg11 : memref<!tpu.dma_semaphore, #tpu.memory_space<semaphore_mem>>)
    } else {
    }
    %gt3A_161 = arith.constant 9 : i32
    %gt3A_162 = arith.cmpi sgt, %select_n3A, %gt3A_161 : i32
    %convert_element_type3A_163 = arith.extui %gt3A_162 : i1 to i32
    %cond3A_164 = arith.constant 0 : i32
    %cond3A_165 = arith.cmpi ne, %convert_element_type3A_163, %cond3A_164 : i32
    scf.if %cond3A_165 {
      %add3A_476 = arith.constant 1224 : i32
      %add3A_477 = arith.addi %mul3A_2, %add3A_476 : i32
      %multiple_of3A = tpu.assume_multiple %add3A_477, 8 : i32
      %add3A_478 = arith.constant 952 : i32
      %add3A_479 = arith.addi %mul3A_2, %add3A_478 : i32
      %multiple_of3A_480 = tpu.assume_multiple %add3A_479, 8 : i32
      %dma_wait3A_481 = arith.constant 0 : i32
      %dma_wait3A_482 = tpu.memref_slice %arg5[%multiple_of3A_480, %dma_wait3A_481] : memref<100000x128xf32, #tpu.memory_space<hbm>> -> memref<136x128xf32, #tpu.memory_space<hbm>>
      %dma_wait3A_483 = arith.constant 0 : i32
      %dma_wait3A_484 = tpu.memref_slice %arg5[%multiple_of3A_480, %dma_wait3A_483] : memref<100000x128xf32, #tpu.memory_space<hbm>> -> memref<136x128xf32, #tpu.memory_space<hbm>>
      tpu.wait_dma2 semaphore(%arg12 : memref<!tpu.dma_semaphore, #tpu.memory_space<semaphore_mem>>) src(%arg7 : memref<136x128xf32, #tpu.memory_space<vmem>>) dst(%dma_wait3A_484 : memref<136x128xf32, #tpu.memory_space<hbm>>)
      %dma_start3A = arith.constant 0 : i32
      %dma_start3A_485 = tpu.memref_slice %arg2[%multiple_of3A, %dma_start3A] : memref<100000x128xf32, #tpu.memory_space<hbm>> -> memref<136x128xf32, #tpu.memory_space<hbm>>
      %dma_start3A_486 = arith.constant 0 : i32
      %dma_start3A_487 = tpu.memref_slice %arg2[%multiple_of3A, %dma_start3A_486] : memref<100000x128xf32, #tpu.memory_space<hbm>> -> memref<136x128xf32, #tpu.memory_space<hbm>>
      tpu.enqueue_dma source(%dma_start3A_487 : memref<136x128xf32, #tpu.memory_space<hbm>>) target(%arg7 : memref<136x128xf32, #tpu.memory_space<vmem>>) target_semaphore(%arg10 : memref<!tpu.dma_semaphore, #tpu.memory_space<semaphore_mem>>)
    } else {
    }
    %scan3A_166 = arith.constant 0 : i32
    %scan3A_167 = arith.constant 801 : i32
    %scan3A_168 = arith.constant 89 : i32
    %scan3A_169 = arith.addi %scan3A_167, %scan3A_168 : i32
    %scan3A_170 = arith.constant 1 : i32
    %scan3A_171 = scf.for %scan3A_476 = %scan3A_167 to %scan3A_169 step %scan3A_170 iter_args(%scan3A_477 = %scan3A_166) -> (i32)  : i32 {
      %mul3A_478 = arith.constant 16 : i32
      %mul3A_479 = arith.muli %scan3A_476, %mul3A_478 : i32
      %get3A = arith.index_cast %mul3A_479 : i32 to index
      %get3A_480 = tpu.vector_load %arg14[%get3A] {strides = array<i32>} : memref<32768xi32, #tpu.memory_space<vmem>>, vector<16xi32>,
      %ge3A = vector.broadcast %mul3A_2 : i32 to vector<16xi32>
      %ge3A_481 = arith.cmpi sge, %get3A_480, %ge3A : vector<16xi32>
      %add3A_482 = arith.constant 3128 : i32
      %add3A_483 = arith.addi %mul3A_2, %add3A_482 : i32
      %lt3A = vector.broadcast %add3A_483 : i32 to vector<16xi32>
      %lt3A_484 = arith.cmpi slt, %get3A_480, %lt3A : vector<16xi32>
      %and3A_485 = arith.andi %ge3A_481, %lt3A_484 : vector<16xi1>
      %all_reduce_population_count3A = tpu.all_reduce %and3A_485 {dim = 0 : i64, kind = #tpu.reduction_kind<sum>} : vector<16xi1> -> vector<16xi32>
      %slice3A = vector.extract_strided_slice %all_reduce_population_count3A {offsets = [0], sizes = [1], strides = [1]} : vector<16xi32> to vector<1xi32>
      %squeeze3A = vector.extract %slice3A[0] : i32 from vector<1xi32>
      %gt3A_486 = arith.constant 0 : i32
      %gt3A_487 = arith.cmpi sgt, %squeeze3A, %gt3A_486 : i32
      %convert_element_type3A_488 = arith.extui %gt3A_487 : i1 to i32
      %cond3A_489 = arith.constant 0 : i32
      %cond3A_490 = arith.cmpi ne, %convert_element_type3A_488, %cond3A_489 : i32
      scf.if %cond3A_490 {
        %shift_left3A = arith.constant 4 : i32
        %shift_left3A_492 = vector.broadcast %shift_left3A : i32 to vector<16xi32>
        %shift_left3A_493 = arith.shli %get3A_480, %shift_left3A_492 : vector<16xi32>
        %or3A = arith.ori %shift_left3A_493, %iota3A : vector<16xi32>
        %mul3A_494 = arith.constant 16 : i32
        %mul3A_495 = arith.muli %scan3A_476, %mul3A_494 : i32
        %add3A_496 = vector.broadcast %mul3A_495 : i32 to vector<16xi32>
        %add3A_497 = arith.addi %add3A_496, %iota3A : vector<16xi32>
        %masked_sort3A = arith.constant dense<true> : vector<16xi1>
        %masked_sort3A_498 = arith.constant -2147483648 : i32
        %masked_sort3A_499 = vector.broadcast %masked_sort3A_498 : i32 to vector<16xi32>
        %masked_sort3A_500 = arith.xori %or3A, %masked_sort3A_499 : vector<16xi32>
        %masked_sort3A_501, %masked_sort3A_502, %masked_sort3A_503 = tpu.sort %masked_sort3A_500, %add3A_497 masked %masked_sort3A {descending = true} : (vector<16xi32>, vector<16xi32>, vector<16xi1>) -> (vector<16xi1>, vector<16xi32>, vector<16xi32>)
        %masked_sort3A_504 = arith.xori %masked_sort3A_502, %masked_sort3A_499 : vector<16xi32>
        %shift_right_arithmetic3A = arith.constant 4 : i32
        %shift_right_arithmetic3A_505 = vector.broadcast %shift_right_arithmetic3A : i32 to vector<16xi32>
        %shift_right_arithmetic3A_506 = arith.shrsi %masked_sort3A_504, %shift_right_arithmetic3A_505 : vector<16xi32>
        %swap3A = arith.constant 0 : index
        %swap3A_507 = tpu.vector_load %arg15[%swap3A] {strides = array<i32>} : memref<16xi32, #tpu.memory_space<vmem>>, vector<16xi32>,
        tpu.vector_store %arg15[%swap3A], %shift_right_arithmetic3A_506 {strides = array<i32>} : memref<16xi32, #tpu.memory_space<vmem>>, vector<16xi32>,
        %sub3A_508 = arith.constant 1 : i32
        %sub3A_509 = vector.broadcast %sub3A_508 : i32 to vector<16xi32>
        %sub3A_510 = arith.subi %iota3A, %sub3A_509 : vector<16xi32>
        %max3A = arith.constant 0 : i32
        %max3A_511 = vector.broadcast %max3A : i32 to vector<16xi32>
        %max3A_512 = arith.maxsi %sub3A_510, %max3A_511 : vector<16xi32>
        %gather3A = tpu.vector_load_idx %arg15[%max3A_512] : memref<16xi32, #tpu.memory_space<vmem>>[vector<16xi32>], vector<16xi32>,
        %ne3A_513 = arith.cmpi ne, %shift_right_arithmetic3A_506, %gather3A : vector<16xi32>
        %eq3A_514 = arith.constant 0 : i32
        %eq3A_515 = vector.broadcast %eq3A_514 : i32 to vector<16xi32>
        %eq3A_516 = arith.cmpi eq, %iota3A, %eq3A_515 : vector<16xi32>
        %or3A_517 = arith.ori %ne3A_513, %eq3A_516 : vector<16xi1>
        %sub3A_518 = vector.broadcast %mul3A_2 : i32 to vector<16xi32>
        %sub3A_519 = arith.subi %shift_right_arithmetic3A_506, %sub3A_518 : vector<16xi32>
        %ge3A_520 = arith.constant 0 : i32
        %ge3A_521 = vector.broadcast %ge3A_520 : i32 to vector<16xi32>
        %ge3A_522 = arith.cmpi sge, %sub3A_519, %ge3A_521 : vector<16xi32>
        %and3A_523 = arith.andi %or3A_517, %ge3A_522 : vector<16xi1>
        %lt3A_524 = arith.constant 3128 : i32
        %lt3A_525 = vector.broadcast %lt3A_524 : i32 to vector<16xi32>
        %lt3A_526 = arith.cmpi slt, %sub3A_519, %lt3A_525 : vector<16xi32>
        %and3A_527 = arith.andi %and3A_523, %lt3A_526 : vector<16xi1>
        %gather3A_528 = tpu.vector_load_idx %arg16[%sub3A_519] masked %and3A_527 : memref<3200xi32, #tpu.memory_space<vmem>>[vector<16xi32>], vector<16xi32>, vector<16xi1>
        %max3A_529 = arith.maxsi %gather3A_528, %masked_sort3A_503 : vector<16xi32>
        tpu.vector_store_idx %arg16[%sub3A_519], %max3A_529 masked %and3A_527 : memref<3200xi32, #tpu.memory_space<vmem>>[vector<16xi32>], vector<16xi32>, vector<16xi1>
      } else {
      }
      %scan3A_491 = arith.constant 0 : i32
      scf.yield %scan3A_491 : i32
    }
    %scan3A_172 = arith.constant 89 : i32
    %gt3A_173 = arith.constant 9 : i32
    %gt3A_174 = arith.cmpi sgt, %select_n3A, %gt3A_173 : i32
    %convert_element_type3A_175 = arith.extui %gt3A_174 : i1 to i32
    %cond3A_176 = arith.constant 0 : i32
    %cond3A_177 = arith.cmpi ne, %convert_element_type3A_175, %cond3A_176 : i32
    scf.if %cond3A_177 {
      %add3A_476 = arith.constant 1224 : i32
      %add3A_477 = arith.addi %mul3A_2, %add3A_476 : i32
      %multiple_of3A = tpu.assume_multiple %add3A_477, 8 : i32
      %dma_wait3A_478 = arith.constant 0 : i32
      %dma_wait3A_479 = tpu.memref_slice %arg2[%multiple_of3A, %dma_wait3A_478] : memref<100000x128xf32, #tpu.memory_space<hbm>> -> memref<136x128xf32, #tpu.memory_space<hbm>>
      %dma_wait3A_480 = arith.constant 0 : i32
      %dma_wait3A_481 = tpu.memref_slice %arg2[%multiple_of3A, %dma_wait3A_480] : memref<100000x128xf32, #tpu.memory_space<hbm>> -> memref<136x128xf32, #tpu.memory_space<hbm>>
      tpu.wait_dma2 semaphore(%arg10 : memref<!tpu.dma_semaphore, #tpu.memory_space<semaphore_mem>>) src(%dma_wait3A_481 : memref<136x128xf32, #tpu.memory_space<hbm>>) dst(%arg7 : memref<136x128xf32, #tpu.memory_space<vmem>>)
      %dma_start3A = arith.constant 0 : i32
      %dma_start3A_482 = tpu.memref_slice %arg5[%multiple_of3A, %dma_start3A] : memref<100000x128xf32, #tpu.memory_space<hbm>> -> memref<136x128xf32, #tpu.memory_space<hbm>>
      %dma_start3A_483 = arith.constant 0 : i32
      %dma_start3A_484 = tpu.memref_slice %arg5[%multiple_of3A, %dma_start3A_483] : memref<100000x128xf32, #tpu.memory_space<hbm>> -> memref<136x128xf32, #tpu.memory_space<hbm>>
      tpu.enqueue_dma source(%arg7 : memref<136x128xf32, #tpu.memory_space<vmem>>) target(%dma_start3A_484 : memref<136x128xf32, #tpu.memory_space<hbm>>) target_semaphore(%arg12 : memref<!tpu.dma_semaphore, #tpu.memory_space<semaphore_mem>>)
    } else {
    }
    %gt3A_178 = arith.constant 10 : i32
    %gt3A_179 = arith.cmpi sgt, %select_n3A, %gt3A_178 : i32
    %convert_element_type3A_180 = arith.extui %gt3A_179 : i1 to i32
    %cond3A_181 = arith.constant 0 : i32
    %cond3A_182 = arith.cmpi ne, %convert_element_type3A_180, %cond3A_181 : i32
    scf.if %cond3A_182 {
      %add3A_476 = arith.constant 1360 : i32
      %add3A_477 = arith.addi %mul3A_2, %add3A_476 : i32
      %multiple_of3A = tpu.assume_multiple %add3A_477, 8 : i32
      %add3A_478 = arith.constant 1088 : i32
      %add3A_479 = arith.addi %mul3A_2, %add3A_478 : i32
      %multiple_of3A_480 = tpu.assume_multiple %add3A_479, 8 : i32
      %dma_wait3A_481 = arith.constant 0 : i32
      %dma_wait3A_482 = tpu.memref_slice %arg5[%multiple_of3A_480, %dma_wait3A_481] : memref<100000x128xf32, #tpu.memory_space<hbm>> -> memref<136x128xf32, #tpu.memory_space<hbm>>
      %dma_wait3A_483 = arith.constant 0 : i32
      %dma_wait3A_484 = tpu.memref_slice %arg5[%multiple_of3A_480, %dma_wait3A_483] : memref<100000x128xf32, #tpu.memory_space<hbm>> -> memref<136x128xf32, #tpu.memory_space<hbm>>
      tpu.wait_dma2 semaphore(%arg11 : memref<!tpu.dma_semaphore, #tpu.memory_space<semaphore_mem>>) src(%arg6 : memref<136x128xf32, #tpu.memory_space<vmem>>) dst(%dma_wait3A_484 : memref<136x128xf32, #tpu.memory_space<hbm>>)
      %dma_start3A = arith.constant 0 : i32
      %dma_start3A_485 = tpu.memref_slice %arg2[%multiple_of3A, %dma_start3A] : memref<100000x128xf32, #tpu.memory_space<hbm>> -> memref<136x128xf32, #tpu.memory_space<hbm>>
      %dma_start3A_486 = arith.constant 0 : i32
      %dma_start3A_487 = tpu.memref_slice %arg2[%multiple_of3A, %dma_start3A_486] : memref<100000x128xf32, #tpu.memory_space<hbm>> -> memref<136x128xf32, #tpu.memory_space<hbm>>
      tpu.enqueue_dma source(%dma_start3A_487 : memref<136x128xf32, #tpu.memory_space<hbm>>) target(%arg6 : memref<136x128xf32, #tpu.memory_space<vmem>>) target_semaphore(%arg9 : memref<!tpu.dma_semaphore, #tpu.memory_space<semaphore_mem>>)
    } else {
    }
    %scan3A_183 = arith.constant 0 : i32
    %scan3A_184 = arith.constant 890 : i32
    %scan3A_185 = arith.constant 89 : i32
    %scan3A_186 = arith.addi %scan3A_184, %scan3A_185 : i32
    %scan3A_187 = arith.constant 1 : i32
    %scan3A_188 = scf.for %scan3A_476 = %scan3A_184 to %scan3A_186 step %scan3A_187 iter_args(%scan3A_477 = %scan3A_183) -> (i32)  : i32 {
      %mul3A_478 = arith.constant 16 : i32
      %mul3A_479 = arith.muli %scan3A_476, %mul3A_478 : i32
      %get3A = arith.index_cast %mul3A_479 : i32 to index
      %get3A_480 = tpu.vector_load %arg14[%get3A] {strides = array<i32>} : memref<32768xi32, #tpu.memory_space<vmem>>, vector<16xi32>,
      %ge3A = vector.broadcast %mul3A_2 : i32 to vector<16xi32>
      %ge3A_481 = arith.cmpi sge, %get3A_480, %ge3A : vector<16xi32>
      %add3A_482 = arith.constant 3128 : i32
      %add3A_483 = arith.addi %mul3A_2, %add3A_482 : i32
      %lt3A = vector.broadcast %add3A_483 : i32 to vector<16xi32>
      %lt3A_484 = arith.cmpi slt, %get3A_480, %lt3A : vector<16xi32>
      %and3A_485 = arith.andi %ge3A_481, %lt3A_484 : vector<16xi1>
      %all_reduce_population_count3A = tpu.all_reduce %and3A_485 {dim = 0 : i64, kind = #tpu.reduction_kind<sum>} : vector<16xi1> -> vector<16xi32>
      %slice3A = vector.extract_strided_slice %all_reduce_population_count3A {offsets = [0], sizes = [1], strides = [1]} : vector<16xi32> to vector<1xi32>
      %squeeze3A = vector.extract %slice3A[0] : i32 from vector<1xi32>
      %gt3A_486 = arith.constant 0 : i32
      %gt3A_487 = arith.cmpi sgt, %squeeze3A, %gt3A_486 : i32
      %convert_element_type3A_488 = arith.extui %gt3A_487 : i1 to i32
      %cond3A_489 = arith.constant 0 : i32
      %cond3A_490 = arith.cmpi ne, %convert_element_type3A_488, %cond3A_489 : i32
      scf.if %cond3A_490 {
        %shift_left3A = arith.constant 4 : i32
        %shift_left3A_492 = vector.broadcast %shift_left3A : i32 to vector<16xi32>
        %shift_left3A_493 = arith.shli %get3A_480, %shift_left3A_492 : vector<16xi32>
        %or3A = arith.ori %shift_left3A_493, %iota3A : vector<16xi32>
        %mul3A_494 = arith.constant 16 : i32
        %mul3A_495 = arith.muli %scan3A_476, %mul3A_494 : i32
        %add3A_496 = vector.broadcast %mul3A_495 : i32 to vector<16xi32>
        %add3A_497 = arith.addi %add3A_496, %iota3A : vector<16xi32>
        %masked_sort3A = arith.constant dense<true> : vector<16xi1>
        %masked_sort3A_498 = arith.constant -2147483648 : i32
        %masked_sort3A_499 = vector.broadcast %masked_sort3A_498 : i32 to vector<16xi32>
        %masked_sort3A_500 = arith.xori %or3A, %masked_sort3A_499 : vector<16xi32>
        %masked_sort3A_501, %masked_sort3A_502, %masked_sort3A_503 = tpu.sort %masked_sort3A_500, %add3A_497 masked %masked_sort3A {descending = true} : (vector<16xi32>, vector<16xi32>, vector<16xi1>) -> (vector<16xi1>, vector<16xi32>, vector<16xi32>)
        %masked_sort3A_504 = arith.xori %masked_sort3A_502, %masked_sort3A_499 : vector<16xi32>
        %shift_right_arithmetic3A = arith.constant 4 : i32
        %shift_right_arithmetic3A_505 = vector.broadcast %shift_right_arithmetic3A : i32 to vector<16xi32>
        %shift_right_arithmetic3A_506 = arith.shrsi %masked_sort3A_504, %shift_right_arithmetic3A_505 : vector<16xi32>
        %swap3A = arith.constant 0 : index
        %swap3A_507 = tpu.vector_load %arg15[%swap3A] {strides = array<i32>} : memref<16xi32, #tpu.memory_space<vmem>>, vector<16xi32>,
        tpu.vector_store %arg15[%swap3A], %shift_right_arithmetic3A_506 {strides = array<i32>} : memref<16xi32, #tpu.memory_space<vmem>>, vector<16xi32>,
        %sub3A_508 = arith.constant 1 : i32
        %sub3A_509 = vector.broadcast %sub3A_508 : i32 to vector<16xi32>
        %sub3A_510 = arith.subi %iota3A, %sub3A_509 : vector<16xi32>
        %max3A = arith.constant 0 : i32
        %max3A_511 = vector.broadcast %max3A : i32 to vector<16xi32>
        %max3A_512 = arith.maxsi %sub3A_510, %max3A_511 : vector<16xi32>
        %gather3A = tpu.vector_load_idx %arg15[%max3A_512] : memref<16xi32, #tpu.memory_space<vmem>>[vector<16xi32>], vector<16xi32>,
        %ne3A_513 = arith.cmpi ne, %shift_right_arithmetic3A_506, %gather3A : vector<16xi32>
        %eq3A_514 = arith.constant 0 : i32
        %eq3A_515 = vector.broadcast %eq3A_514 : i32 to vector<16xi32>
        %eq3A_516 = arith.cmpi eq, %iota3A, %eq3A_515 : vector<16xi32>
        %or3A_517 = arith.ori %ne3A_513, %eq3A_516 : vector<16xi1>
        %sub3A_518 = vector.broadcast %mul3A_2 : i32 to vector<16xi32>
        %sub3A_519 = arith.subi %shift_right_arithmetic3A_506, %sub3A_518 : vector<16xi32>
        %ge3A_520 = arith.constant 0 : i32
        %ge3A_521 = vector.broadcast %ge3A_520 : i32 to vector<16xi32>
        %ge3A_522 = arith.cmpi sge, %sub3A_519, %ge3A_521 : vector<16xi32>
        %and3A_523 = arith.andi %or3A_517, %ge3A_522 : vector<16xi1>
        %lt3A_524 = arith.constant 3128 : i32
        %lt3A_525 = vector.broadcast %lt3A_524 : i32 to vector<16xi32>
        %lt3A_526 = arith.cmpi slt, %sub3A_519, %lt3A_525 : vector<16xi32>
        %and3A_527 = arith.andi %and3A_523, %lt3A_526 : vector<16xi1>
        %gather3A_528 = tpu.vector_load_idx %arg16[%sub3A_519] masked %and3A_527 : memref<3200xi32, #tpu.memory_space<vmem>>[vector<16xi32>], vector<16xi32>, vector<16xi1>
        %max3A_529 = arith.maxsi %gather3A_528, %masked_sort3A_503 : vector<16xi32>
        tpu.vector_store_idx %arg16[%sub3A_519], %max3A_529 masked %and3A_527 : memref<3200xi32, #tpu.memory_space<vmem>>[vector<16xi32>], vector<16xi32>, vector<16xi1>
      } else {
      }
      %scan3A_491 = arith.constant 0 : i32
      scf.yield %scan3A_491 : i32
    }
    %scan3A_189 = arith.constant 89 : i32
    %gt3A_190 = arith.constant 10 : i32
    %gt3A_191 = arith.cmpi sgt, %select_n3A, %gt3A_190 : i32
    %convert_element_type3A_192 = arith.extui %gt3A_191 : i1 to i32
    %cond3A_193 = arith.constant 0 : i32
    %cond3A_194 = arith.cmpi ne, %convert_element_type3A_192, %cond3A_193 : i32
    scf.if %cond3A_194 {
      %add3A_476 = arith.constant 1360 : i32
      %add3A_477 = arith.addi %mul3A_2, %add3A_476 : i32
      %multiple_of3A = tpu.assume_multiple %add3A_477, 8 : i32
      %dma_wait3A_478 = arith.constant 0 : i32
      %dma_wait3A_479 = tpu.memref_slice %arg2[%multiple_of3A, %dma_wait3A_478] : memref<100000x128xf32, #tpu.memory_space<hbm>> -> memref<136x128xf32, #tpu.memory_space<hbm>>
      %dma_wait3A_480 = arith.constant 0 : i32
      %dma_wait3A_481 = tpu.memref_slice %arg2[%multiple_of3A, %dma_wait3A_480] : memref<100000x128xf32, #tpu.memory_space<hbm>> -> memref<136x128xf32, #tpu.memory_space<hbm>>
      tpu.wait_dma2 semaphore(%arg9 : memref<!tpu.dma_semaphore, #tpu.memory_space<semaphore_mem>>) src(%dma_wait3A_481 : memref<136x128xf32, #tpu.memory_space<hbm>>) dst(%arg6 : memref<136x128xf32, #tpu.memory_space<vmem>>)
      %dma_start3A = arith.constant 0 : i32
      %dma_start3A_482 = tpu.memref_slice %arg5[%multiple_of3A, %dma_start3A] : memref<100000x128xf32, #tpu.memory_space<hbm>> -> memref<136x128xf32, #tpu.memory_space<hbm>>
      %dma_start3A_483 = arith.constant 0 : i32
      %dma_start3A_484 = tpu.memref_slice %arg5[%multiple_of3A, %dma_start3A_483] : memref<100000x128xf32, #tpu.memory_space<hbm>> -> memref<136x128xf32, #tpu.memory_space<hbm>>
      tpu.enqueue_dma source(%arg6 : memref<136x128xf32, #tpu.memory_space<vmem>>) target(%dma_start3A_484 : memref<136x128xf32, #tpu.memory_space<hbm>>) target_semaphore(%arg11 : memref<!tpu.dma_semaphore, #tpu.memory_space<semaphore_mem>>)
    } else {
    }
    %gt3A_195 = arith.constant 11 : i32
    %gt3A_196 = arith.cmpi sgt, %select_n3A, %gt3A_195 : i32
    %convert_element_type3A_197 = arith.extui %gt3A_196 : i1 to i32
    %cond3A_198 = arith.constant 0 : i32
    %cond3A_199 = arith.cmpi ne, %convert_element_type3A_197, %cond3A_198 : i32
    scf.if %cond3A_199 {
      %add3A_476 = arith.constant 1496 : i32
      %add3A_477 = arith.addi %mul3A_2, %add3A_476 : i32
      %multiple_of3A = tpu.assume_multiple %add3A_477, 8 : i32
      %add3A_478 = arith.constant 1224 : i32
      %add3A_479 = arith.addi %mul3A_2, %add3A_478 : i32
      %multiple_of3A_480 = tpu.assume_multiple %add3A_479, 8 : i32
      %dma_wait3A_481 = arith.constant 0 : i32
      %dma_wait3A_482 = tpu.memref_slice %arg5[%multiple_of3A_480, %dma_wait3A_481] : memref<100000x128xf32, #tpu.memory_space<hbm>> -> memref<136x128xf32, #tpu.memory_space<hbm>>
      %dma_wait3A_483 = arith.constant 0 : i32
      %dma_wait3A_484 = tpu.memref_slice %arg5[%multiple_of3A_480, %dma_wait3A_483] : memref<100000x128xf32, #tpu.memory_space<hbm>> -> memref<136x128xf32, #tpu.memory_space<hbm>>
      tpu.wait_dma2 semaphore(%arg12 : memref<!tpu.dma_semaphore, #tpu.memory_space<semaphore_mem>>) src(%arg7 : memref<136x128xf32, #tpu.memory_space<vmem>>) dst(%dma_wait3A_484 : memref<136x128xf32, #tpu.memory_space<hbm>>)
      %dma_start3A = arith.constant 0 : i32
      %dma_start3A_485 = tpu.memref_slice %arg2[%multiple_of3A, %dma_start3A] : memref<100000x128xf32, #tpu.memory_space<hbm>> -> memref<136x128xf32, #tpu.memory_space<hbm>>
      %dma_start3A_486 = arith.constant 0 : i32
      %dma_start3A_487 = tpu.memref_slice %arg2[%multiple_of3A, %dma_start3A_486] : memref<100000x128xf32, #tpu.memory_space<hbm>> -> memref<136x128xf32, #tpu.memory_space<hbm>>
      tpu.enqueue_dma source(%dma_start3A_487 : memref<136x128xf32, #tpu.memory_space<hbm>>) target(%arg7 : memref<136x128xf32, #tpu.memory_space<vmem>>) target_semaphore(%arg10 : memref<!tpu.dma_semaphore, #tpu.memory_space<semaphore_mem>>)
    } else {
    }
    %scan3A_200 = arith.constant 0 : i32
    %scan3A_201 = arith.constant 979 : i32
    %scan3A_202 = arith.constant 89 : i32
    %scan3A_203 = arith.addi %scan3A_201, %scan3A_202 : i32
    %scan3A_204 = arith.constant 1 : i32
    %scan3A_205 = scf.for %scan3A_476 = %scan3A_201 to %scan3A_203 step %scan3A_204 iter_args(%scan3A_477 = %scan3A_200) -> (i32)  : i32 {
      %mul3A_478 = arith.constant 16 : i32
      %mul3A_479 = arith.muli %scan3A_476, %mul3A_478 : i32
      %get3A = arith.index_cast %mul3A_479 : i32 to index
      %get3A_480 = tpu.vector_load %arg14[%get3A] {strides = array<i32>} : memref<32768xi32, #tpu.memory_space<vmem>>, vector<16xi32>,
      %ge3A = vector.broadcast %mul3A_2 : i32 to vector<16xi32>
      %ge3A_481 = arith.cmpi sge, %get3A_480, %ge3A : vector<16xi32>
      %add3A_482 = arith.constant 3128 : i32
      %add3A_483 = arith.addi %mul3A_2, %add3A_482 : i32
      %lt3A = vector.broadcast %add3A_483 : i32 to vector<16xi32>
      %lt3A_484 = arith.cmpi slt, %get3A_480, %lt3A : vector<16xi32>
      %and3A_485 = arith.andi %ge3A_481, %lt3A_484 : vector<16xi1>
      %all_reduce_population_count3A = tpu.all_reduce %and3A_485 {dim = 0 : i64, kind = #tpu.reduction_kind<sum>} : vector<16xi1> -> vector<16xi32>
      %slice3A = vector.extract_strided_slice %all_reduce_population_count3A {offsets = [0], sizes = [1], strides = [1]} : vector<16xi32> to vector<1xi32>
      %squeeze3A = vector.extract %slice3A[0] : i32 from vector<1xi32>
      %gt3A_486 = arith.constant 0 : i32
      %gt3A_487 = arith.cmpi sgt, %squeeze3A, %gt3A_486 : i32
      %convert_element_type3A_488 = arith.extui %gt3A_487 : i1 to i32
      %cond3A_489 = arith.constant 0 : i32
      %cond3A_490 = arith.cmpi ne, %convert_element_type3A_488, %cond3A_489 : i32
      scf.if %cond3A_490 {
        %shift_left3A = arith.constant 4 : i32
        %shift_left3A_492 = vector.broadcast %shift_left3A : i32 to vector<16xi32>
        %shift_left3A_493 = arith.shli %get3A_480, %shift_left3A_492 : vector<16xi32>
        %or3A = arith.ori %shift_left3A_493, %iota3A : vector<16xi32>
        %mul3A_494 = arith.constant 16 : i32
        %mul3A_495 = arith.muli %scan3A_476, %mul3A_494 : i32
        %add3A_496 = vector.broadcast %mul3A_495 : i32 to vector<16xi32>
        %add3A_497 = arith.addi %add3A_496, %iota3A : vector<16xi32>
        %masked_sort3A = arith.constant dense<true> : vector<16xi1>
        %masked_sort3A_498 = arith.constant -2147483648 : i32
        %masked_sort3A_499 = vector.broadcast %masked_sort3A_498 : i32 to vector<16xi32>
        %masked_sort3A_500 = arith.xori %or3A, %masked_sort3A_499 : vector<16xi32>
        %masked_sort3A_501, %masked_sort3A_502, %masked_sort3A_503 = tpu.sort %masked_sort3A_500, %add3A_497 masked %masked_sort3A {descending = true} : (vector<16xi32>, vector<16xi32>, vector<16xi1>) -> (vector<16xi1>, vector<16xi32>, vector<16xi32>)
        %masked_sort3A_504 = arith.xori %masked_sort3A_502, %masked_sort3A_499 : vector<16xi32>
        %shift_right_arithmetic3A = arith.constant 4 : i32
        %shift_right_arithmetic3A_505 = vector.broadcast %shift_right_arithmetic3A : i32 to vector<16xi32>
        %shift_right_arithmetic3A_506 = arith.shrsi %masked_sort3A_504, %shift_right_arithmetic3A_505 : vector<16xi32>
        %swap3A = arith.constant 0 : index
        %swap3A_507 = tpu.vector_load %arg15[%swap3A] {strides = array<i32>} : memref<16xi32, #tpu.memory_space<vmem>>, vector<16xi32>,
        tpu.vector_store %arg15[%swap3A], %shift_right_arithmetic3A_506 {strides = array<i32>} : memref<16xi32, #tpu.memory_space<vmem>>, vector<16xi32>,
        %sub3A_508 = arith.constant 1 : i32
        %sub3A_509 = vector.broadcast %sub3A_508 : i32 to vector<16xi32>
        %sub3A_510 = arith.subi %iota3A, %sub3A_509 : vector<16xi32>
        %max3A = arith.constant 0 : i32
        %max3A_511 = vector.broadcast %max3A : i32 to vector<16xi32>
        %max3A_512 = arith.maxsi %sub3A_510, %max3A_511 : vector<16xi32>
        %gather3A = tpu.vector_load_idx %arg15[%max3A_512] : memref<16xi32, #tpu.memory_space<vmem>>[vector<16xi32>], vector<16xi32>,
        %ne3A_513 = arith.cmpi ne, %shift_right_arithmetic3A_506, %gather3A : vector<16xi32>
        %eq3A_514 = arith.constant 0 : i32
        %eq3A_515 = vector.broadcast %eq3A_514 : i32 to vector<16xi32>
        %eq3A_516 = arith.cmpi eq, %iota3A, %eq3A_515 : vector<16xi32>
        %or3A_517 = arith.ori %ne3A_513, %eq3A_516 : vector<16xi1>
        %sub3A_518 = vector.broadcast %mul3A_2 : i32 to vector<16xi32>
        %sub3A_519 = arith.subi %shift_right_arithmetic3A_506, %sub3A_518 : vector<16xi32>
        %ge3A_520 = arith.constant 0 : i32
        %ge3A_521 = vector.broadcast %ge3A_520 : i32 to vector<16xi32>
        %ge3A_522 = arith.cmpi sge, %sub3A_519, %ge3A_521 : vector<16xi32>
        %and3A_523 = arith.andi %or3A_517, %ge3A_522 : vector<16xi1>
        %lt3A_524 = arith.constant 3128 : i32
        %lt3A_525 = vector.broadcast %lt3A_524 : i32 to vector<16xi32>
        %lt3A_526 = arith.cmpi slt, %sub3A_519, %lt3A_525 : vector<16xi32>
        %and3A_527 = arith.andi %and3A_523, %lt3A_526 : vector<16xi1>
        %gather3A_528 = tpu.vector_load_idx %arg16[%sub3A_519] masked %and3A_527 : memref<3200xi32, #tpu.memory_space<vmem>>[vector<16xi32>], vector<16xi32>, vector<16xi1>
        %max3A_529 = arith.maxsi %gather3A_528, %masked_sort3A_503 : vector<16xi32>
        tpu.vector_store_idx %arg16[%sub3A_519], %max3A_529 masked %and3A_527 : memref<3200xi32, #tpu.memory_space<vmem>>[vector<16xi32>], vector<16xi32>, vector<16xi1>
      } else {
      }
      %scan3A_491 = arith.constant 0 : i32
      scf.yield %scan3A_491 : i32
    }
    %scan3A_206 = arith.constant 89 : i32
    %gt3A_207 = arith.constant 11 : i32
    %gt3A_208 = arith.cmpi sgt, %select_n3A, %gt3A_207 : i32
    %convert_element_type3A_209 = arith.extui %gt3A_208 : i1 to i32
    %cond3A_210 = arith.constant 0 : i32
    %cond3A_211 = arith.cmpi ne, %convert_element_type3A_209, %cond3A_210 : i32
    scf.if %cond3A_211 {
      %add3A_476 = arith.constant 1496 : i32
      %add3A_477 = arith.addi %mul3A_2, %add3A_476 : i32
      %multiple_of3A = tpu.assume_multiple %add3A_477, 8 : i32
      %dma_wait3A_478 = arith.constant 0 : i32
      %dma_wait3A_479 = tpu.memref_slice %arg2[%multiple_of3A, %dma_wait3A_478] : memref<100000x128xf32, #tpu.memory_space<hbm>> -> memref<136x128xf32, #tpu.memory_space<hbm>>
      %dma_wait3A_480 = arith.constant 0 : i32
      %dma_wait3A_481 = tpu.memref_slice %arg2[%multiple_of3A, %dma_wait3A_480] : memref<100000x128xf32, #tpu.memory_space<hbm>> -> memref<136x128xf32, #tpu.memory_space<hbm>>
      tpu.wait_dma2 semaphore(%arg10 : memref<!tpu.dma_semaphore, #tpu.memory_space<semaphore_mem>>) src(%dma_wait3A_481 : memref<136x128xf32, #tpu.memory_space<hbm>>) dst(%arg7 : memref<136x128xf32, #tpu.memory_space<vmem>>)
      %dma_start3A = arith.constant 0 : i32
      %dma_start3A_482 = tpu.memref_slice %arg5[%multiple_of3A, %dma_start3A] : memref<100000x128xf32, #tpu.memory_space<hbm>> -> memref<136x128xf32, #tpu.memory_space<hbm>>
      %dma_start3A_483 = arith.constant 0 : i32
      %dma_start3A_484 = tpu.memref_slice %arg5[%multiple_of3A, %dma_start3A_483] : memref<100000x128xf32, #tpu.memory_space<hbm>> -> memref<136x128xf32, #tpu.memory_space<hbm>>
      tpu.enqueue_dma source(%arg7 : memref<136x128xf32, #tpu.memory_space<vmem>>) target(%dma_start3A_484 : memref<136x128xf32, #tpu.memory_space<hbm>>) target_semaphore(%arg12 : memref<!tpu.dma_semaphore, #tpu.memory_space<semaphore_mem>>)
    } else {
    }
    %gt3A_212 = arith.constant 12 : i32
    %gt3A_213 = arith.cmpi sgt, %select_n3A, %gt3A_212 : i32
    %convert_element_type3A_214 = arith.extui %gt3A_213 : i1 to i32
    %cond3A_215 = arith.constant 0 : i32
    %cond3A_216 = arith.cmpi ne, %convert_element_type3A_214, %cond3A_215 : i32
    scf.if %cond3A_216 {
      %add3A_476 = arith.constant 1632 : i32
      %add3A_477 = arith.addi %mul3A_2, %add3A_476 : i32
      %multiple_of3A = tpu.assume_multiple %add3A_477, 8 : i32
      %add3A_478 = arith.constant 1360 : i32
      %add3A_479 = arith.addi %mul3A_2, %add3A_478 : i32
      %multiple_of3A_480 = tpu.assume_multiple %add3A_479, 8 : i32
      %dma_wait3A_481 = arith.constant 0 : i32
      %dma_wait3A_482 = tpu.memref_slice %arg5[%multiple_of3A_480, %dma_wait3A_481] : memref<100000x128xf32, #tpu.memory_space<hbm>> -> memref<136x128xf32, #tpu.memory_space<hbm>>
      %dma_wait3A_483 = arith.constant 0 : i32
      %dma_wait3A_484 = tpu.memref_slice %arg5[%multiple_of3A_480, %dma_wait3A_483] : memref<100000x128xf32, #tpu.memory_space<hbm>> -> memref<136x128xf32, #tpu.memory_space<hbm>>
      tpu.wait_dma2 semaphore(%arg11 : memref<!tpu.dma_semaphore, #tpu.memory_space<semaphore_mem>>) src(%arg6 : memref<136x128xf32, #tpu.memory_space<vmem>>) dst(%dma_wait3A_484 : memref<136x128xf32, #tpu.memory_space<hbm>>)
      %dma_start3A = arith.constant 0 : i32
      %dma_start3A_485 = tpu.memref_slice %arg2[%multiple_of3A, %dma_start3A] : memref<100000x128xf32, #tpu.memory_space<hbm>> -> memref<136x128xf32, #tpu.memory_space<hbm>>
      %dma_start3A_486 = arith.constant 0 : i32
      %dma_start3A_487 = tpu.memref_slice %arg2[%multiple_of3A, %dma_start3A_486] : memref<100000x128xf32, #tpu.memory_space<hbm>> -> memref<136x128xf32, #tpu.memory_space<hbm>>
      tpu.enqueue_dma source(%dma_start3A_487 : memref<136x128xf32, #tpu.memory_space<hbm>>) target(%arg6 : memref<136x128xf32, #tpu.memory_space<vmem>>) target_semaphore(%arg9 : memref<!tpu.dma_semaphore, #tpu.memory_space<semaphore_mem>>)
    } else {
    }
    %scan3A_217 = arith.constant 0 : i32
    %scan3A_218 = arith.constant 1068 : i32
    %scan3A_219 = arith.constant 89 : i32
    %scan3A_220 = arith.addi %scan3A_218, %scan3A_219 : i32
    %scan3A_221 = arith.constant 1 : i32
    %scan3A_222 = scf.for %scan3A_476 = %scan3A_218 to %scan3A_220 step %scan3A_221 iter_args(%scan3A_477 = %scan3A_217) -> (i32)  : i32 {
      %mul3A_478 = arith.constant 16 : i32
      %mul3A_479 = arith.muli %scan3A_476, %mul3A_478 : i32
      %get3A = arith.index_cast %mul3A_479 : i32 to index
      %get3A_480 = tpu.vector_load %arg14[%get3A] {strides = array<i32>} : memref<32768xi32, #tpu.memory_space<vmem>>, vector<16xi32>,
      %ge3A = vector.broadcast %mul3A_2 : i32 to vector<16xi32>
      %ge3A_481 = arith.cmpi sge, %get3A_480, %ge3A : vector<16xi32>
      %add3A_482 = arith.constant 3128 : i32
      %add3A_483 = arith.addi %mul3A_2, %add3A_482 : i32
      %lt3A = vector.broadcast %add3A_483 : i32 to vector<16xi32>
      %lt3A_484 = arith.cmpi slt, %get3A_480, %lt3A : vector<16xi32>
      %and3A_485 = arith.andi %ge3A_481, %lt3A_484 : vector<16xi1>
      %all_reduce_population_count3A = tpu.all_reduce %and3A_485 {dim = 0 : i64, kind = #tpu.reduction_kind<sum>} : vector<16xi1> -> vector<16xi32>
      %slice3A = vector.extract_strided_slice %all_reduce_population_count3A {offsets = [0], sizes = [1], strides = [1]} : vector<16xi32> to vector<1xi32>
      %squeeze3A = vector.extract %slice3A[0] : i32 from vector<1xi32>
      %gt3A_486 = arith.constant 0 : i32
      %gt3A_487 = arith.cmpi sgt, %squeeze3A, %gt3A_486 : i32
      %convert_element_type3A_488 = arith.extui %gt3A_487 : i1 to i32
      %cond3A_489 = arith.constant 0 : i32
      %cond3A_490 = arith.cmpi ne, %convert_element_type3A_488, %cond3A_489 : i32
      scf.if %cond3A_490 {
        %shift_left3A = arith.constant 4 : i32
        %shift_left3A_492 = vector.broadcast %shift_left3A : i32 to vector<16xi32>
        %shift_left3A_493 = arith.shli %get3A_480, %shift_left3A_492 : vector<16xi32>
        %or3A = arith.ori %shift_left3A_493, %iota3A : vector<16xi32>
        %mul3A_494 = arith.constant 16 : i32
        %mul3A_495 = arith.muli %scan3A_476, %mul3A_494 : i32
        %add3A_496 = vector.broadcast %mul3A_495 : i32 to vector<16xi32>
        %add3A_497 = arith.addi %add3A_496, %iota3A : vector<16xi32>
        %masked_sort3A = arith.constant dense<true> : vector<16xi1>
        %masked_sort3A_498 = arith.constant -2147483648 : i32
        %masked_sort3A_499 = vector.broadcast %masked_sort3A_498 : i32 to vector<16xi32>
        %masked_sort3A_500 = arith.xori %or3A, %masked_sort3A_499 : vector<16xi32>
        %masked_sort3A_501, %masked_sort3A_502, %masked_sort3A_503 = tpu.sort %masked_sort3A_500, %add3A_497 masked %masked_sort3A {descending = true} : (vector<16xi32>, vector<16xi32>, vector<16xi1>) -> (vector<16xi1>, vector<16xi32>, vector<16xi32>)
        %masked_sort3A_504 = arith.xori %masked_sort3A_502, %masked_sort3A_499 : vector<16xi32>
        %shift_right_arithmetic3A = arith.constant 4 : i32
        %shift_right_arithmetic3A_505 = vector.broadcast %shift_right_arithmetic3A : i32 to vector<16xi32>
        %shift_right_arithmetic3A_506 = arith.shrsi %masked_sort3A_504, %shift_right_arithmetic3A_505 : vector<16xi32>
        %swap3A = arith.constant 0 : index
        %swap3A_507 = tpu.vector_load %arg15[%swap3A] {strides = array<i32>} : memref<16xi32, #tpu.memory_space<vmem>>, vector<16xi32>,
        tpu.vector_store %arg15[%swap3A], %shift_right_arithmetic3A_506 {strides = array<i32>} : memref<16xi32, #tpu.memory_space<vmem>>, vector<16xi32>,
        %sub3A_508 = arith.constant 1 : i32
        %sub3A_509 = vector.broadcast %sub3A_508 : i32 to vector<16xi32>
        %sub3A_510 = arith.subi %iota3A, %sub3A_509 : vector<16xi32>
        %max3A = arith.constant 0 : i32
        %max3A_511 = vector.broadcast %max3A : i32 to vector<16xi32>
        %max3A_512 = arith.maxsi %sub3A_510, %max3A_511 : vector<16xi32>
        %gather3A = tpu.vector_load_idx %arg15[%max3A_512] : memref<16xi32, #tpu.memory_space<vmem>>[vector<16xi32>], vector<16xi32>,
        %ne3A_513 = arith.cmpi ne, %shift_right_arithmetic3A_506, %gather3A : vector<16xi32>
        %eq3A_514 = arith.constant 0 : i32
        %eq3A_515 = vector.broadcast %eq3A_514 : i32 to vector<16xi32>
        %eq3A_516 = arith.cmpi eq, %iota3A, %eq3A_515 : vector<16xi32>
        %or3A_517 = arith.ori %ne3A_513, %eq3A_516 : vector<16xi1>
        %sub3A_518 = vector.broadcast %mul3A_2 : i32 to vector<16xi32>
        %sub3A_519 = arith.subi %shift_right_arithmetic3A_506, %sub3A_518 : vector<16xi32>
        %ge3A_520 = arith.constant 0 : i32
        %ge3A_521 = vector.broadcast %ge3A_520 : i32 to vector<16xi32>
        %ge3A_522 = arith.cmpi sge, %sub3A_519, %ge3A_521 : vector<16xi32>
        %and3A_523 = arith.andi %or3A_517, %ge3A_522 : vector<16xi1>
        %lt3A_524 = arith.constant 3128 : i32
        %lt3A_525 = vector.broadcast %lt3A_524 : i32 to vector<16xi32>
        %lt3A_526 = arith.cmpi slt, %sub3A_519, %lt3A_525 : vector<16xi32>
        %and3A_527 = arith.andi %and3A_523, %lt3A_526 : vector<16xi1>
        %gather3A_528 = tpu.vector_load_idx %arg16[%sub3A_519] masked %and3A_527 : memref<3200xi32, #tpu.memory_space<vmem>>[vector<16xi32>], vector<16xi32>, vector<16xi1>
        %max3A_529 = arith.maxsi %gather3A_528, %masked_sort3A_503 : vector<16xi32>
        tpu.vector_store_idx %arg16[%sub3A_519], %max3A_529 masked %and3A_527 : memref<3200xi32, #tpu.memory_space<vmem>>[vector<16xi32>], vector<16xi32>, vector<16xi1>
      } else {
      }
      %scan3A_491 = arith.constant 0 : i32
      scf.yield %scan3A_491 : i32
    }
    %scan3A_223 = arith.constant 89 : i32
    %gt3A_224 = arith.constant 12 : i32
    %gt3A_225 = arith.cmpi sgt, %select_n3A, %gt3A_224 : i32
    %convert_element_type3A_226 = arith.extui %gt3A_225 : i1 to i32
    %cond3A_227 = arith.constant 0 : i32
    %cond3A_228 = arith.cmpi ne, %convert_element_type3A_226, %cond3A_227 : i32
    scf.if %cond3A_228 {
      %add3A_476 = arith.constant 1632 : i32
      %add3A_477 = arith.addi %mul3A_2, %add3A_476 : i32
      %multiple_of3A = tpu.assume_multiple %add3A_477, 8 : i32
      %dma_wait3A_478 = arith.constant 0 : i32
      %dma_wait3A_479 = tpu.memref_slice %arg2[%multiple_of3A, %dma_wait3A_478] : memref<100000x128xf32, #tpu.memory_space<hbm>> -> memref<136x128xf32, #tpu.memory_space<hbm>>
      %dma_wait3A_480 = arith.constant 0 : i32
      %dma_wait3A_481 = tpu.memref_slice %arg2[%multiple_of3A, %dma_wait3A_480] : memref<100000x128xf32, #tpu.memory_space<hbm>> -> memref<136x128xf32, #tpu.memory_space<hbm>>
      tpu.wait_dma2 semaphore(%arg9 : memref<!tpu.dma_semaphore, #tpu.memory_space<semaphore_mem>>) src(%dma_wait3A_481 : memref<136x128xf32, #tpu.memory_space<hbm>>) dst(%arg6 : memref<136x128xf32, #tpu.memory_space<vmem>>)
      %dma_start3A = arith.constant 0 : i32
      %dma_start3A_482 = tpu.memref_slice %arg5[%multiple_of3A, %dma_start3A] : memref<100000x128xf32, #tpu.memory_space<hbm>> -> memref<136x128xf32, #tpu.memory_space<hbm>>
      %dma_start3A_483 = arith.constant 0 : i32
      %dma_start3A_484 = tpu.memref_slice %arg5[%multiple_of3A, %dma_start3A_483] : memref<100000x128xf32, #tpu.memory_space<hbm>> -> memref<136x128xf32, #tpu.memory_space<hbm>>
      tpu.enqueue_dma source(%arg6 : memref<136x128xf32, #tpu.memory_space<vmem>>) target(%dma_start3A_484 : memref<136x128xf32, #tpu.memory_space<hbm>>) target_semaphore(%arg11 : memref<!tpu.dma_semaphore, #tpu.memory_space<semaphore_mem>>)
    } else {
    }
    %gt3A_229 = arith.constant 13 : i32
    %gt3A_230 = arith.cmpi sgt, %select_n3A, %gt3A_229 : i32
    %convert_element_type3A_231 = arith.extui %gt3A_230 : i1 to i32
    %cond3A_232 = arith.constant 0 : i32
    %cond3A_233 = arith.cmpi ne, %convert_element_type3A_231, %cond3A_232 : i32
    scf.if %cond3A_233 {
      %add3A_476 = arith.constant 1768 : i32
      %add3A_477 = arith.addi %mul3A_2, %add3A_476 : i32
      %multiple_of3A = tpu.assume_multiple %add3A_477, 8 : i32
      %add3A_478 = arith.constant 1496 : i32
      %add3A_479 = arith.addi %mul3A_2, %add3A_478 : i32
      %multiple_of3A_480 = tpu.assume_multiple %add3A_479, 8 : i32
      %dma_wait3A_481 = arith.constant 0 : i32
      %dma_wait3A_482 = tpu.memref_slice %arg5[%multiple_of3A_480, %dma_wait3A_481] : memref<100000x128xf32, #tpu.memory_space<hbm>> -> memref<136x128xf32, #tpu.memory_space<hbm>>
      %dma_wait3A_483 = arith.constant 0 : i32
      %dma_wait3A_484 = tpu.memref_slice %arg5[%multiple_of3A_480, %dma_wait3A_483] : memref<100000x128xf32, #tpu.memory_space<hbm>> -> memref<136x128xf32, #tpu.memory_space<hbm>>
      tpu.wait_dma2 semaphore(%arg12 : memref<!tpu.dma_semaphore, #tpu.memory_space<semaphore_mem>>) src(%arg7 : memref<136x128xf32, #tpu.memory_space<vmem>>) dst(%dma_wait3A_484 : memref<136x128xf32, #tpu.memory_space<hbm>>)
      %dma_start3A = arith.constant 0 : i32
      %dma_start3A_485 = tpu.memref_slice %arg2[%multiple_of3A, %dma_start3A] : memref<100000x128xf32, #tpu.memory_space<hbm>> -> memref<136x128xf32, #tpu.memory_space<hbm>>
      %dma_start3A_486 = arith.constant 0 : i32
      %dma_start3A_487 = tpu.memref_slice %arg2[%multiple_of3A, %dma_start3A_486] : memref<100000x128xf32, #tpu.memory_space<hbm>> -> memref<136x128xf32, #tpu.memory_space<hbm>>
      tpu.enqueue_dma source(%dma_start3A_487 : memref<136x128xf32, #tpu.memory_space<hbm>>) target(%arg7 : memref<136x128xf32, #tpu.memory_space<vmem>>) target_semaphore(%arg10 : memref<!tpu.dma_semaphore, #tpu.memory_space<semaphore_mem>>)
    } else {
    }
    %scan3A_234 = arith.constant 0 : i32
    %scan3A_235 = arith.constant 1157 : i32
    %scan3A_236 = arith.constant 89 : i32
    %scan3A_237 = arith.addi %scan3A_235, %scan3A_236 : i32
    %scan3A_238 = arith.constant 1 : i32
    %scan3A_239 = scf.for %scan3A_476 = %scan3A_235 to %scan3A_237 step %scan3A_238 iter_args(%scan3A_477 = %scan3A_234) -> (i32)  : i32 {
      %mul3A_478 = arith.constant 16 : i32
      %mul3A_479 = arith.muli %scan3A_476, %mul3A_478 : i32
      %get3A = arith.index_cast %mul3A_479 : i32 to index
      %get3A_480 = tpu.vector_load %arg14[%get3A] {strides = array<i32>} : memref<32768xi32, #tpu.memory_space<vmem>>, vector<16xi32>,
      %ge3A = vector.broadcast %mul3A_2 : i32 to vector<16xi32>
      %ge3A_481 = arith.cmpi sge, %get3A_480, %ge3A : vector<16xi32>
      %add3A_482 = arith.constant 3128 : i32
      %add3A_483 = arith.addi %mul3A_2, %add3A_482 : i32
      %lt3A = vector.broadcast %add3A_483 : i32 to vector<16xi32>
      %lt3A_484 = arith.cmpi slt, %get3A_480, %lt3A : vector<16xi32>
      %and3A_485 = arith.andi %ge3A_481, %lt3A_484 : vector<16xi1>
      %all_reduce_population_count3A = tpu.all_reduce %and3A_485 {dim = 0 : i64, kind = #tpu.reduction_kind<sum>} : vector<16xi1> -> vector<16xi32>
      %slice3A = vector.extract_strided_slice %all_reduce_population_count3A {offsets = [0], sizes = [1], strides = [1]} : vector<16xi32> to vector<1xi32>
      %squeeze3A = vector.extract %slice3A[0] : i32 from vector<1xi32>
      %gt3A_486 = arith.constant 0 : i32
      %gt3A_487 = arith.cmpi sgt, %squeeze3A, %gt3A_486 : i32
      %convert_element_type3A_488 = arith.extui %gt3A_487 : i1 to i32
      %cond3A_489 = arith.constant 0 : i32
      %cond3A_490 = arith.cmpi ne, %convert_element_type3A_488, %cond3A_489 : i32
      scf.if %cond3A_490 {
        %shift_left3A = arith.constant 4 : i32
        %shift_left3A_492 = vector.broadcast %shift_left3A : i32 to vector<16xi32>
        %shift_left3A_493 = arith.shli %get3A_480, %shift_left3A_492 : vector<16xi32>
        %or3A = arith.ori %shift_left3A_493, %iota3A : vector<16xi32>
        %mul3A_494 = arith.constant 16 : i32
        %mul3A_495 = arith.muli %scan3A_476, %mul3A_494 : i32
        %add3A_496 = vector.broadcast %mul3A_495 : i32 to vector<16xi32>
        %add3A_497 = arith.addi %add3A_496, %iota3A : vector<16xi32>
        %masked_sort3A = arith.constant dense<true> : vector<16xi1>
        %masked_sort3A_498 = arith.constant -2147483648 : i32
        %masked_sort3A_499 = vector.broadcast %masked_sort3A_498 : i32 to vector<16xi32>
        %masked_sort3A_500 = arith.xori %or3A, %masked_sort3A_499 : vector<16xi32>
        %masked_sort3A_501, %masked_sort3A_502, %masked_sort3A_503 = tpu.sort %masked_sort3A_500, %add3A_497 masked %masked_sort3A {descending = true} : (vector<16xi32>, vector<16xi32>, vector<16xi1>) -> (vector<16xi1>, vector<16xi32>, vector<16xi32>)
        %masked_sort3A_504 = arith.xori %masked_sort3A_502, %masked_sort3A_499 : vector<16xi32>
        %shift_right_arithmetic3A = arith.constant 4 : i32
        %shift_right_arithmetic3A_505 = vector.broadcast %shift_right_arithmetic3A : i32 to vector<16xi32>
        %shift_right_arithmetic3A_506 = arith.shrsi %masked_sort3A_504, %shift_right_arithmetic3A_505 : vector<16xi32>
        %swap3A = arith.constant 0 : index
        %swap3A_507 = tpu.vector_load %arg15[%swap3A] {strides = array<i32>} : memref<16xi32, #tpu.memory_space<vmem>>, vector<16xi32>,
        tpu.vector_store %arg15[%swap3A], %shift_right_arithmetic3A_506 {strides = array<i32>} : memref<16xi32, #tpu.memory_space<vmem>>, vector<16xi32>,
        %sub3A_508 = arith.constant 1 : i32
        %sub3A_509 = vector.broadcast %sub3A_508 : i32 to vector<16xi32>
        %sub3A_510 = arith.subi %iota3A, %sub3A_509 : vector<16xi32>
        %max3A = arith.constant 0 : i32
        %max3A_511 = vector.broadcast %max3A : i32 to vector<16xi32>
        %max3A_512 = arith.maxsi %sub3A_510, %max3A_511 : vector<16xi32>
        %gather3A = tpu.vector_load_idx %arg15[%max3A_512] : memref<16xi32, #tpu.memory_space<vmem>>[vector<16xi32>], vector<16xi32>,
        %ne3A_513 = arith.cmpi ne, %shift_right_arithmetic3A_506, %gather3A : vector<16xi32>
        %eq3A_514 = arith.constant 0 : i32
        %eq3A_515 = vector.broadcast %eq3A_514 : i32 to vector<16xi32>
        %eq3A_516 = arith.cmpi eq, %iota3A, %eq3A_515 : vector<16xi32>
        %or3A_517 = arith.ori %ne3A_513, %eq3A_516 : vector<16xi1>
        %sub3A_518 = vector.broadcast %mul3A_2 : i32 to vector<16xi32>
        %sub3A_519 = arith.subi %shift_right_arithmetic3A_506, %sub3A_518 : vector<16xi32>
        %ge3A_520 = arith.constant 0 : i32
        %ge3A_521 = vector.broadcast %ge3A_520 : i32 to vector<16xi32>
        %ge3A_522 = arith.cmpi sge, %sub3A_519, %ge3A_521 : vector<16xi32>
        %and3A_523 = arith.andi %or3A_517, %ge3A_522 : vector<16xi1>
        %lt3A_524 = arith.constant 3128 : i32
        %lt3A_525 = vector.broadcast %lt3A_524 : i32 to vector<16xi32>
        %lt3A_526 = arith.cmpi slt, %sub3A_519, %lt3A_525 : vector<16xi32>
        %and3A_527 = arith.andi %and3A_523, %lt3A_526 : vector<16xi1>
        %gather3A_528 = tpu.vector_load_idx %arg16[%sub3A_519] masked %and3A_527 : memref<3200xi32, #tpu.memory_space<vmem>>[vector<16xi32>], vector<16xi32>, vector<16xi1>
        %max3A_529 = arith.maxsi %gather3A_528, %masked_sort3A_503 : vector<16xi32>
        tpu.vector_store_idx %arg16[%sub3A_519], %max3A_529 masked %and3A_527 : memref<3200xi32, #tpu.memory_space<vmem>>[vector<16xi32>], vector<16xi32>, vector<16xi1>
      } else {
      }
      %scan3A_491 = arith.constant 0 : i32
      scf.yield %scan3A_491 : i32
    }
    %scan3A_240 = arith.constant 89 : i32
    %gt3A_241 = arith.constant 13 : i32
    %gt3A_242 = arith.cmpi sgt, %select_n3A, %gt3A_241 : i32
    %convert_element_type3A_243 = arith.extui %gt3A_242 : i1 to i32
    %cond3A_244 = arith.constant 0 : i32
    %cond3A_245 = arith.cmpi ne, %convert_element_type3A_243, %cond3A_244 : i32
    scf.if %cond3A_245 {
      %add3A_476 = arith.constant 1768 : i32
      %add3A_477 = arith.addi %mul3A_2, %add3A_476 : i32
      %multiple_of3A = tpu.assume_multiple %add3A_477, 8 : i32
      %dma_wait3A_478 = arith.constant 0 : i32
      %dma_wait3A_479 = tpu.memref_slice %arg2[%multiple_of3A, %dma_wait3A_478] : memref<100000x128xf32, #tpu.memory_space<hbm>> -> memref<136x128xf32, #tpu.memory_space<hbm>>
      %dma_wait3A_480 = arith.constant 0 : i32
      %dma_wait3A_481 = tpu.memref_slice %arg2[%multiple_of3A, %dma_wait3A_480] : memref<100000x128xf32, #tpu.memory_space<hbm>> -> memref<136x128xf32, #tpu.memory_space<hbm>>
      tpu.wait_dma2 semaphore(%arg10 : memref<!tpu.dma_semaphore, #tpu.memory_space<semaphore_mem>>) src(%dma_wait3A_481 : memref<136x128xf32, #tpu.memory_space<hbm>>) dst(%arg7 : memref<136x128xf32, #tpu.memory_space<vmem>>)
      %dma_start3A = arith.constant 0 : i32
      %dma_start3A_482 = tpu.memref_slice %arg5[%multiple_of3A, %dma_start3A] : memref<100000x128xf32, #tpu.memory_space<hbm>> -> memref<136x128xf32, #tpu.memory_space<hbm>>
      %dma_start3A_483 = arith.constant 0 : i32
      %dma_start3A_484 = tpu.memref_slice %arg5[%multiple_of3A, %dma_start3A_483] : memref<100000x128xf32, #tpu.memory_space<hbm>> -> memref<136x128xf32, #tpu.memory_space<hbm>>
      tpu.enqueue_dma source(%arg7 : memref<136x128xf32, #tpu.memory_space<vmem>>) target(%dma_start3A_484 : memref<136x128xf32, #tpu.memory_space<hbm>>) target_semaphore(%arg12 : memref<!tpu.dma_semaphore, #tpu.memory_space<semaphore_mem>>)
    } else {
    }
    %gt3A_246 = arith.constant 14 : i32
    %gt3A_247 = arith.cmpi sgt, %select_n3A, %gt3A_246 : i32
    %convert_element_type3A_248 = arith.extui %gt3A_247 : i1 to i32
    %cond3A_249 = arith.constant 0 : i32
    %cond3A_250 = arith.cmpi ne, %convert_element_type3A_248, %cond3A_249 : i32
    scf.if %cond3A_250 {
      %add3A_476 = arith.constant 1904 : i32
      %add3A_477 = arith.addi %mul3A_2, %add3A_476 : i32
      %multiple_of3A = tpu.assume_multiple %add3A_477, 8 : i32
      %add3A_478 = arith.constant 1632 : i32
      %add3A_479 = arith.addi %mul3A_2, %add3A_478 : i32
      %multiple_of3A_480 = tpu.assume_multiple %add3A_479, 8 : i32
      %dma_wait3A_481 = arith.constant 0 : i32
      %dma_wait3A_482 = tpu.memref_slice %arg5[%multiple_of3A_480, %dma_wait3A_481] : memref<100000x128xf32, #tpu.memory_space<hbm>> -> memref<136x128xf32, #tpu.memory_space<hbm>>
      %dma_wait3A_483 = arith.constant 0 : i32
      %dma_wait3A_484 = tpu.memref_slice %arg5[%multiple_of3A_480, %dma_wait3A_483] : memref<100000x128xf32, #tpu.memory_space<hbm>> -> memref<136x128xf32, #tpu.memory_space<hbm>>
      tpu.wait_dma2 semaphore(%arg11 : memref<!tpu.dma_semaphore, #tpu.memory_space<semaphore_mem>>) src(%arg6 : memref<136x128xf32, #tpu.memory_space<vmem>>) dst(%dma_wait3A_484 : memref<136x128xf32, #tpu.memory_space<hbm>>)
      %dma_start3A = arith.constant 0 : i32
      %dma_start3A_485 = tpu.memref_slice %arg2[%multiple_of3A, %dma_start3A] : memref<100000x128xf32, #tpu.memory_space<hbm>> -> memref<136x128xf32, #tpu.memory_space<hbm>>
      %dma_start3A_486 = arith.constant 0 : i32
      %dma_start3A_487 = tpu.memref_slice %arg2[%multiple_of3A, %dma_start3A_486] : memref<100000x128xf32, #tpu.memory_space<hbm>> -> memref<136x128xf32, #tpu.memory_space<hbm>>
      tpu.enqueue_dma source(%dma_start3A_487 : memref<136x128xf32, #tpu.memory_space<hbm>>) target(%arg6 : memref<136x128xf32, #tpu.memory_space<vmem>>) target_semaphore(%arg9 : memref<!tpu.dma_semaphore, #tpu.memory_space<semaphore_mem>>)
    } else {
    }
    %scan3A_251 = arith.constant 0 : i32
    %scan3A_252 = arith.constant 1246 : i32
    %scan3A_253 = arith.constant 89 : i32
    %scan3A_254 = arith.addi %scan3A_252, %scan3A_253 : i32
    %scan3A_255 = arith.constant 1 : i32
    %scan3A_256 = scf.for %scan3A_476 = %scan3A_252 to %scan3A_254 step %scan3A_255 iter_args(%scan3A_477 = %scan3A_251) -> (i32)  : i32 {
      %mul3A_478 = arith.constant 16 : i32
      %mul3A_479 = arith.muli %scan3A_476, %mul3A_478 : i32
      %get3A = arith.index_cast %mul3A_479 : i32 to index
      %get3A_480 = tpu.vector_load %arg14[%get3A] {strides = array<i32>} : memref<32768xi32, #tpu.memory_space<vmem>>, vector<16xi32>,
      %ge3A = vector.broadcast %mul3A_2 : i32 to vector<16xi32>
      %ge3A_481 = arith.cmpi sge, %get3A_480, %ge3A : vector<16xi32>
      %add3A_482 = arith.constant 3128 : i32
      %add3A_483 = arith.addi %mul3A_2, %add3A_482 : i32
      %lt3A = vector.broadcast %add3A_483 : i32 to vector<16xi32>
      %lt3A_484 = arith.cmpi slt, %get3A_480, %lt3A : vector<16xi32>
      %and3A_485 = arith.andi %ge3A_481, %lt3A_484 : vector<16xi1>
      %all_reduce_population_count3A = tpu.all_reduce %and3A_485 {dim = 0 : i64, kind = #tpu.reduction_kind<sum>} : vector<16xi1> -> vector<16xi32>
      %slice3A = vector.extract_strided_slice %all_reduce_population_count3A {offsets = [0], sizes = [1], strides = [1]} : vector<16xi32> to vector<1xi32>
      %squeeze3A = vector.extract %slice3A[0] : i32 from vector<1xi32>
      %gt3A_486 = arith.constant 0 : i32
      %gt3A_487 = arith.cmpi sgt, %squeeze3A, %gt3A_486 : i32
      %convert_element_type3A_488 = arith.extui %gt3A_487 : i1 to i32
      %cond3A_489 = arith.constant 0 : i32
      %cond3A_490 = arith.cmpi ne, %convert_element_type3A_488, %cond3A_489 : i32
      scf.if %cond3A_490 {
        %shift_left3A = arith.constant 4 : i32
        %shift_left3A_492 = vector.broadcast %shift_left3A : i32 to vector<16xi32>
        %shift_left3A_493 = arith.shli %get3A_480, %shift_left3A_492 : vector<16xi32>
        %or3A = arith.ori %shift_left3A_493, %iota3A : vector<16xi32>
        %mul3A_494 = arith.constant 16 : i32
        %mul3A_495 = arith.muli %scan3A_476, %mul3A_494 : i32
        %add3A_496 = vector.broadcast %mul3A_495 : i32 to vector<16xi32>
        %add3A_497 = arith.addi %add3A_496, %iota3A : vector<16xi32>
        %masked_sort3A = arith.constant dense<true> : vector<16xi1>
        %masked_sort3A_498 = arith.constant -2147483648 : i32
        %masked_sort3A_499 = vector.broadcast %masked_sort3A_498 : i32 to vector<16xi32>
        %masked_sort3A_500 = arith.xori %or3A, %masked_sort3A_499 : vector<16xi32>
        %masked_sort3A_501, %masked_sort3A_502, %masked_sort3A_503 = tpu.sort %masked_sort3A_500, %add3A_497 masked %masked_sort3A {descending = true} : (vector<16xi32>, vector<16xi32>, vector<16xi1>) -> (vector<16xi1>, vector<16xi32>, vector<16xi32>)
        %masked_sort3A_504 = arith.xori %masked_sort3A_502, %masked_sort3A_499 : vector<16xi32>
        %shift_right_arithmetic3A = arith.constant 4 : i32
        %shift_right_arithmetic3A_505 = vector.broadcast %shift_right_arithmetic3A : i32 to vector<16xi32>
        %shift_right_arithmetic3A_506 = arith.shrsi %masked_sort3A_504, %shift_right_arithmetic3A_505 : vector<16xi32>
        %swap3A = arith.constant 0 : index
        %swap3A_507 = tpu.vector_load %arg15[%swap3A] {strides = array<i32>} : memref<16xi32, #tpu.memory_space<vmem>>, vector<16xi32>,
        tpu.vector_store %arg15[%swap3A], %shift_right_arithmetic3A_506 {strides = array<i32>} : memref<16xi32, #tpu.memory_space<vmem>>, vector<16xi32>,
        %sub3A_508 = arith.constant 1 : i32
        %sub3A_509 = vector.broadcast %sub3A_508 : i32 to vector<16xi32>
        %sub3A_510 = arith.subi %iota3A, %sub3A_509 : vector<16xi32>
        %max3A = arith.constant 0 : i32
        %max3A_511 = vector.broadcast %max3A : i32 to vector<16xi32>
        %max3A_512 = arith.maxsi %sub3A_510, %max3A_511 : vector<16xi32>
        %gather3A = tpu.vector_load_idx %arg15[%max3A_512] : memref<16xi32, #tpu.memory_space<vmem>>[vector<16xi32>], vector<16xi32>,
        %ne3A_513 = arith.cmpi ne, %shift_right_arithmetic3A_506, %gather3A : vector<16xi32>
        %eq3A_514 = arith.constant 0 : i32
        %eq3A_515 = vector.broadcast %eq3A_514 : i32 to vector<16xi32>
        %eq3A_516 = arith.cmpi eq, %iota3A, %eq3A_515 : vector<16xi32>
        %or3A_517 = arith.ori %ne3A_513, %eq3A_516 : vector<16xi1>
        %sub3A_518 = vector.broadcast %mul3A_2 : i32 to vector<16xi32>
        %sub3A_519 = arith.subi %shift_right_arithmetic3A_506, %sub3A_518 : vector<16xi32>
        %ge3A_520 = arith.constant 0 : i32
        %ge3A_521 = vector.broadcast %ge3A_520 : i32 to vector<16xi32>
        %ge3A_522 = arith.cmpi sge, %sub3A_519, %ge3A_521 : vector<16xi32>
        %and3A_523 = arith.andi %or3A_517, %ge3A_522 : vector<16xi1>
        %lt3A_524 = arith.constant 3128 : i32
        %lt3A_525 = vector.broadcast %lt3A_524 : i32 to vector<16xi32>
        %lt3A_526 = arith.cmpi slt, %sub3A_519, %lt3A_525 : vector<16xi32>
        %and3A_527 = arith.andi %and3A_523, %lt3A_526 : vector<16xi1>
        %gather3A_528 = tpu.vector_load_idx %arg16[%sub3A_519] masked %and3A_527 : memref<3200xi32, #tpu.memory_space<vmem>>[vector<16xi32>], vector<16xi32>, vector<16xi1>
        %max3A_529 = arith.maxsi %gather3A_528, %masked_sort3A_503 : vector<16xi32>
        tpu.vector_store_idx %arg16[%sub3A_519], %max3A_529 masked %and3A_527 : memref<3200xi32, #tpu.memory_space<vmem>>[vector<16xi32>], vector<16xi32>, vector<16xi1>
      } else {
      }
      %scan3A_491 = arith.constant 0 : i32
      scf.yield %scan3A_491 : i32
    }
    %scan3A_257 = arith.constant 89 : i32
    %gt3A_258 = arith.constant 14 : i32
    %gt3A_259 = arith.cmpi sgt, %select_n3A, %gt3A_258 : i32
    %convert_element_type3A_260 = arith.extui %gt3A_259 : i1 to i32
    %cond3A_261 = arith.constant 0 : i32
    %cond3A_262 = arith.cmpi ne, %convert_element_type3A_260, %cond3A_261 : i32
    scf.if %cond3A_262 {
      %add3A_476 = arith.constant 1904 : i32
      %add3A_477 = arith.addi %mul3A_2, %add3A_476 : i32
      %multiple_of3A = tpu.assume_multiple %add3A_477, 8 : i32
      %dma_wait3A_478 = arith.constant 0 : i32
      %dma_wait3A_479 = tpu.memref_slice %arg2[%multiple_of3A, %dma_wait3A_478] : memref<100000x128xf32, #tpu.memory_space<hbm>> -> memref<136x128xf32, #tpu.memory_space<hbm>>
      %dma_wait3A_480 = arith.constant 0 : i32
      %dma_wait3A_481 = tpu.memref_slice %arg2[%multiple_of3A, %dma_wait3A_480] : memref<100000x128xf32, #tpu.memory_space<hbm>> -> memref<136x128xf32, #tpu.memory_space<hbm>>
      tpu.wait_dma2 semaphore(%arg9 : memref<!tpu.dma_semaphore, #tpu.memory_space<semaphore_mem>>) src(%dma_wait3A_481 : memref<136x128xf32, #tpu.memory_space<hbm>>) dst(%arg6 : memref<136x128xf32, #tpu.memory_space<vmem>>)
      %dma_start3A = arith.constant 0 : i32
      %dma_start3A_482 = tpu.memref_slice %arg5[%multiple_of3A, %dma_start3A] : memref<100000x128xf32, #tpu.memory_space<hbm>> -> memref<136x128xf32, #tpu.memory_space<hbm>>
      %dma_start3A_483 = arith.constant 0 : i32
      %dma_start3A_484 = tpu.memref_slice %arg5[%multiple_of3A, %dma_start3A_483] : memref<100000x128xf32, #tpu.memory_space<hbm>> -> memref<136x128xf32, #tpu.memory_space<hbm>>
      tpu.enqueue_dma source(%arg6 : memref<136x128xf32, #tpu.memory_space<vmem>>) target(%dma_start3A_484 : memref<136x128xf32, #tpu.memory_space<hbm>>) target_semaphore(%arg11 : memref<!tpu.dma_semaphore, #tpu.memory_space<semaphore_mem>>)
    } else {
    }
    %gt3A_263 = arith.constant 15 : i32
    %gt3A_264 = arith.cmpi sgt, %select_n3A, %gt3A_263 : i32
    %convert_element_type3A_265 = arith.extui %gt3A_264 : i1 to i32
    %cond3A_266 = arith.constant 0 : i32
    %cond3A_267 = arith.cmpi ne, %convert_element_type3A_265, %cond3A_266 : i32
    scf.if %cond3A_267 {
      %add3A_476 = arith.constant 2040 : i32
      %add3A_477 = arith.addi %mul3A_2, %add3A_476 : i32
      %multiple_of3A = tpu.assume_multiple %add3A_477, 8 : i32
      %add3A_478 = arith.constant 1768 : i32
      %add3A_479 = arith.addi %mul3A_2, %add3A_478 : i32
      %multiple_of3A_480 = tpu.assume_multiple %add3A_479, 8 : i32
      %dma_wait3A_481 = arith.constant 0 : i32
      %dma_wait3A_482 = tpu.memref_slice %arg5[%multiple_of3A_480, %dma_wait3A_481] : memref<100000x128xf32, #tpu.memory_space<hbm>> -> memref<136x128xf32, #tpu.memory_space<hbm>>
      %dma_wait3A_483 = arith.constant 0 : i32
      %dma_wait3A_484 = tpu.memref_slice %arg5[%multiple_of3A_480, %dma_wait3A_483] : memref<100000x128xf32, #tpu.memory_space<hbm>> -> memref<136x128xf32, #tpu.memory_space<hbm>>
      tpu.wait_dma2 semaphore(%arg12 : memref<!tpu.dma_semaphore, #tpu.memory_space<semaphore_mem>>) src(%arg7 : memref<136x128xf32, #tpu.memory_space<vmem>>) dst(%dma_wait3A_484 : memref<136x128xf32, #tpu.memory_space<hbm>>)
      %dma_start3A = arith.constant 0 : i32
      %dma_start3A_485 = tpu.memref_slice %arg2[%multiple_of3A, %dma_start3A] : memref<100000x128xf32, #tpu.memory_space<hbm>> -> memref<136x128xf32, #tpu.memory_space<hbm>>
      %dma_start3A_486 = arith.constant 0 : i32
      %dma_start3A_487 = tpu.memref_slice %arg2[%multiple_of3A, %dma_start3A_486] : memref<100000x128xf32, #tpu.memory_space<hbm>> -> memref<136x128xf32, #tpu.memory_space<hbm>>
      tpu.enqueue_dma source(%dma_start3A_487 : memref<136x128xf32, #tpu.memory_space<hbm>>) target(%arg7 : memref<136x128xf32, #tpu.memory_space<vmem>>) target_semaphore(%arg10 : memref<!tpu.dma_semaphore, #tpu.memory_space<semaphore_mem>>)
    } else {
    }
    %scan3A_268 = arith.constant 0 : i32
    %scan3A_269 = arith.constant 1335 : i32
    %scan3A_270 = arith.constant 89 : i32
    %scan3A_271 = arith.addi %scan3A_269, %scan3A_270 : i32
    %scan3A_272 = arith.constant 1 : i32
    %scan3A_273 = scf.for %scan3A_476 = %scan3A_269 to %scan3A_271 step %scan3A_272 iter_args(%scan3A_477 = %scan3A_268) -> (i32)  : i32 {
      %mul3A_478 = arith.constant 16 : i32
      %mul3A_479 = arith.muli %scan3A_476, %mul3A_478 : i32
      %get3A = arith.index_cast %mul3A_479 : i32 to index
      %get3A_480 = tpu.vector_load %arg14[%get3A] {strides = array<i32>} : memref<32768xi32, #tpu.memory_space<vmem>>, vector<16xi32>,
      %ge3A = vector.broadcast %mul3A_2 : i32 to vector<16xi32>
      %ge3A_481 = arith.cmpi sge, %get3A_480, %ge3A : vector<16xi32>
      %add3A_482 = arith.constant 3128 : i32
      %add3A_483 = arith.addi %mul3A_2, %add3A_482 : i32
      %lt3A = vector.broadcast %add3A_483 : i32 to vector<16xi32>
      %lt3A_484 = arith.cmpi slt, %get3A_480, %lt3A : vector<16xi32>
      %and3A_485 = arith.andi %ge3A_481, %lt3A_484 : vector<16xi1>
      %all_reduce_population_count3A = tpu.all_reduce %and3A_485 {dim = 0 : i64, kind = #tpu.reduction_kind<sum>} : vector<16xi1> -> vector<16xi32>
      %slice3A = vector.extract_strided_slice %all_reduce_population_count3A {offsets = [0], sizes = [1], strides = [1]} : vector<16xi32> to vector<1xi32>
      %squeeze3A = vector.extract %slice3A[0] : i32 from vector<1xi32>
      %gt3A_486 = arith.constant 0 : i32
      %gt3A_487 = arith.cmpi sgt, %squeeze3A, %gt3A_486 : i32
      %convert_element_type3A_488 = arith.extui %gt3A_487 : i1 to i32
      %cond3A_489 = arith.constant 0 : i32
      %cond3A_490 = arith.cmpi ne, %convert_element_type3A_488, %cond3A_489 : i32
      scf.if %cond3A_490 {
        %shift_left3A = arith.constant 4 : i32
        %shift_left3A_492 = vector.broadcast %shift_left3A : i32 to vector<16xi32>
        %shift_left3A_493 = arith.shli %get3A_480, %shift_left3A_492 : vector<16xi32>
        %or3A = arith.ori %shift_left3A_493, %iota3A : vector<16xi32>
        %mul3A_494 = arith.constant 16 : i32
        %mul3A_495 = arith.muli %scan3A_476, %mul3A_494 : i32
        %add3A_496 = vector.broadcast %mul3A_495 : i32 to vector<16xi32>
        %add3A_497 = arith.addi %add3A_496, %iota3A : vector<16xi32>
        %masked_sort3A = arith.constant dense<true> : vector<16xi1>
        %masked_sort3A_498 = arith.constant -2147483648 : i32
        %masked_sort3A_499 = vector.broadcast %masked_sort3A_498 : i32 to vector<16xi32>
        %masked_sort3A_500 = arith.xori %or3A, %masked_sort3A_499 : vector<16xi32>
        %masked_sort3A_501, %masked_sort3A_502, %masked_sort3A_503 = tpu.sort %masked_sort3A_500, %add3A_497 masked %masked_sort3A {descending = true} : (vector<16xi32>, vector<16xi32>, vector<16xi1>) -> (vector<16xi1>, vector<16xi32>, vector<16xi32>)
        %masked_sort3A_504 = arith.xori %masked_sort3A_502, %masked_sort3A_499 : vector<16xi32>
        %shift_right_arithmetic3A = arith.constant 4 : i32
        %shift_right_arithmetic3A_505 = vector.broadcast %shift_right_arithmetic3A : i32 to vector<16xi32>
        %shift_right_arithmetic3A_506 = arith.shrsi %masked_sort3A_504, %shift_right_arithmetic3A_505 : vector<16xi32>
        %swap3A = arith.constant 0 : index
        %swap3A_507 = tpu.vector_load %arg15[%swap3A] {strides = array<i32>} : memref<16xi32, #tpu.memory_space<vmem>>, vector<16xi32>,
        tpu.vector_store %arg15[%swap3A], %shift_right_arithmetic3A_506 {strides = array<i32>} : memref<16xi32, #tpu.memory_space<vmem>>, vector<16xi32>,
        %sub3A_508 = arith.constant 1 : i32
        %sub3A_509 = vector.broadcast %sub3A_508 : i32 to vector<16xi32>
        %sub3A_510 = arith.subi %iota3A, %sub3A_509 : vector<16xi32>
        %max3A = arith.constant 0 : i32
        %max3A_511 = vector.broadcast %max3A : i32 to vector<16xi32>
        %max3A_512 = arith.maxsi %sub3A_510, %max3A_511 : vector<16xi32>
        %gather3A = tpu.vector_load_idx %arg15[%max3A_512] : memref<16xi32, #tpu.memory_space<vmem>>[vector<16xi32>], vector<16xi32>,
        %ne3A_513 = arith.cmpi ne, %shift_right_arithmetic3A_506, %gather3A : vector<16xi32>
        %eq3A_514 = arith.constant 0 : i32
        %eq3A_515 = vector.broadcast %eq3A_514 : i32 to vector<16xi32>
        %eq3A_516 = arith.cmpi eq, %iota3A, %eq3A_515 : vector<16xi32>
        %or3A_517 = arith.ori %ne3A_513, %eq3A_516 : vector<16xi1>
        %sub3A_518 = vector.broadcast %mul3A_2 : i32 to vector<16xi32>
        %sub3A_519 = arith.subi %shift_right_arithmetic3A_506, %sub3A_518 : vector<16xi32>
        %ge3A_520 = arith.constant 0 : i32
        %ge3A_521 = vector.broadcast %ge3A_520 : i32 to vector<16xi32>
        %ge3A_522 = arith.cmpi sge, %sub3A_519, %ge3A_521 : vector<16xi32>
        %and3A_523 = arith.andi %or3A_517, %ge3A_522 : vector<16xi1>
        %lt3A_524 = arith.constant 3128 : i32
        %lt3A_525 = vector.broadcast %lt3A_524 : i32 to vector<16xi32>
        %lt3A_526 = arith.cmpi slt, %sub3A_519, %lt3A_525 : vector<16xi32>
        %and3A_527 = arith.andi %and3A_523, %lt3A_526 : vector<16xi1>
        %gather3A_528 = tpu.vector_load_idx %arg16[%sub3A_519] masked %and3A_527 : memref<3200xi32, #tpu.memory_space<vmem>>[vector<16xi32>], vector<16xi32>, vector<16xi1>
        %max3A_529 = arith.maxsi %gather3A_528, %masked_sort3A_503 : vector<16xi32>
        tpu.vector_store_idx %arg16[%sub3A_519], %max3A_529 masked %and3A_527 : memref<3200xi32, #tpu.memory_space<vmem>>[vector<16xi32>], vector<16xi32>, vector<16xi1>
      } else {
      }
      %scan3A_491 = arith.constant 0 : i32
      scf.yield %scan3A_491 : i32
    }
    %scan3A_274 = arith.constant 89 : i32
    %gt3A_275 = arith.constant 15 : i32
    %gt3A_276 = arith.cmpi sgt, %select_n3A, %gt3A_275 : i32
    %convert_element_type3A_277 = arith.extui %gt3A_276 : i1 to i32
    %cond3A_278 = arith.constant 0 : i32
    %cond3A_279 = arith.cmpi ne, %convert_element_type3A_277, %cond3A_278 : i32
    scf.if %cond3A_279 {
      %add3A_476 = arith.constant 2040 : i32
      %add3A_477 = arith.addi %mul3A_2, %add3A_476 : i32
      %multiple_of3A = tpu.assume_multiple %add3A_477, 8 : i32
      %dma_wait3A_478 = arith.constant 0 : i32
      %dma_wait3A_479 = tpu.memref_slice %arg2[%multiple_of3A, %dma_wait3A_478] : memref<100000x128xf32, #tpu.memory_space<hbm>> -> memref<136x128xf32, #tpu.memory_space<hbm>>
      %dma_wait3A_480 = arith.constant 0 : i32
      %dma_wait3A_481 = tpu.memref_slice %arg2[%multiple_of3A, %dma_wait3A_480] : memref<100000x128xf32, #tpu.memory_space<hbm>> -> memref<136x128xf32, #tpu.memory_space<hbm>>
      tpu.wait_dma2 semaphore(%arg10 : memref<!tpu.dma_semaphore, #tpu.memory_space<semaphore_mem>>) src(%dma_wait3A_481 : memref<136x128xf32, #tpu.memory_space<hbm>>) dst(%arg7 : memref<136x128xf32, #tpu.memory_space<vmem>>)
      %dma_start3A = arith.constant 0 : i32
      %dma_start3A_482 = tpu.memref_slice %arg5[%multiple_of3A, %dma_start3A] : memref<100000x128xf32, #tpu.memory_space<hbm>> -> memref<136x128xf32, #tpu.memory_space<hbm>>
      %dma_start3A_483 = arith.constant 0 : i32
      %dma_start3A_484 = tpu.memref_slice %arg5[%multiple_of3A, %dma_start3A_483] : memref<100000x128xf32, #tpu.memory_space<hbm>> -> memref<136x128xf32, #tpu.memory_space<hbm>>
      tpu.enqueue_dma source(%arg7 : memref<136x128xf32, #tpu.memory_space<vmem>>) target(%dma_start3A_484 : memref<136x128xf32, #tpu.memory_space<hbm>>) target_semaphore(%arg12 : memref<!tpu.dma_semaphore, #tpu.memory_space<semaphore_mem>>)
    } else {
    }
    %gt3A_280 = arith.constant 16 : i32
    %gt3A_281 = arith.cmpi sgt, %select_n3A, %gt3A_280 : i32
    %convert_element_type3A_282 = arith.extui %gt3A_281 : i1 to i32
    %cond3A_283 = arith.constant 0 : i32
    %cond3A_284 = arith.cmpi ne, %convert_element_type3A_282, %cond3A_283 : i32
    scf.if %cond3A_284 {
      %add3A_476 = arith.constant 2176 : i32
      %add3A_477 = arith.addi %mul3A_2, %add3A_476 : i32
      %multiple_of3A = tpu.assume_multiple %add3A_477, 8 : i32
      %add3A_478 = arith.constant 1904 : i32
      %add3A_479 = arith.addi %mul3A_2, %add3A_478 : i32
      %multiple_of3A_480 = tpu.assume_multiple %add3A_479, 8 : i32
      %dma_wait3A_481 = arith.constant 0 : i32
      %dma_wait3A_482 = tpu.memref_slice %arg5[%multiple_of3A_480, %dma_wait3A_481] : memref<100000x128xf32, #tpu.memory_space<hbm>> -> memref<136x128xf32, #tpu.memory_space<hbm>>
      %dma_wait3A_483 = arith.constant 0 : i32
      %dma_wait3A_484 = tpu.memref_slice %arg5[%multiple_of3A_480, %dma_wait3A_483] : memref<100000x128xf32, #tpu.memory_space<hbm>> -> memref<136x128xf32, #tpu.memory_space<hbm>>
      tpu.wait_dma2 semaphore(%arg11 : memref<!tpu.dma_semaphore, #tpu.memory_space<semaphore_mem>>) src(%arg6 : memref<136x128xf32, #tpu.memory_space<vmem>>) dst(%dma_wait3A_484 : memref<136x128xf32, #tpu.memory_space<hbm>>)
      %dma_start3A = arith.constant 0 : i32
      %dma_start3A_485 = tpu.memref_slice %arg2[%multiple_of3A, %dma_start3A] : memref<100000x128xf32, #tpu.memory_space<hbm>> -> memref<136x128xf32, #tpu.memory_space<hbm>>
      %dma_start3A_486 = arith.constant 0 : i32
      %dma_start3A_487 = tpu.memref_slice %arg2[%multiple_of3A, %dma_start3A_486] : memref<100000x128xf32, #tpu.memory_space<hbm>> -> memref<136x128xf32, #tpu.memory_space<hbm>>
      tpu.enqueue_dma source(%dma_start3A_487 : memref<136x128xf32, #tpu.memory_space<hbm>>) target(%arg6 : memref<136x128xf32, #tpu.memory_space<vmem>>) target_semaphore(%arg9 : memref<!tpu.dma_semaphore, #tpu.memory_space<semaphore_mem>>)
    } else {
    }
    %scan3A_285 = arith.constant 0 : i32
    %scan3A_286 = arith.constant 1424 : i32
    %scan3A_287 = arith.constant 89 : i32
    %scan3A_288 = arith.addi %scan3A_286, %scan3A_287 : i32
    %scan3A_289 = arith.constant 1 : i32
    %scan3A_290 = scf.for %scan3A_476 = %scan3A_286 to %scan3A_288 step %scan3A_289 iter_args(%scan3A_477 = %scan3A_285) -> (i32)  : i32 {
      %mul3A_478 = arith.constant 16 : i32
      %mul3A_479 = arith.muli %scan3A_476, %mul3A_478 : i32
      %get3A = arith.index_cast %mul3A_479 : i32 to index
      %get3A_480 = tpu.vector_load %arg14[%get3A] {strides = array<i32>} : memref<32768xi32, #tpu.memory_space<vmem>>, vector<16xi32>,
      %ge3A = vector.broadcast %mul3A_2 : i32 to vector<16xi32>
      %ge3A_481 = arith.cmpi sge, %get3A_480, %ge3A : vector<16xi32>
      %add3A_482 = arith.constant 3128 : i32
      %add3A_483 = arith.addi %mul3A_2, %add3A_482 : i32
      %lt3A = vector.broadcast %add3A_483 : i32 to vector<16xi32>
      %lt3A_484 = arith.cmpi slt, %get3A_480, %lt3A : vector<16xi32>
      %and3A_485 = arith.andi %ge3A_481, %lt3A_484 : vector<16xi1>
      %all_reduce_population_count3A = tpu.all_reduce %and3A_485 {dim = 0 : i64, kind = #tpu.reduction_kind<sum>} : vector<16xi1> -> vector<16xi32>
      %slice3A = vector.extract_strided_slice %all_reduce_population_count3A {offsets = [0], sizes = [1], strides = [1]} : vector<16xi32> to vector<1xi32>
      %squeeze3A = vector.extract %slice3A[0] : i32 from vector<1xi32>
      %gt3A_486 = arith.constant 0 : i32
      %gt3A_487 = arith.cmpi sgt, %squeeze3A, %gt3A_486 : i32
      %convert_element_type3A_488 = arith.extui %gt3A_487 : i1 to i32
      %cond3A_489 = arith.constant 0 : i32
      %cond3A_490 = arith.cmpi ne, %convert_element_type3A_488, %cond3A_489 : i32
      scf.if %cond3A_490 {
        %shift_left3A = arith.constant 4 : i32
        %shift_left3A_492 = vector.broadcast %shift_left3A : i32 to vector<16xi32>
        %shift_left3A_493 = arith.shli %get3A_480, %shift_left3A_492 : vector<16xi32>
        %or3A = arith.ori %shift_left3A_493, %iota3A : vector<16xi32>
        %mul3A_494 = arith.constant 16 : i32
        %mul3A_495 = arith.muli %scan3A_476, %mul3A_494 : i32
        %add3A_496 = vector.broadcast %mul3A_495 : i32 to vector<16xi32>
        %add3A_497 = arith.addi %add3A_496, %iota3A : vector<16xi32>
        %masked_sort3A = arith.constant dense<true> : vector<16xi1>
        %masked_sort3A_498 = arith.constant -2147483648 : i32
        %masked_sort3A_499 = vector.broadcast %masked_sort3A_498 : i32 to vector<16xi32>
        %masked_sort3A_500 = arith.xori %or3A, %masked_sort3A_499 : vector<16xi32>
        %masked_sort3A_501, %masked_sort3A_502, %masked_sort3A_503 = tpu.sort %masked_sort3A_500, %add3A_497 masked %masked_sort3A {descending = true} : (vector<16xi32>, vector<16xi32>, vector<16xi1>) -> (vector<16xi1>, vector<16xi32>, vector<16xi32>)
        %masked_sort3A_504 = arith.xori %masked_sort3A_502, %masked_sort3A_499 : vector<16xi32>
        %shift_right_arithmetic3A = arith.constant 4 : i32
        %shift_right_arithmetic3A_505 = vector.broadcast %shift_right_arithmetic3A : i32 to vector<16xi32>
        %shift_right_arithmetic3A_506 = arith.shrsi %masked_sort3A_504, %shift_right_arithmetic3A_505 : vector<16xi32>
        %swap3A = arith.constant 0 : index
        %swap3A_507 = tpu.vector_load %arg15[%swap3A] {strides = array<i32>} : memref<16xi32, #tpu.memory_space<vmem>>, vector<16xi32>,
        tpu.vector_store %arg15[%swap3A], %shift_right_arithmetic3A_506 {strides = array<i32>} : memref<16xi32, #tpu.memory_space<vmem>>, vector<16xi32>,
        %sub3A_508 = arith.constant 1 : i32
        %sub3A_509 = vector.broadcast %sub3A_508 : i32 to vector<16xi32>
        %sub3A_510 = arith.subi %iota3A, %sub3A_509 : vector<16xi32>
        %max3A = arith.constant 0 : i32
        %max3A_511 = vector.broadcast %max3A : i32 to vector<16xi32>
        %max3A_512 = arith.maxsi %sub3A_510, %max3A_511 : vector<16xi32>
        %gather3A = tpu.vector_load_idx %arg15[%max3A_512] : memref<16xi32, #tpu.memory_space<vmem>>[vector<16xi32>], vector<16xi32>,
        %ne3A_513 = arith.cmpi ne, %shift_right_arithmetic3A_506, %gather3A : vector<16xi32>
        %eq3A_514 = arith.constant 0 : i32
        %eq3A_515 = vector.broadcast %eq3A_514 : i32 to vector<16xi32>
        %eq3A_516 = arith.cmpi eq, %iota3A, %eq3A_515 : vector<16xi32>
        %or3A_517 = arith.ori %ne3A_513, %eq3A_516 : vector<16xi1>
        %sub3A_518 = vector.broadcast %mul3A_2 : i32 to vector<16xi32>
        %sub3A_519 = arith.subi %shift_right_arithmetic3A_506, %sub3A_518 : vector<16xi32>
        %ge3A_520 = arith.constant 0 : i32
        %ge3A_521 = vector.broadcast %ge3A_520 : i32 to vector<16xi32>
        %ge3A_522 = arith.cmpi sge, %sub3A_519, %ge3A_521 : vector<16xi32>
        %and3A_523 = arith.andi %or3A_517, %ge3A_522 : vector<16xi1>
        %lt3A_524 = arith.constant 3128 : i32
        %lt3A_525 = vector.broadcast %lt3A_524 : i32 to vector<16xi32>
        %lt3A_526 = arith.cmpi slt, %sub3A_519, %lt3A_525 : vector<16xi32>
        %and3A_527 = arith.andi %and3A_523, %lt3A_526 : vector<16xi1>
        %gather3A_528 = tpu.vector_load_idx %arg16[%sub3A_519] masked %and3A_527 : memref<3200xi32, #tpu.memory_space<vmem>>[vector<16xi32>], vector<16xi32>, vector<16xi1>
        %max3A_529 = arith.maxsi %gather3A_528, %masked_sort3A_503 : vector<16xi32>
        tpu.vector_store_idx %arg16[%sub3A_519], %max3A_529 masked %and3A_527 : memref<3200xi32, #tpu.memory_space<vmem>>[vector<16xi32>], vector<16xi32>, vector<16xi1>
      } else {
      }
      %scan3A_491 = arith.constant 0 : i32
      scf.yield %scan3A_491 : i32
    }
    %scan3A_291 = arith.constant 89 : i32
    %gt3A_292 = arith.constant 16 : i32
    %gt3A_293 = arith.cmpi sgt, %select_n3A, %gt3A_292 : i32
    %convert_element_type3A_294 = arith.extui %gt3A_293 : i1 to i32
    %cond3A_295 = arith.constant 0 : i32
    %cond3A_296 = arith.cmpi ne, %convert_element_type3A_294, %cond3A_295 : i32
    scf.if %cond3A_296 {
      %add3A_476 = arith.constant 2176 : i32
      %add3A_477 = arith.addi %mul3A_2, %add3A_476 : i32
      %multiple_of3A = tpu.assume_multiple %add3A_477, 8 : i32
      %dma_wait3A_478 = arith.constant 0 : i32
      %dma_wait3A_479 = tpu.memref_slice %arg2[%multiple_of3A, %dma_wait3A_478] : memref<100000x128xf32, #tpu.memory_space<hbm>> -> memref<136x128xf32, #tpu.memory_space<hbm>>
      %dma_wait3A_480 = arith.constant 0 : i32
      %dma_wait3A_481 = tpu.memref_slice %arg2[%multiple_of3A, %dma_wait3A_480] : memref<100000x128xf32, #tpu.memory_space<hbm>> -> memref<136x128xf32, #tpu.memory_space<hbm>>
      tpu.wait_dma2 semaphore(%arg9 : memref<!tpu.dma_semaphore, #tpu.memory_space<semaphore_mem>>) src(%dma_wait3A_481 : memref<136x128xf32, #tpu.memory_space<hbm>>) dst(%arg6 : memref<136x128xf32, #tpu.memory_space<vmem>>)
      %dma_start3A = arith.constant 0 : i32
      %dma_start3A_482 = tpu.memref_slice %arg5[%multiple_of3A, %dma_start3A] : memref<100000x128xf32, #tpu.memory_space<hbm>> -> memref<136x128xf32, #tpu.memory_space<hbm>>
      %dma_start3A_483 = arith.constant 0 : i32
      %dma_start3A_484 = tpu.memref_slice %arg5[%multiple_of3A, %dma_start3A_483] : memref<100000x128xf32, #tpu.memory_space<hbm>> -> memref<136x128xf32, #tpu.memory_space<hbm>>
      tpu.enqueue_dma source(%arg6 : memref<136x128xf32, #tpu.memory_space<vmem>>) target(%dma_start3A_484 : memref<136x128xf32, #tpu.memory_space<hbm>>) target_semaphore(%arg11 : memref<!tpu.dma_semaphore, #tpu.memory_space<semaphore_mem>>)
    } else {
    }
    %gt3A_297 = arith.constant 17 : i32
    %gt3A_298 = arith.cmpi sgt, %select_n3A, %gt3A_297 : i32
    %convert_element_type3A_299 = arith.extui %gt3A_298 : i1 to i32
    %cond3A_300 = arith.constant 0 : i32
    %cond3A_301 = arith.cmpi ne, %convert_element_type3A_299, %cond3A_300 : i32
    scf.if %cond3A_301 {
      %add3A_476 = arith.constant 2312 : i32
      %add3A_477 = arith.addi %mul3A_2, %add3A_476 : i32
      %multiple_of3A = tpu.assume_multiple %add3A_477, 8 : i32
      %add3A_478 = arith.constant 2040 : i32
      %add3A_479 = arith.addi %mul3A_2, %add3A_478 : i32
      %multiple_of3A_480 = tpu.assume_multiple %add3A_479, 8 : i32
      %dma_wait3A_481 = arith.constant 0 : i32
      %dma_wait3A_482 = tpu.memref_slice %arg5[%multiple_of3A_480, %dma_wait3A_481] : memref<100000x128xf32, #tpu.memory_space<hbm>> -> memref<136x128xf32, #tpu.memory_space<hbm>>
      %dma_wait3A_483 = arith.constant 0 : i32
      %dma_wait3A_484 = tpu.memref_slice %arg5[%multiple_of3A_480, %dma_wait3A_483] : memref<100000x128xf32, #tpu.memory_space<hbm>> -> memref<136x128xf32, #tpu.memory_space<hbm>>
      tpu.wait_dma2 semaphore(%arg12 : memref<!tpu.dma_semaphore, #tpu.memory_space<semaphore_mem>>) src(%arg7 : memref<136x128xf32, #tpu.memory_space<vmem>>) dst(%dma_wait3A_484 : memref<136x128xf32, #tpu.memory_space<hbm>>)
      %dma_start3A = arith.constant 0 : i32
      %dma_start3A_485 = tpu.memref_slice %arg2[%multiple_of3A, %dma_start3A] : memref<100000x128xf32, #tpu.memory_space<hbm>> -> memref<136x128xf32, #tpu.memory_space<hbm>>
      %dma_start3A_486 = arith.constant 0 : i32
      %dma_start3A_487 = tpu.memref_slice %arg2[%multiple_of3A, %dma_start3A_486] : memref<100000x128xf32, #tpu.memory_space<hbm>> -> memref<136x128xf32, #tpu.memory_space<hbm>>
      tpu.enqueue_dma source(%dma_start3A_487 : memref<136x128xf32, #tpu.memory_space<hbm>>) target(%arg7 : memref<136x128xf32, #tpu.memory_space<vmem>>) target_semaphore(%arg10 : memref<!tpu.dma_semaphore, #tpu.memory_space<semaphore_mem>>)
    } else {
    }
    %scan3A_302 = arith.constant 0 : i32
    %scan3A_303 = arith.constant 1513 : i32
    %scan3A_304 = arith.constant 89 : i32
    %scan3A_305 = arith.addi %scan3A_303, %scan3A_304 : i32
    %scan3A_306 = arith.constant 1 : i32
    %scan3A_307 = scf.for %scan3A_476 = %scan3A_303 to %scan3A_305 step %scan3A_306 iter_args(%scan3A_477 = %scan3A_302) -> (i32)  : i32 {
      %mul3A_478 = arith.constant 16 : i32
      %mul3A_479 = arith.muli %scan3A_476, %mul3A_478 : i32
      %get3A = arith.index_cast %mul3A_479 : i32 to index
      %get3A_480 = tpu.vector_load %arg14[%get3A] {strides = array<i32>} : memref<32768xi32, #tpu.memory_space<vmem>>, vector<16xi32>,
      %ge3A = vector.broadcast %mul3A_2 : i32 to vector<16xi32>
      %ge3A_481 = arith.cmpi sge, %get3A_480, %ge3A : vector<16xi32>
      %add3A_482 = arith.constant 3128 : i32
      %add3A_483 = arith.addi %mul3A_2, %add3A_482 : i32
      %lt3A = vector.broadcast %add3A_483 : i32 to vector<16xi32>
      %lt3A_484 = arith.cmpi slt, %get3A_480, %lt3A : vector<16xi32>
      %and3A_485 = arith.andi %ge3A_481, %lt3A_484 : vector<16xi1>
      %all_reduce_population_count3A = tpu.all_reduce %and3A_485 {dim = 0 : i64, kind = #tpu.reduction_kind<sum>} : vector<16xi1> -> vector<16xi32>
      %slice3A = vector.extract_strided_slice %all_reduce_population_count3A {offsets = [0], sizes = [1], strides = [1]} : vector<16xi32> to vector<1xi32>
      %squeeze3A = vector.extract %slice3A[0] : i32 from vector<1xi32>
      %gt3A_486 = arith.constant 0 : i32
      %gt3A_487 = arith.cmpi sgt, %squeeze3A, %gt3A_486 : i32
      %convert_element_type3A_488 = arith.extui %gt3A_487 : i1 to i32
      %cond3A_489 = arith.constant 0 : i32
      %cond3A_490 = arith.cmpi ne, %convert_element_type3A_488, %cond3A_489 : i32
      scf.if %cond3A_490 {
        %shift_left3A = arith.constant 4 : i32
        %shift_left3A_492 = vector.broadcast %shift_left3A : i32 to vector<16xi32>
        %shift_left3A_493 = arith.shli %get3A_480, %shift_left3A_492 : vector<16xi32>
        %or3A = arith.ori %shift_left3A_493, %iota3A : vector<16xi32>
        %mul3A_494 = arith.constant 16 : i32
        %mul3A_495 = arith.muli %scan3A_476, %mul3A_494 : i32
        %add3A_496 = vector.broadcast %mul3A_495 : i32 to vector<16xi32>
        %add3A_497 = arith.addi %add3A_496, %iota3A : vector<16xi32>
        %masked_sort3A = arith.constant dense<true> : vector<16xi1>
        %masked_sort3A_498 = arith.constant -2147483648 : i32
        %masked_sort3A_499 = vector.broadcast %masked_sort3A_498 : i32 to vector<16xi32>
        %masked_sort3A_500 = arith.xori %or3A, %masked_sort3A_499 : vector<16xi32>
        %masked_sort3A_501, %masked_sort3A_502, %masked_sort3A_503 = tpu.sort %masked_sort3A_500, %add3A_497 masked %masked_sort3A {descending = true} : (vector<16xi32>, vector<16xi32>, vector<16xi1>) -> (vector<16xi1>, vector<16xi32>, vector<16xi32>)
        %masked_sort3A_504 = arith.xori %masked_sort3A_502, %masked_sort3A_499 : vector<16xi32>
        %shift_right_arithmetic3A = arith.constant 4 : i32
        %shift_right_arithmetic3A_505 = vector.broadcast %shift_right_arithmetic3A : i32 to vector<16xi32>
        %shift_right_arithmetic3A_506 = arith.shrsi %masked_sort3A_504, %shift_right_arithmetic3A_505 : vector<16xi32>
        %swap3A = arith.constant 0 : index
        %swap3A_507 = tpu.vector_load %arg15[%swap3A] {strides = array<i32>} : memref<16xi32, #tpu.memory_space<vmem>>, vector<16xi32>,
        tpu.vector_store %arg15[%swap3A], %shift_right_arithmetic3A_506 {strides = array<i32>} : memref<16xi32, #tpu.memory_space<vmem>>, vector<16xi32>,
        %sub3A_508 = arith.constant 1 : i32
        %sub3A_509 = vector.broadcast %sub3A_508 : i32 to vector<16xi32>
        %sub3A_510 = arith.subi %iota3A, %sub3A_509 : vector<16xi32>
        %max3A = arith.constant 0 : i32
        %max3A_511 = vector.broadcast %max3A : i32 to vector<16xi32>
        %max3A_512 = arith.maxsi %sub3A_510, %max3A_511 : vector<16xi32>
        %gather3A = tpu.vector_load_idx %arg15[%max3A_512] : memref<16xi32, #tpu.memory_space<vmem>>[vector<16xi32>], vector<16xi32>,
        %ne3A_513 = arith.cmpi ne, %shift_right_arithmetic3A_506, %gather3A : vector<16xi32>
        %eq3A_514 = arith.constant 0 : i32
        %eq3A_515 = vector.broadcast %eq3A_514 : i32 to vector<16xi32>
        %eq3A_516 = arith.cmpi eq, %iota3A, %eq3A_515 : vector<16xi32>
        %or3A_517 = arith.ori %ne3A_513, %eq3A_516 : vector<16xi1>
        %sub3A_518 = vector.broadcast %mul3A_2 : i32 to vector<16xi32>
        %sub3A_519 = arith.subi %shift_right_arithmetic3A_506, %sub3A_518 : vector<16xi32>
        %ge3A_520 = arith.constant 0 : i32
        %ge3A_521 = vector.broadcast %ge3A_520 : i32 to vector<16xi32>
        %ge3A_522 = arith.cmpi sge, %sub3A_519, %ge3A_521 : vector<16xi32>
        %and3A_523 = arith.andi %or3A_517, %ge3A_522 : vector<16xi1>
        %lt3A_524 = arith.constant 3128 : i32
        %lt3A_525 = vector.broadcast %lt3A_524 : i32 to vector<16xi32>
        %lt3A_526 = arith.cmpi slt, %sub3A_519, %lt3A_525 : vector<16xi32>
        %and3A_527 = arith.andi %and3A_523, %lt3A_526 : vector<16xi1>
        %gather3A_528 = tpu.vector_load_idx %arg16[%sub3A_519] masked %and3A_527 : memref<3200xi32, #tpu.memory_space<vmem>>[vector<16xi32>], vector<16xi32>, vector<16xi1>
        %max3A_529 = arith.maxsi %gather3A_528, %masked_sort3A_503 : vector<16xi32>
        tpu.vector_store_idx %arg16[%sub3A_519], %max3A_529 masked %and3A_527 : memref<3200xi32, #tpu.memory_space<vmem>>[vector<16xi32>], vector<16xi32>, vector<16xi1>
      } else {
      }
      %scan3A_491 = arith.constant 0 : i32
      scf.yield %scan3A_491 : i32
    }
    %scan3A_308 = arith.constant 89 : i32
    %gt3A_309 = arith.constant 17 : i32
    %gt3A_310 = arith.cmpi sgt, %select_n3A, %gt3A_309 : i32
    %convert_element_type3A_311 = arith.extui %gt3A_310 : i1 to i32
    %cond3A_312 = arith.constant 0 : i32
    %cond3A_313 = arith.cmpi ne, %convert_element_type3A_311, %cond3A_312 : i32
    scf.if %cond3A_313 {
      %add3A_476 = arith.constant 2312 : i32
      %add3A_477 = arith.addi %mul3A_2, %add3A_476 : i32
      %multiple_of3A = tpu.assume_multiple %add3A_477, 8 : i32
      %dma_wait3A_478 = arith.constant 0 : i32
      %dma_wait3A_479 = tpu.memref_slice %arg2[%multiple_of3A, %dma_wait3A_478] : memref<100000x128xf32, #tpu.memory_space<hbm>> -> memref<136x128xf32, #tpu.memory_space<hbm>>
      %dma_wait3A_480 = arith.constant 0 : i32
      %dma_wait3A_481 = tpu.memref_slice %arg2[%multiple_of3A, %dma_wait3A_480] : memref<100000x128xf32, #tpu.memory_space<hbm>> -> memref<136x128xf32, #tpu.memory_space<hbm>>
      tpu.wait_dma2 semaphore(%arg10 : memref<!tpu.dma_semaphore, #tpu.memory_space<semaphore_mem>>) src(%dma_wait3A_481 : memref<136x128xf32, #tpu.memory_space<hbm>>) dst(%arg7 : memref<136x128xf32, #tpu.memory_space<vmem>>)
      %dma_start3A = arith.constant 0 : i32
      %dma_start3A_482 = tpu.memref_slice %arg5[%multiple_of3A, %dma_start3A] : memref<100000x128xf32, #tpu.memory_space<hbm>> -> memref<136x128xf32, #tpu.memory_space<hbm>>
      %dma_start3A_483 = arith.constant 0 : i32
      %dma_start3A_484 = tpu.memref_slice %arg5[%multiple_of3A, %dma_start3A_483] : memref<100000x128xf32, #tpu.memory_space<hbm>> -> memref<136x128xf32, #tpu.memory_space<hbm>>
      tpu.enqueue_dma source(%arg7 : memref<136x128xf32, #tpu.memory_space<vmem>>) target(%dma_start3A_484 : memref<136x128xf32, #tpu.memory_space<hbm>>) target_semaphore(%arg12 : memref<!tpu.dma_semaphore, #tpu.memory_space<semaphore_mem>>)
    } else {
    }
    %gt3A_314 = arith.constant 18 : i32
    %gt3A_315 = arith.cmpi sgt, %select_n3A, %gt3A_314 : i32
    %convert_element_type3A_316 = arith.extui %gt3A_315 : i1 to i32
    %cond3A_317 = arith.constant 0 : i32
    %cond3A_318 = arith.cmpi ne, %convert_element_type3A_316, %cond3A_317 : i32
    scf.if %cond3A_318 {
      %add3A_476 = arith.constant 2448 : i32
      %add3A_477 = arith.addi %mul3A_2, %add3A_476 : i32
      %multiple_of3A = tpu.assume_multiple %add3A_477, 8 : i32
      %add3A_478 = arith.constant 2176 : i32
      %add3A_479 = arith.addi %mul3A_2, %add3A_478 : i32
      %multiple_of3A_480 = tpu.assume_multiple %add3A_479, 8 : i32
      %dma_wait3A_481 = arith.constant 0 : i32
      %dma_wait3A_482 = tpu.memref_slice %arg5[%multiple_of3A_480, %dma_wait3A_481] : memref<100000x128xf32, #tpu.memory_space<hbm>> -> memref<136x128xf32, #tpu.memory_space<hbm>>
      %dma_wait3A_483 = arith.constant 0 : i32
      %dma_wait3A_484 = tpu.memref_slice %arg5[%multiple_of3A_480, %dma_wait3A_483] : memref<100000x128xf32, #tpu.memory_space<hbm>> -> memref<136x128xf32, #tpu.memory_space<hbm>>
      tpu.wait_dma2 semaphore(%arg11 : memref<!tpu.dma_semaphore, #tpu.memory_space<semaphore_mem>>) src(%arg6 : memref<136x128xf32, #tpu.memory_space<vmem>>) dst(%dma_wait3A_484 : memref<136x128xf32, #tpu.memory_space<hbm>>)
      %dma_start3A = arith.constant 0 : i32
      %dma_start3A_485 = tpu.memref_slice %arg2[%multiple_of3A, %dma_start3A] : memref<100000x128xf32, #tpu.memory_space<hbm>> -> memref<136x128xf32, #tpu.memory_space<hbm>>
      %dma_start3A_486 = arith.constant 0 : i32
      %dma_start3A_487 = tpu.memref_slice %arg2[%multiple_of3A, %dma_start3A_486] : memref<100000x128xf32, #tpu.memory_space<hbm>> -> memref<136x128xf32, #tpu.memory_space<hbm>>
      tpu.enqueue_dma source(%dma_start3A_487 : memref<136x128xf32, #tpu.memory_space<hbm>>) target(%arg6 : memref<136x128xf32, #tpu.memory_space<vmem>>) target_semaphore(%arg9 : memref<!tpu.dma_semaphore, #tpu.memory_space<semaphore_mem>>)
    } else {
    }
    %scan3A_319 = arith.constant 0 : i32
    %scan3A_320 = arith.constant 1602 : i32
    %scan3A_321 = arith.constant 89 : i32
    %scan3A_322 = arith.addi %scan3A_320, %scan3A_321 : i32
    %scan3A_323 = arith.constant 1 : i32
    %scan3A_324 = scf.for %scan3A_476 = %scan3A_320 to %scan3A_322 step %scan3A_323 iter_args(%scan3A_477 = %scan3A_319) -> (i32)  : i32 {
      %mul3A_478 = arith.constant 16 : i32
      %mul3A_479 = arith.muli %scan3A_476, %mul3A_478 : i32
      %get3A = arith.index_cast %mul3A_479 : i32 to index
      %get3A_480 = tpu.vector_load %arg14[%get3A] {strides = array<i32>} : memref<32768xi32, #tpu.memory_space<vmem>>, vector<16xi32>,
      %ge3A = vector.broadcast %mul3A_2 : i32 to vector<16xi32>
      %ge3A_481 = arith.cmpi sge, %get3A_480, %ge3A : vector<16xi32>
      %add3A_482 = arith.constant 3128 : i32
      %add3A_483 = arith.addi %mul3A_2, %add3A_482 : i32
      %lt3A = vector.broadcast %add3A_483 : i32 to vector<16xi32>
      %lt3A_484 = arith.cmpi slt, %get3A_480, %lt3A : vector<16xi32>
      %and3A_485 = arith.andi %ge3A_481, %lt3A_484 : vector<16xi1>
      %all_reduce_population_count3A = tpu.all_reduce %and3A_485 {dim = 0 : i64, kind = #tpu.reduction_kind<sum>} : vector<16xi1> -> vector<16xi32>
      %slice3A = vector.extract_strided_slice %all_reduce_population_count3A {offsets = [0], sizes = [1], strides = [1]} : vector<16xi32> to vector<1xi32>
      %squeeze3A = vector.extract %slice3A[0] : i32 from vector<1xi32>
      %gt3A_486 = arith.constant 0 : i32
      %gt3A_487 = arith.cmpi sgt, %squeeze3A, %gt3A_486 : i32
      %convert_element_type3A_488 = arith.extui %gt3A_487 : i1 to i32
      %cond3A_489 = arith.constant 0 : i32
      %cond3A_490 = arith.cmpi ne, %convert_element_type3A_488, %cond3A_489 : i32
      scf.if %cond3A_490 {
        %shift_left3A = arith.constant 4 : i32
        %shift_left3A_492 = vector.broadcast %shift_left3A : i32 to vector<16xi32>
        %shift_left3A_493 = arith.shli %get3A_480, %shift_left3A_492 : vector<16xi32>
        %or3A = arith.ori %shift_left3A_493, %iota3A : vector<16xi32>
        %mul3A_494 = arith.constant 16 : i32
        %mul3A_495 = arith.muli %scan3A_476, %mul3A_494 : i32
        %add3A_496 = vector.broadcast %mul3A_495 : i32 to vector<16xi32>
        %add3A_497 = arith.addi %add3A_496, %iota3A : vector<16xi32>
        %masked_sort3A = arith.constant dense<true> : vector<16xi1>
        %masked_sort3A_498 = arith.constant -2147483648 : i32
        %masked_sort3A_499 = vector.broadcast %masked_sort3A_498 : i32 to vector<16xi32>
        %masked_sort3A_500 = arith.xori %or3A, %masked_sort3A_499 : vector<16xi32>
        %masked_sort3A_501, %masked_sort3A_502, %masked_sort3A_503 = tpu.sort %masked_sort3A_500, %add3A_497 masked %masked_sort3A {descending = true} : (vector<16xi32>, vector<16xi32>, vector<16xi1>) -> (vector<16xi1>, vector<16xi32>, vector<16xi32>)
        %masked_sort3A_504 = arith.xori %masked_sort3A_502, %masked_sort3A_499 : vector<16xi32>
        %shift_right_arithmetic3A = arith.constant 4 : i32
        %shift_right_arithmetic3A_505 = vector.broadcast %shift_right_arithmetic3A : i32 to vector<16xi32>
        %shift_right_arithmetic3A_506 = arith.shrsi %masked_sort3A_504, %shift_right_arithmetic3A_505 : vector<16xi32>
        %swap3A = arith.constant 0 : index
        %swap3A_507 = tpu.vector_load %arg15[%swap3A] {strides = array<i32>} : memref<16xi32, #tpu.memory_space<vmem>>, vector<16xi32>,
        tpu.vector_store %arg15[%swap3A], %shift_right_arithmetic3A_506 {strides = array<i32>} : memref<16xi32, #tpu.memory_space<vmem>>, vector<16xi32>,
        %sub3A_508 = arith.constant 1 : i32
        %sub3A_509 = vector.broadcast %sub3A_508 : i32 to vector<16xi32>
        %sub3A_510 = arith.subi %iota3A, %sub3A_509 : vector<16xi32>
        %max3A = arith.constant 0 : i32
        %max3A_511 = vector.broadcast %max3A : i32 to vector<16xi32>
        %max3A_512 = arith.maxsi %sub3A_510, %max3A_511 : vector<16xi32>
        %gather3A = tpu.vector_load_idx %arg15[%max3A_512] : memref<16xi32, #tpu.memory_space<vmem>>[vector<16xi32>], vector<16xi32>,
        %ne3A_513 = arith.cmpi ne, %shift_right_arithmetic3A_506, %gather3A : vector<16xi32>
        %eq3A_514 = arith.constant 0 : i32
        %eq3A_515 = vector.broadcast %eq3A_514 : i32 to vector<16xi32>
        %eq3A_516 = arith.cmpi eq, %iota3A, %eq3A_515 : vector<16xi32>
        %or3A_517 = arith.ori %ne3A_513, %eq3A_516 : vector<16xi1>
        %sub3A_518 = vector.broadcast %mul3A_2 : i32 to vector<16xi32>
        %sub3A_519 = arith.subi %shift_right_arithmetic3A_506, %sub3A_518 : vector<16xi32>
        %ge3A_520 = arith.constant 0 : i32
        %ge3A_521 = vector.broadcast %ge3A_520 : i32 to vector<16xi32>
        %ge3A_522 = arith.cmpi sge, %sub3A_519, %ge3A_521 : vector<16xi32>
        %and3A_523 = arith.andi %or3A_517, %ge3A_522 : vector<16xi1>
        %lt3A_524 = arith.constant 3128 : i32
        %lt3A_525 = vector.broadcast %lt3A_524 : i32 to vector<16xi32>
        %lt3A_526 = arith.cmpi slt, %sub3A_519, %lt3A_525 : vector<16xi32>
        %and3A_527 = arith.andi %and3A_523, %lt3A_526 : vector<16xi1>
        %gather3A_528 = tpu.vector_load_idx %arg16[%sub3A_519] masked %and3A_527 : memref<3200xi32, #tpu.memory_space<vmem>>[vector<16xi32>], vector<16xi32>, vector<16xi1>
        %max3A_529 = arith.maxsi %gather3A_528, %masked_sort3A_503 : vector<16xi32>
        tpu.vector_store_idx %arg16[%sub3A_519], %max3A_529 masked %and3A_527 : memref<3200xi32, #tpu.memory_space<vmem>>[vector<16xi32>], vector<16xi32>, vector<16xi1>
      } else {
      }
      %scan3A_491 = arith.constant 0 : i32
      scf.yield %scan3A_491 : i32
    }
    %scan3A_325 = arith.constant 89 : i32
    %gt3A_326 = arith.constant 18 : i32
    %gt3A_327 = arith.cmpi sgt, %select_n3A, %gt3A_326 : i32
    %convert_element_type3A_328 = arith.extui %gt3A_327 : i1 to i32
    %cond3A_329 = arith.constant 0 : i32
    %cond3A_330 = arith.cmpi ne, %convert_element_type3A_328, %cond3A_329 : i32
    scf.if %cond3A_330 {
      %add3A_476 = arith.constant 2448 : i32
      %add3A_477 = arith.addi %mul3A_2, %add3A_476 : i32
      %multiple_of3A = tpu.assume_multiple %add3A_477, 8 : i32
      %dma_wait3A_478 = arith.constant 0 : i32
      %dma_wait3A_479 = tpu.memref_slice %arg2[%multiple_of3A, %dma_wait3A_478] : memref<100000x128xf32, #tpu.memory_space<hbm>> -> memref<136x128xf32, #tpu.memory_space<hbm>>
      %dma_wait3A_480 = arith.constant 0 : i32
      %dma_wait3A_481 = tpu.memref_slice %arg2[%multiple_of3A, %dma_wait3A_480] : memref<100000x128xf32, #tpu.memory_space<hbm>> -> memref<136x128xf32, #tpu.memory_space<hbm>>
      tpu.wait_dma2 semaphore(%arg9 : memref<!tpu.dma_semaphore, #tpu.memory_space<semaphore_mem>>) src(%dma_wait3A_481 : memref<136x128xf32, #tpu.memory_space<hbm>>) dst(%arg6 : memref<136x128xf32, #tpu.memory_space<vmem>>)
      %dma_start3A = arith.constant 0 : i32
      %dma_start3A_482 = tpu.memref_slice %arg5[%multiple_of3A, %dma_start3A] : memref<100000x128xf32, #tpu.memory_space<hbm>> -> memref<136x128xf32, #tpu.memory_space<hbm>>
      %dma_start3A_483 = arith.constant 0 : i32
      %dma_start3A_484 = tpu.memref_slice %arg5[%multiple_of3A, %dma_start3A_483] : memref<100000x128xf32, #tpu.memory_space<hbm>> -> memref<136x128xf32, #tpu.memory_space<hbm>>
      tpu.enqueue_dma source(%arg6 : memref<136x128xf32, #tpu.memory_space<vmem>>) target(%dma_start3A_484 : memref<136x128xf32, #tpu.memory_space<hbm>>) target_semaphore(%arg11 : memref<!tpu.dma_semaphore, #tpu.memory_space<semaphore_mem>>)
    } else {
    }
    %gt3A_331 = arith.constant 19 : i32
    %gt3A_332 = arith.cmpi sgt, %select_n3A, %gt3A_331 : i32
    %convert_element_type3A_333 = arith.extui %gt3A_332 : i1 to i32
    %cond3A_334 = arith.constant 0 : i32
    %cond3A_335 = arith.cmpi ne, %convert_element_type3A_333, %cond3A_334 : i32
    scf.if %cond3A_335 {
      %add3A_476 = arith.constant 2584 : i32
      %add3A_477 = arith.addi %mul3A_2, %add3A_476 : i32
      %multiple_of3A = tpu.assume_multiple %add3A_477, 8 : i32
      %add3A_478 = arith.constant 2312 : i32
      %add3A_479 = arith.addi %mul3A_2, %add3A_478 : i32
      %multiple_of3A_480 = tpu.assume_multiple %add3A_479, 8 : i32
      %dma_wait3A_481 = arith.constant 0 : i32
      %dma_wait3A_482 = tpu.memref_slice %arg5[%multiple_of3A_480, %dma_wait3A_481] : memref<100000x128xf32, #tpu.memory_space<hbm>> -> memref<136x128xf32, #tpu.memory_space<hbm>>
      %dma_wait3A_483 = arith.constant 0 : i32
      %dma_wait3A_484 = tpu.memref_slice %arg5[%multiple_of3A_480, %dma_wait3A_483] : memref<100000x128xf32, #tpu.memory_space<hbm>> -> memref<136x128xf32, #tpu.memory_space<hbm>>
      tpu.wait_dma2 semaphore(%arg12 : memref<!tpu.dma_semaphore, #tpu.memory_space<semaphore_mem>>) src(%arg7 : memref<136x128xf32, #tpu.memory_space<vmem>>) dst(%dma_wait3A_484 : memref<136x128xf32, #tpu.memory_space<hbm>>)
      %dma_start3A = arith.constant 0 : i32
      %dma_start3A_485 = tpu.memref_slice %arg2[%multiple_of3A, %dma_start3A] : memref<100000x128xf32, #tpu.memory_space<hbm>> -> memref<136x128xf32, #tpu.memory_space<hbm>>
      %dma_start3A_486 = arith.constant 0 : i32
      %dma_start3A_487 = tpu.memref_slice %arg2[%multiple_of3A, %dma_start3A_486] : memref<100000x128xf32, #tpu.memory_space<hbm>> -> memref<136x128xf32, #tpu.memory_space<hbm>>
      tpu.enqueue_dma source(%dma_start3A_487 : memref<136x128xf32, #tpu.memory_space<hbm>>) target(%arg7 : memref<136x128xf32, #tpu.memory_space<vmem>>) target_semaphore(%arg10 : memref<!tpu.dma_semaphore, #tpu.memory_space<semaphore_mem>>)
    } else {
    }
    %scan3A_336 = arith.constant 0 : i32
    %scan3A_337 = arith.constant 1691 : i32
    %scan3A_338 = arith.constant 89 : i32
    %scan3A_339 = arith.addi %scan3A_337, %scan3A_338 : i32
    %scan3A_340 = arith.constant 1 : i32
    %scan3A_341 = scf.for %scan3A_476 = %scan3A_337 to %scan3A_339 step %scan3A_340 iter_args(%scan3A_477 = %scan3A_336) -> (i32)  : i32 {
      %mul3A_478 = arith.constant 16 : i32
      %mul3A_479 = arith.muli %scan3A_476, %mul3A_478 : i32
      %get3A = arith.index_cast %mul3A_479 : i32 to index
      %get3A_480 = tpu.vector_load %arg14[%get3A] {strides = array<i32>} : memref<32768xi32, #tpu.memory_space<vmem>>, vector<16xi32>,
      %ge3A = vector.broadcast %mul3A_2 : i32 to vector<16xi32>
      %ge3A_481 = arith.cmpi sge, %get3A_480, %ge3A : vector<16xi32>
      %add3A_482 = arith.constant 3128 : i32
      %add3A_483 = arith.addi %mul3A_2, %add3A_482 : i32
      %lt3A = vector.broadcast %add3A_483 : i32 to vector<16xi32>
      %lt3A_484 = arith.cmpi slt, %get3A_480, %lt3A : vector<16xi32>
      %and3A_485 = arith.andi %ge3A_481, %lt3A_484 : vector<16xi1>
      %all_reduce_population_count3A = tpu.all_reduce %and3A_485 {dim = 0 : i64, kind = #tpu.reduction_kind<sum>} : vector<16xi1> -> vector<16xi32>
      %slice3A = vector.extract_strided_slice %all_reduce_population_count3A {offsets = [0], sizes = [1], strides = [1]} : vector<16xi32> to vector<1xi32>
      %squeeze3A = vector.extract %slice3A[0] : i32 from vector<1xi32>
      %gt3A_486 = arith.constant 0 : i32
      %gt3A_487 = arith.cmpi sgt, %squeeze3A, %gt3A_486 : i32
      %convert_element_type3A_488 = arith.extui %gt3A_487 : i1 to i32
      %cond3A_489 = arith.constant 0 : i32
      %cond3A_490 = arith.cmpi ne, %convert_element_type3A_488, %cond3A_489 : i32
      scf.if %cond3A_490 {
        %shift_left3A = arith.constant 4 : i32
        %shift_left3A_492 = vector.broadcast %shift_left3A : i32 to vector<16xi32>
        %shift_left3A_493 = arith.shli %get3A_480, %shift_left3A_492 : vector<16xi32>
        %or3A = arith.ori %shift_left3A_493, %iota3A : vector<16xi32>
        %mul3A_494 = arith.constant 16 : i32
        %mul3A_495 = arith.muli %scan3A_476, %mul3A_494 : i32
        %add3A_496 = vector.broadcast %mul3A_495 : i32 to vector<16xi32>
        %add3A_497 = arith.addi %add3A_496, %iota3A : vector<16xi32>
        %masked_sort3A = arith.constant dense<true> : vector<16xi1>
        %masked_sort3A_498 = arith.constant -2147483648 : i32
        %masked_sort3A_499 = vector.broadcast %masked_sort3A_498 : i32 to vector<16xi32>
        %masked_sort3A_500 = arith.xori %or3A, %masked_sort3A_499 : vector<16xi32>
        %masked_sort3A_501, %masked_sort3A_502, %masked_sort3A_503 = tpu.sort %masked_sort3A_500, %add3A_497 masked %masked_sort3A {descending = true} : (vector<16xi32>, vector<16xi32>, vector<16xi1>) -> (vector<16xi1>, vector<16xi32>, vector<16xi32>)
        %masked_sort3A_504 = arith.xori %masked_sort3A_502, %masked_sort3A_499 : vector<16xi32>
        %shift_right_arithmetic3A = arith.constant 4 : i32
        %shift_right_arithmetic3A_505 = vector.broadcast %shift_right_arithmetic3A : i32 to vector<16xi32>
        %shift_right_arithmetic3A_506 = arith.shrsi %masked_sort3A_504, %shift_right_arithmetic3A_505 : vector<16xi32>
        %swap3A = arith.constant 0 : index
        %swap3A_507 = tpu.vector_load %arg15[%swap3A] {strides = array<i32>} : memref<16xi32, #tpu.memory_space<vmem>>, vector<16xi32>,
        tpu.vector_store %arg15[%swap3A], %shift_right_arithmetic3A_506 {strides = array<i32>} : memref<16xi32, #tpu.memory_space<vmem>>, vector<16xi32>,
        %sub3A_508 = arith.constant 1 : i32
        %sub3A_509 = vector.broadcast %sub3A_508 : i32 to vector<16xi32>
        %sub3A_510 = arith.subi %iota3A, %sub3A_509 : vector<16xi32>
        %max3A = arith.constant 0 : i32
        %max3A_511 = vector.broadcast %max3A : i32 to vector<16xi32>
        %max3A_512 = arith.maxsi %sub3A_510, %max3A_511 : vector<16xi32>
        %gather3A = tpu.vector_load_idx %arg15[%max3A_512] : memref<16xi32, #tpu.memory_space<vmem>>[vector<16xi32>], vector<16xi32>,
        %ne3A_513 = arith.cmpi ne, %shift_right_arithmetic3A_506, %gather3A : vector<16xi32>
        %eq3A_514 = arith.constant 0 : i32
        %eq3A_515 = vector.broadcast %eq3A_514 : i32 to vector<16xi32>
        %eq3A_516 = arith.cmpi eq, %iota3A, %eq3A_515 : vector<16xi32>
        %or3A_517 = arith.ori %ne3A_513, %eq3A_516 : vector<16xi1>
        %sub3A_518 = vector.broadcast %mul3A_2 : i32 to vector<16xi32>
        %sub3A_519 = arith.subi %shift_right_arithmetic3A_506, %sub3A_518 : vector<16xi32>
        %ge3A_520 = arith.constant 0 : i32
        %ge3A_521 = vector.broadcast %ge3A_520 : i32 to vector<16xi32>
        %ge3A_522 = arith.cmpi sge, %sub3A_519, %ge3A_521 : vector<16xi32>
        %and3A_523 = arith.andi %or3A_517, %ge3A_522 : vector<16xi1>
        %lt3A_524 = arith.constant 3128 : i32
        %lt3A_525 = vector.broadcast %lt3A_524 : i32 to vector<16xi32>
        %lt3A_526 = arith.cmpi slt, %sub3A_519, %lt3A_525 : vector<16xi32>
        %and3A_527 = arith.andi %and3A_523, %lt3A_526 : vector<16xi1>
        %gather3A_528 = tpu.vector_load_idx %arg16[%sub3A_519] masked %and3A_527 : memref<3200xi32, #tpu.memory_space<vmem>>[vector<16xi32>], vector<16xi32>, vector<16xi1>
        %max3A_529 = arith.maxsi %gather3A_528, %masked_sort3A_503 : vector<16xi32>
        tpu.vector_store_idx %arg16[%sub3A_519], %max3A_529 masked %and3A_527 : memref<3200xi32, #tpu.memory_space<vmem>>[vector<16xi32>], vector<16xi32>, vector<16xi1>
      } else {
      }
      %scan3A_491 = arith.constant 0 : i32
      scf.yield %scan3A_491 : i32
    }
    %scan3A_342 = arith.constant 89 : i32
    %gt3A_343 = arith.constant 19 : i32
    %gt3A_344 = arith.cmpi sgt, %select_n3A, %gt3A_343 : i32
    %convert_element_type3A_345 = arith.extui %gt3A_344 : i1 to i32
    %cond3A_346 = arith.constant 0 : i32
    %cond3A_347 = arith.cmpi ne, %convert_element_type3A_345, %cond3A_346 : i32
    scf.if %cond3A_347 {
      %add3A_476 = arith.constant 2584 : i32
      %add3A_477 = arith.addi %mul3A_2, %add3A_476 : i32
      %multiple_of3A = tpu.assume_multiple %add3A_477, 8 : i32
      %dma_wait3A_478 = arith.constant 0 : i32
      %dma_wait3A_479 = tpu.memref_slice %arg2[%multiple_of3A, %dma_wait3A_478] : memref<100000x128xf32, #tpu.memory_space<hbm>> -> memref<136x128xf32, #tpu.memory_space<hbm>>
      %dma_wait3A_480 = arith.constant 0 : i32
      %dma_wait3A_481 = tpu.memref_slice %arg2[%multiple_of3A, %dma_wait3A_480] : memref<100000x128xf32, #tpu.memory_space<hbm>> -> memref<136x128xf32, #tpu.memory_space<hbm>>
      tpu.wait_dma2 semaphore(%arg10 : memref<!tpu.dma_semaphore, #tpu.memory_space<semaphore_mem>>) src(%dma_wait3A_481 : memref<136x128xf32, #tpu.memory_space<hbm>>) dst(%arg7 : memref<136x128xf32, #tpu.memory_space<vmem>>)
      %dma_start3A = arith.constant 0 : i32
      %dma_start3A_482 = tpu.memref_slice %arg5[%multiple_of3A, %dma_start3A] : memref<100000x128xf32, #tpu.memory_space<hbm>> -> memref<136x128xf32, #tpu.memory_space<hbm>>
      %dma_start3A_483 = arith.constant 0 : i32
      %dma_start3A_484 = tpu.memref_slice %arg5[%multiple_of3A, %dma_start3A_483] : memref<100000x128xf32, #tpu.memory_space<hbm>> -> memref<136x128xf32, #tpu.memory_space<hbm>>
      tpu.enqueue_dma source(%arg7 : memref<136x128xf32, #tpu.memory_space<vmem>>) target(%dma_start3A_484 : memref<136x128xf32, #tpu.memory_space<hbm>>) target_semaphore(%arg12 : memref<!tpu.dma_semaphore, #tpu.memory_space<semaphore_mem>>)
    } else {
    }
    %gt3A_348 = arith.constant 20 : i32
    %gt3A_349 = arith.cmpi sgt, %select_n3A, %gt3A_348 : i32
    %convert_element_type3A_350 = arith.extui %gt3A_349 : i1 to i32
    %cond3A_351 = arith.constant 0 : i32
    %cond3A_352 = arith.cmpi ne, %convert_element_type3A_350, %cond3A_351 : i32
    scf.if %cond3A_352 {
      %add3A_476 = arith.constant 2720 : i32
      %add3A_477 = arith.addi %mul3A_2, %add3A_476 : i32
      %multiple_of3A = tpu.assume_multiple %add3A_477, 8 : i32
      %add3A_478 = arith.constant 2448 : i32
      %add3A_479 = arith.addi %mul3A_2, %add3A_478 : i32
      %multiple_of3A_480 = tpu.assume_multiple %add3A_479, 8 : i32
      %dma_wait3A_481 = arith.constant 0 : i32
      %dma_wait3A_482 = tpu.memref_slice %arg5[%multiple_of3A_480, %dma_wait3A_481] : memref<100000x128xf32, #tpu.memory_space<hbm>> -> memref<136x128xf32, #tpu.memory_space<hbm>>
      %dma_wait3A_483 = arith.constant 0 : i32
      %dma_wait3A_484 = tpu.memref_slice %arg5[%multiple_of3A_480, %dma_wait3A_483] : memref<100000x128xf32, #tpu.memory_space<hbm>> -> memref<136x128xf32, #tpu.memory_space<hbm>>
      tpu.wait_dma2 semaphore(%arg11 : memref<!tpu.dma_semaphore, #tpu.memory_space<semaphore_mem>>) src(%arg6 : memref<136x128xf32, #tpu.memory_space<vmem>>) dst(%dma_wait3A_484 : memref<136x128xf32, #tpu.memory_space<hbm>>)
      %dma_start3A = arith.constant 0 : i32
      %dma_start3A_485 = tpu.memref_slice %arg2[%multiple_of3A, %dma_start3A] : memref<100000x128xf32, #tpu.memory_space<hbm>> -> memref<136x128xf32, #tpu.memory_space<hbm>>
      %dma_start3A_486 = arith.constant 0 : i32
      %dma_start3A_487 = tpu.memref_slice %arg2[%multiple_of3A, %dma_start3A_486] : memref<100000x128xf32, #tpu.memory_space<hbm>> -> memref<136x128xf32, #tpu.memory_space<hbm>>
      tpu.enqueue_dma source(%dma_start3A_487 : memref<136x128xf32, #tpu.memory_space<hbm>>) target(%arg6 : memref<136x128xf32, #tpu.memory_space<vmem>>) target_semaphore(%arg9 : memref<!tpu.dma_semaphore, #tpu.memory_space<semaphore_mem>>)
    } else {
    }
    %scan3A_353 = arith.constant 0 : i32
    %scan3A_354 = arith.constant 1780 : i32
    %scan3A_355 = arith.constant 89 : i32
    %scan3A_356 = arith.addi %scan3A_354, %scan3A_355 : i32
    %scan3A_357 = arith.constant 1 : i32
    %scan3A_358 = scf.for %scan3A_476 = %scan3A_354 to %scan3A_356 step %scan3A_357 iter_args(%scan3A_477 = %scan3A_353) -> (i32)  : i32 {
      %mul3A_478 = arith.constant 16 : i32
      %mul3A_479 = arith.muli %scan3A_476, %mul3A_478 : i32
      %get3A = arith.index_cast %mul3A_479 : i32 to index
      %get3A_480 = tpu.vector_load %arg14[%get3A] {strides = array<i32>} : memref<32768xi32, #tpu.memory_space<vmem>>, vector<16xi32>,
      %ge3A = vector.broadcast %mul3A_2 : i32 to vector<16xi32>
      %ge3A_481 = arith.cmpi sge, %get3A_480, %ge3A : vector<16xi32>
      %add3A_482 = arith.constant 3128 : i32
      %add3A_483 = arith.addi %mul3A_2, %add3A_482 : i32
      %lt3A = vector.broadcast %add3A_483 : i32 to vector<16xi32>
      %lt3A_484 = arith.cmpi slt, %get3A_480, %lt3A : vector<16xi32>
      %and3A_485 = arith.andi %ge3A_481, %lt3A_484 : vector<16xi1>
      %all_reduce_population_count3A = tpu.all_reduce %and3A_485 {dim = 0 : i64, kind = #tpu.reduction_kind<sum>} : vector<16xi1> -> vector<16xi32>
      %slice3A = vector.extract_strided_slice %all_reduce_population_count3A {offsets = [0], sizes = [1], strides = [1]} : vector<16xi32> to vector<1xi32>
      %squeeze3A = vector.extract %slice3A[0] : i32 from vector<1xi32>
      %gt3A_486 = arith.constant 0 : i32
      %gt3A_487 = arith.cmpi sgt, %squeeze3A, %gt3A_486 : i32
      %convert_element_type3A_488 = arith.extui %gt3A_487 : i1 to i32
      %cond3A_489 = arith.constant 0 : i32
      %cond3A_490 = arith.cmpi ne, %convert_element_type3A_488, %cond3A_489 : i32
      scf.if %cond3A_490 {
        %shift_left3A = arith.constant 4 : i32
        %shift_left3A_492 = vector.broadcast %shift_left3A : i32 to vector<16xi32>
        %shift_left3A_493 = arith.shli %get3A_480, %shift_left3A_492 : vector<16xi32>
        %or3A = arith.ori %shift_left3A_493, %iota3A : vector<16xi32>
        %mul3A_494 = arith.constant 16 : i32
        %mul3A_495 = arith.muli %scan3A_476, %mul3A_494 : i32
        %add3A_496 = vector.broadcast %mul3A_495 : i32 to vector<16xi32>
        %add3A_497 = arith.addi %add3A_496, %iota3A : vector<16xi32>
        %masked_sort3A = arith.constant dense<true> : vector<16xi1>
        %masked_sort3A_498 = arith.constant -2147483648 : i32
        %masked_sort3A_499 = vector.broadcast %masked_sort3A_498 : i32 to vector<16xi32>
        %masked_sort3A_500 = arith.xori %or3A, %masked_sort3A_499 : vector<16xi32>
        %masked_sort3A_501, %masked_sort3A_502, %masked_sort3A_503 = tpu.sort %masked_sort3A_500, %add3A_497 masked %masked_sort3A {descending = true} : (vector<16xi32>, vector<16xi32>, vector<16xi1>) -> (vector<16xi1>, vector<16xi32>, vector<16xi32>)
        %masked_sort3A_504 = arith.xori %masked_sort3A_502, %masked_sort3A_499 : vector<16xi32>
        %shift_right_arithmetic3A = arith.constant 4 : i32
        %shift_right_arithmetic3A_505 = vector.broadcast %shift_right_arithmetic3A : i32 to vector<16xi32>
        %shift_right_arithmetic3A_506 = arith.shrsi %masked_sort3A_504, %shift_right_arithmetic3A_505 : vector<16xi32>
        %swap3A = arith.constant 0 : index
        %swap3A_507 = tpu.vector_load %arg15[%swap3A] {strides = array<i32>} : memref<16xi32, #tpu.memory_space<vmem>>, vector<16xi32>,
        tpu.vector_store %arg15[%swap3A], %shift_right_arithmetic3A_506 {strides = array<i32>} : memref<16xi32, #tpu.memory_space<vmem>>, vector<16xi32>,
        %sub3A_508 = arith.constant 1 : i32
        %sub3A_509 = vector.broadcast %sub3A_508 : i32 to vector<16xi32>
        %sub3A_510 = arith.subi %iota3A, %sub3A_509 : vector<16xi32>
        %max3A = arith.constant 0 : i32
        %max3A_511 = vector.broadcast %max3A : i32 to vector<16xi32>
        %max3A_512 = arith.maxsi %sub3A_510, %max3A_511 : vector<16xi32>
        %gather3A = tpu.vector_load_idx %arg15[%max3A_512] : memref<16xi32, #tpu.memory_space<vmem>>[vector<16xi32>], vector<16xi32>,
        %ne3A_513 = arith.cmpi ne, %shift_right_arithmetic3A_506, %gather3A : vector<16xi32>
        %eq3A_514 = arith.constant 0 : i32
        %eq3A_515 = vector.broadcast %eq3A_514 : i32 to vector<16xi32>
        %eq3A_516 = arith.cmpi eq, %iota3A, %eq3A_515 : vector<16xi32>
        %or3A_517 = arith.ori %ne3A_513, %eq3A_516 : vector<16xi1>
        %sub3A_518 = vector.broadcast %mul3A_2 : i32 to vector<16xi32>
        %sub3A_519 = arith.subi %shift_right_arithmetic3A_506, %sub3A_518 : vector<16xi32>
        %ge3A_520 = arith.constant 0 : i32
        %ge3A_521 = vector.broadcast %ge3A_520 : i32 to vector<16xi32>
        %ge3A_522 = arith.cmpi sge, %sub3A_519, %ge3A_521 : vector<16xi32>
        %and3A_523 = arith.andi %or3A_517, %ge3A_522 : vector<16xi1>
        %lt3A_524 = arith.constant 3128 : i32
        %lt3A_525 = vector.broadcast %lt3A_524 : i32 to vector<16xi32>
        %lt3A_526 = arith.cmpi slt, %sub3A_519, %lt3A_525 : vector<16xi32>
        %and3A_527 = arith.andi %and3A_523, %lt3A_526 : vector<16xi1>
        %gather3A_528 = tpu.vector_load_idx %arg16[%sub3A_519] masked %and3A_527 : memref<3200xi32, #tpu.memory_space<vmem>>[vector<16xi32>], vector<16xi32>, vector<16xi1>
        %max3A_529 = arith.maxsi %gather3A_528, %masked_sort3A_503 : vector<16xi32>
        tpu.vector_store_idx %arg16[%sub3A_519], %max3A_529 masked %and3A_527 : memref<3200xi32, #tpu.memory_space<vmem>>[vector<16xi32>], vector<16xi32>, vector<16xi1>
      } else {
      }
      %scan3A_491 = arith.constant 0 : i32
      scf.yield %scan3A_491 : i32
    }
    %scan3A_359 = arith.constant 89 : i32
    %gt3A_360 = arith.constant 20 : i32
    %gt3A_361 = arith.cmpi sgt, %select_n3A, %gt3A_360 : i32
    %convert_element_type3A_362 = arith.extui %gt3A_361 : i1 to i32
    %cond3A_363 = arith.constant 0 : i32
    %cond3A_364 = arith.cmpi ne, %convert_element_type3A_362, %cond3A_363 : i32
    scf.if %cond3A_364 {
      %add3A_476 = arith.constant 2720 : i32
      %add3A_477 = arith.addi %mul3A_2, %add3A_476 : i32
      %multiple_of3A = tpu.assume_multiple %add3A_477, 8 : i32
      %dma_wait3A_478 = arith.constant 0 : i32
      %dma_wait3A_479 = tpu.memref_slice %arg2[%multiple_of3A, %dma_wait3A_478] : memref<100000x128xf32, #tpu.memory_space<hbm>> -> memref<136x128xf32, #tpu.memory_space<hbm>>
      %dma_wait3A_480 = arith.constant 0 : i32
      %dma_wait3A_481 = tpu.memref_slice %arg2[%multiple_of3A, %dma_wait3A_480] : memref<100000x128xf32, #tpu.memory_space<hbm>> -> memref<136x128xf32, #tpu.memory_space<hbm>>
      tpu.wait_dma2 semaphore(%arg9 : memref<!tpu.dma_semaphore, #tpu.memory_space<semaphore_mem>>) src(%dma_wait3A_481 : memref<136x128xf32, #tpu.memory_space<hbm>>) dst(%arg6 : memref<136x128xf32, #tpu.memory_space<vmem>>)
      %dma_start3A = arith.constant 0 : i32
      %dma_start3A_482 = tpu.memref_slice %arg5[%multiple_of3A, %dma_start3A] : memref<100000x128xf32, #tpu.memory_space<hbm>> -> memref<136x128xf32, #tpu.memory_space<hbm>>
      %dma_start3A_483 = arith.constant 0 : i32
      %dma_start3A_484 = tpu.memref_slice %arg5[%multiple_of3A, %dma_start3A_483] : memref<100000x128xf32, #tpu.memory_space<hbm>> -> memref<136x128xf32, #tpu.memory_space<hbm>>
      tpu.enqueue_dma source(%arg6 : memref<136x128xf32, #tpu.memory_space<vmem>>) target(%dma_start3A_484 : memref<136x128xf32, #tpu.memory_space<hbm>>) target_semaphore(%arg11 : memref<!tpu.dma_semaphore, #tpu.memory_space<semaphore_mem>>)
    } else {
    }
    %gt3A_365 = arith.constant 21 : i32
    %gt3A_366 = arith.cmpi sgt, %select_n3A, %gt3A_365 : i32
    %convert_element_type3A_367 = arith.extui %gt3A_366 : i1 to i32
    %cond3A_368 = arith.constant 0 : i32
    %cond3A_369 = arith.cmpi ne, %convert_element_type3A_367, %cond3A_368 : i32
    scf.if %cond3A_369 {
      %add3A_476 = arith.constant 2856 : i32
      %add3A_477 = arith.addi %mul3A_2, %add3A_476 : i32
      %multiple_of3A = tpu.assume_multiple %add3A_477, 8 : i32
      %add3A_478 = arith.constant 2584 : i32
      %add3A_479 = arith.addi %mul3A_2, %add3A_478 : i32
      %multiple_of3A_480 = tpu.assume_multiple %add3A_479, 8 : i32
      %dma_wait3A_481 = arith.constant 0 : i32
      %dma_wait3A_482 = tpu.memref_slice %arg5[%multiple_of3A_480, %dma_wait3A_481] : memref<100000x128xf32, #tpu.memory_space<hbm>> -> memref<136x128xf32, #tpu.memory_space<hbm>>
      %dma_wait3A_483 = arith.constant 0 : i32
      %dma_wait3A_484 = tpu.memref_slice %arg5[%multiple_of3A_480, %dma_wait3A_483] : memref<100000x128xf32, #tpu.memory_space<hbm>> -> memref<136x128xf32, #tpu.memory_space<hbm>>
      tpu.wait_dma2 semaphore(%arg12 : memref<!tpu.dma_semaphore, #tpu.memory_space<semaphore_mem>>) src(%arg7 : memref<136x128xf32, #tpu.memory_space<vmem>>) dst(%dma_wait3A_484 : memref<136x128xf32, #tpu.memory_space<hbm>>)
      %dma_start3A = arith.constant 0 : i32
      %dma_start3A_485 = tpu.memref_slice %arg2[%multiple_of3A, %dma_start3A] : memref<100000x128xf32, #tpu.memory_space<hbm>> -> memref<136x128xf32, #tpu.memory_space<hbm>>
      %dma_start3A_486 = arith.constant 0 : i32
      %dma_start3A_487 = tpu.memref_slice %arg2[%multiple_of3A, %dma_start3A_486] : memref<100000x128xf32, #tpu.memory_space<hbm>> -> memref<136x128xf32, #tpu.memory_space<hbm>>
      tpu.enqueue_dma source(%dma_start3A_487 : memref<136x128xf32, #tpu.memory_space<hbm>>) target(%arg7 : memref<136x128xf32, #tpu.memory_space<vmem>>) target_semaphore(%arg10 : memref<!tpu.dma_semaphore, #tpu.memory_space<semaphore_mem>>)
    } else {
    }
    %scan3A_370 = arith.constant 0 : i32
    %scan3A_371 = arith.constant 1869 : i32
    %scan3A_372 = arith.constant 89 : i32
    %scan3A_373 = arith.addi %scan3A_371, %scan3A_372 : i32
    %scan3A_374 = arith.constant 1 : i32
    %scan3A_375 = scf.for %scan3A_476 = %scan3A_371 to %scan3A_373 step %scan3A_374 iter_args(%scan3A_477 = %scan3A_370) -> (i32)  : i32 {
      %mul3A_478 = arith.constant 16 : i32
      %mul3A_479 = arith.muli %scan3A_476, %mul3A_478 : i32
      %get3A = arith.index_cast %mul3A_479 : i32 to index
      %get3A_480 = tpu.vector_load %arg14[%get3A] {strides = array<i32>} : memref<32768xi32, #tpu.memory_space<vmem>>, vector<16xi32>,
      %ge3A = vector.broadcast %mul3A_2 : i32 to vector<16xi32>
      %ge3A_481 = arith.cmpi sge, %get3A_480, %ge3A : vector<16xi32>
      %add3A_482 = arith.constant 3128 : i32
      %add3A_483 = arith.addi %mul3A_2, %add3A_482 : i32
      %lt3A = vector.broadcast %add3A_483 : i32 to vector<16xi32>
      %lt3A_484 = arith.cmpi slt, %get3A_480, %lt3A : vector<16xi32>
      %and3A_485 = arith.andi %ge3A_481, %lt3A_484 : vector<16xi1>
      %all_reduce_population_count3A = tpu.all_reduce %and3A_485 {dim = 0 : i64, kind = #tpu.reduction_kind<sum>} : vector<16xi1> -> vector<16xi32>
      %slice3A = vector.extract_strided_slice %all_reduce_population_count3A {offsets = [0], sizes = [1], strides = [1]} : vector<16xi32> to vector<1xi32>
      %squeeze3A = vector.extract %slice3A[0] : i32 from vector<1xi32>
      %gt3A_486 = arith.constant 0 : i32
      %gt3A_487 = arith.cmpi sgt, %squeeze3A, %gt3A_486 : i32
      %convert_element_type3A_488 = arith.extui %gt3A_487 : i1 to i32
      %cond3A_489 = arith.constant 0 : i32
      %cond3A_490 = arith.cmpi ne, %convert_element_type3A_488, %cond3A_489 : i32
      scf.if %cond3A_490 {
        %shift_left3A = arith.constant 4 : i32
        %shift_left3A_492 = vector.broadcast %shift_left3A : i32 to vector<16xi32>
        %shift_left3A_493 = arith.shli %get3A_480, %shift_left3A_492 : vector<16xi32>
        %or3A = arith.ori %shift_left3A_493, %iota3A : vector<16xi32>
        %mul3A_494 = arith.constant 16 : i32
        %mul3A_495 = arith.muli %scan3A_476, %mul3A_494 : i32
        %add3A_496 = vector.broadcast %mul3A_495 : i32 to vector<16xi32>
        %add3A_497 = arith.addi %add3A_496, %iota3A : vector<16xi32>
        %masked_sort3A = arith.constant dense<true> : vector<16xi1>
        %masked_sort3A_498 = arith.constant -2147483648 : i32
        %masked_sort3A_499 = vector.broadcast %masked_sort3A_498 : i32 to vector<16xi32>
        %masked_sort3A_500 = arith.xori %or3A, %masked_sort3A_499 : vector<16xi32>
        %masked_sort3A_501, %masked_sort3A_502, %masked_sort3A_503 = tpu.sort %masked_sort3A_500, %add3A_497 masked %masked_sort3A {descending = true} : (vector<16xi32>, vector<16xi32>, vector<16xi1>) -> (vector<16xi1>, vector<16xi32>, vector<16xi32>)
        %masked_sort3A_504 = arith.xori %masked_sort3A_502, %masked_sort3A_499 : vector<16xi32>
        %shift_right_arithmetic3A = arith.constant 4 : i32
        %shift_right_arithmetic3A_505 = vector.broadcast %shift_right_arithmetic3A : i32 to vector<16xi32>
        %shift_right_arithmetic3A_506 = arith.shrsi %masked_sort3A_504, %shift_right_arithmetic3A_505 : vector<16xi32>
        %swap3A = arith.constant 0 : index
        %swap3A_507 = tpu.vector_load %arg15[%swap3A] {strides = array<i32>} : memref<16xi32, #tpu.memory_space<vmem>>, vector<16xi32>,
        tpu.vector_store %arg15[%swap3A], %shift_right_arithmetic3A_506 {strides = array<i32>} : memref<16xi32, #tpu.memory_space<vmem>>, vector<16xi32>,
        %sub3A_508 = arith.constant 1 : i32
        %sub3A_509 = vector.broadcast %sub3A_508 : i32 to vector<16xi32>
        %sub3A_510 = arith.subi %iota3A, %sub3A_509 : vector<16xi32>
        %max3A = arith.constant 0 : i32
        %max3A_511 = vector.broadcast %max3A : i32 to vector<16xi32>
        %max3A_512 = arith.maxsi %sub3A_510, %max3A_511 : vector<16xi32>
        %gather3A = tpu.vector_load_idx %arg15[%max3A_512] : memref<16xi32, #tpu.memory_space<vmem>>[vector<16xi32>], vector<16xi32>,
        %ne3A_513 = arith.cmpi ne, %shift_right_arithmetic3A_506, %gather3A : vector<16xi32>
        %eq3A_514 = arith.constant 0 : i32
        %eq3A_515 = vector.broadcast %eq3A_514 : i32 to vector<16xi32>
        %eq3A_516 = arith.cmpi eq, %iota3A, %eq3A_515 : vector<16xi32>
        %or3A_517 = arith.ori %ne3A_513, %eq3A_516 : vector<16xi1>
        %sub3A_518 = vector.broadcast %mul3A_2 : i32 to vector<16xi32>
        %sub3A_519 = arith.subi %shift_right_arithmetic3A_506, %sub3A_518 : vector<16xi32>
        %ge3A_520 = arith.constant 0 : i32
        %ge3A_521 = vector.broadcast %ge3A_520 : i32 to vector<16xi32>
        %ge3A_522 = arith.cmpi sge, %sub3A_519, %ge3A_521 : vector<16xi32>
        %and3A_523 = arith.andi %or3A_517, %ge3A_522 : vector<16xi1>
        %lt3A_524 = arith.constant 3128 : i32
        %lt3A_525 = vector.broadcast %lt3A_524 : i32 to vector<16xi32>
        %lt3A_526 = arith.cmpi slt, %sub3A_519, %lt3A_525 : vector<16xi32>
        %and3A_527 = arith.andi %and3A_523, %lt3A_526 : vector<16xi1>
        %gather3A_528 = tpu.vector_load_idx %arg16[%sub3A_519] masked %and3A_527 : memref<3200xi32, #tpu.memory_space<vmem>>[vector<16xi32>], vector<16xi32>, vector<16xi1>
        %max3A_529 = arith.maxsi %gather3A_528, %masked_sort3A_503 : vector<16xi32>
        tpu.vector_store_idx %arg16[%sub3A_519], %max3A_529 masked %and3A_527 : memref<3200xi32, #tpu.memory_space<vmem>>[vector<16xi32>], vector<16xi32>, vector<16xi1>
      } else {
      }
      %scan3A_491 = arith.constant 0 : i32
      scf.yield %scan3A_491 : i32
    }
    %scan3A_376 = arith.constant 89 : i32
    %gt3A_377 = arith.constant 21 : i32
    %gt3A_378 = arith.cmpi sgt, %select_n3A, %gt3A_377 : i32
    %convert_element_type3A_379 = arith.extui %gt3A_378 : i1 to i32
    %cond3A_380 = arith.constant 0 : i32
    %cond3A_381 = arith.cmpi ne, %convert_element_type3A_379, %cond3A_380 : i32
    scf.if %cond3A_381 {
      %add3A_476 = arith.constant 2856 : i32
      %add3A_477 = arith.addi %mul3A_2, %add3A_476 : i32
      %multiple_of3A = tpu.assume_multiple %add3A_477, 8 : i32
      %dma_wait3A_478 = arith.constant 0 : i32
      %dma_wait3A_479 = tpu.memref_slice %arg2[%multiple_of3A, %dma_wait3A_478] : memref<100000x128xf32, #tpu.memory_space<hbm>> -> memref<136x128xf32, #tpu.memory_space<hbm>>
      %dma_wait3A_480 = arith.constant 0 : i32
      %dma_wait3A_481 = tpu.memref_slice %arg2[%multiple_of3A, %dma_wait3A_480] : memref<100000x128xf32, #tpu.memory_space<hbm>> -> memref<136x128xf32, #tpu.memory_space<hbm>>
      tpu.wait_dma2 semaphore(%arg10 : memref<!tpu.dma_semaphore, #tpu.memory_space<semaphore_mem>>) src(%dma_wait3A_481 : memref<136x128xf32, #tpu.memory_space<hbm>>) dst(%arg7 : memref<136x128xf32, #tpu.memory_space<vmem>>)
      %dma_start3A = arith.constant 0 : i32
      %dma_start3A_482 = tpu.memref_slice %arg5[%multiple_of3A, %dma_start3A] : memref<100000x128xf32, #tpu.memory_space<hbm>> -> memref<136x128xf32, #tpu.memory_space<hbm>>
      %dma_start3A_483 = arith.constant 0 : i32
      %dma_start3A_484 = tpu.memref_slice %arg5[%multiple_of3A, %dma_start3A_483] : memref<100000x128xf32, #tpu.memory_space<hbm>> -> memref<136x128xf32, #tpu.memory_space<hbm>>
      tpu.enqueue_dma source(%arg7 : memref<136x128xf32, #tpu.memory_space<vmem>>) target(%dma_start3A_484 : memref<136x128xf32, #tpu.memory_space<hbm>>) target_semaphore(%arg12 : memref<!tpu.dma_semaphore, #tpu.memory_space<semaphore_mem>>)
    } else {
    }
    %gt3A_382 = arith.constant 22 : i32
    %gt3A_383 = arith.cmpi sgt, %select_n3A, %gt3A_382 : i32
    %convert_element_type3A_384 = arith.extui %gt3A_383 : i1 to i32
    %cond3A_385 = arith.constant 0 : i32
    %cond3A_386 = arith.cmpi ne, %convert_element_type3A_384, %cond3A_385 : i32
    scf.if %cond3A_386 {
      %add3A_476 = arith.constant 2992 : i32
      %add3A_477 = arith.addi %mul3A_2, %add3A_476 : i32
      %multiple_of3A = tpu.assume_multiple %add3A_477, 8 : i32
      %add3A_478 = arith.constant 2720 : i32
      %add3A_479 = arith.addi %mul3A_2, %add3A_478 : i32
      %multiple_of3A_480 = tpu.assume_multiple %add3A_479, 8 : i32
      %dma_wait3A_481 = arith.constant 0 : i32
      %dma_wait3A_482 = tpu.memref_slice %arg5[%multiple_of3A_480, %dma_wait3A_481] : memref<100000x128xf32, #tpu.memory_space<hbm>> -> memref<136x128xf32, #tpu.memory_space<hbm>>
      %dma_wait3A_483 = arith.constant 0 : i32
      %dma_wait3A_484 = tpu.memref_slice %arg5[%multiple_of3A_480, %dma_wait3A_483] : memref<100000x128xf32, #tpu.memory_space<hbm>> -> memref<136x128xf32, #tpu.memory_space<hbm>>
      tpu.wait_dma2 semaphore(%arg11 : memref<!tpu.dma_semaphore, #tpu.memory_space<semaphore_mem>>) src(%arg6 : memref<136x128xf32, #tpu.memory_space<vmem>>) dst(%dma_wait3A_484 : memref<136x128xf32, #tpu.memory_space<hbm>>)
      %dma_start3A = arith.constant 0 : i32
      %dma_start3A_485 = tpu.memref_slice %arg2[%multiple_of3A, %dma_start3A] : memref<100000x128xf32, #tpu.memory_space<hbm>> -> memref<136x128xf32, #tpu.memory_space<hbm>>
      %dma_start3A_486 = arith.constant 0 : i32
      %dma_start3A_487 = tpu.memref_slice %arg2[%multiple_of3A, %dma_start3A_486] : memref<100000x128xf32, #tpu.memory_space<hbm>> -> memref<136x128xf32, #tpu.memory_space<hbm>>
      tpu.enqueue_dma source(%dma_start3A_487 : memref<136x128xf32, #tpu.memory_space<hbm>>) target(%arg6 : memref<136x128xf32, #tpu.memory_space<vmem>>) target_semaphore(%arg9 : memref<!tpu.dma_semaphore, #tpu.memory_space<semaphore_mem>>)
    } else {
    }
    %scan3A_387 = arith.constant 0 : i32
    %scan3A_388 = arith.constant 1958 : i32
    %scan3A_389 = arith.constant 90 : i32
    %scan3A_390 = arith.addi %scan3A_388, %scan3A_389 : i32
    %scan3A_391 = arith.constant 1 : i32
    %scan3A_392 = scf.for %scan3A_476 = %scan3A_388 to %scan3A_390 step %scan3A_391 iter_args(%scan3A_477 = %scan3A_387) -> (i32)  : i32 {
      %mul3A_478 = arith.constant 16 : i32
      %mul3A_479 = arith.muli %scan3A_476, %mul3A_478 : i32
      %get3A = arith.index_cast %mul3A_479 : i32 to index
      %get3A_480 = tpu.vector_load %arg14[%get3A] {strides = array<i32>} : memref<32768xi32, #tpu.memory_space<vmem>>, vector<16xi32>,
      %ge3A = vector.broadcast %mul3A_2 : i32 to vector<16xi32>
      %ge3A_481 = arith.cmpi sge, %get3A_480, %ge3A : vector<16xi32>
      %add3A_482 = arith.constant 3128 : i32
      %add3A_483 = arith.addi %mul3A_2, %add3A_482 : i32
      %lt3A = vector.broadcast %add3A_483 : i32 to vector<16xi32>
      %lt3A_484 = arith.cmpi slt, %get3A_480, %lt3A : vector<16xi32>
      %and3A_485 = arith.andi %ge3A_481, %lt3A_484 : vector<16xi1>
      %all_reduce_population_count3A = tpu.all_reduce %and3A_485 {dim = 0 : i64, kind = #tpu.reduction_kind<sum>} : vector<16xi1> -> vector<16xi32>
      %slice3A = vector.extract_strided_slice %all_reduce_population_count3A {offsets = [0], sizes = [1], strides = [1]} : vector<16xi32> to vector<1xi32>
      %squeeze3A = vector.extract %slice3A[0] : i32 from vector<1xi32>
      %gt3A_486 = arith.constant 0 : i32
      %gt3A_487 = arith.cmpi sgt, %squeeze3A, %gt3A_486 : i32
      %convert_element_type3A_488 = arith.extui %gt3A_487 : i1 to i32
      %cond3A_489 = arith.constant 0 : i32
      %cond3A_490 = arith.cmpi ne, %convert_element_type3A_488, %cond3A_489 : i32
      scf.if %cond3A_490 {
        %shift_left3A = arith.constant 4 : i32
        %shift_left3A_492 = vector.broadcast %shift_left3A : i32 to vector<16xi32>
        %shift_left3A_493 = arith.shli %get3A_480, %shift_left3A_492 : vector<16xi32>
        %or3A = arith.ori %shift_left3A_493, %iota3A : vector<16xi32>
        %mul3A_494 = arith.constant 16 : i32
        %mul3A_495 = arith.muli %scan3A_476, %mul3A_494 : i32
        %add3A_496 = vector.broadcast %mul3A_495 : i32 to vector<16xi32>
        %add3A_497 = arith.addi %add3A_496, %iota3A : vector<16xi32>
        %masked_sort3A = arith.constant dense<true> : vector<16xi1>
        %masked_sort3A_498 = arith.constant -2147483648 : i32
        %masked_sort3A_499 = vector.broadcast %masked_sort3A_498 : i32 to vector<16xi32>
        %masked_sort3A_500 = arith.xori %or3A, %masked_sort3A_499 : vector<16xi32>
        %masked_sort3A_501, %masked_sort3A_502, %masked_sort3A_503 = tpu.sort %masked_sort3A_500, %add3A_497 masked %masked_sort3A {descending = true} : (vector<16xi32>, vector<16xi32>, vector<16xi1>) -> (vector<16xi1>, vector<16xi32>, vector<16xi32>)
        %masked_sort3A_504 = arith.xori %masked_sort3A_502, %masked_sort3A_499 : vector<16xi32>
        %shift_right_arithmetic3A = arith.constant 4 : i32
        %shift_right_arithmetic3A_505 = vector.broadcast %shift_right_arithmetic3A : i32 to vector<16xi32>
        %shift_right_arithmetic3A_506 = arith.shrsi %masked_sort3A_504, %shift_right_arithmetic3A_505 : vector<16xi32>
        %swap3A = arith.constant 0 : index
        %swap3A_507 = tpu.vector_load %arg15[%swap3A] {strides = array<i32>} : memref<16xi32, #tpu.memory_space<vmem>>, vector<16xi32>,
        tpu.vector_store %arg15[%swap3A], %shift_right_arithmetic3A_506 {strides = array<i32>} : memref<16xi32, #tpu.memory_space<vmem>>, vector<16xi32>,
        %sub3A_508 = arith.constant 1 : i32
        %sub3A_509 = vector.broadcast %sub3A_508 : i32 to vector<16xi32>
        %sub3A_510 = arith.subi %iota3A, %sub3A_509 : vector<16xi32>
        %max3A = arith.constant 0 : i32
        %max3A_511 = vector.broadcast %max3A : i32 to vector<16xi32>
        %max3A_512 = arith.maxsi %sub3A_510, %max3A_511 : vector<16xi32>
        %gather3A = tpu.vector_load_idx %arg15[%max3A_512] : memref<16xi32, #tpu.memory_space<vmem>>[vector<16xi32>], vector<16xi32>,
        %ne3A_513 = arith.cmpi ne, %shift_right_arithmetic3A_506, %gather3A : vector<16xi32>
        %eq3A_514 = arith.constant 0 : i32
        %eq3A_515 = vector.broadcast %eq3A_514 : i32 to vector<16xi32>
        %eq3A_516 = arith.cmpi eq, %iota3A, %eq3A_515 : vector<16xi32>
        %or3A_517 = arith.ori %ne3A_513, %eq3A_516 : vector<16xi1>
        %sub3A_518 = vector.broadcast %mul3A_2 : i32 to vector<16xi32>
        %sub3A_519 = arith.subi %shift_right_arithmetic3A_506, %sub3A_518 : vector<16xi32>
        %ge3A_520 = arith.constant 0 : i32
        %ge3A_521 = vector.broadcast %ge3A_520 : i32 to vector<16xi32>
        %ge3A_522 = arith.cmpi sge, %sub3A_519, %ge3A_521 : vector<16xi32>
        %and3A_523 = arith.andi %or3A_517, %ge3A_522 : vector<16xi1>
        %lt3A_524 = arith.constant 3128 : i32
        %lt3A_525 = vector.broadcast %lt3A_524 : i32 to vector<16xi32>
        %lt3A_526 = arith.cmpi slt, %sub3A_519, %lt3A_525 : vector<16xi32>
        %and3A_527 = arith.andi %and3A_523, %lt3A_526 : vector<16xi1>
        %gather3A_528 = tpu.vector_load_idx %arg16[%sub3A_519] masked %and3A_527 : memref<3200xi32, #tpu.memory_space<vmem>>[vector<16xi32>], vector<16xi32>, vector<16xi1>
        %max3A_529 = arith.maxsi %gather3A_528, %masked_sort3A_503 : vector<16xi32>
        tpu.vector_store_idx %arg16[%sub3A_519], %max3A_529 masked %and3A_527 : memref<3200xi32, #tpu.memory_space<vmem>>[vector<16xi32>], vector<16xi32>, vector<16xi1>
      } else {
      }
      %scan3A_491 = arith.constant 0 : i32
      scf.yield %scan3A_491 : i32
    }
    %scan3A_393 = arith.constant 90 : i32
    %gt3A_394 = arith.constant 22 : i32
    %gt3A_395 = arith.cmpi sgt, %select_n3A, %gt3A_394 : i32
    %convert_element_type3A_396 = arith.extui %gt3A_395 : i1 to i32
    %cond3A_397 = arith.constant 0 : i32
    %cond3A_398 = arith.cmpi ne, %convert_element_type3A_396, %cond3A_397 : i32
    scf.if %cond3A_398 {
      %add3A_476 = arith.constant 2992 : i32
      %add3A_477 = arith.addi %mul3A_2, %add3A_476 : i32
      %multiple_of3A = tpu.assume_multiple %add3A_477, 8 : i32
      %dma_wait3A_478 = arith.constant 0 : i32
      %dma_wait3A_479 = tpu.memref_slice %arg2[%multiple_of3A, %dma_wait3A_478] : memref<100000x128xf32, #tpu.memory_space<hbm>> -> memref<136x128xf32, #tpu.memory_space<hbm>>
      %dma_wait3A_480 = arith.constant 0 : i32
      %dma_wait3A_481 = tpu.memref_slice %arg2[%multiple_of3A, %dma_wait3A_480] : memref<100000x128xf32, #tpu.memory_space<hbm>> -> memref<136x128xf32, #tpu.memory_space<hbm>>
      tpu.wait_dma2 semaphore(%arg9 : memref<!tpu.dma_semaphore, #tpu.memory_space<semaphore_mem>>) src(%dma_wait3A_481 : memref<136x128xf32, #tpu.memory_space<hbm>>) dst(%arg6 : memref<136x128xf32, #tpu.memory_space<vmem>>)
      %dma_start3A = arith.constant 0 : i32
      %dma_start3A_482 = tpu.memref_slice %arg5[%multiple_of3A, %dma_start3A] : memref<100000x128xf32, #tpu.memory_space<hbm>> -> memref<136x128xf32, #tpu.memory_space<hbm>>
      %dma_start3A_483 = arith.constant 0 : i32
      %dma_start3A_484 = tpu.memref_slice %arg5[%multiple_of3A, %dma_start3A_483] : memref<100000x128xf32, #tpu.memory_space<hbm>> -> memref<136x128xf32, #tpu.memory_space<hbm>>
      tpu.enqueue_dma source(%arg6 : memref<136x128xf32, #tpu.memory_space<vmem>>) target(%dma_start3A_484 : memref<136x128xf32, #tpu.memory_space<hbm>>) target_semaphore(%arg11 : memref<!tpu.dma_semaphore, #tpu.memory_space<semaphore_mem>>)
    } else {
    }
    %convert_element_type3A_399 = arith.extui %eq3A_3 : i1 to i32
    %cond3A_400 = arith.constant 0 : i32
    %cond3A_401 = arith.cmpi ne, %convert_element_type3A_399, %cond3A_400 : i32
    scf.if %cond3A_401 {
      %add3A_476 = arith.constant 2992 : i32
      %add3A_477 = arith.addi %mul3A_2, %add3A_476 : i32
      %multiple_of3A = tpu.assume_multiple %add3A_477, 8 : i32
      "tpu.region"() ({
        %run_scoped3A = tpu.sem_alloc : memref<!tpu.dma_semaphore, #tpu.memory_space<semaphore_mem>>
        %dma_start3A_485 = arith.constant 0 : i32
        %dma_start3A_486 = tpu.memref_slice %arg2[%multiple_of3A, %dma_start3A_485] : memref<100000x128xf32, #tpu.memory_space<hbm>> -> memref<40x128xf32, #tpu.memory_space<hbm>>
        %dma_start3A_487 = arith.constant 0 : i32
        %dma_start3A_488 = tpu.memref_slice %arg2[%multiple_of3A, %dma_start3A_487] : memref<100000x128xf32, #tpu.memory_space<hbm>> -> memref<40x128xf32, #tpu.memory_space<hbm>>
        tpu.enqueue_dma source(%dma_start3A_488 : memref<40x128xf32, #tpu.memory_space<hbm>>) target(%arg8 : memref<40x128xf32, #tpu.memory_space<vmem>>) target_semaphore(%run_scoped3A : memref<!tpu.dma_semaphore, #tpu.memory_space<semaphore_mem>>)
        %dma_wait3A_489 = arith.constant 0 : i32
        %dma_wait3A_490 = tpu.memref_slice %arg2[%multiple_of3A, %dma_wait3A_489] : memref<100000x128xf32, #tpu.memory_space<hbm>> -> memref<40x128xf32, #tpu.memory_space<hbm>>
        %dma_wait3A_491 = arith.constant 0 : i32
        %dma_wait3A_492 = tpu.memref_slice %arg2[%multiple_of3A, %dma_wait3A_491] : memref<100000x128xf32, #tpu.memory_space<hbm>> -> memref<40x128xf32, #tpu.memory_space<hbm>>
        tpu.wait_dma2 semaphore(%run_scoped3A : memref<!tpu.dma_semaphore, #tpu.memory_space<semaphore_mem>>) src(%dma_wait3A_492 : memref<40x128xf32, #tpu.memory_space<hbm>>) dst(%arg8 : memref<40x128xf32, #tpu.memory_space<vmem>>)
        tpu.yield
      }) : () -> ()
      %dma_start3A = arith.constant 0 : i32
      %dma_start3A_478 = tpu.memref_slice %arg5[%multiple_of3A, %dma_start3A] : memref<100000x128xf32, #tpu.memory_space<hbm>> -> memref<40x128xf32, #tpu.memory_space<hbm>>
      %dma_start3A_479 = arith.constant 0 : i32
      %dma_start3A_480 = tpu.memref_slice %arg5[%multiple_of3A, %dma_start3A_479] : memref<100000x128xf32, #tpu.memory_space<hbm>> -> memref<40x128xf32, #tpu.memory_space<hbm>>
      tpu.enqueue_dma source(%arg8 : memref<40x128xf32, #tpu.memory_space<vmem>>) target(%dma_start3A_480 : memref<40x128xf32, #tpu.memory_space<hbm>>) target_semaphore(%arg9 : memref<!tpu.dma_semaphore, #tpu.memory_space<semaphore_mem>>)
      %dma_wait3A_481 = arith.constant 0 : i32
      %dma_wait3A_482 = tpu.memref_slice %arg5[%multiple_of3A, %dma_wait3A_481] : memref<100000x128xf32, #tpu.memory_space<hbm>> -> memref<40x128xf32, #tpu.memory_space<hbm>>
      %dma_wait3A_483 = arith.constant 0 : i32
      %dma_wait3A_484 = tpu.memref_slice %arg5[%multiple_of3A, %dma_wait3A_483] : memref<100000x128xf32, #tpu.memory_space<hbm>> -> memref<40x128xf32, #tpu.memory_space<hbm>>
      tpu.wait_dma2 semaphore(%arg9 : memref<!tpu.dma_semaphore, #tpu.memory_space<semaphore_mem>>) src(%arg8 : memref<40x128xf32, #tpu.memory_space<vmem>>) dst(%dma_wait3A_484 : memref<40x128xf32, #tpu.memory_space<hbm>>)
    } else {
    }
    %dma_wait3A = arith.constant 0 : i32
    %dma_wait3A_402 = tpu.memref_slice %arg5[%mul3A_2, %dma_wait3A] : memref<100000x128xf32, #tpu.memory_space<hbm>> -> memref<136x128xf32, #tpu.memory_space<hbm>>
    %dma_wait3A_403 = arith.constant 0 : i32
    %dma_wait3A_404 = tpu.memref_slice %arg5[%mul3A_2, %dma_wait3A_403] : memref<100000x128xf32, #tpu.memory_space<hbm>> -> memref<136x128xf32, #tpu.memory_space<hbm>>
    tpu.wait_dma2 semaphore(%arg11 : memref<!tpu.dma_semaphore, #tpu.memory_space<semaphore_mem>>) src(%arg6 : memref<136x128xf32, #tpu.memory_space<vmem>>) dst(%dma_wait3A_404 : memref<136x128xf32, #tpu.memory_space<hbm>>)
    %dma_wait3A_405 = arith.constant 0 : i32
    %dma_wait3A_406 = tpu.memref_slice %arg5[%mul3A_2, %dma_wait3A_405] : memref<100000x128xf32, #tpu.memory_space<hbm>> -> memref<136x128xf32, #tpu.memory_space<hbm>>
    %dma_wait3A_407 = arith.constant 0 : i32
    %dma_wait3A_408 = tpu.memref_slice %arg5[%mul3A_2, %dma_wait3A_407] : memref<100000x128xf32, #tpu.memory_space<hbm>> -> memref<136x128xf32, #tpu.memory_space<hbm>>
    tpu.wait_dma2 semaphore(%arg12 : memref<!tpu.dma_semaphore, #tpu.memory_space<semaphore_mem>>) src(%arg7 : memref<136x128xf32, #tpu.memory_space<vmem>>) dst(%dma_wait3A_408 : memref<136x128xf32, #tpu.memory_space<hbm>>)
    %scan3A_409 = arith.constant 0 : i32
    %scan3A_410 = arith.constant 0 : i32
    %scan3A_411 = arith.constant 200 : i32
    %scan3A_412 = arith.addi %scan3A_410, %scan3A_411 : i32
    %scan3A_413 = arith.constant 1 : i32
    %scan3A_414 = scf.for %scan3A_476 = %scan3A_410 to %scan3A_412 step %scan3A_413 iter_args(%scan3A_477 = %scan3A_409) -> (i32)  : i32 {
      %mul3A_478 = arith.constant 16 : i32
      %mul3A_479 = arith.muli %scan3A_476, %mul3A_478 : i32
      %get3A = arith.index_cast %mul3A_479 : i32 to index
      %get3A_480 = tpu.vector_load %arg16[%get3A] {strides = array<i32>} : memref<3200xi32, #tpu.memory_space<vmem>>, vector<16xi32>,
      %ge3A = arith.constant 0 : i32
      %ge3A_481 = vector.broadcast %ge3A : i32 to vector<16xi32>
      %ge3A_482 = arith.cmpi sge, %get3A_480, %ge3A_481 : vector<16xi32>
      %convert_element_type3A_483 = arith.extui %ge3A_482 : vector<16xi1> to vector<16xi32>
      %broadcast_in_dim3A = arith.constant true
      %broadcast_in_dim3A_484 = vector.broadcast %broadcast_in_dim3A : i1 to vector<16xi1>
      %masked_cumsum3A = tpu.scan <sum>, %convert_element_type3A_483 masked %broadcast_in_dim3A_484 : vector<16xi32>, vector<16xi1> -> vector<16xi32>
      %add3A_485 = vector.broadcast %scan3A_477 : i32 to vector<16xi32>
      %add3A_486 = arith.addi %add3A_485, %masked_cumsum3A : vector<16xi32>
      %sub3A_487 = arith.constant 1 : i32
      %sub3A_488 = vector.broadcast %sub3A_487 : i32 to vector<16xi32>
      %sub3A_489 = arith.subi %add3A_486, %sub3A_488 : vector<16xi32>
      tpu.vector_store_idx %arg17[%sub3A_489], %get3A_480 masked %ge3A_482 : memref<3200xi32, #tpu.memory_space<vmem>>[vector<16xi32>], vector<16xi32>, vector<16xi1>
      %mul3A_490 = arith.constant 16 : i32
      %mul3A_491 = arith.muli %scan3A_476, %mul3A_490 : i32
      %add3A_492 = arith.addi %mul3A_2, %mul3A_491 : i32
      %add3A_493 = vector.broadcast %add3A_492 : i32 to vector<16xi32>
      %add3A_494 = arith.addi %add3A_493, %iota3A : vector<16xi32>
      tpu.vector_store_idx %arg18[%sub3A_489], %add3A_494 masked %ge3A_482 : memref<3200xi32, #tpu.memory_space<vmem>>[vector<16xi32>], vector<16xi32>, vector<16xi1>
      %convert_element_type3A_495 = arith.extui %ge3A_482 : vector<16xi1> to vector<16xi32>
      %reduce_sum3A = arith.constant true
      %reduce_sum3A_496 = vector.broadcast %reduce_sum3A : i1 to vector<16xi1>
      %reduce_sum3A_497 = tpu.scan <sum>, %convert_element_type3A_495 masked %reduce_sum3A_496 : vector<16xi32>, vector<16xi1> -> vector<16xi32>
      %reduce_sum3A_498 = vector.extract %reduce_sum3A_497[15] : i32 from vector<16xi32>
      %add3A_499 = arith.addi %scan3A_477, %reduce_sum3A_498 : i32
      scf.yield %add3A_499 : i32
    }
    %scan3A_415 = arith.constant 200 : i32
    %add3A_416 = arith.constant 128 : i32
    %add3A_417 = arith.addi %scan3A_414, %add3A_416 : i32
    %sub3A = arith.constant 1 : i32
    %sub3A_418 = arith.subi %add3A_417, %sub3A : i32
    %jit3A_419 = arith.constant 128 : i32
    %div3A = arith.divsi %sub3A_418, %jit3A_419 : i32
    %sign3A = arith.constant 0 : i32
    %sign3A_420 = arith.cmpi sgt, %sub3A_418, %sign3A : i32
    %sign3A_421 = arith.extui %sign3A_420 : i1 to i32
    %sign3A_422 = arith.constant 0 : i32
    %sign3A_423 = arith.cmpi slt, %sub3A_418, %sign3A_422 : i32
    %sign3A_424 = arith.extui %sign3A_423 : i1 to i32
    %sign3A_425 = arith.subi %sign3A_421, %sign3A_424 : i32
    %sign3A_426 = arith.constant 0 : i32
    %sign3A_427 = arith.cmpi sgt, %jit3A_419, %sign3A_426 : i32
    %sign3A_428 = arith.extui %sign3A_427 : i1 to i32
    %sign3A_429 = arith.constant 0 : i32
    %sign3A_430 = arith.cmpi slt, %jit3A_419, %sign3A_429 : i32
    %sign3A_431 = arith.extui %sign3A_430 : i1 to i32
    %sign3A_432 = arith.subi %sign3A_428, %sign3A_431 : i32
    %ne3A = arith.cmpi ne, %sign3A_425, %sign3A_432 : i32
    %rem3A = arith.remsi %sub3A_418, %jit3A_419 : i32
    %ne3A_433 = arith.constant 0 : i32
    %ne3A_434 = arith.cmpi ne, %rem3A, %ne3A_433 : i32
    %and3A = arith.andi %ne3A, %ne3A_434 : i1
    %sub3A_435 = arith.constant 1 : i32
    %sub3A_436 = arith.subi %div3A, %sub3A_435 : i32
    %select_n3A_437 = arith.select %and3A, %sub3A_436, %div3A : i32
    %mul3A_438 = arith.constant 128 : i32
    %mul3A_439 = arith.muli %select_n3A_437, %mul3A_438 : i32
    %gt3A_440 = arith.constant 0 : i32
    %gt3A_441 = arith.cmpi sgt, %scan3A_414, %gt3A_440 : i32
    %convert_element_type3A_442 = arith.extui %gt3A_441 : i1 to i32
    %cond3A_443 = arith.constant 0 : i32
    %cond3A_444 = arith.cmpi ne, %convert_element_type3A_442, %cond3A_443 : i32
    scf.if %cond3A_444 {
      %broadcast_in_dim3A = arith.constant 0 : i32
      %broadcast_in_dim3A_476 = vector.broadcast %broadcast_in_dim3A : i32 to vector<16xi32>
      %gather3A = tpu.vector_load_idx %arg17[%broadcast_in_dim3A_476] : memref<3200xi32, #tpu.memory_space<vmem>>[vector<16xi32>], vector<16xi32>,
      %gather3A_477 = tpu.vector_load_idx %arg18[%broadcast_in_dim3A_476] : memref<3200xi32, #tpu.memory_space<vmem>>[vector<16xi32>], vector<16xi32>,
      %jit3A_478 = arith.constant 16 : i32
      %div3A_479 = arith.divsi %scan3A_414, %jit3A_478 : i32
      %sign3A_480 = arith.constant 0 : i32
      %sign3A_481 = arith.cmpi sgt, %scan3A_414, %sign3A_480 : i32
      %sign3A_482 = arith.extui %sign3A_481 : i1 to i32
      %sign3A_483 = arith.constant 0 : i32
      %sign3A_484 = arith.cmpi slt, %scan3A_414, %sign3A_483 : i32
      %sign3A_485 = arith.extui %sign3A_484 : i1 to i32
      %sign3A_486 = arith.subi %sign3A_482, %sign3A_485 : i32
      %sign3A_487 = arith.constant 0 : i32
      %sign3A_488 = arith.cmpi sgt, %jit3A_478, %sign3A_487 : i32
      %sign3A_489 = arith.extui %sign3A_488 : i1 to i32
      %sign3A_490 = arith.constant 0 : i32
      %sign3A_491 = arith.cmpi slt, %jit3A_478, %sign3A_490 : i32
      %sign3A_492 = arith.extui %sign3A_491 : i1 to i32
      %sign3A_493 = arith.subi %sign3A_489, %sign3A_492 : i32
      %ne3A_494 = arith.cmpi ne, %sign3A_486, %sign3A_493 : i32
      %rem3A_495 = arith.remsi %scan3A_414, %jit3A_478 : i32
      %ne3A_496 = arith.constant 0 : i32
      %ne3A_497 = arith.cmpi ne, %rem3A_495, %ne3A_496 : i32
      %and3A_498 = arith.andi %ne3A_494, %ne3A_497 : i1
      %sub3A_499 = arith.constant 1 : i32
      %sub3A_500 = arith.subi %div3A_479, %sub3A_499 : i32
      %select_n3A_501 = arith.select %and3A_498, %sub3A_500, %div3A_479 : i32
      %jit3A_502 = arith.constant 16 : i32
      %div3A_503 = arith.divsi %mul3A_439, %jit3A_502 : i32
      %sign3A_504 = arith.constant 0 : i32
      %sign3A_505 = arith.cmpi sgt, %mul3A_439, %sign3A_504 : i32
      %sign3A_506 = arith.extui %sign3A_505 : i1 to i32
      %sign3A_507 = arith.constant 0 : i32
      %sign3A_508 = arith.cmpi slt, %mul3A_439, %sign3A_507 : i32
      %sign3A_509 = arith.extui %sign3A_508 : i1 to i32
      %sign3A_510 = arith.subi %sign3A_506, %sign3A_509 : i32
      %sign3A_511 = arith.constant 0 : i32
      %sign3A_512 = arith.cmpi sgt, %jit3A_502, %sign3A_511 : i32
      %sign3A_513 = arith.extui %sign3A_512 : i1 to i32
      %sign3A_514 = arith.constant 0 : i32
      %sign3A_515 = arith.cmpi slt, %jit3A_502, %sign3A_514 : i32
      %sign3A_516 = arith.extui %sign3A_515 : i1 to i32
      %sign3A_517 = arith.subi %sign3A_513, %sign3A_516 : i32
      %ne3A_518 = arith.cmpi ne, %sign3A_510, %sign3A_517 : i32
      %rem3A_519 = arith.remsi %mul3A_439, %jit3A_502 : i32
      %ne3A_520 = arith.constant 0 : i32
      %ne3A_521 = arith.cmpi ne, %rem3A_519, %ne3A_520 : i32
      %and3A_522 = arith.andi %ne3A_518, %ne3A_521 : i1
      %sub3A_523 = arith.constant 1 : i32
      %sub3A_524 = arith.subi %div3A_503, %sub3A_523 : i32
      %select_n3A_525 = arith.select %and3A_522, %sub3A_524, %div3A_503 : i32
      %while3A = arith.constant 0 : i32
      %while3A_526 = arith.subi %select_n3A_525, %select_n3A_501 : i32
      %while3A_527 = arith.addi %select_n3A_501, %while3A_526 : i32
      %while3A_528 = arith.constant 1 : i32
      %while3A_529 = arith.divsi %while3A_526, %while3A_528 : i32
      %while3A_530 = arith.muli %while3A_529, %while3A_528 : i32
      %while3A_531 = arith.addi %select_n3A_501, %while3A_530 : i32
      %while3A_532 = arith.constant 1 : i32
      %while3A_533 = scf.for %while3A_536 = %select_n3A_501 to %while3A_531 step %while3A_532 iter_args(%while3A_537 = %while3A) -> (i32)  : i32 {
        %mul3A_538 = arith.constant 16 : i32
        %mul3A_539 = arith.muli %while3A_536, %mul3A_538 : i32
        %add3A_540 = vector.broadcast %mul3A_539 : i32 to vector<16xi32>
        %add3A_541 = arith.addi %add3A_540, %iota3A : vector<16xi32>
        %ge3A = vector.broadcast %scan3A_414 : i32 to vector<16xi32>
        %ge3A_542 = arith.cmpi sge, %add3A_541, %ge3A : vector<16xi32>
        %lt3A = vector.broadcast %mul3A_439 : i32 to vector<16xi32>
        %lt3A_543 = arith.cmpi slt, %add3A_541, %lt3A : vector<16xi32>
        %and3A_544 = arith.andi %ge3A_542, %lt3A_543 : vector<16xi1>
        %mul3A_545 = arith.constant 16 : i32
        %mul3A_546 = arith.muli %while3A_536, %mul3A_545 : i32
        %get3A = arith.index_cast %mul3A_546 : i32 to index
        %get3A_547 = tpu.vector_load %arg17[%get3A] {strides = array<i32>} : memref<3200xi32, #tpu.memory_space<vmem>>, vector<16xi32>,
        %select_n3A_548 = arith.select %and3A_544, %gather3A, %get3A_547 : vector<16xi1>, vector<16xi32>
        %mul3A_549 = arith.constant 16 : i32
        %mul3A_550 = arith.muli %while3A_536, %mul3A_549 : i32
        %swap3A = arith.index_cast %mul3A_550 : i32 to index
        %swap3A_551 = tpu.vector_load %arg17[%swap3A] {strides = array<i32>} : memref<3200xi32, #tpu.memory_space<vmem>>, vector<16xi32>,
        tpu.vector_store %arg17[%swap3A], %select_n3A_548 {strides = array<i32>} : memref<3200xi32, #tpu.memory_space<vmem>>, vector<16xi32>,
        %mul3A_552 = arith.constant 16 : i32
        %mul3A_553 = arith.muli %while3A_536, %mul3A_552 : i32
        %get3A_554 = arith.index_cast %mul3A_553 : i32 to index
        %get3A_555 = tpu.vector_load %arg18[%get3A_554] {strides = array<i32>} : memref<3200xi32, #tpu.memory_space<vmem>>, vector<16xi32>,
        %select_n3A_556 = arith.select %and3A_544, %gather3A_477, %get3A_555 : vector<16xi1>, vector<16xi32>
        %mul3A_557 = arith.constant 16 : i32
        %mul3A_558 = arith.muli %while3A_536, %mul3A_557 : i32
        %swap3A_559 = arith.index_cast %mul3A_558 : i32 to index
        %swap3A_560 = tpu.vector_load %arg18[%swap3A_559] {strides = array<i32>} : memref<3200xi32, #tpu.memory_space<vmem>>, vector<16xi32>,
        tpu.vector_store %arg18[%swap3A_559], %select_n3A_556 {strides = array<i32>} : memref<3200xi32, #tpu.memory_space<vmem>>, vector<16xi32>,
        %while3A_561 = arith.constant 0 : i32
        scf.yield %while3A_561 : i32
      }
      %while3A_534 = arith.constant 1 : i32
      %while3A_535 = scf.for %while3A_536 = %while3A_531 to %while3A_527 step %while3A_534 iter_args(%while3A_537 = %while3A_533) -> (i32)  : i32 {
        %mul3A_538 = arith.constant 16 : i32
        %mul3A_539 = arith.muli %while3A_536, %mul3A_538 : i32
        %add3A_540 = vector.broadcast %mul3A_539 : i32 to vector<16xi32>
        %add3A_541 = arith.addi %add3A_540, %iota3A : vector<16xi32>
        %ge3A = vector.broadcast %scan3A_414 : i32 to vector<16xi32>
        %ge3A_542 = arith.cmpi sge, %add3A_541, %ge3A : vector<16xi32>
        %lt3A = vector.broadcast %mul3A_439 : i32 to vector<16xi32>
        %lt3A_543 = arith.cmpi slt, %add3A_541, %lt3A : vector<16xi32>
        %and3A_544 = arith.andi %ge3A_542, %lt3A_543 : vector<16xi1>
        %mul3A_545 = arith.constant 16 : i32
        %mul3A_546 = arith.muli %while3A_536, %mul3A_545 : i32
        %get3A = arith.index_cast %mul3A_546 : i32 to index
        %get3A_547 = tpu.vector_load %arg17[%get3A] {strides = array<i32>} : memref<3200xi32, #tpu.memory_space<vmem>>, vector<16xi32>,
        %select_n3A_548 = arith.select %and3A_544, %gather3A, %get3A_547 : vector<16xi1>, vector<16xi32>
        %mul3A_549 = arith.constant 16 : i32
        %mul3A_550 = arith.muli %while3A_536, %mul3A_549 : i32
        %swap3A = arith.index_cast %mul3A_550 : i32 to index
        %swap3A_551 = tpu.vector_load %arg17[%swap3A] {strides = array<i32>} : memref<3200xi32, #tpu.memory_space<vmem>>, vector<16xi32>,
        tpu.vector_store %arg17[%swap3A], %select_n3A_548 {strides = array<i32>} : memref<3200xi32, #tpu.memory_space<vmem>>, vector<16xi32>,
        %mul3A_552 = arith.constant 16 : i32
        %mul3A_553 = arith.muli %while3A_536, %mul3A_552 : i32
        %get3A_554 = arith.index_cast %mul3A_553 : i32 to index
        %get3A_555 = tpu.vector_load %arg18[%get3A_554] {strides = array<i32>} : memref<3200xi32, #tpu.memory_space<vmem>>, vector<16xi32>,
        %select_n3A_556 = arith.select %and3A_544, %gather3A_477, %get3A_555 : vector<16xi1>, vector<16xi32>
        %mul3A_557 = arith.constant 16 : i32
        %mul3A_558 = arith.muli %while3A_536, %mul3A_557 : i32
        %swap3A_559 = arith.index_cast %mul3A_558 : i32 to index
        %swap3A_560 = tpu.vector_load %arg18[%swap3A_559] {strides = array<i32>} : memref<3200xi32, #tpu.memory_space<vmem>>, vector<16xi32>,
        tpu.vector_store %arg18[%swap3A_559], %select_n3A_556 {strides = array<i32>} : memref<3200xi32, #tpu.memory_space<vmem>>, vector<16xi32>,
        %while3A_561 = arith.constant 0 : i32
        scf.yield %while3A_561 : i32
      }
    } else {
    }
    %jit3A_445 = arith.constant 128 : i32
    %div3A_446 = arith.divsi %mul3A_439, %jit3A_445 : i32
    %sign3A_447 = arith.constant 0 : i32
    %sign3A_448 = arith.cmpi sgt, %mul3A_439, %sign3A_447 : i32
    %sign3A_449 = arith.extui %sign3A_448 : i1 to i32
    %sign3A_450 = arith.constant 0 : i32
    %sign3A_451 = arith.cmpi slt, %mul3A_439, %sign3A_450 : i32
    %sign3A_452 = arith.extui %sign3A_451 : i1 to i32
    %sign3A_453 = arith.subi %sign3A_449, %sign3A_452 : i32
    %sign3A_454 = arith.constant 0 : i32
    %sign3A_455 = arith.cmpi sgt, %jit3A_445, %sign3A_454 : i32
    %sign3A_456 = arith.extui %sign3A_455 : i1 to i32
    %sign3A_457 = arith.constant 0 : i32
    %sign3A_458 = arith.cmpi slt, %jit3A_445, %sign3A_457 : i32
    %sign3A_459 = arith.extui %sign3A_458 : i1 to i32
    %sign3A_460 = arith.subi %sign3A_456, %sign3A_459 : i32
    %ne3A_461 = arith.cmpi ne, %sign3A_453, %sign3A_460 : i32
    %rem3A_462 = arith.remsi %mul3A_439, %jit3A_445 : i32
    %ne3A_463 = arith.constant 0 : i32
    %ne3A_464 = arith.cmpi ne, %rem3A_462, %ne3A_463 : i32
    %and3A_465 = arith.andi %ne3A_461, %ne3A_464 : i1
    %sub3A_466 = arith.constant 1 : i32
    %sub3A_467 = arith.subi %div3A_446, %sub3A_466 : i32
    %select_n3A_468 = arith.select %and3A_465, %sub3A_467, %div3A_446 : i32
    %scan3A_469 = arith.constant 0 : i32
    %scan3A_470 = arith.constant 0 : i32
    %scan3A_471 = arith.constant 25 : i32
    %scan3A_472 = arith.addi %scan3A_470, %scan3A_471 : i32
    %scan3A_473 = arith.constant 1 : i32
    %scan3A_474 = scf.for %scan3A_476 = %scan3A_470 to %scan3A_472 step %scan3A_473 iter_args(%scan3A_477 = %scan3A_469) -> (i32)  : i32 {
      %lt3A = arith.cmpi slt, %scan3A_476, %select_n3A_468 : i32
      %convert_element_type3A_478 = arith.extui %lt3A : i1 to i32
      %cond3A_479 = arith.constant 0 : i32
      %cond3A_480 = arith.cmpi ne, %convert_element_type3A_478, %cond3A_479 : i32
      scf.if %cond3A_480 {
        %mul3A_482 = arith.constant 128 : i32
        %mul3A_483 = arith.muli %scan3A_476, %mul3A_482 : i32
        %add3A_484 = arith.constant 0 : i32
        %add3A_485 = arith.addi %mul3A_483, %add3A_484 : i32
        %get3A = arith.index_cast %add3A_485 : i32 to index
        %get3A_486 = tpu.vector_load %arg17[%get3A] {strides = array<i32>} : memref<3200xi32, #tpu.memory_space<vmem>>, vector<16xi32>,
        %swap3A = arith.constant 0 : index
        %swap3A_487 = tpu.vector_load %arg19[%swap3A] {strides = array<i32>} : memref<128xi32, #tpu.memory_space<vmem>>, vector<16xi32>,
        tpu.vector_store %arg19[%swap3A], %get3A_486 {strides = array<i32>} : memref<128xi32, #tpu.memory_space<vmem>>, vector<16xi32>,
        %mul3A_488 = arith.constant 128 : i32
        %mul3A_489 = arith.muli %scan3A_476, %mul3A_488 : i32
        %add3A_490 = arith.constant 0 : i32
        %add3A_491 = arith.addi %mul3A_489, %add3A_490 : i32
        %get3A_492 = arith.index_cast %add3A_491 : i32 to index
        %get3A_493 = tpu.vector_load %arg18[%get3A_492] {strides = array<i32>} : memref<3200xi32, #tpu.memory_space<vmem>>, vector<16xi32>,
        %swap3A_494 = arith.constant 0 : index
        %swap3A_495 = tpu.vector_load %arg20[%swap3A_494] {strides = array<i32>} : memref<128xi32, #tpu.memory_space<vmem>>, vector<16xi32>,
        tpu.vector_store %arg20[%swap3A_494], %get3A_493 {strides = array<i32>} : memref<128xi32, #tpu.memory_space<vmem>>, vector<16xi32>,
        %mul3A_496 = arith.constant 128 : i32
        %mul3A_497 = arith.muli %scan3A_476, %mul3A_496 : i32
        %add3A_498 = arith.constant 16 : i32
        %add3A_499 = arith.addi %mul3A_497, %add3A_498 : i32
        %get3A_500 = arith.index_cast %add3A_499 : i32 to index
        %get3A_501 = tpu.vector_load %arg17[%get3A_500] {strides = array<i32>} : memref<3200xi32, #tpu.memory_space<vmem>>, vector<16xi32>,
        %swap3A_502 = arith.constant 16 : index
        %swap3A_503 = tpu.vector_load %arg19[%swap3A_502] {strides = array<i32>} : memref<128xi32, #tpu.memory_space<vmem>>, vector<16xi32>,
        tpu.vector_store %arg19[%swap3A_502], %get3A_501 {strides = array<i32>} : memref<128xi32, #tpu.memory_space<vmem>>, vector<16xi32>,
        %mul3A_504 = arith.constant 128 : i32
        %mul3A_505 = arith.muli %scan3A_476, %mul3A_504 : i32
        %add3A_506 = arith.constant 16 : i32
        %add3A_507 = arith.addi %mul3A_505, %add3A_506 : i32
        %get3A_508 = arith.index_cast %add3A_507 : i32 to index
        %get3A_509 = tpu.vector_load %arg18[%get3A_508] {strides = array<i32>} : memref<3200xi32, #tpu.memory_space<vmem>>, vector<16xi32>,
        %swap3A_510 = arith.constant 16 : index
        %swap3A_511 = tpu.vector_load %arg20[%swap3A_510] {strides = array<i32>} : memref<128xi32, #tpu.memory_space<vmem>>, vector<16xi32>,
        tpu.vector_store %arg20[%swap3A_510], %get3A_509 {strides = array<i32>} : memref<128xi32, #tpu.memory_space<vmem>>, vector<16xi32>,
        %mul3A_512 = arith.constant 128 : i32
        %mul3A_513 = arith.muli %scan3A_476, %mul3A_512 : i32
        %add3A_514 = arith.constant 32 : i32
        %add3A_515 = arith.addi %mul3A_513, %add3A_514 : i32
        %get3A_516 = arith.index_cast %add3A_515 : i32 to index
        %get3A_517 = tpu.vector_load %arg17[%get3A_516] {strides = array<i32>} : memref<3200xi32, #tpu.memory_space<vmem>>, vector<16xi32>,
        %swap3A_518 = arith.constant 32 : index
        %swap3A_519 = tpu.vector_load %arg19[%swap3A_518] {strides = array<i32>} : memref<128xi32, #tpu.memory_space<vmem>>, vector<16xi32>,
        tpu.vector_store %arg19[%swap3A_518], %get3A_517 {strides = array<i32>} : memref<128xi32, #tpu.memory_space<vmem>>, vector<16xi32>,
        %mul3A_520 = arith.constant 128 : i32
        %mul3A_521 = arith.muli %scan3A_476, %mul3A_520 : i32
        %add3A_522 = arith.constant 32 : i32
        %add3A_523 = arith.addi %mul3A_521, %add3A_522 : i32
        %get3A_524 = arith.index_cast %add3A_523 : i32 to index
        %get3A_525 = tpu.vector_load %arg18[%get3A_524] {strides = array<i32>} : memref<3200xi32, #tpu.memory_space<vmem>>, vector<16xi32>,
        %swap3A_526 = arith.constant 32 : index
        %swap3A_527 = tpu.vector_load %arg20[%swap3A_526] {strides = array<i32>} : memref<128xi32, #tpu.memory_space<vmem>>, vector<16xi32>,
        tpu.vector_store %arg20[%swap3A_526], %get3A_525 {strides = array<i32>} : memref<128xi32, #tpu.memory_space<vmem>>, vector<16xi32>,
        %mul3A_528 = arith.constant 128 : i32
        %mul3A_529 = arith.muli %scan3A_476, %mul3A_528 : i32
        %add3A_530 = arith.constant 48 : i32
        %add3A_531 = arith.addi %mul3A_529, %add3A_530 : i32
        %get3A_532 = arith.index_cast %add3A_531 : i32 to index
        %get3A_533 = tpu.vector_load %arg17[%get3A_532] {strides = array<i32>} : memref<3200xi32, #tpu.memory_space<vmem>>, vector<16xi32>,
        %swap3A_534 = arith.constant 48 : index
        %swap3A_535 = tpu.vector_load %arg19[%swap3A_534] {strides = array<i32>} : memref<128xi32, #tpu.memory_space<vmem>>, vector<16xi32>,
        tpu.vector_store %arg19[%swap3A_534], %get3A_533 {strides = array<i32>} : memref<128xi32, #tpu.memory_space<vmem>>, vector<16xi32>,
        %mul3A_536 = arith.constant 128 : i32
        %mul3A_537 = arith.muli %scan3A_476, %mul3A_536 : i32
        %add3A_538 = arith.constant 48 : i32
        %add3A_539 = arith.addi %mul3A_537, %add3A_538 : i32
        %get3A_540 = arith.index_cast %add3A_539 : i32 to index
        %get3A_541 = tpu.vector_load %arg18[%get3A_540] {strides = array<i32>} : memref<3200xi32, #tpu.memory_space<vmem>>, vector<16xi32>,
        %swap3A_542 = arith.constant 48 : index
        %swap3A_543 = tpu.vector_load %arg20[%swap3A_542] {strides = array<i32>} : memref<128xi32, #tpu.memory_space<vmem>>, vector<16xi32>,
        tpu.vector_store %arg20[%swap3A_542], %get3A_541 {strides = array<i32>} : memref<128xi32, #tpu.memory_space<vmem>>, vector<16xi32>,
        %mul3A_544 = arith.constant 128 : i32
        %mul3A_545 = arith.muli %scan3A_476, %mul3A_544 : i32
        %add3A_546 = arith.constant 64 : i32
        %add3A_547 = arith.addi %mul3A_545, %add3A_546 : i32
        %get3A_548 = arith.index_cast %add3A_547 : i32 to index
        %get3A_549 = tpu.vector_load %arg17[%get3A_548] {strides = array<i32>} : memref<3200xi32, #tpu.memory_space<vmem>>, vector<16xi32>,
        %swap3A_550 = arith.constant 64 : index
        %swap3A_551 = tpu.vector_load %arg19[%swap3A_550] {strides = array<i32>} : memref<128xi32, #tpu.memory_space<vmem>>, vector<16xi32>,
        tpu.vector_store %arg19[%swap3A_550], %get3A_549 {strides = array<i32>} : memref<128xi32, #tpu.memory_space<vmem>>, vector<16xi32>,
        %mul3A_552 = arith.constant 128 : i32
        %mul3A_553 = arith.muli %scan3A_476, %mul3A_552 : i32
        %add3A_554 = arith.constant 64 : i32
        %add3A_555 = arith.addi %mul3A_553, %add3A_554 : i32
        %get3A_556 = arith.index_cast %add3A_555 : i32 to index
        %get3A_557 = tpu.vector_load %arg18[%get3A_556] {strides = array<i32>} : memref<3200xi32, #tpu.memory_space<vmem>>, vector<16xi32>,
        %swap3A_558 = arith.constant 64 : index
        %swap3A_559 = tpu.vector_load %arg20[%swap3A_558] {strides = array<i32>} : memref<128xi32, #tpu.memory_space<vmem>>, vector<16xi32>,
        tpu.vector_store %arg20[%swap3A_558], %get3A_557 {strides = array<i32>} : memref<128xi32, #tpu.memory_space<vmem>>, vector<16xi32>,
        %mul3A_560 = arith.constant 128 : i32
        %mul3A_561 = arith.muli %scan3A_476, %mul3A_560 : i32
        %add3A_562 = arith.constant 80 : i32
        %add3A_563 = arith.addi %mul3A_561, %add3A_562 : i32
        %get3A_564 = arith.index_cast %add3A_563 : i32 to index
        %get3A_565 = tpu.vector_load %arg17[%get3A_564] {strides = array<i32>} : memref<3200xi32, #tpu.memory_space<vmem>>, vector<16xi32>,
        %swap3A_566 = arith.constant 80 : index
        %swap3A_567 = tpu.vector_load %arg19[%swap3A_566] {strides = array<i32>} : memref<128xi32, #tpu.memory_space<vmem>>, vector<16xi32>,
        tpu.vector_store %arg19[%swap3A_566], %get3A_565 {strides = array<i32>} : memref<128xi32, #tpu.memory_space<vmem>>, vector<16xi32>,
        %mul3A_568 = arith.constant 128 : i32
        %mul3A_569 = arith.muli %scan3A_476, %mul3A_568 : i32
        %add3A_570 = arith.constant 80 : i32
        %add3A_571 = arith.addi %mul3A_569, %add3A_570 : i32
        %get3A_572 = arith.index_cast %add3A_571 : i32 to index
        %get3A_573 = tpu.vector_load %arg18[%get3A_572] {strides = array<i32>} : memref<3200xi32, #tpu.memory_space<vmem>>, vector<16xi32>,
        %swap3A_574 = arith.constant 80 : index
        %swap3A_575 = tpu.vector_load %arg20[%swap3A_574] {strides = array<i32>} : memref<128xi32, #tpu.memory_space<vmem>>, vector<16xi32>,
        tpu.vector_store %arg20[%swap3A_574], %get3A_573 {strides = array<i32>} : memref<128xi32, #tpu.memory_space<vmem>>, vector<16xi32>,
        %mul3A_576 = arith.constant 128 : i32
        %mul3A_577 = arith.muli %scan3A_476, %mul3A_576 : i32
        %add3A_578 = arith.constant 96 : i32
        %add3A_579 = arith.addi %mul3A_577, %add3A_578 : i32
        %get3A_580 = arith.index_cast %add3A_579 : i32 to index
        %get3A_581 = tpu.vector_load %arg17[%get3A_580] {strides = array<i32>} : memref<3200xi32, #tpu.memory_space<vmem>>, vector<16xi32>,
        %swap3A_582 = arith.constant 96 : index
        %swap3A_583 = tpu.vector_load %arg19[%swap3A_582] {strides = array<i32>} : memref<128xi32, #tpu.memory_space<vmem>>, vector<16xi32>,
        tpu.vector_store %arg19[%swap3A_582], %get3A_581 {strides = array<i32>} : memref<128xi32, #tpu.memory_space<vmem>>, vector<16xi32>,
        %mul3A_584 = arith.constant 128 : i32
        %mul3A_585 = arith.muli %scan3A_476, %mul3A_584 : i32
        %add3A_586 = arith.constant 96 : i32
        %add3A_587 = arith.addi %mul3A_585, %add3A_586 : i32
        %get3A_588 = arith.index_cast %add3A_587 : i32 to index
        %get3A_589 = tpu.vector_load %arg18[%get3A_588] {strides = array<i32>} : memref<3200xi32, #tpu.memory_space<vmem>>, vector<16xi32>,
        %swap3A_590 = arith.constant 96 : index
        %swap3A_591 = tpu.vector_load %arg20[%swap3A_590] {strides = array<i32>} : memref<128xi32, #tpu.memory_space<vmem>>, vector<16xi32>,
        tpu.vector_store %arg20[%swap3A_590], %get3A_589 {strides = array<i32>} : memref<128xi32, #tpu.memory_space<vmem>>, vector<16xi32>,
        %mul3A_592 = arith.constant 128 : i32
        %mul3A_593 = arith.muli %scan3A_476, %mul3A_592 : i32
        %add3A_594 = arith.constant 112 : i32
        %add3A_595 = arith.addi %mul3A_593, %add3A_594 : i32
        %get3A_596 = arith.index_cast %add3A_595 : i32 to index
        %get3A_597 = tpu.vector_load %arg17[%get3A_596] {strides = array<i32>} : memref<3200xi32, #tpu.memory_space<vmem>>, vector<16xi32>,
        %swap3A_598 = arith.constant 112 : index
        %swap3A_599 = tpu.vector_load %arg19[%swap3A_598] {strides = array<i32>} : memref<128xi32, #tpu.memory_space<vmem>>, vector<16xi32>,
        tpu.vector_store %arg19[%swap3A_598], %get3A_597 {strides = array<i32>} : memref<128xi32, #tpu.memory_space<vmem>>, vector<16xi32>,
        %mul3A_600 = arith.constant 128 : i32
        %mul3A_601 = arith.muli %scan3A_476, %mul3A_600 : i32
        %add3A_602 = arith.constant 112 : i32
        %add3A_603 = arith.addi %mul3A_601, %add3A_602 : i32
        %get3A_604 = arith.index_cast %add3A_603 : i32 to index
        %get3A_605 = tpu.vector_load %arg18[%get3A_604] {strides = array<i32>} : memref<3200xi32, #tpu.memory_space<vmem>>, vector<16xi32>,
        %swap3A_606 = arith.constant 112 : index
        %swap3A_607 = tpu.vector_load %arg20[%swap3A_606] {strides = array<i32>} : memref<128xi32, #tpu.memory_space<vmem>>, vector<16xi32>,
        tpu.vector_store %arg20[%swap3A_606], %get3A_605 {strides = array<i32>} : memref<128xi32, #tpu.memory_space<vmem>>, vector<16xi32>,
        %dma_start3A = arith.constant 0 : i32
        %dma_start3A_608 = arith.constant 0 : i32
        %dma_start3A_609 = tpu.memref_slice %arg4[%dma_start3A, %dma_start3A_608] : memref<32768x128xf32, #tpu.memory_space<hbm>> -> memref<32768x128xf32, #tpu.memory_space<hbm>>
        tpu.enqueue_indirect_dma source(%dma_start3A_609 : memref<32768x128xf32, #tpu.memory_space<hbm>>) target(%arg21 : memref<128x128xf32, #tpu.memory_space<vmem>>) offsets(%arg19 : memref<128xi32, #tpu.memory_space<vmem>>) semaphore(%arg22 : memref<!tpu.dma_semaphore, #tpu.memory_space<semaphore_mem>>)
        %dma_wait3A_610 = arith.constant 0 : i32
        %dma_wait3A_611 = arith.constant 0 : i32
        %dma_wait3A_612 = tpu.memref_slice %arg4[%dma_wait3A_610, %dma_wait3A_611] : memref<32768x128xf32, #tpu.memory_space<hbm>> -> memref<32768x128xf32, #tpu.memory_space<hbm>>
        tpu.wait_indirect_dma semaphore(%arg22 : memref<!tpu.dma_semaphore, #tpu.memory_space<semaphore_mem>>) src(%dma_wait3A_612 : memref<32768x128xf32, #tpu.memory_space<hbm>>) dst(%arg21 : memref<128x128xf32, #tpu.memory_space<vmem>>)
        %dma_start3A_613 = arith.constant 0 : i32
        %dma_start3A_614 = arith.constant 0 : i32
        %dma_start3A_615 = tpu.memref_slice %arg5[%dma_start3A_613, %dma_start3A_614] : memref<100000x128xf32, #tpu.memory_space<hbm>> -> memref<100000x128xf32, #tpu.memory_space<hbm>>
        tpu.enqueue_indirect_dma source(%arg21 : memref<128x128xf32, #tpu.memory_space<vmem>>) target(%dma_start3A_615 : memref<100000x128xf32, #tpu.memory_space<hbm>>) offsets(%arg20 : memref<128xi32, #tpu.memory_space<vmem>>) semaphore(%arg23 : memref<!tpu.dma_semaphore, #tpu.memory_space<semaphore_mem>>)
        %dma_wait3A_616 = arith.constant 0 : i32
        %dma_wait3A_617 = arith.constant 0 : i32
        %dma_wait3A_618 = tpu.memref_slice %arg5[%dma_wait3A_616, %dma_wait3A_617] : memref<100000x128xf32, #tpu.memory_space<hbm>> -> memref<100000x128xf32, #tpu.memory_space<hbm>>
        tpu.wait_indirect_dma semaphore(%arg23 : memref<!tpu.dma_semaphore, #tpu.memory_space<semaphore_mem>>) src(%arg21 : memref<128x128xf32, #tpu.memory_space<vmem>>) dst(%dma_wait3A_618 : memref<100000x128xf32, #tpu.memory_space<hbm>>)
      } else {
      }
      %scan3A_481 = arith.constant 0 : i32
      scf.yield %scan3A_481 : i32
    }
    %scan3A_475 = arith.constant 25 : i32
    return
  }
}

#map = affine_map<(d0, d1) -> (0)>
#map1 = affine_map<(d0, d1) -> (0, 0)>
module attributes {stable_mosaic.version = 14 : i64} {
  func.func @_gather(%arg0: i32, %arg1: i32, %arg2: memref<32768xi32, #tpu.memory_space<hbm>>, %arg3: memref<100000x128xf32, #tpu.memory_space<hbm>>, %arg4: memref<32768x128xf32, #tpu.memory_space<hbm>>, %arg5: memref<256xi32, #tpu.memory_space<vmem>>, %arg6: memref<256xi32, #tpu.memory_space<vmem>>, %arg7: memref<256x128xf32, #tpu.memory_space<vmem>>, %arg8: memref<256x128xf32, #tpu.memory_space<vmem>>, %arg9: memref<!tpu.dma_semaphore, #tpu.memory_space<semaphore_mem>>, %arg10: memref<!tpu.dma_semaphore, #tpu.memory_space<semaphore_mem>>, %arg11: memref<!tpu.dma_semaphore, #tpu.memory_space<semaphore_mem>>, %arg12: memref<!tpu.dma_semaphore, #tpu.memory_space<semaphore_mem>>) attributes {dimension_semantics = [#tpu.dimension_semantics<core_parallel>, #tpu.dimension_semantics<subcore_parallel>], iteration_bounds = array<i64: 2, 16>, scalar_prefetch = 0 : i64, scratch_operands = 8 : i64, tpu.core_type = #tpu.core_type<sc_vector_subcore>, window_params = [{transform_indices = #map}, {transform_indices = #map1}, {transform_indices = #map1}]} {
    %mul3A = arith.constant 2 : i32
    %mul3A_0 = arith.muli %arg1, %mul3A : i32
    %add3A = arith.addi %mul3A_0, %arg0 : i32
    %mul3A_1 = arith.constant 1024 : i32
    %mul3A_2 = arith.muli %add3A, %mul3A_1 : i32
    %multiple_of3A = tpu.assume_multiple %mul3A_2, 1024 : i32
    %add3A_3 = arith.constant 0 : i32
    %add3A_4 = arith.addi %multiple_of3A, %add3A_3 : i32
    %multiple_of3A_5 = tpu.assume_multiple %add3A_4, 256 : i32
    "tpu.region"() ({
      %run_scoped3A = tpu.sem_alloc : memref<!tpu.dma_semaphore, #tpu.memory_space<semaphore_mem>>
      %dma_start3A_80 = tpu.memref_slice %arg2[%multiple_of3A_5] : memref<32768xi32, #tpu.memory_space<hbm>> -> memref<256xi32, #tpu.memory_space<hbm>>
      %dma_start3A_81 = tpu.memref_slice %arg2[%multiple_of3A_5] : memref<32768xi32, #tpu.memory_space<hbm>> -> memref<256xi32, #tpu.memory_space<hbm>>
      tpu.enqueue_dma source(%dma_start3A_81 : memref<256xi32, #tpu.memory_space<hbm>>) target(%arg5 : memref<256xi32, #tpu.memory_space<vmem>>) target_semaphore(%run_scoped3A : memref<!tpu.dma_semaphore, #tpu.memory_space<semaphore_mem>>)
      %dma_wait3A_82 = tpu.memref_slice %arg2[%multiple_of3A_5] : memref<32768xi32, #tpu.memory_space<hbm>> -> memref<256xi32, #tpu.memory_space<hbm>>
      %dma_wait3A_83 = tpu.memref_slice %arg2[%multiple_of3A_5] : memref<32768xi32, #tpu.memory_space<hbm>> -> memref<256xi32, #tpu.memory_space<hbm>>
      tpu.wait_dma2 semaphore(%run_scoped3A : memref<!tpu.dma_semaphore, #tpu.memory_space<semaphore_mem>>) src(%dma_wait3A_83 : memref<256xi32, #tpu.memory_space<hbm>>) dst(%arg5 : memref<256xi32, #tpu.memory_space<vmem>>)
      tpu.yield
    }) : () -> ()
    %dma_start3A = arith.constant 0 : i32
    %dma_start3A_6 = arith.constant 0 : i32
    %dma_start3A_7 = tpu.memref_slice %arg3[%dma_start3A, %dma_start3A_6] : memref<100000x128xf32, #tpu.memory_space<hbm>> -> memref<100000x128xf32, #tpu.memory_space<hbm>>
    tpu.enqueue_indirect_dma source(%dma_start3A_7 : memref<100000x128xf32, #tpu.memory_space<hbm>>) target(%arg7 : memref<256x128xf32, #tpu.memory_space<vmem>>) offsets(%arg5 : memref<256xi32, #tpu.memory_space<vmem>>) semaphore(%arg9 : memref<!tpu.dma_semaphore, #tpu.memory_space<semaphore_mem>>)
    %dma_wait3A = arith.constant 0 : i32
    %dma_wait3A_8 = arith.constant 0 : i32
    %dma_wait3A_9 = tpu.memref_slice %arg3[%dma_wait3A, %dma_wait3A_8] : memref<100000x128xf32, #tpu.memory_space<hbm>> -> memref<100000x128xf32, #tpu.memory_space<hbm>>
    tpu.wait_indirect_dma semaphore(%arg9 : memref<!tpu.dma_semaphore, #tpu.memory_space<semaphore_mem>>) src(%dma_wait3A_9 : memref<100000x128xf32, #tpu.memory_space<hbm>>) dst(%arg7 : memref<256x128xf32, #tpu.memory_space<vmem>>)
    %dma_start3A_10 = arith.constant 0 : i32
    %dma_start3A_11 = tpu.memref_slice %arg4[%multiple_of3A_5, %dma_start3A_10] : memref<32768x128xf32, #tpu.memory_space<hbm>> -> memref<256x128xf32, #tpu.memory_space<hbm>>
    %dma_start3A_12 = arith.constant 0 : i32
    %dma_start3A_13 = tpu.memref_slice %arg4[%multiple_of3A_5, %dma_start3A_12] : memref<32768x128xf32, #tpu.memory_space<hbm>> -> memref<256x128xf32, #tpu.memory_space<hbm>>
    tpu.enqueue_dma source(%arg7 : memref<256x128xf32, #tpu.memory_space<vmem>>) target(%dma_start3A_13 : memref<256x128xf32, #tpu.memory_space<hbm>>) target_semaphore(%arg11 : memref<!tpu.dma_semaphore, #tpu.memory_space<semaphore_mem>>)
    %add3A_14 = arith.constant 256 : i32
    %add3A_15 = arith.addi %multiple_of3A, %add3A_14 : i32
    %multiple_of3A_16 = tpu.assume_multiple %add3A_15, 256 : i32
    "tpu.region"() ({
      %run_scoped3A = tpu.sem_alloc : memref<!tpu.dma_semaphore, #tpu.memory_space<semaphore_mem>>
      %dma_start3A_80 = tpu.memref_slice %arg2[%multiple_of3A_16] : memref<32768xi32, #tpu.memory_space<hbm>> -> memref<256xi32, #tpu.memory_space<hbm>>
      %dma_start3A_81 = tpu.memref_slice %arg2[%multiple_of3A_16] : memref<32768xi32, #tpu.memory_space<hbm>> -> memref<256xi32, #tpu.memory_space<hbm>>
      tpu.enqueue_dma source(%dma_start3A_81 : memref<256xi32, #tpu.memory_space<hbm>>) target(%arg6 : memref<256xi32, #tpu.memory_space<vmem>>) target_semaphore(%run_scoped3A : memref<!tpu.dma_semaphore, #tpu.memory_space<semaphore_mem>>)
      %dma_wait3A_82 = tpu.memref_slice %arg2[%multiple_of3A_16] : memref<32768xi32, #tpu.memory_space<hbm>> -> memref<256xi32, #tpu.memory_space<hbm>>
      %dma_wait3A_83 = tpu.memref_slice %arg2[%multiple_of3A_16] : memref<32768xi32, #tpu.memory_space<hbm>> -> memref<256xi32, #tpu.memory_space<hbm>>
      tpu.wait_dma2 semaphore(%run_scoped3A : memref<!tpu.dma_semaphore, #tpu.memory_space<semaphore_mem>>) src(%dma_wait3A_83 : memref<256xi32, #tpu.memory_space<hbm>>) dst(%arg6 : memref<256xi32, #tpu.memory_space<vmem>>)
      tpu.yield
    }) : () -> ()
    %dma_start3A_17 = arith.constant 0 : i32
    %dma_start3A_18 = arith.constant 0 : i32
    %dma_start3A_19 = tpu.memref_slice %arg3[%dma_start3A_17, %dma_start3A_18] : memref<100000x128xf32, #tpu.memory_space<hbm>> -> memref<100000x128xf32, #tpu.memory_space<hbm>>
    tpu.enqueue_indirect_dma source(%dma_start3A_19 : memref<100000x128xf32, #tpu.memory_space<hbm>>) target(%arg8 : memref<256x128xf32, #tpu.memory_space<vmem>>) offsets(%arg6 : memref<256xi32, #tpu.memory_space<vmem>>) semaphore(%arg10 : memref<!tpu.dma_semaphore, #tpu.memory_space<semaphore_mem>>)
    %dma_wait3A_20 = arith.constant 0 : i32
    %dma_wait3A_21 = arith.constant 0 : i32
    %dma_wait3A_22 = tpu.memref_slice %arg3[%dma_wait3A_20, %dma_wait3A_21] : memref<100000x128xf32, #tpu.memory_space<hbm>> -> memref<100000x128xf32, #tpu.memory_space<hbm>>
    tpu.wait_indirect_dma semaphore(%arg10 : memref<!tpu.dma_semaphore, #tpu.memory_space<semaphore_mem>>) src(%dma_wait3A_22 : memref<100000x128xf32, #tpu.memory_space<hbm>>) dst(%arg8 : memref<256x128xf32, #tpu.memory_space<vmem>>)
    %dma_start3A_23 = arith.constant 0 : i32
    %dma_start3A_24 = tpu.memref_slice %arg4[%multiple_of3A_16, %dma_start3A_23] : memref<32768x128xf32, #tpu.memory_space<hbm>> -> memref<256x128xf32, #tpu.memory_space<hbm>>
    %dma_start3A_25 = arith.constant 0 : i32
    %dma_start3A_26 = tpu.memref_slice %arg4[%multiple_of3A_16, %dma_start3A_25] : memref<32768x128xf32, #tpu.memory_space<hbm>> -> memref<256x128xf32, #tpu.memory_space<hbm>>
    tpu.enqueue_dma source(%arg8 : memref<256x128xf32, #tpu.memory_space<vmem>>) target(%dma_start3A_26 : memref<256x128xf32, #tpu.memory_space<hbm>>) target_semaphore(%arg12 : memref<!tpu.dma_semaphore, #tpu.memory_space<semaphore_mem>>)
    %add3A_27 = arith.constant 512 : i32
    %add3A_28 = arith.addi %multiple_of3A, %add3A_27 : i32
    %multiple_of3A_29 = tpu.assume_multiple %add3A_28, 256 : i32
    %sub3A = arith.constant 512 : i32
    %sub3A_30 = arith.subi %multiple_of3A_29, %sub3A : i32
    %multiple_of3A_31 = tpu.assume_multiple %sub3A_30, 256 : i32
    %dma_wait3A_32 = arith.constant 0 : i32
    %dma_wait3A_33 = tpu.memref_slice %arg4[%multiple_of3A_31, %dma_wait3A_32] : memref<32768x128xf32, #tpu.memory_space<hbm>> -> memref<256x128xf32, #tpu.memory_space<hbm>>
    %dma_wait3A_34 = arith.constant 0 : i32
    %dma_wait3A_35 = tpu.memref_slice %arg4[%multiple_of3A_31, %dma_wait3A_34] : memref<32768x128xf32, #tpu.memory_space<hbm>> -> memref<256x128xf32, #tpu.memory_space<hbm>>
    tpu.wait_dma2 semaphore(%arg11 : memref<!tpu.dma_semaphore, #tpu.memory_space<semaphore_mem>>) src(%arg7 : memref<256x128xf32, #tpu.memory_space<vmem>>) dst(%dma_wait3A_35 : memref<256x128xf32, #tpu.memory_space<hbm>>)
    "tpu.region"() ({
      %run_scoped3A = tpu.sem_alloc : memref<!tpu.dma_semaphore, #tpu.memory_space<semaphore_mem>>
      %dma_start3A_80 = tpu.memref_slice %arg2[%multiple_of3A_29] : memref<32768xi32, #tpu.memory_space<hbm>> -> memref<256xi32, #tpu.memory_space<hbm>>
      %dma_start3A_81 = tpu.memref_slice %arg2[%multiple_of3A_29] : memref<32768xi32, #tpu.memory_space<hbm>> -> memref<256xi32, #tpu.memory_space<hbm>>
      tpu.enqueue_dma source(%dma_start3A_81 : memref<256xi32, #tpu.memory_space<hbm>>) target(%arg5 : memref<256xi32, #tpu.memory_space<vmem>>) target_semaphore(%run_scoped3A : memref<!tpu.dma_semaphore, #tpu.memory_space<semaphore_mem>>)
      %dma_wait3A_82 = tpu.memref_slice %arg2[%multiple_of3A_29] : memref<32768xi32, #tpu.memory_space<hbm>> -> memref<256xi32, #tpu.memory_space<hbm>>
      %dma_wait3A_83 = tpu.memref_slice %arg2[%multiple_of3A_29] : memref<32768xi32, #tpu.memory_space<hbm>> -> memref<256xi32, #tpu.memory_space<hbm>>
      tpu.wait_dma2 semaphore(%run_scoped3A : memref<!tpu.dma_semaphore, #tpu.memory_space<semaphore_mem>>) src(%dma_wait3A_83 : memref<256xi32, #tpu.memory_space<hbm>>) dst(%arg5 : memref<256xi32, #tpu.memory_space<vmem>>)
      tpu.yield
    }) : () -> ()
    %dma_start3A_36 = arith.constant 0 : i32
    %dma_start3A_37 = arith.constant 0 : i32
    %dma_start3A_38 = tpu.memref_slice %arg3[%dma_start3A_36, %dma_start3A_37] : memref<100000x128xf32, #tpu.memory_space<hbm>> -> memref<100000x128xf32, #tpu.memory_space<hbm>>
    tpu.enqueue_indirect_dma source(%dma_start3A_38 : memref<100000x128xf32, #tpu.memory_space<hbm>>) target(%arg7 : memref<256x128xf32, #tpu.memory_space<vmem>>) offsets(%arg5 : memref<256xi32, #tpu.memory_space<vmem>>) semaphore(%arg9 : memref<!tpu.dma_semaphore, #tpu.memory_space<semaphore_mem>>)
    %dma_wait3A_39 = arith.constant 0 : i32
    %dma_wait3A_40 = arith.constant 0 : i32
    %dma_wait3A_41 = tpu.memref_slice %arg3[%dma_wait3A_39, %dma_wait3A_40] : memref<100000x128xf32, #tpu.memory_space<hbm>> -> memref<100000x128xf32, #tpu.memory_space<hbm>>
    tpu.wait_indirect_dma semaphore(%arg9 : memref<!tpu.dma_semaphore, #tpu.memory_space<semaphore_mem>>) src(%dma_wait3A_41 : memref<100000x128xf32, #tpu.memory_space<hbm>>) dst(%arg7 : memref<256x128xf32, #tpu.memory_space<vmem>>)
    %dma_start3A_42 = arith.constant 0 : i32
    %dma_start3A_43 = tpu.memref_slice %arg4[%multiple_of3A_29, %dma_start3A_42] : memref<32768x128xf32, #tpu.memory_space<hbm>> -> memref<256x128xf32, #tpu.memory_space<hbm>>
    %dma_start3A_44 = arith.constant 0 : i32
    %dma_start3A_45 = tpu.memref_slice %arg4[%multiple_of3A_29, %dma_start3A_44] : memref<32768x128xf32, #tpu.memory_space<hbm>> -> memref<256x128xf32, #tpu.memory_space<hbm>>
    tpu.enqueue_dma source(%arg7 : memref<256x128xf32, #tpu.memory_space<vmem>>) target(%dma_start3A_45 : memref<256x128xf32, #tpu.memory_space<hbm>>) target_semaphore(%arg11 : memref<!tpu.dma_semaphore, #tpu.memory_space<semaphore_mem>>)
    %add3A_46 = arith.constant 768 : i32
    %add3A_47 = arith.addi %multiple_of3A, %add3A_46 : i32
    %multiple_of3A_48 = tpu.assume_multiple %add3A_47, 256 : i32
    %sub3A_49 = arith.constant 512 : i32
    %sub3A_50 = arith.subi %multiple_of3A_48, %sub3A_49 : i32
    %multiple_of3A_51 = tpu.assume_multiple %sub3A_50, 256 : i32
    %dma_wait3A_52 = arith.constant 0 : i32
    %dma_wait3A_53 = tpu.memref_slice %arg4[%multiple_of3A_51, %dma_wait3A_52] : memref<32768x128xf32, #tpu.memory_space<hbm>> -> memref<256x128xf32, #tpu.memory_space<hbm>>
    %dma_wait3A_54 = arith.constant 0 : i32
    %dma_wait3A_55 = tpu.memref_slice %arg4[%multiple_of3A_51, %dma_wait3A_54] : memref<32768x128xf32, #tpu.memory_space<hbm>> -> memref<256x128xf32, #tpu.memory_space<hbm>>
    tpu.wait_dma2 semaphore(%arg12 : memref<!tpu.dma_semaphore, #tpu.memory_space<semaphore_mem>>) src(%arg8 : memref<256x128xf32, #tpu.memory_space<vmem>>) dst(%dma_wait3A_55 : memref<256x128xf32, #tpu.memory_space<hbm>>)
    "tpu.region"() ({
      %run_scoped3A = tpu.sem_alloc : memref<!tpu.dma_semaphore, #tpu.memory_space<semaphore_mem>>
      %dma_start3A_80 = tpu.memref_slice %arg2[%multiple_of3A_48] : memref<32768xi32, #tpu.memory_space<hbm>> -> memref<256xi32, #tpu.memory_space<hbm>>
      %dma_start3A_81 = tpu.memref_slice %arg2[%multiple_of3A_48] : memref<32768xi32, #tpu.memory_space<hbm>> -> memref<256xi32, #tpu.memory_space<hbm>>
      tpu.enqueue_dma source(%dma_start3A_81 : memref<256xi32, #tpu.memory_space<hbm>>) target(%arg6 : memref<256xi32, #tpu.memory_space<vmem>>) target_semaphore(%run_scoped3A : memref<!tpu.dma_semaphore, #tpu.memory_space<semaphore_mem>>)
      %dma_wait3A_82 = tpu.memref_slice %arg2[%multiple_of3A_48] : memref<32768xi32, #tpu.memory_space<hbm>> -> memref<256xi32, #tpu.memory_space<hbm>>
      %dma_wait3A_83 = tpu.memref_slice %arg2[%multiple_of3A_48] : memref<32768xi32, #tpu.memory_space<hbm>> -> memref<256xi32, #tpu.memory_space<hbm>>
      tpu.wait_dma2 semaphore(%run_scoped3A : memref<!tpu.dma_semaphore, #tpu.memory_space<semaphore_mem>>) src(%dma_wait3A_83 : memref<256xi32, #tpu.memory_space<hbm>>) dst(%arg6 : memref<256xi32, #tpu.memory_space<vmem>>)
      tpu.yield
    }) : () -> ()
    %dma_start3A_56 = arith.constant 0 : i32
    %dma_start3A_57 = arith.constant 0 : i32
    %dma_start3A_58 = tpu.memref_slice %arg3[%dma_start3A_56, %dma_start3A_57] : memref<100000x128xf32, #tpu.memory_space<hbm>> -> memref<100000x128xf32, #tpu.memory_space<hbm>>
    tpu.enqueue_indirect_dma source(%dma_start3A_58 : memref<100000x128xf32, #tpu.memory_space<hbm>>) target(%arg8 : memref<256x128xf32, #tpu.memory_space<vmem>>) offsets(%arg6 : memref<256xi32, #tpu.memory_space<vmem>>) semaphore(%arg10 : memref<!tpu.dma_semaphore, #tpu.memory_space<semaphore_mem>>)
    %dma_wait3A_59 = arith.constant 0 : i32
    %dma_wait3A_60 = arith.constant 0 : i32
    %dma_wait3A_61 = tpu.memref_slice %arg3[%dma_wait3A_59, %dma_wait3A_60] : memref<100000x128xf32, #tpu.memory_space<hbm>> -> memref<100000x128xf32, #tpu.memory_space<hbm>>
    tpu.wait_indirect_dma semaphore(%arg10 : memref<!tpu.dma_semaphore, #tpu.memory_space<semaphore_mem>>) src(%dma_wait3A_61 : memref<100000x128xf32, #tpu.memory_space<hbm>>) dst(%arg8 : memref<256x128xf32, #tpu.memory_space<vmem>>)
    %dma_start3A_62 = arith.constant 0 : i32
    %dma_start3A_63 = tpu.memref_slice %arg4[%multiple_of3A_48, %dma_start3A_62] : memref<32768x128xf32, #tpu.memory_space<hbm>> -> memref<256x128xf32, #tpu.memory_space<hbm>>
    %dma_start3A_64 = arith.constant 0 : i32
    %dma_start3A_65 = tpu.memref_slice %arg4[%multiple_of3A_48, %dma_start3A_64] : memref<32768x128xf32, #tpu.memory_space<hbm>> -> memref<256x128xf32, #tpu.memory_space<hbm>>
    tpu.enqueue_dma source(%arg8 : memref<256x128xf32, #tpu.memory_space<vmem>>) target(%dma_start3A_65 : memref<256x128xf32, #tpu.memory_space<hbm>>) target_semaphore(%arg12 : memref<!tpu.dma_semaphore, #tpu.memory_space<semaphore_mem>>)
    %add3A_66 = arith.constant 512 : i32
    %add3A_67 = arith.addi %multiple_of3A, %add3A_66 : i32
    %multiple_of3A_68 = tpu.assume_multiple %add3A_67, 256 : i32
    %dma_wait3A_69 = arith.constant 0 : i32
    %dma_wait3A_70 = tpu.memref_slice %arg4[%multiple_of3A_68, %dma_wait3A_69] : memref<32768x128xf32, #tpu.memory_space<hbm>> -> memref<256x128xf32, #tpu.memory_space<hbm>>
    %dma_wait3A_71 = arith.constant 0 : i32
    %dma_wait3A_72 = tpu.memref_slice %arg4[%multiple_of3A_68, %dma_wait3A_71] : memref<32768x128xf32, #tpu.memory_space<hbm>> -> memref<256x128xf32, #tpu.memory_space<hbm>>
    tpu.wait_dma2 semaphore(%arg11 : memref<!tpu.dma_semaphore, #tpu.memory_space<semaphore_mem>>) src(%arg7 : memref<256x128xf32, #tpu.memory_space<vmem>>) dst(%dma_wait3A_72 : memref<256x128xf32, #tpu.memory_space<hbm>>)
    %add3A_73 = arith.constant 768 : i32
    %add3A_74 = arith.addi %multiple_of3A, %add3A_73 : i32
    %multiple_of3A_75 = tpu.assume_multiple %add3A_74, 256 : i32
    %dma_wait3A_76 = arith.constant 0 : i32
    %dma_wait3A_77 = tpu.memref_slice %arg4[%multiple_of3A_75, %dma_wait3A_76] : memref<32768x128xf32, #tpu.memory_space<hbm>> -> memref<256x128xf32, #tpu.memory_space<hbm>>
    %dma_wait3A_78 = arith.constant 0 : i32
    %dma_wait3A_79 = tpu.memref_slice %arg4[%multiple_of3A_75, %dma_wait3A_78] : memref<32768x128xf32, #tpu.memory_space<hbm>> -> memref<256x128xf32, #tpu.memory_space<hbm>>
    tpu.wait_dma2 semaphore(%arg12 : memref<!tpu.dma_semaphore, #tpu.memory_space<semaphore_mem>>) src(%arg8 : memref<256x128xf32, #tpu.memory_space<vmem>>) dst(%dma_wait3A_79 : memref<256x128xf32, #tpu.memory_space<hbm>>)
    return
  }
}

module attributes {stable_mosaic.version = 14 : i64} {
  func.func @_mlp_body(%arg0: i32, %arg1: memref<2048x128xf32, #tpu.memory_space<vmem>>, %arg2: memref<2048x128xf32, #tpu.memory_space<vmem>>, %arg3: memref<128x128xf32, #tpu.memory_space<vmem>>, %arg4: memref<1x128xf32, #tpu.memory_space<vmem>>, %arg5: memref<128x128xf32, #tpu.memory_space<vmem>>, %arg6: memref<1x128xf32, #tpu.memory_space<vmem>>, %arg7: memref<2048x128xf32, #tpu.memory_space<vmem>>) attributes {dimension_semantics = [#tpu.dimension_semantics<arbitrary>], iteration_bounds = array<i64: 16>, scalar_prefetch = 0 : i64, scratch_operands = 0 : i64, tpu.core_type = #tpu.core_type<tc>, window_params = [{transform_indices = @transform_0, window_bounds = array<i64: 2048, 128>}, {transform_indices = @transform_1, window_bounds = array<i64: 2048, 128>}, {pipeline_mode = #tpu.pipeline_mode<synchronous>, transform_indices = @transform_2, window_bounds = array<i64: 128, 128>}, {pipeline_mode = #tpu.pipeline_mode<synchronous>, transform_indices = @transform_3, window_bounds = array<i64: 1, 128>}, {pipeline_mode = #tpu.pipeline_mode<synchronous>, transform_indices = @transform_4, window_bounds = array<i64: 128, 128>}, {pipeline_mode = #tpu.pipeline_mode<synchronous>, transform_indices = @transform_5, window_bounds = array<i64: 1, 128>}, {transform_indices = @transform_6, window_bounds = array<i64: 2048, 128>}]} {
    %get3A = arith.constant 0 : index
    %get3A_0 = arith.constant 0 : index
    %get3A_1 = vector.load %arg1[%get3A, %get3A_0] : memref<2048x128xf32, #tpu.memory_space<vmem>>, vector<2048x128xf32>
    %get3A_2 = arith.constant 0 : index
    %get3A_3 = arith.constant 0 : index
    %get3A_4 = vector.load %arg2[%get3A_2, %get3A_3] : memref<2048x128xf32, #tpu.memory_space<vmem>>, vector<2048x128xf32>
    %get3A_5 = arith.constant 0 : index
    %get3A_6 = arith.constant 0 : index
    %get3A_7 = vector.load %arg3[%get3A_5, %get3A_6] : memref<128x128xf32, #tpu.memory_space<vmem>>, vector<128x128xf32>
    %dot_general3A = arith.constant dense<0.000000e+00> : vector<2048x128xf32>
    %dot_general3A_8 = tpu.matmul %get3A_1, %get3A_7, %dot_general3A {dimension_numbers = #tpu.dot_dimension_numbers<[1], [1], [0], [0], [0, 0, 1, 0], [], []>, precision = #tpu.contract_precision<fp32>, transpose_lhs_hint = false} : vector<2048x128xf32>, vector<128x128xf32>, vector<2048x128xf32> -> vector<2048x128xf32>
    %get3A_9 = arith.constant 0 : index
    %get3A_10 = arith.constant 0 : index
    %get3A_11 = vector.load %arg4[%get3A_9, %get3A_10] : memref<1x128xf32, #tpu.memory_space<vmem>>, vector<1x128xf32>
    %add3A = vector.broadcast %get3A_11 : vector<1x128xf32> to vector<2048x128xf32>
    %add3A_12 = arith.addf %dot_general3A_8, %add3A : vector<2048x128xf32>
    %add3A_13 = arith.addf %get3A_4, %add3A_12 : vector<2048x128xf32>
    %get3A_14 = arith.constant 0 : index
    %get3A_15 = arith.constant 0 : index
    %get3A_16 = vector.load %arg5[%get3A_14, %get3A_15] : memref<128x128xf32, #tpu.memory_space<vmem>>, vector<128x128xf32>
    %dot_general3A_17 = arith.constant dense<0.000000e+00> : vector<2048x128xf32>
    %dot_general3A_18 = tpu.matmul %add3A_13, %get3A_16, %dot_general3A_17 {dimension_numbers = #tpu.dot_dimension_numbers<[1], [1], [0], [0], [0, 0, 1, 0], [], []>, precision = #tpu.contract_precision<fp32>, transpose_lhs_hint = false} : vector<2048x128xf32>, vector<128x128xf32>, vector<2048x128xf32> -> vector<2048x128xf32>
    %get3A_19 = arith.constant 0 : index
    %get3A_20 = arith.constant 0 : index
    %get3A_21 = vector.load %arg6[%get3A_19, %get3A_20] : memref<1x128xf32, #tpu.memory_space<vmem>>, vector<1x128xf32>
    %add3A_22 = vector.broadcast %get3A_21 : vector<1x128xf32> to vector<2048x128xf32>
    %add3A_23 = arith.addf %dot_general3A_18, %add3A_22 : vector<2048x128xf32>
    %add3A_24 = arith.addf %add3A_23, %get3A_4 : vector<2048x128xf32>
    %swap3A = arith.constant 0 : index
    %swap3A_25 = arith.constant 0 : index
    %swap3A_26 = vector.load %arg7[%swap3A, %swap3A_25] : memref<2048x128xf32, #tpu.memory_space<vmem>>, vector<2048x128xf32>
    tpu.vector_store %arg7[%swap3A, %swap3A_25], %add3A_24 {strides = array<i32>} : memref<2048x128xf32, #tpu.memory_space<vmem>>, vector<2048x128xf32>,
    return
  }
  func.func @transform_0(%arg0: i32) -> (i32, i32) {
    %c0_i32 = arith.constant 0 : i32
    %c0_i32_0 = arith.constant 0 : i32
    return %arg0, %c0_i32 : i32, i32
  }
  func.func @transform_1(%arg0: i32) -> (i32, i32) {
    %c0_i32 = arith.constant 0 : i32
    %c0_i32_0 = arith.constant 0 : i32
    return %arg0, %c0_i32 : i32, i32
  }
  func.func @transform_2(%arg0: i32) -> (i32, i32) {
    %c0_i32 = arith.constant 0 : i32
    %c0_i32_0 = arith.constant 0 : i32
    %c0_i32_1 = arith.constant 0 : i32
    return %c0_i32, %c0_i32_0 : i32, i32
  }
  func.func @transform_3(%arg0: i32) -> (i32, i32) {
    %c0_i32 = arith.constant 0 : i32
    %c0_i32_0 = arith.constant 0 : i32
    %c0_i32_1 = arith.constant 0 : i32
    return %c0_i32, %c0_i32_0 : i32, i32
  }
  func.func @transform_4(%arg0: i32) -> (i32, i32) {
    %c0_i32 = arith.constant 0 : i32
    %c0_i32_0 = arith.constant 0 : i32
    %c0_i32_1 = arith.constant 0 : i32
    return %c0_i32, %c0_i32_0 : i32, i32
  }
  func.func @transform_5(%arg0: i32) -> (i32, i32) {
    %c0_i32 = arith.constant 0 : i32
    %c0_i32_0 = arith.constant 0 : i32
    %c0_i32_1 = arith.constant 0 : i32
    return %c0_i32, %c0_i32_0 : i32, i32
  }
  func.func @transform_6(%arg0: i32) -> (i32, i32) {
    %c0_i32 = arith.constant 0 : i32
    %c0_i32_0 = arith.constant 0 : i32
    return %arg0, %c0_i32 : i32, i32
  }
}

</mosaic_0001>

<sc_bundles>
// kernel: kernel.5.cloned.1.call-start
scs
__scs_entry_jumppad:
0x0: {  	(pc) =	sbr.rel $0x88, $3  }
0x1: {  	(tag) =	ssettag $0x0;
	lr =	simm.s32 $0x1  }
0x2: {  	[smem:$0x3F98] =	sst lr;
	_ =	strace $0xD0000000  }
0x3: {  	_ = 	snop  }
0x4: {  	_ = 	snop  }
0x5: {  	_ = 	snop  }
0x6: {  	_ = 	snop  }
0x7: {  	_ = 	snop  }
__scs_overlays_trampoline_lowered:
0x8: {  	[smem:$0x3FA7] =	sst s0  }
0x9: {  	[smem:$0x3FA8] =	sst s1  }
0xa: {  	[smem:$0x3FA9] =	sst s2  }
0xb: {  	[smem:$0x3FAA] =	sst s3  }
0xc: {  	[smem:$0x3FAB] =	sst s4  }
0xd: {  	[smem:$0x3FAC] =	sst s5  }
0xe: {  	[smem:$0x3FAD] =	sst s6  }
0xf: {  	[smem:$0x3FAE] =	sst s7  }
0x10: {  	[smem:$0x3FAF] =	sst s8  }
0x11: {  	[smem:$0x3FB0] =	sst s9;
	s0 =	simm.s32 @!p0 $0x0  }
0x12: {  	s1 =	sld [smem:$0x3F96];
	s0 =	simm.s32 @p0 $0x1  }
0x13: {  	[smem:$0x3FB1] =	sst s0;
	s0 =	simm.s32 @!p1 $0x0  }
0x14: {  	s2 =	sld [smem:$0x3F95];
	s0 =	simm.s32 @p1 $0x1  }
0x15: {  	[smem:$0x3FB2] =	sst s0;
	s0 =	simm.s32 @!p2 $0x0  }
0x16: {  	s3 =	sld [smem:$0x3FDB];
	s0 =	simm.s32 @p2 $0x1  }
0x17: {  	s4 =	simm.s32 $0x1BF5;
	[smem:$0x3FB4] =	sst s0  }
0x18: {  	s0 =	sld [smem:$0x3F97];
	_ =	swait.ge [sflag:s4], $0x0  }
0x19: {  	s7 =	sld [smem:$0x3F98]  }
0x1a: {  	s8 =	sadd.s32 $0xFFFFE003, lr  }
0x1b: {  	s9 =	sadd.s32 $0xFFFFFEF7, lr;
	s5 =	simm.s32 $0xFFFFFFFF;
	p2 =	slt.u32 s8, $0xFFFFF086  }
0x1c: {  	p1 =	slt.u32 s9, $0xF7A;
	s5 =	simm.s32 @!p2 $0x0  }
0x1d: {  	s5 =	simm.s32 @p1 $0x1;
	p0 =	seq.s32 s7, s2  }
0x1e: {  	s7 =	smul.u32 @!p0 $0xF7A, s2;
	p2 =	seq.s32 @!p0 s5, $0x0  }
0x1f: {  	s9 =	smul.u32 $0xF7A, s1;
	s8 =	simm.s32 @!p0 $0x1BF5;
	p2 =	por !p2, p0  }
0x20: {  	[sflag:s8] =	ssyncset.s32 @!p0 $0xFFFFF086;
	s6 =	sadd.s32 @!p0 s3, s7;
	s7 =	simm.s32 @!p0 $0x108  }
0x21: {  	s3 =	sadd.s32 s3, s9;
	s6 =	sadd.s32 @!p0 $0x88, s6;
	s7 =	simm.s32 @p2 $0x1082  }
0x22: {  	[simem:s7], [sflag:s8] =	dma.local @!p0 [hbm:s6], $0xF7A  }
0x23: {  	s9 =	sor.u32 $0xD0000000, s2;
	s6 =	simm.s32 $0x108;
	_ =	swait.ge @!p0 [sflag:s8], $0x0  }
0x24: {  	s3 =	sadd.s32 $0x88, s3;
	s6 =	simm.s32 @!p1 $0x1082;
	[sflag:s4] =	ssyncset.s32 $0xFFFFF086  }
0x25: {  	[simem:s6], [sflag:s4] =	dma.local [hbm:s3], $0xF7A  }
0x26: {  	[smem:$0x3F98] =	sst s1;
	(tag) =	ssettag s2;
	_ =	strace s9  }
0x27: {  	s1 =	sld [smem:$0x3FA8]  }
0x28: {  	s2 =	sld [smem:$0x3FA9]  }
0x29: {  	s4 =	sld [smem:$0x3FAB]  }
0x2a: {  	p0 =	seq.s32 s5, $0x0;
	s5 =	sld [smem:$0x3FAC]  }
0x2b: {  	s6 =	sld [smem:$0x3FAD]  }
0x2c: {  	s7 =	sld [smem:$0x3FAE]  }
0x2d: {  	s3 =	simm.s32 $0x108;
	s8 =	sld [smem:$0x3FAF]  }
0x2e: {  	s3 =	simm.s32 @!p0 $0x1082;
	s9 =	sld [smem:$0x3FB0]  }
0x2f: {  	lr =	sadd.s32 s0, s3;
	s0 =	sld [smem:$0x3FA7]  }
0x30: {  	s3 =	sld [smem:$0x3FAA]  }
0x31: {  	[smem:$0x3FB3] =	sst s10  }
0x32: {  	s10 =	sld [smem:$0x3FB1];
	_ =	sdelay $0x3  }
0x33: {  	p0 =	seq.s32 s10, $0x1;
	s10 =	sld [smem:$0x3FB3];
	_ =	sdelay $0x3  }
0x34: {  	[smem:$0x3FB3] =	sst s10  }
0x35: {  	s10 =	sld [smem:$0x3FB2];
	_ =	sdelay $0x3  }
0x36: {  	p1 =	seq.s32 s10, $0x1;
	s10 =	sld [smem:$0x3FB3];
	_ =	sdelay $0x3  }
0x37: {  	[smem:$0x3FB3] =	sst s10  }
0x38: {  	s10 =	sld [smem:$0x3FB4]  }
0x39: {  	_ = 	snop;
	(pc) =	sbr.ind lr, $3  }
0x3a: {  	_ = 	snop  }
0x3b: {  	_ = 	snop  }
0x3c: {  	p2 =	seq.s32 s10, $0x1;
	s10 =	sld [smem:$0x3FB3]  }
0x3d: {  	_ =	shalt  }
0x3e: {  	_ =	shalt  }
0x3f: {  	_ =	shalt  }
0x40: {  	_ =	shalt  }
0x41: {  	_ =	shalt  }
0x42: {  	_ =	shalt  }
0x43: {  	_ =	shalt  }
0x44: {  	_ =	shalt  }
0x45: {  	_ =	shalt  }
0x46: {  	_ =	shalt  }
0x47: {  	_ =	shalt  }
0x48: {  	_ =	shalt  }
0x49: {  	_ =	shalt  }
0x4a: {  	_ =	shalt  }
0x4b: {  	_ =	shalt  }
0x4c: {  	_ =	shalt  }
0x4d: {  	_ =	shalt  }
0x4e: {  	_ =	shalt  }
0x4f: {  	_ =	shalt  }
0x50: {  	_ =	shalt  }
0x51: {  	_ =	shalt  }
0x52: {  	_ =	shalt  }
0x53: {  	_ =	shalt  }
0x54: {  	_ =	shalt  }
0x55: {  	_ =	shalt  }
0x56: {  	_ =	shalt  }
0x57: {  	_ =	shalt  }
0x58: {  	_ =	shalt  }
0x59: {  	_ =	shalt  }
0x5a: {  	_ =	shalt  }
0x5b: {  	_ =	shalt  }
0x5c: {  	_ =	shalt  }
0x5d: {  	_ =	shalt  }
0x5e: {  	_ =	shalt  }
0x5f: {  	_ =	shalt  }
0x60: {  	_ =	shalt  }
0x61: {  	_ =	shalt  }
0x62: {  	_ =	shalt  }
0x63: {  	_ =	shalt  }
0x64: {  	_ =	shalt  }
0x65: {  	_ =	shalt  }
0x66: {  	_ =	shalt  }
0x67: {  	_ =	shalt  }
0x68: {  	_ =	shalt  }
0x69: {  	_ =	shalt  }
0x6a: {  	_ =	shalt  }
0x6b: {  	_ =	shalt  }
0x6c: {  	_ =	shalt  }
0x6d: {  	_ =	shalt  }
0x6e: {  	_ =	shalt  }
0x6f: {  	_ =	shalt  }
0x70: {  	_ =	shalt  }
0x71: {  	_ =	shalt  }
0x72: {  	_ =	shalt  }
0x73: {  	_ =	shalt  }
0x74: {  	_ =	shalt  }
0x75: {  	_ =	shalt  }
0x76: {  	_ =	shalt  }
0x77: {  	_ =	shalt  }
0x78: {  	_ =	shalt  }
0x79: {  	_ =	shalt  }
0x7a: {  	_ =	shalt  }
0x7b: {  	_ =	shalt  }
0x7c: {  	_ =	shalt  }
0x7d: {  	_ =	shalt  }
0x7e: {  	_ =	shalt  }
0x7f: {  	_ =	shalt  }
0x80: {  	_ =	shalt  }
0x81: {  	_ =	shalt  }
0x82: {  	_ =	shalt  }
0x83: {  	_ =	shalt  }
0x84: {  	_ =	shalt  }
0x85: {  	_ =	shalt  }
0x86: {  	_ =	shalt  }
0x87: {  	_ =	shalt  }
.Lfunc_end0:
.L_simem_size_0:
called_computation_lowered:
.L_overlay_start_0:
0x88: {  	s2 =	sld [smem:$0x3FD9]  }
0x89: {  	s3 =	sld [smem:$0x3FFE];
	_ =	sdelay $0x1  }
0x8a: {  	s1 =	srdreg.scid  }
0x8b: {  	s0 =	sand.u32 $0x1, s1  }
0x8c: {  	s17 =	sshll.u32 s0, $0xA;
	s2 =	sadd.s32 s3, s2  }
0x8d: {  	s2 =	sadd.s32 s2, s17  }
0x8e: {  	[smem:$0x3FBF] =	sst s2  }
0x8f: {  	_ = 	snop  }
0x90: {  	s2 =	sld [smem:$0x3FC7];
	(tm) =	ssettm $0x1  }
0x91: {  	s18 =	sld [smem:$0x3FFB];
	_ =	sdelay $0x3  }
0x92: {  	_ =	strace s18  }
0x93: {  	s3 =	sld [smem:$0x3FFC];
	_ =	sdelay $0x3  }
0x94: {  	_ =	strace s3  }
0x95: {  	s3 =	sld [smem:$0x3FFD];
	_ =	sdelay $0x3  }
0x96: {  	_ =	strace s3  }
0x97: {  	_ =	strace $0x8FFFFFFF  }
0x98: {  	s19 =	sld [smem:$0x3FDB];
	_ =	sdelay $0x1  }
0x99: {  	s4 =	simm.s32 $_scs_section_size  }
0x9a: {  	s5 =	simm.s32 $_size__tile_overlayer_lowered;
	s6 =	simm.s32 $_tile_overlayer_lowered  }
0x9b: {  	s22 =	simm.s32 $0x1BFF;
	s21 =	sshll.u32 s6, $0x1;
	s3 =	sadd.s32 s4, s19  }
0x9c: {  	s7 =	simm.s32 $0x0;
	s20 =	sshll.u32 s5, $0x1;
	s5 =	sadd.s32 s21, s3  }
0x9d: {  	[timem:s7], [sflag:s22] =	dma.local [hbm:s5], s20  }
0x9e: {  	_ =	swait.ge [sflag:s22], s20  }
0x9f: {  	s4 =	ssub.s32 $0x0, s20;
	[sflag:s22] =	ssyncset.done $0x0  }
0xa0: {  	[sflag:s22] =	ssyncadd.s32 s4;
	_ =	sdelay $0x1  }
0xa1: {  	s23 =	simm.s32 $0x1B8B  }
0xa2: {  	_ =	swait.ge [sflag:s23], $0x1  }
0xa3: {  	[sflag:s23] =	ssyncset.done $0x0  }
0xa4: {  	s25 =	simm.s32 $0x1B8E;
	s24 =	sld [smem:$0x3FFE];
	[sflag:s23] =	ssyncadd.s32 $0xFFFFFFFF  }
0xa5: {  	s26 =	simm.s32 $execute0_lowered;
	[smem:$0x3FD2] =	sst s25  }
0xa6: {  	s5 =	sshll.u32 s26, $0x1;
	_ =	strace $0x80000046;
	[dreg:$0x1] =	wrdreg $0xFFFFFFFF  }
0xa7: {  	s28 =	simm.s32 $_size_execute0_lowered;
	s3 =	sadd.s32 s3, s5;
	[dreg:$0x0] =	wrdreg $0x0  }
0xa8: {  	s5 =	sshll.u32 s28, $0x1;
	[dreg:$0x2] =	wrdreg s3  }
0xa9: {  	[dreg:$0x3] =	wrdreg s5  }
0xaa: {  	[dreg:$0x4] =	wrdreg $0xC0  }
0xab: {  	_ =	task [dreg:s7], $0x5FFFF  }
0xac: {  	[dreg:$0x1] =	wrdreg $0xFFFFFFFF  }
0xad: {  	[dreg:$0x0] =	wrdreg $0x60  }
0xae: {  	[dreg:$0x2] =	wrdreg s24  }
0xaf: {  	[dreg:$0x3] =	wrdreg s2  }
0xb0: {  	[dreg:$0x4] =	wrdreg $0x9  }
0xb1: {  	_ =	task.clear_ibuf [dreg:s7], $0x5FFFF;
	_ =	strace $0x90000046  }
0xb2: {  	s29 =	simm.s32 $0x9;
	_ =	strace $0x80000048  }
0xb3: {  	_ =	swait.ge [sflag:s29], $0x1  }
0xb4: {  	[sflag:s29] =	ssyncadd.s32 $0xFFFFFFFF  }
0xb5: {  	_ =	strace $0x90000048  }
0xb6: {  	_ =	sfence  }
0xb7: {  	s30 =	sld [smem:$0x0];
	_ =	sdelay $0x2  }
0xb8: {  	s31 =	sshll.u32 s1, $0xD;
	s1 =	sshrl.u32 s1, $0x2  }
0xb9: {  	s3 =	sand.u32 $0x4000, s31;
	s1 =	sadd.s32 s1, s30  }
0xba: {  	s0 =	sor.u32 s3, s0;
	s1 =	sshll.u32 s1, $0x11  }
0xbb: {  	s0 =	sor.u32 s1, s0  }
0xbc: {  	s0 =	sadd.s32 $0x8F2B, s0  }
0xbd: {  	[sflag:s0] =	ssyncadd.remote.s32 $0x1  }
0xbe: {  	_ =	sfence.sel $0xFFFF  }
0xbf: {  	[dreg:$0x0] =	wrdreg $0xFFFFFFFF;
	(pc) =	sbr.abs _section_cstart, $3  }
0xc0: {  	[dreg:$0x1] =	wrdreg $0xFFFFFFFF  }
0xc1: {  	_ =	task.clear_ibuf [dreg:s7], $0x2FFFF;
	_ =	strace $0x9FFFFFFF  }
0xc2: {  	(tm) =	ssettm $0x7FFFFFFF  }
0xc3: {  	_ =	shalt  }
tec
execute0_lowered:
.L_overlay_start_1:
0x0: {  	(tag) =	ssettag $0x1  }
0x1: {  	s1 =	srdreg.scid  }
0x2: {  	s9 =	rddreg [dreg:$0x0];
	s0 =	stileid.u32;
	s19 =	sand.u32 $0x1, s1  }
0x3: {  	s2 =	rddreg [dreg:$0x1];
	s4 =	sshll.u32 s0, $0xB;
	s5 =	sshll.u32 s19, $0xA  }
0x4: {  	s3 =	simm.s32 $0x0;
	s1 =	rddreg [dreg:$0x2];
	s18 =	sor.u32 s5, s4  }
0x5: {  	[smem:$0x7FF] =	sst s3;
	s20 =	sadd.s32 $0x1800, s9;
	s4 =	sshrl.u32 s18, $0x3  }
0x6: {  	_ =	strace $0x80000047;
	s5 =	simm.s32 $0x5;
	s4 =	sadd.s32 s20, s4  }
0x7: {  	[tilespmem:s3], [sflag:$0x5] =	stream.linear.gather [hbm4b:s4+s3], $0x100, $0x38;
	[tilespmem:$0x10200] =	vst v63  }
0x8: {  	_ =	swait.ge [sflag:s5], $0x100  }
0x9: {  	s6 =	simm.s32 $0x100;
	[sflag:s5] =	ssyncset.done $0x0  }
0xa: {  	s7 =	simm.s32 $0x200;
	s8 =	simm.s32 $0x1;
	[sflag:s5] =	ssyncadd.s32 $0xFFFFFF00  }
0xb: {  	[tilespmem:s7], [sflag:$0x1] =	stream.indirect.gather [hbm4b:s2+s6], $0x80, s3, s6, $0xb8;
	[tilespmem:$0x10200] =	vst v63  }
0xc: {  	s21 =	sadd.s32 $0x2800, s9;
	_ =	swait.ge [sflag:s8], $0x8000  }
0xd: {  	s28 =	sshll.u32 s18, $0x4;
	s13 =	sor.u32 $0x100, s18;
	[sflag:s8] =	ssyncset.done $0x0  }
0xe: {  	s9 =	sadd.s32 s21, s28;
	s10 =	sshrl.u32 s13, $0x3;
	[sflag:s8] =	ssyncadd.s32 $0xFFFF8000  }
0xf: {  	[hbm4b:s9+s3] =	stream.linear.scatter [tilespmem:s7], [sflag:$0x3], $0x8000, $0x38;
	[tilespmem:$0x10200] =	vst v63  }
0x10: {  	s10 =	sadd.s32 s20, s10  }
0x11: {  	[tilespmem:s6], [sflag:$0x5] =	stream.linear.gather [hbm4b:s10+s3], $0x100, $0x38;
	[tilespmem:$0x10200] =	vst v63  }
0x12: {  	_ =	swait.ge [sflag:s5], $0x100  }
0x13: {  	[sflag:s5] =	ssyncset.done $0x0  }
0x14: {  	s11 =	simm.s32 $0x8200;
	s12 =	simm.s32 $0x2;
	[sflag:s5] =	ssyncadd.s32 $0xFFFFFF00  }
0x15: {  	[tilespmem:s11], [sflag:$0x2] =	stream.indirect.gather [hbm4b:s2+s6], $0x80, s6, s6, $0xb8;
	[tilespmem:$0x10200] =	vst v63  }
0x16: {  	_ =	swait.ge [sflag:s12], $0x8000  }
0x17: {  	s13 =	sshll.u32 s13, $0x4;
	[sflag:s12] =	ssyncset.done $0x0  }
0x18: {  	s14 =	simm.s32 $0x3;
	s13 =	sadd.s32 s21, s13;
	[sflag:s12] =	ssyncadd.s32 $0xFFFF8000  }
0x19: {  	[hbm4b:s13+s3] =	stream.linear.scatter [tilespmem:s11], [sflag:$0x4], $0x8000, $0x38;
	[tilespmem:$0x10200] =	vst v63  }
0x1a: {  	s16 =	sor.u32 $0x200, s18;
	_ =	swait.ge [sflag:s14], $0x8000  }
0x1b: {  	s15 =	sshrl.u32 s16, $0x3;
	[sflag:s14] =	ssyncset.done $0x0  }
0x1c: {  	s15 =	sadd.s32 s20, s15;
	[sflag:s14] =	ssyncadd.s32 $0xFFFF8000  }
0x1d: {  	[tilespmem:s3], [sflag:$0x5] =	stream.linear.gather [hbm4b:s15+s3], $0x100, $0x38;
	[tilespmem:$0x10200] =	vst v63  }
0x1e: {  	_ =	swait.ge [sflag:s5], $0x100  }
0x1f: {  	[sflag:s5] =	ssyncset.done $0x0  }
0x20: {  	[sflag:s5] =	ssyncadd.s32 $0xFFFFFF00  }
0x21: {  	[tilespmem:s7], [sflag:$0x1] =	stream.indirect.gather [hbm4b:s2+s6], $0x80, s3, s6, $0xb8;
	[tilespmem:$0x10200] =	vst v63  }
0x22: {  	_ =	swait.ge [sflag:s8], $0x8000  }
0x23: {  	s16 =	sshll.u32 s16, $0x4;
	[sflag:s8] =	ssyncset.done $0x0  }
0x24: {  	s17 =	sadd.s32 s21, s16;
	s16 =	simm.s32 $0x4;
	[sflag:s8] =	ssyncadd.s32 $0xFFFF8000  }
0x25: {  	[hbm4b:s17+s3] =	stream.linear.scatter [tilespmem:s7], [sflag:$0x3], $0x8000, $0x38;
	[tilespmem:$0x10200] =	vst v63  }
0x26: {  	s22 =	sor.u32 $0x300, s18;
	_ =	swait.ge [sflag:s16], $0x8000  }
0x27: {  	s18 =	sshrl.u32 s22, $0x3;
	[sflag:s16] =	ssyncset.done $0x0  }
0x28: {  	s18 =	sadd.s32 s20, s18;
	[sflag:s16] =	ssyncadd.s32 $0xFFFF8000  }
0x29: {  	[tilespmem:s6], [sflag:$0x5] =	stream.linear.gather [hbm4b:s18+s3], $0x100, $0x38;
	[tilespmem:$0x10200] =	vst v63  }
0x2a: {  	_ =	swait.ge [sflag:s5], $0x100  }
0x2b: {  	s30 =	ssub.s32 $0x2, s19;
	[sflag:s5] =	ssyncset.done $0x0  }
0x2c: {  	s31 =	sshrl.u32 s30, $0x1;
	[sflag:s5] =	ssyncadd.s32 $0xFFFFFF00  }
0x2d: {  	[tilespmem:s11], [sflag:$0x2] =	stream.indirect.gather [hbm4b:s2+s6], $0x80, s6, s6, $0xb8;
	[tilespmem:$0x10200] =	vst v63  }
0x2e: {  	s20 =	ssub.s32 s30, s31;
	_ =	swait.ge [sflag:s12], $0x8000  }
0x2f: {  	s29 =	sshll.u32 s22, $0x4;
	s20 =	smax.u32 s20, $0x1;
	[sflag:s12] =	ssyncset.done $0x0  }
0x30: {  	s19 =	sadd.s32 s21, s29;
	p0 =	sne.s32 s20, $0x1;
	[sflag:s12] =	ssyncadd.s32 $0xFFFF8000  }
0x31: {  	[hbm4b:s19+s3] =	stream.linear.scatter [tilespmem:s11], [sflag:$0x4], $0x8000, $0x38;
	[tilespmem:$0x10200] =	vst v63  }
.Ltmp0:
0x32: {  	_ =	swait.ge [sflag:s14], $0x8000;
	(pc) =	sbr.rel @!p0 .LBB2_2-.Ltmp0, $4  }
0x33: {  	[sflag:s14] =	ssyncset.done $0x0  }
0x34: {  	[sflag:s14] =	ssyncadd.s32 $0xFFFF8000  }
0x35: {  	_ =	swait.ge [sflag:s16], $0x8000  }
0x36: {  	s20 =	sadd.s32 $0xFFFFFFFF, s20;
	[sflag:s16] =	ssyncset.done $0x0  }
.LBB2_1:
0x37: {  	p0 =	sne.s32 s20, $0x1;
	s20 =	sadd.s32 $0xFFFFFFFF, s20;
	[sflag:s16] =	ssyncadd.s32 $0xFFFF8000  }
0x38: {  	[tilespmem:s3], [sflag:$0x5] =	stream.linear.gather [hbm4b:s4+s3], $0x100, $0x38;
	[tilespmem:$0x10200] =	vst v63  }
0x39: {  	_ =	swait.ge [sflag:s5], $0x100  }
0x3a: {  	[sflag:s5] =	ssyncset.done $0x0  }
0x3b: {  	[sflag:s5] =	ssyncadd.s32 $0xFFFFFF00  }
0x3c: {  	[tilespmem:s7], [sflag:$0x1] =	stream.indirect.gather [hbm4b:s2+s6], $0x80, s3, s6, $0xb8;
	[tilespmem:$0x10200] =	vst v63  }
0x3d: {  	_ =	swait.ge [sflag:s8], $0x8000  }
0x3e: {  	[sflag:s8] =	ssyncset.done $0x0  }
0x3f: {  	[sflag:s8] =	ssyncadd.s32 $0xFFFF8000  }
0x40: {  	[hbm4b:s9+s3] =	stream.linear.scatter [tilespmem:s7], [sflag:$0x3], $0x8000, $0x38;
	[tilespmem:$0x10200] =	vst v63  }
0x41: {  	_ = 	snop  }
0x42: {  	[tilespmem:s6], [sflag:$0x5] =	stream.linear.gather [hbm4b:s10+s3], $0x100, $0x38;
	[tilespmem:$0x10200] =	vst v63  }
0x43: {  	_ =	swait.ge [sflag:s5], $0x100  }
0x44: {  	[sflag:s5] =	ssyncset.done $0x0  }
0x45: {  	[sflag:s5] =	ssyncadd.s32 $0xFFFFFF00  }
0x46: {  	[tilespmem:s11], [sflag:$0x2] =	stream.indirect.gather [hbm4b:s2+s6], $0x80, s6, s6, $0xb8;
	[tilespmem:$0x10200] =	vst v63  }
0x47: {  	_ =	swait.ge [sflag:s12], $0x8000  }
0x48: {  	[sflag:s12] =	ssyncset.done $0x0  }
0x49: {  	[sflag:s12] =	ssyncadd.s32 $0xFFFF8000  }
0x4a: {  	[hbm4b:s13+s3] =	stream.linear.scatter [tilespmem:s11], [sflag:$0x4], $0x8000, $0x38;
	[tilespmem:$0x10200] =	vst v63  }
0x4b: {  	_ =	swait.ge [sflag:s14], $0x8000  }
0x4c: {  	[sflag:s14] =	ssyncset.done $0x0  }
0x4d: {  	[sflag:s14] =	ssyncadd.s32 $0xFFFF8000  }
0x4e: {  	[tilespmem:s3], [sflag:$0x5] =	stream.linear.gather [hbm4b:s15+s3], $0x100, $0x38;
	[tilespmem:$0x10200] =	vst v63  }
0x4f: {  	_ =	swait.ge [sflag:s5], $0x100  }
0x50: {  	[sflag:s5] =	ssyncset.done $0x0  }
0x51: {  	[sflag:s5] =	ssyncadd.s32 $0xFFFFFF00  }
0x52: {  	[tilespmem:s7], [sflag:$0x1] =	stream.indirect.gather [hbm4b:s2+s6], $0x80, s3, s6, $0xb8;
	[tilespmem:$0x10200] =	vst v63  }
0x53: {  	_ =	swait.ge [sflag:s8], $0x8000  }
0x54: {  	[sflag:s8] =	ssyncset.done $0x0  }
0x55: {  	[sflag:s8] =	ssyncadd.s32 $0xFFFF8000  }
0x56: {  	[hbm4b:s17+s3] =	stream.linear.scatter [tilespmem:s7], [sflag:$0x3], $0x8000, $0x38;
	[tilespmem:$0x10200] =	vst v63  }
0x57: {  	_ =	swait.ge [sflag:s16], $0x8000  }
0x58: {  	[sflag:s16] =	ssyncset.done $0x0  }
0x59: {  	[sflag:s16] =	ssyncadd.s32 $0xFFFF8000  }
0x5a: {  	[tilespmem:s6], [sflag:$0x5] =	stream.linear.gather [hbm4b:s18+s3], $0x100, $0x38;
	[tilespmem:$0x10200] =	vst v63  }
0x5b: {  	_ =	swait.ge [sflag:s5], $0x100  }
0x5c: {  	[sflag:s5] =	ssyncset.done $0x0  }
0x5d: {  	[sflag:s5] =	ssyncadd.s32 $0xFFFFFF00  }
0x5e: {  	[tilespmem:s11], [sflag:$0x2] =	stream.indirect.gather [hbm4b:s2+s6], $0x80, s6, s6, $0xb8;
	[tilespmem:$0x10200] =	vst v63  }
0x5f: {  	_ =	swait.ge [sflag:s12], $0x8000  }
0x60: {  	[sflag:s12] =	ssyncset.done $0x0  }
0x61: {  	[sflag:s12] =	ssyncadd.s32 $0xFFFF8000  }
0x62: {  	[hbm4b:s19+s3] =	stream.linear.scatter [tilespmem:s11], [sflag:$0x4], $0x8000, $0x38;
	[tilespmem:$0x10200] =	vst v63  }
.Ltmp1:
0x63: {  	_ =	swait.ge [sflag:s14], $0x8000;
	(pc) =	sbr.rel @p0 .LBB2_1-.Ltmp1, $4  }
0x64: {  	[sflag:s14] =	ssyncset.done $0x0  }
0x65: {  	[sflag:s14] =	ssyncadd.s32 $0xFFFF8000  }
0x66: {  	_ =	swait.ge [sflag:s16], $0x8000  }
0x67: {  	[sflag:s16] =	ssyncset.done $0x0  }
.LBB2_2:
0x68: {  	[sflag:s16] =	ssyncadd.s32 $0xFFFF8000  }
0x69: {  	_ =	sfence.sel $0x180000  }
0x6a: {  	[bflag:$0x0] =	sbarrier.arrive $0xFFFF  }
0x6b: {  	p0 =	sne.s32 s0, $0x0;
	_ =	strace $0x90000047  }
0x6c: {  	s0 =	sadd.s32 @!p0 $0x100000, s1;
	[bflag:$0x2] =	sbarrier.arrive $0xFFFF  }
0x6d: {  	[sflag:s0] =	ssyncadd.tile.s32 @!p0 $0x1;
	_ =	shalt  }
.Lfunc_end2:
_tile_overlayer_lowered:
.L_overlay_start_2:
0x6e: {  	(tag) =	ssettag $0x2  }
0x6f: {  	s0 =	rddreg [dreg:$0x0];
	s2 =	stileid.u32  }
0x70: {  	s1 =	rddreg [dreg:$0x1];
	p0 =	sne.s32 s2, $0x0  }
0x71: {  	s3 =	rddreg [dreg:$0x2];
	[bflag:$0x3] =	sbarrier.arrive $0xFFFF;
	s2 =	simm.s32 @!p0 $0x1C05  }
0x72: {  	[timem:s3], [sflag:s2] =	dma.local @!p0 [hbm:s0], s1  }
0x73: {  	s0 =	simm.s32 @!p0 $0x5  }
0x74: {  	_ =	swait.ge @!p0 [sflag:s0], s1  }
0x75: {  	s1 =	ssub.s32 @!p0 $0x0, s1;
	[sflag:s0] =	ssyncset.done @!p0 $0x0  }
0x76: {  	[sflag:s0] =	ssyncadd.s32 @!p0 s1  }
0x77: {  	[bflag:$0x3] =	sbarrier.arrive $0xFFFF  }
0x78: {  	_ =	shalt  }

// kernel: kernel.8.cloned.1.call-start
scs
__scs_entry_jumppad:
0x0: {  	(pc) =	sbr.rel $0x88, $3  }
0x1: {  	(tag) =	ssettag $0x0;
	lr =	simm.s32 $0x1  }
0x2: {  	[smem:$0x3F98] =	sst lr;
	_ =	strace $0xD0000000  }
0x3: {  	_ = 	snop  }
0x4: {  	_ = 	snop  }
0x5: {  	_ = 	snop  }
0x6: {  	_ = 	snop  }
0x7: {  	_ = 	snop  }
__scs_overlays_trampoline_lowered:
0x8: {  	[smem:$0x3FA7] =	sst s0  }
0x9: {  	[smem:$0x3FA8] =	sst s1  }
0xa: {  	[smem:$0x3FA9] =	sst s2  }
0xb: {  	[smem:$0x3FAA] =	sst s3  }
0xc: {  	[smem:$0x3FAB] =	sst s4  }
0xd: {  	[smem:$0x3FAC] =	sst s5  }
0xe: {  	[smem:$0x3FAD] =	sst s6  }
0xf: {  	[smem:$0x3FAE] =	sst s7  }
0x10: {  	[smem:$0x3FAF] =	sst s8  }
0x11: {  	[smem:$0x3FB0] =	sst s9;
	s0 =	simm.s32 @!p0 $0x0  }
0x12: {  	s1 =	sld [smem:$0x3F96];
	s0 =	simm.s32 @p0 $0x1  }
0x13: {  	[smem:$0x3FB1] =	sst s0;
	s0 =	simm.s32 @!p1 $0x0  }
0x14: {  	s2 =	sld [smem:$0x3F95];
	s0 =	simm.s32 @p1 $0x1  }
0x15: {  	[smem:$0x3FB2] =	sst s0;
	s0 =	simm.s32 @!p2 $0x0  }
0x16: {  	s3 =	sld [smem:$0x3FDB];
	s0 =	simm.s32 @p2 $0x1  }
0x17: {  	s4 =	simm.s32 $0x1BF5;
	[smem:$0x3FB4] =	sst s0  }
0x18: {  	s0 =	sld [smem:$0x3F97];
	_ =	swait.ge [sflag:s4], $0x0  }
0x19: {  	s7 =	sld [smem:$0x3F98]  }
0x1a: {  	s8 =	sadd.s32 $0xFFFFE003, lr  }
0x1b: {  	s9 =	sadd.s32 $0xFFFFFEF7, lr;
	s5 =	simm.s32 $0xFFFFFFFF;
	p2 =	slt.u32 s8, $0xFFFFF086  }
0x1c: {  	p1 =	slt.u32 s9, $0xF7A;
	s5 =	simm.s32 @!p2 $0x0  }
0x1d: {  	s5 =	simm.s32 @p1 $0x1;
	p0 =	seq.s32 s7, s2  }
0x1e: {  	s7 =	smul.u32 @!p0 $0xF7A, s2;
	p2 =	seq.s32 @!p0 s5, $0x0  }
0x1f: {  	s9 =	smul.u32 $0xF7A, s1;
	s8 =	simm.s32 @!p0 $0x1BF5;
	p2 =	por !p2, p0  }
0x20: {  	[sflag:s8] =	ssyncset.s32 @!p0 $0xFFFFF086;
	s6 =	sadd.s32 @!p0 s3, s7;
	s7 =	simm.s32 @!p0 $0x108  }
0x21: {  	s3 =	sadd.s32 s3, s9;
	s6 =	sadd.s32 @!p0 $0x88, s6;
	s7 =	simm.s32 @p2 $0x1082  }
0x22: {  	[simem:s7], [sflag:s8] =	dma.local @!p0 [hbm:s6], $0xF7A  }
0x23: {  	s9 =	sor.u32 $0xD0000000, s2;
	s6 =	simm.s32 $0x108;
	_ =	swait.ge @!p0 [sflag:s8], $0x0  }
0x24: {  	s3 =	sadd.s32 $0x88, s3;
	s6 =	simm.s32 @!p1 $0x1082;
	[sflag:s4] =	ssyncset.s32 $0xFFFFF086  }
0x25: {  	[simem:s6], [sflag:s4] =	dma.local [hbm:s3], $0xF7A  }
0x26: {  	[smem:$0x3F98] =	sst s1;
	(tag) =	ssettag s2;
	_ =	strace s9  }
0x27: {  	s1 =	sld [smem:$0x3FA8]  }
0x28: {  	s2 =	sld [smem:$0x3FA9]  }
0x29: {  	s4 =	sld [smem:$0x3FAB]  }
0x2a: {  	p0 =	seq.s32 s5, $0x0;
	s5 =	sld [smem:$0x3FAC]  }
0x2b: {  	s6 =	sld [smem:$0x3FAD]  }
0x2c: {  	s7 =	sld [smem:$0x3FAE]  }
0x2d: {  	s3 =	simm.s32 $0x108;
	s8 =	sld [smem:$0x3FAF]  }
0x2e: {  	s3 =	simm.s32 @!p0 $0x1082;
	s9 =	sld [smem:$0x3FB0]  }
0x2f: {  	lr =	sadd.s32 s0, s3;
	s0 =	sld [smem:$0x3FA7]  }
0x30: {  	s3 =	sld [smem:$0x3FAA]  }
0x31: {  	[smem:$0x3FB3] =	sst s10  }
0x32: {  	s10 =	sld [smem:$0x3FB1];
	_ =	sdelay $0x3  }
0x33: {  	p0 =	seq.s32 s10, $0x1;
	s10 =	sld [smem:$0x3FB3];
	_ =	sdelay $0x3  }
0x34: {  	[smem:$0x3FB3] =	sst s10  }
0x35: {  	s10 =	sld [smem:$0x3FB2];
	_ =	sdelay $0x3  }
0x36: {  	p1 =	seq.s32 s10, $0x1;
	s10 =	sld [smem:$0x3FB3];
	_ =	sdelay $0x3  }
0x37: {  	[smem:$0x3FB3] =	sst s10  }
0x38: {  	s10 =	sld [smem:$0x3FB4]  }
0x39: {  	_ = 	snop;
	(pc) =	sbr.ind lr, $3  }
0x3a: {  	_ = 	snop  }
0x3b: {  	_ = 	snop  }
0x3c: {  	p2 =	seq.s32 s10, $0x1;
	s10 =	sld [smem:$0x3FB3]  }
0x3d: {  	_ =	shalt  }
0x3e: {  	_ =	shalt  }
0x3f: {  	_ =	shalt  }
0x40: {  	_ =	shalt  }
0x41: {  	_ =	shalt  }
0x42: {  	_ =	shalt  }
0x43: {  	_ =	shalt  }
0x44: {  	_ =	shalt  }
0x45: {  	_ =	shalt  }
0x46: {  	_ =	shalt  }
0x47: {  	_ =	shalt  }
0x48: {  	_ =	shalt  }
0x49: {  	_ =	shalt  }
0x4a: {  	_ =	shalt  }
0x4b: {  	_ =	shalt  }
0x4c: {  	_ =	shalt  }
0x4d: {  	_ =	shalt  }
0x4e: {  	_ =	shalt  }
0x4f: {  	_ =	shalt  }
0x50: {  	_ =	shalt  }
0x51: {  	_ =	shalt  }
0x52: {  	_ =	shalt  }
0x53: {  	_ =	shalt  }
0x54: {  	_ =	shalt  }
0x55: {  	_ =	shalt  }
0x56: {  	_ =	shalt  }
0x57: {  	_ =	shalt  }
0x58: {  	_ =	shalt  }
0x59: {  	_ =	shalt  }
0x5a: {  	_ =	shalt  }
0x5b: {  	_ =	shalt  }
0x5c: {  	_ =	shalt  }
0x5d: {  	_ =	shalt  }
0x5e: {  	_ =	shalt  }
0x5f: {  	_ =	shalt  }
0x60: {  	_ =	shalt  }
0x61: {  	_ =	shalt  }
0x62: {  	_ =	shalt  }
0x63: {  	_ =	shalt  }
0x64: {  	_ =	shalt  }
0x65: {  	_ =	shalt  }
0x66: {  	_ =	shalt  }
0x67: {  	_ =	shalt  }
0x68: {  	_ =	shalt  }
0x69: {  	_ =	shalt  }
0x6a: {  	_ =	shalt  }
0x6b: {  	_ =	shalt  }
0x6c: {  	_ =	shalt  }
0x6d: {  	_ =	shalt  }
0x6e: {  	_ =	shalt  }
0x6f: {  	_ =	shalt  }
0x70: {  	_ =	shalt  }
0x71: {  	_ =	shalt  }
0x72: {  	_ =	shalt  }
0x73: {  	_ =	shalt  }
0x74: {  	_ =	shalt  }
0x75: {  	_ =	shalt  }
0x76: {  	_ =	shalt  }
0x77: {  	_ =	shalt  }
0x78: {  	_ =	shalt  }
0x79: {  	_ =	shalt  }
0x7a: {  	_ =	shalt  }
0x7b: {  	_ =	shalt  }
0x7c: {  	_ =	shalt  }
0x7d: {  	_ =	shalt  }
0x7e: {  	_ =	shalt  }
0x7f: {  	_ =	shalt  }
0x80: {  	_ =	shalt  }
0x81: {  	_ =	shalt  }
0x82: {  	_ =	shalt  }
0x83: {  	_ =	shalt  }
0x84: {  	_ =	shalt  }
0x85: {  	_ =	shalt  }
0x86: {  	_ =	shalt  }
0x87: {  	_ =	shalt  }
.Lfunc_end0:
.L_simem_size_0:
called_computation.1_lowered:
.L_overlay_start_0:
0x88: {  	s2 =	sld [smem:$0x3FD9]  }
0x89: {  	s3 =	sld [smem:$0x3FFE];
	_ =	sdelay $0x1  }
0x8a: {  	s1 =	srdreg.scid  }
0x8b: {  	s0 =	sand.u32 $0x1, s1  }
0x8c: {  	s17 =	sshll.u32 s0, $0xA;
	s2 =	sadd.s32 s3, s2  }
0x8d: {  	s2 =	sadd.s32 s2, s17  }
0x8e: {  	[smem:$0x3FBF] =	sst s2  }
0x8f: {  	_ = 	snop  }
0x90: {  	s2 =	sld [smem:$0x3FC7]  }
0x91: {  	s18 =	sld [smem:$0x3FD0];
	(tm) =	ssettm $0x1  }
0x92: {  	s4 =	sld [smem:$0x3FFB];
	_ =	sdelay $0x3  }
0x93: {  	_ =	strace s4  }
0x94: {  	s4 =	sld [smem:$0x3FFC];
	_ =	sdelay $0x3  }
0x95: {  	_ =	strace s4  }
0x96: {  	s4 =	sld [smem:$0x3FFD];
	_ =	sdelay $0x3  }
0x97: {  	_ =	strace s4  }
0x98: {  	_ =	strace $0x8FFFFFFF  }
0x99: {  	s19 =	sld [smem:$0x3FDB];
	_ =	sdelay $0x1  }
0x9a: {  	s5 =	simm.s32 $_scs_section_size  }
0x9b: {  	s6 =	simm.s32 $_size__tile_overlayer_lowered;
	s7 =	simm.s32 $_tile_overlayer_lowered  }
0x9c: {  	s22 =	simm.s32 $0x1BFF;
	s21 =	sshll.u32 s7, $0x1;
	s4 =	sadd.s32 s5, s19  }
0x9d: {  	s8 =	simm.s32 $0x0;
	s20 =	sshll.u32 s6, $0x1;
	s6 =	sadd.s32 s21, s4  }
0x9e: {  	[timem:s8], [sflag:s22] =	dma.local [hbm:s6], s20  }
0x9f: {  	_ =	swait.ge [sflag:s22], s20  }
0xa0: {  	s5 =	ssub.s32 $0x0, s20;
	[sflag:s22] =	ssyncset.done $0x0  }
0xa1: {  	[sflag:s22] =	ssyncadd.s32 s5;
	_ =	sdelay $0x1  }
0xa2: {  	s23 =	simm.s32 $0x1B8B  }
0xa3: {  	_ =	swait.ge [sflag:s23], $0x1  }
0xa4: {  	[sflag:s23] =	ssyncset.done $0x0  }
0xa5: {  	s25 =	simm.s32 $0x1B8E;
	s24 =	sld [smem:$0x3FFE];
	[sflag:s23] =	ssyncadd.s32 $0xFFFFFFFF  }
0xa6: {  	s26 =	simm.s32 $execute0_lowered;
	[smem:$0x3FD2] =	sst s25  }
0xa7: {  	s6 =	sshll.u32 s26, $0x1;
	_ =	strace $0x80000049;
	[dreg:$0x1] =	wrdreg $0xFFFFFFFF  }
0xa8: {  	s28 =	simm.s32 $_size_execute0_lowered;
	s4 =	sadd.s32 s4, s6;
	[dreg:$0x0] =	wrdreg $0x0  }
0xa9: {  	s6 =	sshll.u32 s28, $0x1;
	[dreg:$0x2] =	wrdreg s4  }
0xaa: {  	[dreg:$0x3] =	wrdreg s6  }
0xab: {  	[dreg:$0x4] =	wrdreg $0xC0  }
0xac: {  	_ =	task [dreg:s8], $0x5FFFF  }
0xad: {  	[dreg:$0x1] =	wrdreg $0xFFFFFFFF  }
0xae: {  	[dreg:$0x0] =	wrdreg $0x60  }
0xaf: {  	[dreg:$0x2] =	wrdreg s2  }
0xb0: {  	[dreg:$0x3] =	wrdreg s24  }
0xb1: {  	[dreg:$0x4] =	wrdreg s18  }
0xb2: {  	[dreg:$0x5] =	wrdreg $0x9  }
0xb3: {  	_ =	task.clear_ibuf [dreg:s8], $0x6FFFF;
	_ =	strace $0x90000049  }
0xb4: {  	s29 =	simm.s32 $0x9;
	_ =	strace $0x8000004B  }
0xb5: {  	_ =	swait.ge [sflag:s29], $0x1  }
0xb6: {  	[sflag:s29] =	ssyncadd.s32 $0xFFFFFFFF  }
0xb7: {  	_ =	strace $0x9000004B  }
0xb8: {  	_ =	sfence  }
0xb9: {  	s30 =	sld [smem:$0x0];
	_ =	sdelay $0x2  }
0xba: {  	s31 =	sshll.u32 s1, $0xD;
	s1 =	sshrl.u32 s1, $0x2  }
0xbb: {  	s3 =	sand.u32 $0x4000, s31;
	s1 =	sadd.s32 s1, s30  }
0xbc: {  	s0 =	sor.u32 s3, s0;
	s1 =	sshll.u32 s1, $0x11  }
0xbd: {  	s0 =	sor.u32 s1, s0  }
0xbe: {  	s0 =	sadd.s32 $0x8F2B, s0  }
0xbf: {  	[sflag:s0] =	ssyncadd.remote.s32 $0x1  }
0xc0: {  	_ =	sfence.sel $0xFFFF  }
0xc1: {  	[dreg:$0x0] =	wrdreg $0xFFFFFFFF;
	(pc) =	sbr.abs _section_cstart, $3  }
0xc2: {  	[dreg:$0x1] =	wrdreg $0xFFFFFFFF  }
0xc3: {  	_ =	task.clear_ibuf [dreg:s8], $0x2FFFF;
	_ =	strace $0x9FFFFFFF  }
0xc4: {  	(tm) =	ssettm $0x7FFFFFFF  }
0xc5: {  	_ =	shalt  }
tec
execute0_lowered:
.L_overlay_start_1:
0x0: {  	(tag) =	ssettag $0x1  }
0x1: {  	s0 =	rddreg [dreg:$0x0]  }
0x2: {  	s1 =	rddreg [dreg:$0x1]  }
0x3: {  	s2 =	rddreg [dreg:$0x2]  }
0x4: {  	s4 =	srdreg.scid;
	s11 =	stileid.u32  }
0x5: {  	s3 =	simm.s32 $0x0;
	s7 =	sand.u32 $0x1, s4;
	s16 =	sshll.u32 s11, $0x1  }
0x6: {  	s30 =	simm.s32 $0x5;
	s12 =	smul.u32 $0x1870, s11;
	s8 =	sor.u32 s7, s16  }
0x7: {  	s31 =	simm.s32 $0x1;
	[smem:$0x7FF] =	sst s3;
	s6 =	smul.u32 $0x61C00, s8  }
0x8: {  	s5 =	sadd.s32 $0x1800, s1;
	s29 =	sadd.s32 $0x186780, s2;
	s10 =	smul.u32 $0xC380, s8  }
0x9: {  	_ =	strace $0x8000004A;
	s17 =	ssub.s32 $0x2, s7;
	[dreg:$0x4] =	wrdreg s5  }
0xa: {  	s9 =	sshrl.u32 s17, $0x1;
	s6 =	sshrl.u32 s6, $0x3;
	s18 =	sadd.s32 s0, s10  }
0xb: {  	s10 =	sadd.s32 s2, s10;
	[dreg:$0x5] =	wrdreg s18;
	s19 =	sadd.s32 $0x880, s6  }
0xc: {  	s4 =	ssub.s32 s17, s9;
	[dreg:$0x6] =	wrdreg s10;
	s20 =	sadd.s32 s0, s19  }
0xd: {  	s21 =	sadd.s32 $0x1100, s6;
	s9 =	sadd.s32 s2, s19;
	[dreg:$0x7] =	wrdreg s20  }
0xe: {  	s7 =	smul.u32 $0xC38, s7;
	s22 =	sadd.s32 s0, s21;
	[dreg:$0x8] =	wrdreg s9  }
0xf: {  	s23 =	sadd.s32 $0x1980, s6;
	s10 =	sadd.s32 s2, s21;
	[dreg:$0x9] =	wrdreg s22  }
0x10: {  	s25 =	sadd.s32 $0x2200, s6;
	s24 =	sadd.s32 s0, s23;
	[dreg:$0xa] =	wrdreg s10  }
0x11: {  	s13 =	sadd.s32 $0x2A80, s6;
	s26 =	sadd.s32 s0, s25;
	[dreg:$0xb] =	wrdreg s24  }
0x12: {  	s15 =	sadd.s32 $0x3300, s6;
	s14 =	sadd.s32 s0, s13;
	[dreg:$0xd] =	wrdreg s26  }
0x13: {  	s18 =	sadd.s32 s7, s12;
	s16 =	sadd.s32 s0, s15;
	[dreg:$0xf] =	wrdreg s14  }
0x14: {  	s12 =	sadd.s32 $0x6600, s6;
	s17 =	sadd.s32 s2, s15;
	[dreg:$0x11] =	wrdreg s16  }
0x15: {  	s5 =	sadd.s32 $0x2800, s1;
	s15 =	sadd.s32 s2, s12;
	[dreg:$0x12] =	wrdreg s17  }
0x16: {  	s1 =	smul.u32 $0xC38, s8;
	s9 =	sadd.s32 s2, s23;
	[dreg:$0x1e] =	wrdreg s15  }
0x17: {  	s19 =	sadd.s32 $0x3B80, s6;
	s10 =	sadd.s32 s2, s25;
	[dreg:$0xc] =	wrdreg s9  }
0x18: {  	p0 =	seq.s32 s8, $0x1F;
	s21 =	sadd.s32 s0, s19;
	[dreg:$0xe] =	wrdreg s10  }
0x19: {  	s28 =	smax.u32 s4, $0x1;
	s7 =	sadd.s32 s2, s19;
	[dreg:$0x13] =	wrdreg s21  }
0x1a: {  	s4 =	simm.s32 $0x3;
	s14 =	sadd.s32 s0, s12;
	[dreg:$0x14] =	wrdreg s7  }
0x1b: {  	s20 =	sadd.s32 $0x4400, s6;
	s10 =	sadd.s32 s2, s13;
	[dreg:$0x1d] =	wrdreg s14  }
0x1c: {  	s11 =	sadd.s32 $0x5D80, s6;
	s22 =	sadd.s32 s0, s20;
	[dreg:$0x10] =	wrdreg s10  }
0x1d: {  	s24 =	sadd.s32 $0x4C80, s6;
	s23 =	sadd.s32 s2, s20;
	[dreg:$0x15] =	wrdreg s22  }
0x1e: {  	s8 =	sadd.s32 $0x9080, s6;
	s26 =	sadd.s32 s0, s24;
	[dreg:$0x16] =	wrdreg s23  }
0x1f: {  	s25 =	sadd.s32 $0x5500, s6;
	s7 =	sadd.s32 s2, s24;
	[dreg:$0x17] =	wrdreg s26  }
0x20: {  	s16 =	sadd.s32 $0x6E80, s6;
	s9 =	sadd.s32 s0, s25;
	[dreg:$0x18] =	wrdreg s7  }
0x21: {  	s17 =	sadd.s32 $0x7700, s6;
	s13 =	sadd.s32 s0, s11;
	[dreg:$0x19] =	wrdreg s9  }
0x22: {  	s15 =	sadd.s32 $0xAA00, s6;
	s19 =	sadd.s32 s0, s16;
	[dreg:$0x1b] =	wrdreg s13  }
0x23: {  	s20 =	sadd.s32 s0, s17;
	s21 =	sadd.s32 s2, s17;
	[dreg:$0x1f] =	wrdreg s19  }
0x24: {  	s14 =	sadd.s32 $0xA180, s6;
	s17 =	sadd.s32 $0xB280, s6;
	[smem:$0x7F2] =	sst s20  }
0x25: {  	s10 =	sadd.s32 s2, s25;
	s7 =	sadd.s32 s2, s11;
	[smem:$0x7F3] =	sst s21  }
0x26: {  	s22 =	sadd.s32 $0x7F80, s6;
	s23 =	sadd.s32 $0x8800, s6;
	s11 =	sadd.s32 s0, s8  }
0x27: {  	s20 =	sadd.s32 s0, s15;
	s21 =	sadd.s32 s2, s15;
	[dreg:$0x1a] =	wrdreg s10  }
0x28: {  	v0 =	vmov s1;
	s19 =	sadd.s32 $0xC38, s1;
	s1 =	simm.s32 $0x2;
	[dreg:$0x1c] =	wrdreg s7  }
0x29: {  	s9 =	simm.s32 $0x0;
	s7 =	sadd.s32 s2, s16;
	[smem:$0x7F8] =	sst s11  }
0x2a: {  	s24 =	sadd.s32 s0, s22;
	s25 =	sadd.s32 s0, s23;
	[smem:$0x7F1] =	sst s7  }
0x2b: {  	s26 =	sadd.s32 s2, s23;
	s10 =	sadd.s32 $0x9900, s6;
	[smem:$0x7F4] =	sst s24  }
0x2c: {  	s16 =	sadd.s32 s0, s14;
	s6 =	sadd.s32 $0xBB00, s6;
	[smem:$0x7F6] =	sst s25  }
0x2d: {  	s23 =	sadd.s32 s2, s17;
	s7 =	sadd.s32 s2, s22;
	[smem:$0x7F7] =	sst s26  }
0x2e: {  	s12 =	sadd.s32 s0, s10;
	s13 =	sadd.s32 s2, s10;
	[smem:$0x7FC] =	sst s16  }
0x2f: {  	s22 =	sadd.s32 s0, s17;
	s24 =	sadd.s32 s0, s6;
	[smem:$0x7F5] =	sst s7  }
0x30: {  	s25 =	sadd.s32 s2, s6;
	s26 =	sadd.s32 $0x186780, s0;
	[smem:$0x7FA] =	sst s12  }
0x31: {  	s0 =	simm.s32 $0x4400;
	s7 =	sadd.s32 s2, s8;
	[smem:$0x7FB] =	sst s13  }
0x32: {  	v2 =	vimm.s32 $0xFFFFFFFF;
	s6 =	simm.s32 $0x4;
	[smem:$0x7F9] =	sst s7;
	s7 =	sadd.s32 s2, s14  }
0x33: {  	v3 =	vimm.s32 $0x0;
	v4 =	vlaneseq.u32;
	v1 =	vmov s19;
	s8 =	simm.s32 $0x13580;
	[smem:$0x7FD] =	sst s7;
	s7 =	simm.s32 $0x12900  }
.LBB2_1:
0x34: {  	s10 =	rddreg [dreg:$0x4];
	s11 =	simm.s32 $0x9C00  }
0x35: {  	[tilespmem:s11], [sflag:$0x5] =	stream.linear.gather [hbm4b:s10+s3], $0x8000, $0x38;
	[tilespmem:$0x18300] =	vst v63  }
0x36: {  	s10 =	simm.s32 $0x40;
	s11 =	simm.s32 $0x0  }
.LBB2_2:
0x37: {  	p1 =	sne.s32 s10, $0x31C0;
	[tilespmem:s11+$0x11C80] =	vst v2;
	s11 =	smov.u32 s10;
	s10 =	sadd.s32 $0x40, s10  }
.Ltmp0:
0x38: {  	(pc) =	sbr.rel @p1 .LBB2_2-.Ltmp0, $2  }
0x39: {  	_ =	sdelay $0x2  }
0x3a: {  	s11 =	sshra.s32 s11, $0x2  }
0x3b: {  	[tilespmem:s11+$0x11C80] =	vst v2  }
0x3c: {  	_ =	swait.ge [sflag:s30], $0x8000  }
0x3d: {  	[sflag:s30] =	ssyncset.done $0x0  }
0x3e: {  	s11 =	simm.s32 $0x0;
	s10 =	rddreg [dreg:$0x5];
	[sflag:s30] =	ssyncadd.s32 $0xFFFF8000  }
0x3f: {  	[tilespmem:s11], [sflag:$0x1] =	stream.linear.gather [hbm4b:s10+s11], $0x4400, $0x38;
	[tilespmem:$0x18300] =	vst v63  }
0x40: {  	s10 =	simm.s32 $0x9C00  }
0x41: {  	v5 =	vld [tilespmem:s10+$0x0];
	_ =	sdelay $0x4  }
0x42: {  	vm0 =	vge.s32 v5, v0;
	vm1 =	vlt.s32 v5, v1  }
0x43: {  	vm0 =	vmand vm0, vm1  }
0x44: {  	v6 =	vmpcnt.ones.xlane vm0;
	_ =	sdelay $0x1  }
0x45: {  	(v2sf) =	vpush v6, $0x0;
	_ =	sdelay $0xe  }
0x46: {  	s12 =	spop (v2sf)  }
0x47: {  	p1 =	slt.s32 s12, $0x1  }
0x48: {  	v6 =	vlaneseq.u32 @!p1  }
0x49: {  	v5 =	vshll.u32 @!p1 v5, $0x4;
	v7 =	vor.u32 @!p1 $0x80000000, v6  }
0x4a: {  	v6 =	vor.u32 @!p1 s11, v6;
	v5 =	vxor.u32 @!p1 v7, v5  }
0x4b: {  	(xrf1) =	vsort.dscd.msk.u32 @!p1 $0xffff, v5, v6;
	_ =	sdelay $0x5  }
0x4c: {  	v5 =	vimm.s32 @!p1 $0xEDCBA987  }
0x4d: {  	v6 =	vimm.s32 @!p1 $0x65432100;
	v5 =	vunpack.c.l.s4.s8 @!p1 v5  }
0x4e: {  	v6 =	vunpack.c.l.s4.s8 @!p1 v6  }
0x4f: {  	v5 =	vunpack.c.0.s8.s32 @!p1 v5  }
0x50: {  	v6 =	vunpack.c.0.s8.s32 @!p1 v6  }
0x51: {  	v5 =	vand.u32 @!p1 $0xF, v5  }
0x52: {  	v5 =	vcombine.low @!p1 v6, v5;
	_ =	sdelay $0x1  }
0x53: {  	v6, v7, _ =	vpop @!p1 (xrf1)  }
0x54: {  	v6 =	vshra.s32 @!p1 v6, $0x4  }
0x55: {  	v6 =	vxor.u32 @!p1 $0xF8000000, v6  }
0x56: {  	s11 =	simm.s32 @!p1 $0x11C00;
	[tilespmem:$0x11C00] =	vst @!p1 v6  }
0x57: {  	v5 =	vld.idx.msk @!p1 [tilespmem:v5+s11+$0x0], $0xffff;
	_ =	sdelay $0x4  }
0x58: {  	vm1 =	vmmov @!p1 $0x1;
	vm0 =	vne.s32 @!p1 v6, v5;
	v5 =	vsub.s32 @!p1 v6, v0  }
0x59: {  	vm0 =	vmor @!p1 vm0, vm1;
	vm1 =	vlt.u32 @!p1 v5, $0xC38  }
0x5a: {  	vm0 =	vmand @!p1 vm1, vm0;
	_ =	sdelay $0x4  }
0x5b: {  	s12 =	simm.s32 @!p1 $0x11C80  }
0x5c: {  	v6 =	vld.idx.msk @!p1 [tilespmem:v5+s12+$0x0], vm0;
	_ =	sdelay $0x4  }
0x5d: {  	vm1 =	vgt.s32 @!p1 v6, v7  }
0x5e: {  	s11 =	simm.s32 $0x10;
	v6 =	vsel @!p1 vm1, v6, v7  }
.LBB2_4:
0x5f: {  	[tilespmem:v5+s12+$0x0] =	vst.idx.msk @!p1 vm0, v6;
	s10 =	sadd.s32 $0x10, s10;
	s12 =	smov.u32 s11;
	s11 =	sadd.s32 $0x10, s11  }
0x60: {  	v5 =	vld [tilespmem:s10+$0x0];
	p2 =	sne.s32 s11, $0x590;
	_ =	sdelay $0x4  }
0x61: {  	vm0 =	vge.s32 v5, v0;
	vm1 =	vlt.s32 v5, v1  }
0x62: {  	vm0 =	vmand vm0, vm1  }
0x63: {  	v6 =	vmpcnt.ones.xlane vm0;
	_ =	sdelay $0x1  }
0x64: {  	(v2sf) =	vpush v6, $0x0;
	_ =	sdelay $0xe  }
0x65: {  	s13 =	spop (v2sf)  }
0x66: {  	p1 =	slt.s32 s13, $0x1  }
0x67: {  	v5 =	vshll.u32 @!p1 v5, $0x4;
	v6 =	vlaneseq.u32 @!p1;
	v7 =	vimm.s32 @!p1 $0xEDCBA987  }
0x68: {  	v8 =	vor.u32 @!p1 s12, v6;
	v6 =	vor.u32 @!p1 $0x80000000, v6;
	v7 =	vunpack.c.l.s4.s8 @!p1 v7  }
0x69: {  	v5 =	vxor.u32 @!p1 v6, v5;
	v6 =	vimm.s32 @!p1 $0x65432100  }
0x6a: {  	v6 =	vunpack.c.l.s4.s8 @!p1 v6;
	v7 =	vunpack.c.0.s8.s32 @!p1 v7;
	(xrf1) =	vsort.dscd.msk.u32 @!p1 $0xffff, v5, v8;
	_ =	sdelay $0x1  }
0x6b: {  	v5 =	vunpack.c.0.s8.s32 @!p1 v6;
	v6 =	vand.u32 @!p1 $0xF, v7;
	_ =	sdelay $0x1  }
0x6c: {  	v5 =	vcombine.low @!p1 v5, v6;
	_ =	sdelay $0x9  }
0x6d: {  	v6, v7, _ =	vpop @!p1 (xrf1)  }
0x6e: {  	v6 =	vshra.s32 @!p1 v6, $0x4  }
0x6f: {  	v6 =	vxor.u32 @!p1 $0xF8000000, v6  }
0x70: {  	s12 =	simm.s32 @!p1 $0x11C00;
	[tilespmem:$0x11C00] =	vst @!p1 v6  }
0x71: {  	v5 =	vld.idx.msk @!p1 [tilespmem:v5+s12+$0x0], $0xffff;
	_ =	sdelay $0x5  }
0x72: {  	vm1 =	vmmov @!p1 $0x1;
	vm0 =	vne.s32 @!p1 v6, v5;
	v5 =	vsub.s32 @!p1 v6, v0  }
0x73: {  	vm0 =	vmor @!p1 vm0, vm1;
	vm1 =	vlt.u32 @!p1 v5, $0xC38  }
0x74: {  	vm0 =	vmand @!p1 vm1, vm0;
	_ =	sdelay $0x4  }
0x75: {  	s12 =	simm.s32 @!p1 $0x11C80  }
0x76: {  	v6 =	vld.idx.msk @!p1 [tilespmem:v5+s12+$0x0], vm0;
	_ =	sdelay $0x2  }
.Ltmp1:
0x77: {  	(pc) =	sbr.rel @p2 .LBB2_4-.Ltmp1, $3  }
0x78: {  	_ =	sdelay $0x1  }
0x79: {  	vm1 =	vgt.s32 @!p1 v6, v7  }
0x7a: {  	v6 =	vsel @!p1 vm1, v6, v7  }
0x7b: {  	_ =	sdelay $0x4  }
0x7c: {  	[tilespmem:v5+s12+$0x0] =	vst.idx.msk @!p1 vm0, v6  }
0x7d: {  	_ =	swait.ge [sflag:s31], $0x4400  }
0x7e: {  	[sflag:s31] =	ssyncset.done $0x0  }
0x7f: {  	s10 =	rddreg [dreg:$0x6];
	[sflag:s31] =	ssyncadd.s32 $0xFFFFBC00  }
0x80: {  	[hbm4b:s10+s3] =	stream.linear.scatter [tilespmem:s3], [sflag:$0x3], $0x4400, $0x38;
	[tilespmem:$0x18300] =	vst v63  }
0x81: {  	s19 =	rddreg [dreg:$0x7];
	s10 =	simm.s32 $0xA190  }
0x82: {  	[tilespmem:s0], [sflag:$0x2] =	stream.linear.gather [hbm4b:s19+s3], $0x4400, $0x38;
	[tilespmem:$0x18300] =	vst v63  }
0x83: {  	v5 =	vld [tilespmem:s10+$0x0];
	_ =	sdelay $0x4  }
0x84: {  	vm0 =	vge.s32 v5, v0;
	vm1 =	vlt.s32 v5, v1  }
0x85: {  	vm0 =	vmand vm0, vm1  }
0x86: {  	v6 =	vmpcnt.ones.xlane vm0;
	_ =	sdelay $0x1  }
0x87: {  	(v2sf) =	vpush v6, $0x0;
	_ =	sdelay $0xe  }
0x88: {  	s11 =	spop (v2sf)  }
0x89: {  	p1 =	slt.s32 s11, $0x1  }
0x8a: {  	v6 =	vlaneseq.u32 @!p1  }
0x8b: {  	s11 =	simm.s32 $0x590;
	v5 =	vshll.u32 @!p1 v5, $0x4;
	v7 =	vor.u32 @!p1 $0x80000000, v6  }
0x8c: {  	v6 =	vor.u32 @!p1 s11, v6;
	v5 =	vxor.u32 @!p1 v7, v5  }
0x8d: {  	(xrf1) =	vsort.dscd.msk.u32 @!p1 $0xffff, v5, v6;
	_ =	sdelay $0x5  }
0x8e: {  	v5 =	vimm.s32 @!p1 $0xEDCBA987  }
0x8f: {  	v6 =	vimm.s32 @!p1 $0x65432100;
	v5 =	vunpack.c.l.s4.s8 @!p1 v5  }
0x90: {  	v6 =	vunpack.c.l.s4.s8 @!p1 v6  }
0x91: {  	v5 =	vunpack.c.0.s8.s32 @!p1 v5  }
0x92: {  	v6 =	vunpack.c.0.s8.s32 @!p1 v6  }
0x93: {  	v5 =	vand.u32 @!p1 $0xF, v5  }
0x94: {  	v5 =	vcombine.low @!p1 v6, v5;
	_ =	sdelay $0x1  }
0x95: {  	v6, v7, _ =	vpop @!p1 (xrf1)  }
0x96: {  	v6 =	vshra.s32 @!p1 v6, $0x4  }
0x97: {  	v6 =	vxor.u32 @!p1 $0xF8000000, v6  }
0x98: {  	s11 =	simm.s32 @!p1 $0x11C00;
	[tilespmem:$0x11C00] =	vst @!p1 v6  }
0x99: {  	v5 =	vld.idx.msk @!p1 [tilespmem:v5+s11+$0x0], $0xffff;
	_ =	sdelay $0x4  }
0x9a: {  	vm1 =	vmmov @!p1 $0x1;
	vm0 =	vne.s32 @!p1 v6, v5;
	v5 =	vsub.s32 @!p1 v6, v0  }
0x9b: {  	vm0 =	vmor @!p1 vm0, vm1;
	vm1 =	vlt.u32 @!p1 v5, $0xC38  }
0x9c: {  	vm0 =	vmand @!p1 vm1, vm0;
	_ =	sdelay $0x4  }
0x9d: {  	s12 =	simm.s32 @!p1 $0x11C80  }
0x9e: {  	v6 =	vld.idx.msk @!p1 [tilespmem:v5+s12+$0x0], vm0;
	_ =	sdelay $0x4  }
0x9f: {  	vm1 =	vgt.s32 @!p1 v6, v7  }
0xa0: {  	s11 =	simm.s32 $0x5A0;
	v6 =	vsel @!p1 vm1, v6, v7  }
.LBB2_6:
0xa1: {  	[tilespmem:v5+s12+$0x0] =	vst.idx.msk @!p1 vm0, v6;
	s10 =	sadd.s32 $0x10, s10;
	s12 =	smov.u32 s11;
	s11 =	sadd.s32 $0x10, s11  }
0xa2: {  	v5 =	vld [tilespmem:s10+$0x0];
	p2 =	sne.s32 s11, $0xB20;
	_ =	sdelay $0x4  }
0xa3: {  	vm0 =	vge.s32 v5, v0;
	vm1 =	vlt.s32 v5, v1  }
0xa4: {  	vm0 =	vmand vm0, vm1  }
0xa5: {  	v6 =	vmpcnt.ones.xlane vm0;
	_ =	sdelay $0x1  }
0xa6: {  	(v2sf) =	vpush v6, $0x0;
	_ =	sdelay $0xe  }
0xa7: {  	s13 =	spop (v2sf)  }
0xa8: {  	p1 =	slt.s32 s13, $0x1  }
0xa9: {  	v5 =	vshll.u32 @!p1 v5, $0x4;
	v6 =	vlaneseq.u32 @!p1;
	v7 =	vimm.s32 @!p1 $0xEDCBA987  }
0xaa: {  	v8 =	vor.u32 @!p1 s12, v6;
	v6 =	vor.u32 @!p1 $0x80000000, v6;
	v7 =	vunpack.c.l.s4.s8 @!p1 v7  }
0xab: {  	v5 =	vxor.u32 @!p1 v6, v5;
	v6 =	vimm.s32 @!p1 $0x65432100  }
0xac: {  	v6 =	vunpack.c.l.s4.s8 @!p1 v6;
	v7 =	vunpack.c.0.s8.s32 @!p1 v7;
	(xrf1) =	vsort.dscd.msk.u32 @!p1 $0xffff, v5, v8;
	_ =	sdelay $0x1  }
0xad: {  	v5 =	vunpack.c.0.s8.s32 @!p1 v6;
	v6 =	vand.u32 @!p1 $0xF, v7;
	_ =	sdelay $0x1  }
0xae: {  	v5 =	vcombine.low @!p1 v5, v6;
	_ =	sdelay $0x9  }
0xaf: {  	v6, v7, _ =	vpop @!p1 (xrf1)  }
0xb0: {  	v6 =	vshra.s32 @!p1 v6, $0x4  }
0xb1: {  	v6 =	vxor.u32 @!p1 $0xF8000000, v6  }
0xb2: {  	s12 =	simm.s32 @!p1 $0x11C00;
	[tilespmem:$0x11C00] =	vst @!p1 v6  }
0xb3: {  	v5 =	vld.idx.msk @!p1 [tilespmem:v5+s12+$0x0], $0xffff;
	_ =	sdelay $0x5  }
0xb4: {  	vm1 =	vmmov @!p1 $0x1;
	vm0 =	vne.s32 @!p1 v6, v5;
	v5 =	vsub.s32 @!p1 v6, v0  }
0xb5: {  	vm0 =	vmor @!p1 vm0, vm1;
	vm1 =	vlt.u32 @!p1 v5, $0xC38  }
0xb6: {  	vm0 =	vmand @!p1 vm1, vm0;
	_ =	sdelay $0x4  }
0xb7: {  	s12 =	simm.s32 @!p1 $0x11C80  }
0xb8: {  	v6 =	vld.idx.msk @!p1 [tilespmem:v5+s12+$0x0], vm0;
	_ =	sdelay $0x2  }
.Ltmp2:
0xb9: {  	(pc) =	sbr.rel @p2 .LBB2_6-.Ltmp2, $3  }
0xba: {  	_ =	sdelay $0x1  }
0xbb: {  	vm1 =	vgt.s32 @!p1 v6, v7  }
0xbc: {  	v6 =	vsel @!p1 vm1, v6, v7  }
0xbd: {  	_ =	sdelay $0x4  }
0xbe: {  	[tilespmem:v5+s12+$0x0] =	vst.idx.msk @!p1 vm0, v6  }
0xbf: {  	_ =	swait.ge [sflag:s1], $0x4400  }
0xc0: {  	[sflag:s1] =	ssyncset.done $0x0  }
0xc1: {  	s10 =	rddreg [dreg:$0x8];
	[sflag:s1] =	ssyncadd.s32 $0xFFFFBC00  }
0xc2: {  	[hbm4b:s10+s3] =	stream.linear.scatter [tilespmem:s0], [sflag:$0x4], $0x4400, $0x38;
	[tilespmem:$0x18300] =	vst v63  }
0xc3: {  	_ =	swait.ge [sflag:s4], $0x4400  }
0xc4: {  	[sflag:s4] =	ssyncset.done $0x0  }
0xc5: {  	s10 =	simm.s32 $0xA720;
	s19 =	rddreg [dreg:$0x9];
	[sflag:s4] =	ssyncadd.s32 $0xFFFFBC00  }
0xc6: {  	[tilespmem:s3], [sflag:$0x1] =	stream.linear.gather [hbm4b:s19+s3], $0x4400, $0x38;
	[tilespmem:$0x18300] =	vst v63  }
0xc7: {  	v5 =	vld [tilespmem:s10+$0x0];
	_ =	sdelay $0x4  }
0xc8: {  	vm0 =	vge.s32 v5, v0;
	vm1 =	vlt.s32 v5, v1  }
0xc9: {  	vm0 =	vmand vm0, vm1  }
0xca: {  	v6 =	vmpcnt.ones.xlane vm0;
	_ =	sdelay $0x1  }
0xcb: {  	(v2sf) =	vpush v6, $0x0;
	_ =	sdelay $0xe  }
0xcc: {  	s11 =	spop (v2sf)  }
0xcd: {  	p1 =	slt.s32 s11, $0x1  }
0xce: {  	v6 =	vlaneseq.u32 @!p1  }
0xcf: {  	s11 =	simm.s32 $0xB20;
	v5 =	vshll.u32 @!p1 v5, $0x4;
	v7 =	vor.u32 @!p1 $0x80000000, v6  }
0xd0: {  	v6 =	vor.u32 @!p1 s11, v6;
	v5 =	vxor.u32 @!p1 v7, v5  }
0xd1: {  	(xrf1) =	vsort.dscd.msk.u32 @!p1 $0xffff, v5, v6;
	_ =	sdelay $0x5  }
0xd2: {  	v5 =	vimm.s32 @!p1 $0xEDCBA987  }
0xd3: {  	v6 =	vimm.s32 @!p1 $0x65432100;
	v5 =	vunpack.c.l.s4.s8 @!p1 v5  }
0xd4: {  	v6 =	vunpack.c.l.s4.s8 @!p1 v6  }
0xd5: {  	v5 =	vunpack.c.0.s8.s32 @!p1 v5  }
0xd6: {  	v6 =	vunpack.c.0.s8.s32 @!p1 v6  }
0xd7: {  	v5 =	vand.u32 @!p1 $0xF, v5  }
0xd8: {  	v5 =	vcombine.low @!p1 v6, v5;
	_ =	sdelay $0x1  }
0xd9: {  	v6, v7, _ =	vpop @!p1 (xrf1)  }
0xda: {  	v6 =	vshra.s32 @!p1 v6, $0x4  }
0xdb: {  	v6 =	vxor.u32 @!p1 $0xF8000000, v6  }
0xdc: {  	s11 =	simm.s32 @!p1 $0x11C00;
	[tilespmem:$0x11C00] =	vst @!p1 v6  }
0xdd: {  	v5 =	vld.idx.msk @!p1 [tilespmem:v5+s11+$0x0], $0xffff;
	_ =	sdelay $0x4  }
0xde: {  	vm1 =	vmmov @!p1 $0x1;
	vm0 =	vne.s32 @!p1 v6, v5;
	v5 =	vsub.s32 @!p1 v6, v0  }
0xdf: {  	vm0 =	vmor @!p1 vm0, vm1;
	vm1 =	vlt.u32 @!p1 v5, $0xC38  }
0xe0: {  	vm0 =	vmand @!p1 vm1, vm0;
	_ =	sdelay $0x4  }
0xe1: {  	s12 =	simm.s32 @!p1 $0x11C80  }
0xe2: {  	v6 =	vld.idx.msk @!p1 [tilespmem:v5+s12+$0x0], vm0;
	_ =	sdelay $0x4  }
0xe3: {  	vm1 =	vgt.s32 @!p1 v6, v7  }
0xe4: {  	s11 =	simm.s32 $0xB30;
	v6 =	vsel @!p1 vm1, v6, v7  }
.LBB2_8:
0xe5: {  	[tilespmem:v5+s12+$0x0] =	vst.idx.msk @!p1 vm0, v6;
	s10 =	sadd.s32 $0x10, s10;
	s12 =	smov.u32 s11;
	s11 =	sadd.s32 $0x10, s11  }
0xe6: {  	v5 =	vld [tilespmem:s10+$0x0];
	p2 =	sne.s32 s11, $0x10B0;
	_ =	sdelay $0x4  }
0xe7: {  	vm0 =	vge.s32 v5, v0;
	vm1 =	vlt.s32 v5, v1  }
0xe8: {  	vm0 =	vmand vm0, vm1  }
0xe9: {  	v6 =	vmpcnt.ones.xlane vm0;
	_ =	sdelay $0x1  }
0xea: {  	(v2sf) =	vpush v6, $0x0;
	_ =	sdelay $0xe  }
0xeb: {  	s13 =	spop (v2sf)  }
0xec: {  	p1 =	slt.s32 s13, $0x1  }
0xed: {  	v5 =	vshll.u32 @!p1 v5, $0x4;
	v6 =	vlaneseq.u32 @!p1;
	v7 =	vimm.s32 @!p1 $0xEDCBA987  }
0xee: {  	v8 =	vor.u32 @!p1 s12, v6;
	v6 =	vor.u32 @!p1 $0x80000000, v6;
	v7 =	vunpack.c.l.s4.s8 @!p1 v7  }
0xef: {  	v5 =	vxor.u32 @!p1 v6, v5;
	v6 =	vimm.s32 @!p1 $0x65432100  }
0xf0: {  	v6 =	vunpack.c.l.s4.s8 @!p1 v6;
	v7 =	vunpack.c.0.s8.s32 @!p1 v7;
	(xrf1) =	vsort.dscd.msk.u32 @!p1 $0xffff, v5, v8;
	_ =	sdelay $0x1  }
0xf1: {  	v5 =	vunpack.c.0.s8.s32 @!p1 v6;
	v6 =	vand.u32 @!p1 $0xF, v7;
	_ =	sdelay $0x1  }
0xf2: {  	v5 =	vcombine.low @!p1 v5, v6;
	_ =	sdelay $0x9  }
0xf3: {  	v6, v7, _ =	vpop @!p1 (xrf1)  }
0xf4: {  	v6 =	vshra.s32 @!p1 v6, $0x4  }
0xf5: {  	v6 =	vxor.u32 @!p1 $0xF8000000, v6  }
0xf6: {  	s12 =	simm.s32 @!p1 $0x11C00;
	[tilespmem:$0x11C00] =	vst @!p1 v6  }
0xf7: {  	v5 =	vld.idx.msk @!p1 [tilespmem:v5+s12+$0x0], $0xffff;
	_ =	sdelay $0x5  }
0xf8: {  	vm1 =	vmmov @!p1 $0x1;
	vm0 =	vne.s32 @!p1 v6, v5;
	v5 =	vsub.s32 @!p1 v6, v0  }
0xf9: {  	vm0 =	vmor @!p1 vm0, vm1;
	vm1 =	vlt.u32 @!p1 v5, $0xC38  }
0xfa: {  	vm0 =	vmand @!p1 vm1, vm0;
	_ =	sdelay $0x4  }
0xfb: {  	s12 =	simm.s32 @!p1 $0x11C80  }
0xfc: {  	v6 =	vld.idx.msk @!p1 [tilespmem:v5+s12+$0x0], vm0;
	_ =	sdelay $0x2  }
.Ltmp3:
0xfd: {  	(pc) =	sbr.rel @p2 .LBB2_8-.Ltmp3, $3  }
0xfe: {  	_ =	sdelay $0x1  }
0xff: {  	vm1 =	vgt.s32 @!p1 v6, v7  }
0x100: {  	v6 =	vsel @!p1 vm1, v6, v7  }
0x101: {  	_ =	sdelay $0x4  }
0x102: {  	[tilespmem:v5+s12+$0x0] =	vst.idx.msk @!p1 vm0, v6  }
0x103: {  	_ =	swait.ge [sflag:s31], $0x4400  }
0x104: {  	[sflag:s31] =	ssyncset.done $0x0  }
0x105: {  	s10 =	rddreg [dreg:$0xa];
	[sflag:s31] =	ssyncadd.s32 $0xFFFFBC00  }
0x106: {  	[hbm4b:s10+s3] =	stream.linear.scatter [tilespmem:s3], [sflag:$0x3], $0x4400, $0x38;
	[tilespmem:$0x18300] =	vst v63  }
0x107: {  	_ =	swait.ge [sflag:s6], $0x4400  }
0x108: {  	[sflag:s6] =	ssyncset.done $0x0  }
0x109: {  	s10 =	simm.s32 $0xACB0;
	s19 =	rddreg [dreg:$0xb];
	[sflag:s6] =	ssyncadd.s32 $0xFFFFBC00  }
0x10a: {  	[tilespmem:s0], [sflag:$0x2] =	stream.linear.gather [hbm4b:s19+s3], $0x4400, $0x38;
	[tilespmem:$0x18300] =	vst v63  }
0x10b: {  	v5 =	vld [tilespmem:s10+$0x0];
	_ =	sdelay $0x4  }
0x10c: {  	vm0 =	vge.s32 v5, v0;
	vm1 =	vlt.s32 v5, v1  }
0x10d: {  	vm0 =	vmand vm0, vm1  }
0x10e: {  	v6 =	vmpcnt.ones.xlane vm0;
	_ =	sdelay $0x1  }
0x10f: {  	(v2sf) =	vpush v6, $0x0;
	_ =	sdelay $0xe  }
0x110: {  	s11 =	spop (v2sf)  }
0x111: {  	p1 =	slt.s32 s11, $0x1  }
0x112: {  	v6 =	vlaneseq.u32 @!p1  }
0x113: {  	s11 =	simm.s32 $0x10B0;
	v5 =	vshll.u32 @!p1 v5, $0x4;
	v7 =	vor.u32 @!p1 $0x80000000, v6  }
0x114: {  	v6 =	vor.u32 @!p1 s11, v6;
	v5 =	vxor.u32 @!p1 v7, v5  }
0x115: {  	(xrf1) =	vsort.dscd.msk.u32 @!p1 $0xffff, v5, v6;
	_ =	sdelay $0x5  }
0x116: {  	v5 =	vimm.s32 @!p1 $0xEDCBA987  }
0x117: {  	v6 =	vimm.s32 @!p1 $0x65432100;
	v5 =	vunpack.c.l.s4.s8 @!p1 v5  }
0x118: {  	v6 =	vunpack.c.l.s4.s8 @!p1 v6  }
0x119: {  	v5 =	vunpack.c.0.s8.s32 @!p1 v5  }
0x11a: {  	v6 =	vunpack.c.0.s8.s32 @!p1 v6  }
0x11b: {  	v5 =	vand.u32 @!p1 $0xF, v5  }
0x11c: {  	v5 =	vcombine.low @!p1 v6, v5;
	_ =	sdelay $0x1  }
0x11d: {  	v6, v7, _ =	vpop @!p1 (xrf1)  }
0x11e: {  	v6 =	vshra.s32 @!p1 v6, $0x4  }
0x11f: {  	v6 =	vxor.u32 @!p1 $0xF8000000, v6  }
0x120: {  	s11 =	simm.s32 @!p1 $0x11C00;
	[tilespmem:$0x11C00] =	vst @!p1 v6  }
0x121: {  	v5 =	vld.idx.msk @!p1 [tilespmem:v5+s11+$0x0], $0xffff;
	_ =	sdelay $0x4  }
0x122: {  	vm1 =	vmmov @!p1 $0x1;
	vm0 =	vne.s32 @!p1 v6, v5;
	v5 =	vsub.s32 @!p1 v6, v0  }
0x123: {  	vm0 =	vmor @!p1 vm0, vm1;
	vm1 =	vlt.u32 @!p1 v5, $0xC38  }
0x124: {  	vm0 =	vmand @!p1 vm1, vm0;
	_ =	sdelay $0x4  }
0x125: {  	s12 =	simm.s32 @!p1 $0x11C80  }
0x126: {  	v6 =	vld.idx.msk @!p1 [tilespmem:v5+s12+$0x0], vm0;
	_ =	sdelay $0x4  }
0x127: {  	vm1 =	vgt.s32 @!p1 v6, v7  }
0x128: {  	s11 =	simm.s32 $0x10C0;
	v6 =	vsel @!p1 vm1, v6, v7  }
.LBB2_10:
0x129: {  	[tilespmem:v5+s12+$0x0] =	vst.idx.msk @!p1 vm0, v6;
	s10 =	sadd.s32 $0x10, s10;
	s12 =	smov.u32 s11;
	s11 =	sadd.s32 $0x10, s11  }
0x12a: {  	v5 =	vld [tilespmem:s10+$0x0];
	p2 =	sne.s32 s11, $0x1640;
	_ =	sdelay $0x4  }
0x12b: {  	vm0 =	vge.s32 v5, v0;
	vm1 =	vlt.s32 v5, v1  }
0x12c: {  	vm0 =	vmand vm0, vm1  }
0x12d: {  	v6 =	vmpcnt.ones.xlane vm0;
	_ =	sdelay $0x1  }
0x12e: {  	(v2sf) =	vpush v6, $0x0;
	_ =	sdelay $0xe  }
0x12f: {  	s13 =	spop (v2sf)  }
0x130: {  	p1 =	slt.s32 s13, $0x1  }
0x131: {  	v5 =	vshll.u32 @!p1 v5, $0x4;
	v6 =	vlaneseq.u32 @!p1;
	v7 =	vimm.s32 @!p1 $0xEDCBA987  }
0x132: {  	v8 =	vor.u32 @!p1 s12, v6;
	v6 =	vor.u32 @!p1 $0x80000000, v6;
	v7 =	vunpack.c.l.s4.s8 @!p1 v7  }
0x133: {  	v5 =	vxor.u32 @!p1 v6, v5;
	v6 =	vimm.s32 @!p1 $0x65432100  }
0x134: {  	v6 =	vunpack.c.l.s4.s8 @!p1 v6;
	v7 =	vunpack.c.0.s8.s32 @!p1 v7;
	(xrf1) =	vsort.dscd.msk.u32 @!p1 $0xffff, v5, v8;
	_ =	sdelay $0x1  }
0x135: {  	v5 =	vunpack.c.0.s8.s32 @!p1 v6;
	v6 =	vand.u32 @!p1 $0xF, v7;
	_ =	sdelay $0x1  }
0x136: {  	v5 =	vcombine.low @!p1 v5, v6;
	_ =	sdelay $0x9  }
0x137: {  	v6, v7, _ =	vpop @!p1 (xrf1)  }
0x138: {  	v6 =	vshra.s32 @!p1 v6, $0x4  }
0x139: {  	v6 =	vxor.u32 @!p1 $0xF8000000, v6  }
0x13a: {  	s12 =	simm.s32 @!p1 $0x11C00;
	[tilespmem:$0x11C00] =	vst @!p1 v6  }
0x13b: {  	v5 =	vld.idx.msk @!p1 [tilespmem:v5+s12+$0x0], $0xffff;
	_ =	sdelay $0x5  }
0x13c: {  	vm1 =	vmmov @!p1 $0x1;
	vm0 =	vne.s32 @!p1 v6, v5;
	v5 =	vsub.s32 @!p1 v6, v0  }
0x13d: {  	vm0 =	vmor @!p1 vm0, vm1;
	vm1 =	vlt.u32 @!p1 v5, $0xC38  }
0x13e: {  	vm0 =	vmand @!p1 vm1, vm0;
	_ =	sdelay $0x4  }
0x13f: {  	s12 =	simm.s32 @!p1 $0x11C80  }
0x140: {  	v6 =	vld.idx.msk @!p1 [tilespmem:v5+s12+$0x0], vm0;
	_ =	sdelay $0x2  }
.Ltmp4:
0x141: {  	(pc) =	sbr.rel @p2 .LBB2_10-.Ltmp4, $3  }
0x142: {  	_ =	sdelay $0x1  }
0x143: {  	vm1 =	vgt.s32 @!p1 v6, v7  }
0x144: {  	v6 =	vsel @!p1 vm1, v6, v7  }
0x145: {  	_ =	sdelay $0x4  }
0x146: {  	[tilespmem:v5+s12+$0x0] =	vst.idx.msk @!p1 vm0, v6  }
0x147: {  	_ =	swait.ge [sflag:s1], $0x4400  }
0x148: {  	[sflag:s1] =	ssyncset.done $0x0  }
0x149: {  	s10 =	rddreg [dreg:$0xc];
	[sflag:s1] =	ssyncadd.s32 $0xFFFFBC00  }
0x14a: {  	[hbm4b:s10+s3] =	stream.linear.scatter [tilespmem:s0], [sflag:$0x4], $0x4400, $0x38;
	[tilespmem:$0x18300] =	vst v63  }
0x14b: {  	_ =	swait.ge [sflag:s4], $0x4400  }
0x14c: {  	[sflag:s4] =	ssyncset.done $0x0  }
0x14d: {  	s10 =	simm.s32 $0xB240;
	s19 =	rddreg [dreg:$0xd];
	[sflag:s4] =	ssyncadd.s32 $0xFFFFBC00  }
0x14e: {  	[tilespmem:s3], [sflag:$0x1] =	stream.linear.gather [hbm4b:s19+s3], $0x4400, $0x38;
	[tilespmem:$0x18300] =	vst v63  }
0x14f: {  	v5 =	vld [tilespmem:s10+$0x0];
	_ =	sdelay $0x4  }
0x150: {  	vm0 =	vge.s32 v5, v0;
	vm1 =	vlt.s32 v5, v1  }
0x151: {  	vm0 =	vmand vm0, vm1  }
0x152: {  	v6 =	vmpcnt.ones.xlane vm0;
	_ =	sdelay $0x1  }
0x153: {  	(v2sf) =	vpush v6, $0x0;
	_ =	sdelay $0xe  }
0x154: {  	s11 =	spop (v2sf)  }
0x155: {  	p1 =	slt.s32 s11, $0x1  }
0x156: {  	v6 =	vlaneseq.u32 @!p1  }
0x157: {  	s11 =	simm.s32 $0x1640;
	v5 =	vshll.u32 @!p1 v5, $0x4;
	v7 =	vor.u32 @!p1 $0x80000000, v6  }
0x158: {  	v6 =	vor.u32 @!p1 s11, v6;
	v5 =	vxor.u32 @!p1 v7, v5  }
0x159: {  	(xrf1) =	vsort.dscd.msk.u32 @!p1 $0xffff, v5, v6;
	_ =	sdelay $0x5  }
0x15a: {  	v5 =	vimm.s32 @!p1 $0xEDCBA987  }
0x15b: {  	v6 =	vimm.s32 @!p1 $0x65432100;
	v5 =	vunpack.c.l.s4.s8 @!p1 v5  }
0x15c: {  	v6 =	vunpack.c.l.s4.s8 @!p1 v6  }
0x15d: {  	v5 =	vunpack.c.0.s8.s32 @!p1 v5  }
0x15e: {  	v6 =	vunpack.c.0.s8.s32 @!p1 v6  }
0x15f: {  	v5 =	vand.u32 @!p1 $0xF, v5  }
0x160: {  	v5 =	vcombine.low @!p1 v6, v5;
	_ =	sdelay $0x1  }
0x161: {  	v6, v7, _ =	vpop @!p1 (xrf1)  }
0x162: {  	v6 =	vshra.s32 @!p1 v6, $0x4  }
0x163: {  	v6 =	vxor.u32 @!p1 $0xF8000000, v6  }
0x164: {  	s11 =	simm.s32 @!p1 $0x11C00;
	[tilespmem:$0x11C00] =	vst @!p1 v6  }
0x165: {  	v5 =	vld.idx.msk @!p1 [tilespmem:v5+s11+$0x0], $0xffff;
	_ =	sdelay $0x4  }
0x166: {  	vm1 =	vmmov @!p1 $0x1;
	vm0 =	vne.s32 @!p1 v6, v5;
	v5 =	vsub.s32 @!p1 v6, v0  }
0x167: {  	vm0 =	vmor @!p1 vm0, vm1;
	vm1 =	vlt.u32 @!p1 v5, $0xC38  }
0x168: {  	vm0 =	vmand @!p1 vm1, vm0;
	_ =	sdelay $0x4  }
0x169: {  	s12 =	simm.s32 @!p1 $0x11C80  }
0x16a: {  	v6 =	vld.idx.msk @!p1 [tilespmem:v5+s12+$0x0], vm0;
	_ =	sdelay $0x4  }
0x16b: {  	vm1 =	vgt.s32 @!p1 v6, v7  }
0x16c: {  	s11 =	simm.s32 $0x1650;
	v6 =	vsel @!p1 vm1, v6, v7  }
.LBB2_12:
0x16d: {  	[tilespmem:v5+s12+$0x0] =	vst.idx.msk @!p1 vm0, v6;
	s10 =	sadd.s32 $0x10, s10;
	s12 =	smov.u32 s11;
	s11 =	sadd.s32 $0x10, s11  }
0x16e: {  	v5 =	vld [tilespmem:s10+$0x0];
	p2 =	sne.s32 s11, $0x1BD0;
	_ =	sdelay $0x4  }
0x16f: {  	vm0 =	vge.s32 v5, v0;
	vm1 =	vlt.s32 v5, v1  }
0x170: {  	vm0 =	vmand vm0, vm1  }
0x171: {  	v6 =	vmpcnt.ones.xlane vm0;
	_ =	sdelay $0x1  }
0x172: {  	(v2sf) =	vpush v6, $0x0;
	_ =	sdelay $0xe  }
0x173: {  	s13 =	spop (v2sf)  }
0x174: {  	p1 =	slt.s32 s13, $0x1  }
0x175: {  	v5 =	vshll.u32 @!p1 v5, $0x4;
	v6 =	vlaneseq.u32 @!p1;
	v7 =	vimm.s32 @!p1 $0xEDCBA987  }
0x176: {  	v8 =	vor.u32 @!p1 s12, v6;
	v6 =	vor.u32 @!p1 $0x80000000, v6;
	v7 =	vunpack.c.l.s4.s8 @!p1 v7  }
0x177: {  	v5 =	vxor.u32 @!p1 v6, v5;
	v6 =	vimm.s32 @!p1 $0x65432100  }
0x178: {  	v6 =	vunpack.c.l.s4.s8 @!p1 v6;
	v7 =	vunpack.c.0.s8.s32 @!p1 v7;
	(xrf1) =	vsort.dscd.msk.u32 @!p1 $0xffff, v5, v8;
	_ =	sdelay $0x1  }
0x179: {  	v5 =	vunpack.c.0.s8.s32 @!p1 v6;
	v6 =	vand.u32 @!p1 $0xF, v7;
	_ =	sdelay $0x1  }
0x17a: {  	v5 =	vcombine.low @!p1 v5, v6;
	_ =	sdelay $0x9  }
0x17b: {  	v6, v7, _ =	vpop @!p1 (xrf1)  }
0x17c: {  	v6 =	vshra.s32 @!p1 v6, $0x4  }
0x17d: {  	v6 =	vxor.u32 @!p1 $0xF8000000, v6  }
0x17e: {  	s12 =	simm.s32 @!p1 $0x11C00;
	[tilespmem:$0x11C00] =	vst @!p1 v6  }
0x17f: {  	v5 =	vld.idx.msk @!p1 [tilespmem:v5+s12+$0x0], $0xffff;
	_ =	sdelay $0x5  }
0x180: {  	vm1 =	vmmov @!p1 $0x1;
	vm0 =	vne.s32 @!p1 v6, v5;
	v5 =	vsub.s32 @!p1 v6, v0  }
0x181: {  	vm0 =	vmor @!p1 vm0, vm1;
	vm1 =	vlt.u32 @!p1 v5, $0xC38  }
0x182: {  	vm0 =	vmand @!p1 vm1, vm0;
	_ =	sdelay $0x4  }
0x183: {  	s12 =	simm.s32 @!p1 $0x11C80  }
0x184: {  	v6 =	vld.idx.msk @!p1 [tilespmem:v5+s12+$0x0], vm0;
	_ =	sdelay $0x2  }
.Ltmp5:
0x185: {  	(pc) =	sbr.rel @p2 .LBB2_12-.Ltmp5, $3  }
0x186: {  	_ =	sdelay $0x1  }
0x187: {  	vm1 =	vgt.s32 @!p1 v6, v7  }
0x188: {  	v6 =	vsel @!p1 vm1, v6, v7  }
0x189: {  	_ =	sdelay $0x4  }
0x18a: {  	[tilespmem:v5+s12+$0x0] =	vst.idx.msk @!p1 vm0, v6  }
0x18b: {  	_ =	swait.ge [sflag:s31], $0x4400  }
0x18c: {  	[sflag:s31] =	ssyncset.done $0x0  }
0x18d: {  	s10 =	rddreg [dreg:$0xe];
	[sflag:s31] =	ssyncadd.s32 $0xFFFFBC00  }
0x18e: {  	[hbm4b:s10+s3] =	stream.linear.scatter [tilespmem:s3], [sflag:$0x3], $0x4400, $0x38;
	[tilespmem:$0x18300] =	vst v63  }
0x18f: {  	_ =	swait.ge [sflag:s6], $0x4400  }
0x190: {  	[sflag:s6] =	ssyncset.done $0x0  }
0x191: {  	s10 =	simm.s32 $0xB7D0;
	s19 =	rddreg [dreg:$0xf];
	[sflag:s6] =	ssyncadd.s32 $0xFFFFBC00  }
0x192: {  	[tilespmem:s0], [sflag:$0x2] =	stream.linear.gather [hbm4b:s19+s3], $0x4400, $0x38;
	[tilespmem:$0x18300] =	vst v63  }
0x193: {  	v5 =	vld [tilespmem:s10+$0x0];
	_ =	sdelay $0x4  }
0x194: {  	vm0 =	vge.s32 v5, v0;
	vm1 =	vlt.s32 v5, v1  }
0x195: {  	vm0 =	vmand vm0, vm1  }
0x196: {  	v6 =	vmpcnt.ones.xlane vm0;
	_ =	sdelay $0x1  }
0x197: {  	(v2sf) =	vpush v6, $0x0;
	_ =	sdelay $0xe  }
0x198: {  	s11 =	spop (v2sf)  }
0x199: {  	p1 =	slt.s32 s11, $0x1  }
0x19a: {  	v6 =	vlaneseq.u32 @!p1  }
0x19b: {  	s11 =	simm.s32 $0x1BD0;
	v5 =	vshll.u32 @!p1 v5, $0x4;
	v7 =	vor.u32 @!p1 $0x80000000, v6  }
0x19c: {  	v6 =	vor.u32 @!p1 s11, v6;
	v5 =	vxor.u32 @!p1 v7, v5  }
0x19d: {  	(xrf1) =	vsort.dscd.msk.u32 @!p1 $0xffff, v5, v6;
	_ =	sdelay $0x5  }
0x19e: {  	v5 =	vimm.s32 @!p1 $0xEDCBA987  }
0x19f: {  	v6 =	vimm.s32 @!p1 $0x65432100;
	v5 =	vunpack.c.l.s4.s8 @!p1 v5  }
0x1a0: {  	v6 =	vunpack.c.l.s4.s8 @!p1 v6  }
0x1a1: {  	v5 =	vunpack.c.0.s8.s32 @!p1 v5  }
0x1a2: {  	v6 =	vunpack.c.0.s8.s32 @!p1 v6  }
0x1a3: {  	v5 =	vand.u32 @!p1 $0xF, v5  }
0x1a4: {  	v5 =	vcombine.low @!p1 v6, v5;
	_ =	sdelay $0x1  }
0x1a5: {  	v6, v7, _ =	vpop @!p1 (xrf1)  }
0x1a6: {  	v6 =	vshra.s32 @!p1 v6, $0x4  }
0x1a7: {  	v6 =	vxor.u32 @!p1 $0xF8000000, v6  }
0x1a8: {  	s11 =	simm.s32 @!p1 $0x11C00;
	[tilespmem:$0x11C00] =	vst @!p1 v6  }
0x1a9: {  	v5 =	vld.idx.msk @!p1 [tilespmem:v5+s11+$0x0], $0xffff;
	_ =	sdelay $0x4  }
0x1aa: {  	vm1 =	vmmov @!p1 $0x1;
	vm0 =	vne.s32 @!p1 v6, v5;
	v5 =	vsub.s32 @!p1 v6, v0  }
0x1ab: {  	vm0 =	vmor @!p1 vm0, vm1;
	vm1 =	vlt.u32 @!p1 v5, $0xC38  }
0x1ac: {  	vm0 =	vmand @!p1 vm1, vm0;
	_ =	sdelay $0x4  }
0x1ad: {  	s12 =	simm.s32 @!p1 $0x11C80  }
0x1ae: {  	v6 =	vld.idx.msk @!p1 [tilespmem:v5+s12+$0x0], vm0;
	_ =	sdelay $0x4  }
0x1af: {  	vm1 =	vgt.s32 @!p1 v6, v7  }
0x1b0: {  	s11 =	simm.s32 $0x1BE0;
	v6 =	vsel @!p1 vm1, v6, v7  }
.LBB2_14:
0x1b1: {  	[tilespmem:v5+s12+$0x0] =	vst.idx.msk @!p1 vm0, v6;
	s10 =	sadd.s32 $0x10, s10;
	s12 =	smov.u32 s11;
	s11 =	sadd.s32 $0x10, s11  }
0x1b2: {  	v5 =	vld [tilespmem:s10+$0x0];
	p2 =	sne.s32 s11, $0x2160;
	_ =	sdelay $0x4  }
0x1b3: {  	vm0 =	vge.s32 v5, v0;
	vm1 =	vlt.s32 v5, v1  }
0x1b4: {  	vm0 =	vmand vm0, vm1  }
0x1b5: {  	v6 =	vmpcnt.ones.xlane vm0;
	_ =	sdelay $0x1  }
0x1b6: {  	(v2sf) =	vpush v6, $0x0;
	_ =	sdelay $0xe  }
0x1b7: {  	s13 =	spop (v2sf)  }
0x1b8: {  	p1 =	slt.s32 s13, $0x1  }
0x1b9: {  	v5 =	vshll.u32 @!p1 v5, $0x4;
	v6 =	vlaneseq.u32 @!p1;
	v7 =	vimm.s32 @!p1 $0xEDCBA987  }
0x1ba: {  	v8 =	vor.u32 @!p1 s12, v6;
	v6 =	vor.u32 @!p1 $0x80000000, v6;
	v7 =	vunpack.c.l.s4.s8 @!p1 v7  }
0x1bb: {  	v5 =	vxor.u32 @!p1 v6, v5;
	v6 =	vimm.s32 @!p1 $0x65432100  }
0x1bc: {  	v6 =	vunpack.c.l.s4.s8 @!p1 v6;
	v7 =	vunpack.c.0.s8.s32 @!p1 v7;
	(xrf1) =	vsort.dscd.msk.u32 @!p1 $0xffff, v5, v8;
	_ =	sdelay $0x1  }
0x1bd: {  	v5 =	vunpack.c.0.s8.s32 @!p1 v6;
	v6 =	vand.u32 @!p1 $0xF, v7;
	_ =	sdelay $0x1  }
0x1be: {  	v5 =	vcombine.low @!p1 v5, v6;
	_ =	sdelay $0x9  }
0x1bf: {  	v6, v7, _ =	vpop @!p1 (xrf1)  }
0x1c0: {  	v6 =	vshra.s32 @!p1 v6, $0x4  }
0x1c1: {  	v6 =	vxor.u32 @!p1 $0xF8000000, v6  }
0x1c2: {  	s12 =	simm.s32 @!p1 $0x11C00;
	[tilespmem:$0x11C00] =	vst @!p1 v6  }
0x1c3: {  	v5 =	vld.idx.msk @!p1 [tilespmem:v5+s12+$0x0], $0xffff;
	_ =	sdelay $0x5  }
0x1c4: {  	vm1 =	vmmov @!p1 $0x1;
	vm0 =	vne.s32 @!p1 v6, v5;
	v5 =	vsub.s32 @!p1 v6, v0  }
0x1c5: {  	vm0 =	vmor @!p1 vm0, vm1;
	vm1 =	vlt.u32 @!p1 v5, $0xC38  }
0x1c6: {  	vm0 =	vmand @!p1 vm1, vm0;
	_ =	sdelay $0x4  }
0x1c7: {  	s12 =	simm.s32 @!p1 $0x11C80  }
0x1c8: {  	v6 =	vld.idx.msk @!p1 [tilespmem:v5+s12+$0x0], vm0;
	_ =	sdelay $0x2  }
.Ltmp6:
0x1c9: {  	(pc) =	sbr.rel @p2 .LBB2_14-.Ltmp6, $3  }
0x1ca: {  	_ =	sdelay $0x1  }
0x1cb: {  	vm1 =	vgt.s32 @!p1 v6, v7  }
0x1cc: {  	v6 =	vsel @!p1 vm1, v6, v7  }
0x1cd: {  	_ =	sdelay $0x4  }
0x1ce: {  	[tilespmem:v5+s12+$0x0] =	vst.idx.msk @!p1 vm0, v6  }
0x1cf: {  	_ =	swait.ge [sflag:s1], $0x4400  }
0x1d0: {  	[sflag:s1] =	ssyncset.done $0x0  }
0x1d1: {  	s10 =	rddreg [dreg:$0x10];
	[sflag:s1] =	ssyncadd.s32 $0xFFFFBC00  }
0x1d2: {  	[hbm4b:s10+s3] =	stream.linear.scatter [tilespmem:s0], [sflag:$0x4], $0x4400, $0x38;
	[tilespmem:$0x18300] =	vst v63  }
0x1d3: {  	_ =	swait.ge [sflag:s4], $0x4400  }
0x1d4: {  	[sflag:s4] =	ssyncset.done $0x0  }
0x1d5: {  	s10 =	simm.s32 $0xBD60;
	s19 =	rddreg [dreg:$0x11];
	[sflag:s4] =	ssyncadd.s32 $0xFFFFBC00  }
0x1d6: {  	[tilespmem:s3], [sflag:$0x1] =	stream.linear.gather [hbm4b:s19+s3], $0x4400, $0x38;
	[tilespmem:$0x18300] =	vst v63  }
0x1d7: {  	v5 =	vld [tilespmem:s10+$0x0];
	_ =	sdelay $0x4  }
0x1d8: {  	vm0 =	vge.s32 v5, v0;
	vm1 =	vlt.s32 v5, v1  }
0x1d9: {  	vm0 =	vmand vm0, vm1  }
0x1da: {  	v6 =	vmpcnt.ones.xlane vm0;
	_ =	sdelay $0x1  }
0x1db: {  	(v2sf) =	vpush v6, $0x0;
	_ =	sdelay $0xe  }
0x1dc: {  	s11 =	spop (v2sf)  }
0x1dd: {  	p1 =	slt.s32 s11, $0x1  }
0x1de: {  	v6 =	vlaneseq.u32 @!p1  }
0x1df: {  	s11 =	simm.s32 $0x2160;
	v5 =	vshll.u32 @!p1 v5, $0x4;
	v7 =	vor.u32 @!p1 $0x80000000, v6  }
0x1e0: {  	v6 =	vor.u32 @!p1 s11, v6;
	v5 =	vxor.u32 @!p1 v7, v5  }
0x1e1: {  	(xrf1) =	vsort.dscd.msk.u32 @!p1 $0xffff, v5, v6;
	_ =	sdelay $0x5  }
0x1e2: {  	v5 =	vimm.s32 @!p1 $0xEDCBA987  }
0x1e3: {  	v6 =	vimm.s32 @!p1 $0x65432100;
	v5 =	vunpack.c.l.s4.s8 @!p1 v5  }
0x1e4: {  	v6 =	vunpack.c.l.s4.s8 @!p1 v6  }
0x1e5: {  	v5 =	vunpack.c.0.s8.s32 @!p1 v5  }
0x1e6: {  	v6 =	vunpack.c.0.s8.s32 @!p1 v6  }
0x1e7: {  	v5 =	vand.u32 @!p1 $0xF, v5  }
0x1e8: {  	v5 =	vcombine.low @!p1 v6, v5;
	_ =	sdelay $0x1  }
0x1e9: {  	v6, v7, _ =	vpop @!p1 (xrf1)  }
0x1ea: {  	v6 =	vshra.s32 @!p1 v6, $0x4  }
0x1eb: {  	v6 =	vxor.u32 @!p1 $0xF8000000, v6  }
0x1ec: {  	s11 =	simm.s32 @!p1 $0x11C00;
	[tilespmem:$0x11C00] =	vst @!p1 v6  }
0x1ed: {  	v5 =	vld.idx.msk @!p1 [tilespmem:v5+s11+$0x0], $0xffff;
	_ =	sdelay $0x4  }
0x1ee: {  	vm1 =	vmmov @!p1 $0x1;
	vm0 =	vne.s32 @!p1 v6, v5;
	v5 =	vsub.s32 @!p1 v6, v0  }
0x1ef: {  	vm0 =	vmor @!p1 vm0, vm1;
	vm1 =	vlt.u32 @!p1 v5, $0xC38  }
0x1f0: {  	vm0 =	vmand @!p1 vm1, vm0;
	_ =	sdelay $0x4  }
0x1f1: {  	s12 =	simm.s32 @!p1 $0x11C80  }
0x1f2: {  	v6 =	vld.idx.msk @!p1 [tilespmem:v5+s12+$0x0], vm0;
	_ =	sdelay $0x4  }
0x1f3: {  	vm1 =	vgt.s32 @!p1 v6, v7  }
0x1f4: {  	s11 =	simm.s32 $0x2170;
	v6 =	vsel @!p1 vm1, v6, v7  }
.LBB2_16:
0x1f5: {  	[tilespmem:v5+s12+$0x0] =	vst.idx.msk @!p1 vm0, v6;
	s10 =	sadd.s32 $0x10, s10;
	s12 =	smov.u32 s11;
	s11 =	sadd.s32 $0x10, s11  }
0x1f6: {  	v5 =	vld [tilespmem:s10+$0x0];
	p2 =	sne.s32 s11, $0x26F0;
	_ =	sdelay $0x4  }
0x1f7: {  	vm0 =	vge.s32 v5, v0;
	vm1 =	vlt.s32 v5, v1  }
0x1f8: {  	vm0 =	vmand vm0, vm1  }
0x1f9: {  	v6 =	vmpcnt.ones.xlane vm0;
	_ =	sdelay $0x1  }
0x1fa: {  	(v2sf) =	vpush v6, $0x0;
	_ =	sdelay $0xe  }
0x1fb: {  	s13 =	spop (v2sf)  }
0x1fc: {  	p1 =	slt.s32 s13, $0x1  }
0x1fd: {  	v5 =	vshll.u32 @!p1 v5, $0x4;
	v6 =	vlaneseq.u32 @!p1;
	v7 =	vimm.s32 @!p1 $0xEDCBA987  }
0x1fe: {  	v8 =	vor.u32 @!p1 s12, v6;
	v6 =	vor.u32 @!p1 $0x80000000, v6;
	v7 =	vunpack.c.l.s4.s8 @!p1 v7  }
0x1ff: {  	v5 =	vxor.u32 @!p1 v6, v5;
	v6 =	vimm.s32 @!p1 $0x65432100  }
0x200: {  	v6 =	vunpack.c.l.s4.s8 @!p1 v6;
	v7 =	vunpack.c.0.s8.s32 @!p1 v7;
	(xrf1) =	vsort.dscd.msk.u32 @!p1 $0xffff, v5, v8;
	_ =	sdelay $0x1  }
0x201: {  	v5 =	vunpack.c.0.s8.s32 @!p1 v6;
	v6 =	vand.u32 @!p1 $0xF, v7;
	_ =	sdelay $0x1  }
0x202: {  	v5 =	vcombine.low @!p1 v5, v6;
	_ =	sdelay $0x9  }
0x203: {  	v6, v7, _ =	vpop @!p1 (xrf1)  }
0x204: {  	v6 =	vshra.s32 @!p1 v6, $0x4  }
0x205: {  	v6 =	vxor.u32 @!p1 $0xF8000000, v6  }
0x206: {  	s12 =	simm.s32 @!p1 $0x11C00;
	[tilespmem:$0x11C00] =	vst @!p1 v6  }
0x207: {  	v5 =	vld.idx.msk @!p1 [tilespmem:v5+s12+$0x0], $0xffff;
	_ =	sdelay $0x5  }
0x208: {  	vm1 =	vmmov @!p1 $0x1;
	vm0 =	vne.s32 @!p1 v6, v5;
	v5 =	vsub.s32 @!p1 v6, v0  }
0x209: {  	vm0 =	vmor @!p1 vm0, vm1;
	vm1 =	vlt.u32 @!p1 v5, $0xC38  }
0x20a: {  	vm0 =	vmand @!p1 vm1, vm0;
	_ =	sdelay $0x4  }
0x20b: {  	s12 =	simm.s32 @!p1 $0x11C80  }
0x20c: {  	v6 =	vld.idx.msk @!p1 [tilespmem:v5+s12+$0x0], vm0;
	_ =	sdelay $0x2  }
.Ltmp7:
0x20d: {  	(pc) =	sbr.rel @p2 .LBB2_16-.Ltmp7, $3  }
0x20e: {  	_ =	sdelay $0x1  }
0x20f: {  	vm1 =	vgt.s32 @!p1 v6, v7  }
0x210: {  	v6 =	vsel @!p1 vm1, v6, v7  }
0x211: {  	_ =	sdelay $0x4  }
0x212: {  	[tilespmem:v5+s12+$0x0] =	vst.idx.msk @!p1 vm0, v6  }
0x213: {  	_ =	swait.ge [sflag:s31], $0x4400  }
0x214: {  	[sflag:s31] =	ssyncset.done $0x0  }
0x215: {  	s10 =	rddreg [dreg:$0x12];
	[sflag:s31] =	ssyncadd.s32 $0xFFFFBC00  }
0x216: {  	[hbm4b:s10+s3] =	stream.linear.scatter [tilespmem:s3], [sflag:$0x3], $0x4400, $0x38;
	[tilespmem:$0x18300] =	vst v63  }
0x217: {  	_ =	swait.ge [sflag:s6], $0x4400  }
0x218: {  	[sflag:s6] =	ssyncset.done $0x0  }
0x219: {  	s10 =	simm.s32 $0xC2F0;
	s19 =	rddreg [dreg:$0x13];
	[sflag:s6] =	ssyncadd.s32 $0xFFFFBC00  }
0x21a: {  	[tilespmem:s0], [sflag:$0x2] =	stream.linear.gather [hbm4b:s19+s3], $0x4400, $0x38;
	[tilespmem:$0x18300] =	vst v63  }
0x21b: {  	v5 =	vld [tilespmem:s10+$0x0];
	_ =	sdelay $0x4  }
0x21c: {  	vm0 =	vge.s32 v5, v0;
	vm1 =	vlt.s32 v5, v1  }
0x21d: {  	vm0 =	vmand vm0, vm1  }
0x21e: {  	v6 =	vmpcnt.ones.xlane vm0;
	_ =	sdelay $0x1  }
0x21f: {  	(v2sf) =	vpush v6, $0x0;
	_ =	sdelay $0xe  }
0x220: {  	s11 =	spop (v2sf)  }
0x221: {  	p1 =	slt.s32 s11, $0x1  }
0x222: {  	v6 =	vlaneseq.u32 @!p1  }
0x223: {  	s11 =	simm.s32 $0x26F0;
	v5 =	vshll.u32 @!p1 v5, $0x4;
	v7 =	vor.u32 @!p1 $0x80000000, v6  }
0x224: {  	v6 =	vor.u32 @!p1 s11, v6;
	v5 =	vxor.u32 @!p1 v7, v5  }
0x225: {  	(xrf1) =	vsort.dscd.msk.u32 @!p1 $0xffff, v5, v6;
	_ =	sdelay $0x5  }
0x226: {  	v5 =	vimm.s32 @!p1 $0xEDCBA987  }
0x227: {  	v6 =	vimm.s32 @!p1 $0x65432100;
	v5 =	vunpack.c.l.s4.s8 @!p1 v5  }
0x228: {  	v6 =	vunpack.c.l.s4.s8 @!p1 v6  }
0x229: {  	v5 =	vunpack.c.0.s8.s32 @!p1 v5  }
0x22a: {  	v6 =	vunpack.c.0.s8.s32 @!p1 v6  }
0x22b: {  	v5 =	vand.u32 @!p1 $0xF, v5  }
0x22c: {  	v5 =	vcombine.low @!p1 v6, v5;
	_ =	sdelay $0x1  }
0x22d: {  	v6, v7, _ =	vpop @!p1 (xrf1)  }
0x22e: {  	v6 =	vshra.s32 @!p1 v6, $0x4  }
0x22f: {  	v6 =	vxor.u32 @!p1 $0xF8000000, v6  }
0x230: {  	s11 =	simm.s32 @!p1 $0x11C00;
	[tilespmem:$0x11C00] =	vst @!p1 v6  }
0x231: {  	v5 =	vld.idx.msk @!p1 [tilespmem:v5+s11+$0x0], $0xffff;
	_ =	sdelay $0x4  }
0x232: {  	vm1 =	vmmov @!p1 $0x1;
	vm0 =	vne.s32 @!p1 v6, v5;
	v5 =	vsub.s32 @!p1 v6, v0  }
0x233: {  	vm0 =	vmor @!p1 vm0, vm1;
	vm1 =	vlt.u32 @!p1 v5, $0xC38  }
0x234: {  	vm0 =	vmand @!p1 vm1, vm0;
	_ =	sdelay $0x4  }
0x235: {  	s12 =	simm.s32 @!p1 $0x11C80  }
0x236: {  	v6 =	vld.idx.msk @!p1 [tilespmem:v5+s12+$0x0], vm0;
	_ =	sdelay $0x4  }
0x237: {  	vm1 =	vgt.s32 @!p1 v6, v7  }
0x238: {  	s11 =	simm.s32 $0x2700;
	v6 =	vsel @!p1 vm1, v6, v7  }
.LBB2_18:
0x239: {  	[tilespmem:v5+s12+$0x0] =	vst.idx.msk @!p1 vm0, v6;
	s10 =	sadd.s32 $0x10, s10;
	s12 =	smov.u32 s11;
	s11 =	sadd.s32 $0x10, s11  }
0x23a: {  	v5 =	vld [tilespmem:s10+$0x0];
	p2 =	sne.s32 s11, $0x2C80;
	_ =	sdelay $0x4  }
0x23b: {  	vm0 =	vge.s32 v5, v0;
	vm1 =	vlt.s32 v5, v1  }
0x23c: {  	vm0 =	vmand vm0, vm1  }
0x23d: {  	v6 =	vmpcnt.ones.xlane vm0;
	_ =	sdelay $0x1  }
0x23e: {  	(v2sf) =	vpush v6, $0x0;
	_ =	sdelay $0xe  }
0x23f: {  	s13 =	spop (v2sf)  }
0x240: {  	p1 =	slt.s32 s13, $0x1  }
0x241: {  	v5 =	vshll.u32 @!p1 v5, $0x4;
	v6 =	vlaneseq.u32 @!p1;
	v7 =	vimm.s32 @!p1 $0xEDCBA987  }
0x242: {  	v8 =	vor.u32 @!p1 s12, v6;
	v6 =	vor.u32 @!p1 $0x80000000, v6;
	v7 =	vunpack.c.l.s4.s8 @!p1 v7  }
0x243: {  	v5 =	vxor.u32 @!p1 v6, v5;
	v6 =	vimm.s32 @!p1 $0x65432100  }
0x244: {  	v6 =	vunpack.c.l.s4.s8 @!p1 v6;
	v7 =	vunpack.c.0.s8.s32 @!p1 v7;
	(xrf1) =	vsort.dscd.msk.u32 @!p1 $0xffff, v5, v8;
	_ =	sdelay $0x1  }
0x245: {  	v5 =	vunpack.c.0.s8.s32 @!p1 v6;
	v6 =	vand.u32 @!p1 $0xF, v7;
	_ =	sdelay $0x1  }
0x246: {  	v5 =	vcombine.low @!p1 v5, v6;
	_ =	sdelay $0x9  }
0x247: {  	v6, v7, _ =	vpop @!p1 (xrf1)  }
0x248: {  	v6 =	vshra.s32 @!p1 v6, $0x4  }
0x249: {  	v6 =	vxor.u32 @!p1 $0xF8000000, v6  }
0x24a: {  	s12 =	simm.s32 @!p1 $0x11C00;
	[tilespmem:$0x11C00] =	vst @!p1 v6  }
0x24b: {  	v5 =	vld.idx.msk @!p1 [tilespmem:v5+s12+$0x0], $0xffff;
	_ =	sdelay $0x5  }
0x24c: {  	vm1 =	vmmov @!p1 $0x1;
	vm0 =	vne.s32 @!p1 v6, v5;
	v5 =	vsub.s32 @!p1 v6, v0  }
0x24d: {  	vm0 =	vmor @!p1 vm0, vm1;
	vm1 =	vlt.u32 @!p1 v5, $0xC38  }
0x24e: {  	vm0 =	vmand @!p1 vm1, vm0;
	_ =	sdelay $0x4  }
0x24f: {  	s12 =	simm.s32 @!p1 $0x11C80  }
0x250: {  	v6 =	vld.idx.msk @!p1 [tilespmem:v5+s12+$0x0], vm0;
	_ =	sdelay $0x2  }
.Ltmp8:
0x251: {  	(pc) =	sbr.rel @p2 .LBB2_18-.Ltmp8, $3  }
0x252: {  	_ =	sdelay $0x1  }
0x253: {  	vm1 =	vgt.s32 @!p1 v6, v7  }
0x254: {  	v6 =	vsel @!p1 vm1, v6, v7  }
0x255: {  	_ =	sdelay $0x4  }
0x256: {  	[tilespmem:v5+s12+$0x0] =	vst.idx.msk @!p1 vm0, v6  }
0x257: {  	_ =	swait.ge [sflag:s1], $0x4400  }
0x258: {  	[sflag:s1] =	ssyncset.done $0x0  }
0x259: {  	s10 =	rddreg [dreg:$0x14];
	[sflag:s1] =	ssyncadd.s32 $0xFFFFBC00  }
0x25a: {  	[hbm4b:s10+s3] =	stream.linear.scatter [tilespmem:s0], [sflag:$0x4], $0x4400, $0x38;
	[tilespmem:$0x18300] =	vst v63  }
0x25b: {  	_ =	swait.ge [sflag:s4], $0x4400  }
0x25c: {  	[sflag:s4] =	ssyncset.done $0x0  }
0x25d: {  	s10 =	simm.s32 $0xC880;
	s19 =	rddreg [dreg:$0x15];
	[sflag:s4] =	ssyncadd.s32 $0xFFFFBC00  }
0x25e: {  	[tilespmem:s3], [sflag:$0x1] =	stream.linear.gather [hbm4b:s19+s3], $0x4400, $0x38;
	[tilespmem:$0x18300] =	vst v63  }
0x25f: {  	v5 =	vld [tilespmem:s10+$0x0];
	_ =	sdelay $0x4  }
0x260: {  	vm0 =	vge.s32 v5, v0;
	vm1 =	vlt.s32 v5, v1  }
0x261: {  	vm0 =	vmand vm0, vm1  }
0x262: {  	v6 =	vmpcnt.ones.xlane vm0;
	_ =	sdelay $0x1  }
0x263: {  	(v2sf) =	vpush v6, $0x0;
	_ =	sdelay $0xe  }
0x264: {  	s11 =	spop (v2sf)  }
0x265: {  	p1 =	slt.s32 s11, $0x1  }
0x266: {  	v6 =	vlaneseq.u32 @!p1  }
0x267: {  	s11 =	simm.s32 $0x2C80;
	v5 =	vshll.u32 @!p1 v5, $0x4;
	v7 =	vor.u32 @!p1 $0x80000000, v6  }
0x268: {  	v6 =	vor.u32 @!p1 s11, v6;
	v5 =	vxor.u32 @!p1 v7, v5  }
0x269: {  	(xrf1) =	vsort.dscd.msk.u32 @!p1 $0xffff, v5, v6;
	_ =	sdelay $0x5  }
0x26a: {  	v5 =	vimm.s32 @!p1 $0xEDCBA987  }
0x26b: {  	v6 =	vimm.s32 @!p1 $0x65432100;
	v5 =	vunpack.c.l.s4.s8 @!p1 v5  }
0x26c: {  	v6 =	vunpack.c.l.s4.s8 @!p1 v6  }
0x26d: {  	v5 =	vunpack.c.0.s8.s32 @!p1 v5  }
0x26e: {  	v6 =	vunpack.c.0.s8.s32 @!p1 v6  }
0x26f: {  	v5 =	vand.u32 @!p1 $0xF, v5  }
0x270: {  	v5 =	vcombine.low @!p1 v6, v5;
	_ =	sdelay $0x1  }
0x271: {  	v6, v7, _ =	vpop @!p1 (xrf1)  }
0x272: {  	v6 =	vshra.s32 @!p1 v6, $0x4  }
0x273: {  	v6 =	vxor.u32 @!p1 $0xF8000000, v6  }
0x274: {  	s11 =	simm.s32 @!p1 $0x11C00;
	[tilespmem:$0x11C00] =	vst @!p1 v6  }
0x275: {  	v5 =	vld.idx.msk @!p1 [tilespmem:v5+s11+$0x0], $0xffff;
	_ =	sdelay $0x4  }
0x276: {  	vm1 =	vmmov @!p1 $0x1;
	vm0 =	vne.s32 @!p1 v6, v5;
	v5 =	vsub.s32 @!p1 v6, v0  }
0x277: {  	vm0 =	vmor @!p1 vm0, vm1;
	vm1 =	vlt.u32 @!p1 v5, $0xC38  }
0x278: {  	vm0 =	vmand @!p1 vm1, vm0;
	_ =	sdelay $0x4  }
0x279: {  	s12 =	simm.s32 @!p1 $0x11C80  }
0x27a: {  	v6 =	vld.idx.msk @!p1 [tilespmem:v5+s12+$0x0], vm0;
	_ =	sdelay $0x4  }
0x27b: {  	vm1 =	vgt.s32 @!p1 v6, v7  }
0x27c: {  	s11 =	simm.s32 $0x2C90;
	v6 =	vsel @!p1 vm1, v6, v7  }
.LBB2_20:
0x27d: {  	[tilespmem:v5+s12+$0x0] =	vst.idx.msk @!p1 vm0, v6;
	s10 =	sadd.s32 $0x10, s10;
	s12 =	smov.u32 s11;
	s11 =	sadd.s32 $0x10, s11  }
0x27e: {  	v5 =	vld [tilespmem:s10+$0x0];
	p2 =	sne.s32 s11, $0x3210;
	_ =	sdelay $0x4  }
0x27f: {  	vm0 =	vge.s32 v5, v0;
	vm1 =	vlt.s32 v5, v1  }
0x280: {  	vm0 =	vmand vm0, vm1  }
0x281: {  	v6 =	vmpcnt.ones.xlane vm0;
	_ =	sdelay $0x1  }
0x282: {  	(v2sf) =	vpush v6, $0x0;
	_ =	sdelay $0xe  }
0x283: {  	s13 =	spop (v2sf)  }
0x284: {  	p1 =	slt.s32 s13, $0x1  }
0x285: {  	v5 =	vshll.u32 @!p1 v5, $0x4;
	v6 =	vlaneseq.u32 @!p1;
	v7 =	vimm.s32 @!p1 $0xEDCBA987  }
0x286: {  	v8 =	vor.u32 @!p1 s12, v6;
	v6 =	vor.u32 @!p1 $0x80000000, v6;
	v7 =	vunpack.c.l.s4.s8 @!p1 v7  }
0x287: {  	v5 =	vxor.u32 @!p1 v6, v5;
	v6 =	vimm.s32 @!p1 $0x65432100  }
0x288: {  	v6 =	vunpack.c.l.s4.s8 @!p1 v6;
	v7 =	vunpack.c.0.s8.s32 @!p1 v7;
	(xrf1) =	vsort.dscd.msk.u32 @!p1 $0xffff, v5, v8;
	_ =	sdelay $0x1  }
0x289: {  	v5 =	vunpack.c.0.s8.s32 @!p1 v6;
	v6 =	vand.u32 @!p1 $0xF, v7;
	_ =	sdelay $0x1  }
0x28a: {  	v5 =	vcombine.low @!p1 v5, v6;
	_ =	sdelay $0x9  }
0x28b: {  	v6, v7, _ =	vpop @!p1 (xrf1)  }
0x28c: {  	v6 =	vshra.s32 @!p1 v6, $0x4  }
0x28d: {  	v6 =	vxor.u32 @!p1 $0xF8000000, v6  }
0x28e: {  	s12 =	simm.s32 @!p1 $0x11C00;
	[tilespmem:$0x11C00] =	vst @!p1 v6  }
0x28f: {  	v5 =	vld.idx.msk @!p1 [tilespmem:v5+s12+$0x0], $0xffff;
	_ =	sdelay $0x5  }
0x290: {  	vm1 =	vmmov @!p1 $0x1;
	vm0 =	vne.s32 @!p1 v6, v5;
	v5 =	vsub.s32 @!p1 v6, v0  }
0x291: {  	vm0 =	vmor @!p1 vm0, vm1;
	vm1 =	vlt.u32 @!p1 v5, $0xC38  }
0x292: {  	vm0 =	vmand @!p1 vm1, vm0;
	_ =	sdelay $0x4  }
0x293: {  	s12 =	simm.s32 @!p1 $0x11C80  }
0x294: {  	v6 =	vld.idx.msk @!p1 [tilespmem:v5+s12+$0x0], vm0;
	_ =	sdelay $0x2  }
.Ltmp9:
0x295: {  	(pc) =	sbr.rel @p2 .LBB2_20-.Ltmp9, $3  }
0x296: {  	_ =	sdelay $0x1  }
0x297: {  	vm1 =	vgt.s32 @!p1 v6, v7  }
0x298: {  	v6 =	vsel @!p1 vm1, v6, v7  }
0x299: {  	_ =	sdelay $0x4  }
0x29a: {  	[tilespmem:v5+s12+$0x0] =	vst.idx.msk @!p1 vm0, v6  }
0x29b: {  	_ =	swait.ge [sflag:s31], $0x4400  }
0x29c: {  	[sflag:s31] =	ssyncset.done $0x0  }
0x29d: {  	s10 =	rddreg [dreg:$0x16];
	[sflag:s31] =	ssyncadd.s32 $0xFFFFBC00  }
0x29e: {  	[hbm4b:s10+s3] =	stream.linear.scatter [tilespmem:s3], [sflag:$0x3], $0x4400, $0x38;
	[tilespmem:$0x18300] =	vst v63  }
0x29f: {  	_ =	swait.ge [sflag:s6], $0x4400  }
0x2a0: {  	[sflag:s6] =	ssyncset.done $0x0  }
0x2a1: {  	s10 =	simm.s32 $0xCE10;
	s19 =	rddreg [dreg:$0x17];
	[sflag:s6] =	ssyncadd.s32 $0xFFFFBC00  }
0x2a2: {  	[tilespmem:s0], [sflag:$0x2] =	stream.linear.gather [hbm4b:s19+s3], $0x4400, $0x38;
	[tilespmem:$0x18300] =	vst v63  }
0x2a3: {  	v5 =	vld [tilespmem:s10+$0x0];
	_ =	sdelay $0x4  }
0x2a4: {  	vm0 =	vge.s32 v5, v0;
	vm1 =	vlt.s32 v5, v1  }
0x2a5: {  	vm0 =	vmand vm0, vm1  }
0x2a6: {  	v6 =	vmpcnt.ones.xlane vm0;
	_ =	sdelay $0x1  }
0x2a7: {  	(v2sf) =	vpush v6, $0x0;
	_ =	sdelay $0xe  }
0x2a8: {  	s11 =	spop (v2sf)  }
0x2a9: {  	p1 =	slt.s32 s11, $0x1  }
0x2aa: {  	v6 =	vlaneseq.u32 @!p1  }
0x2ab: {  	s11 =	simm.s32 $0x3210;
	v5 =	vshll.u32 @!p1 v5, $0x4;
	v7 =	vor.u32 @!p1 $0x80000000, v6  }
0x2ac: {  	v6 =	vor.u32 @!p1 s11, v6;
	v5 =	vxor.u32 @!p1 v7, v5  }
0x2ad: {  	(xrf1) =	vsort.dscd.msk.u32 @!p1 $0xffff, v5, v6;
	_ =	sdelay $0x5  }
0x2ae: {  	v5 =	vimm.s32 @!p1 $0xEDCBA987  }
0x2af: {  	v6 =	vimm.s32 @!p1 $0x65432100;
	v5 =	vunpack.c.l.s4.s8 @!p1 v5  }
0x2b0: {  	v6 =	vunpack.c.l.s4.s8 @!p1 v6  }
0x2b1: {  	v5 =	vunpack.c.0.s8.s32 @!p1 v5  }
0x2b2: {  	v6 =	vunpack.c.0.s8.s32 @!p1 v6  }
0x2b3: {  	v5 =	vand.u32 @!p1 $0xF, v5  }
0x2b4: {  	v5 =	vcombine.low @!p1 v6, v5;
	_ =	sdelay $0x1  }
0x2b5: {  	v6, v7, _ =	vpop @!p1 (xrf1)  }
0x2b6: {  	v6 =	vshra.s32 @!p1 v6, $0x4  }
0x2b7: {  	v6 =	vxor.u32 @!p1 $0xF8000000, v6  }
0x2b8: {  	s11 =	simm.s32 @!p1 $0x11C00;
	[tilespmem:$0x11C00] =	vst @!p1 v6  }
0x2b9: {  	v5 =	vld.idx.msk @!p1 [tilespmem:v5+s11+$0x0], $0xffff;
	_ =	sdelay $0x4  }
0x2ba: {  	vm1 =	vmmov @!p1 $0x1;
	vm0 =	vne.s32 @!p1 v6, v5;
	v5 =	vsub.s32 @!p1 v6, v0  }
0x2bb: {  	vm0 =	vmor @!p1 vm0, vm1;
	vm1 =	vlt.u32 @!p1 v5, $0xC38  }
0x2bc: {  	vm0 =	vmand @!p1 vm1, vm0;
	_ =	sdelay $0x4  }
0x2bd: {  	s12 =	simm.s32 @!p1 $0x11C80  }
0x2be: {  	v6 =	vld.idx.msk @!p1 [tilespmem:v5+s12+$0x0], vm0;
	_ =	sdelay $0x4  }
0x2bf: {  	vm1 =	vgt.s32 @!p1 v6, v7  }
0x2c0: {  	s11 =	simm.s32 $0x3220;
	v6 =	vsel @!p1 vm1, v6, v7  }
.LBB2_22:
0x2c1: {  	[tilespmem:v5+s12+$0x0] =	vst.idx.msk @!p1 vm0, v6;
	s10 =	sadd.s32 $0x10, s10;
	s12 =	smov.u32 s11;
	s11 =	sadd.s32 $0x10, s11  }
0x2c2: {  	v5 =	vld [tilespmem:s10+$0x0];
	p2 =	sne.s32 s11, $0x37A0;
	_ =	sdelay $0x4  }
0x2c3: {  	vm0 =	vge.s32 v5, v0;
	vm1 =	vlt.s32 v5, v1  }
0x2c4: {  	vm0 =	vmand vm0, vm1  }
0x2c5: {  	v6 =	vmpcnt.ones.xlane vm0;
	_ =	sdelay $0x1  }
0x2c6: {  	(v2sf) =	vpush v6, $0x0;
	_ =	sdelay $0xe  }
0x2c7: {  	s13 =	spop (v2sf)  }
0x2c8: {  	p1 =	slt.s32 s13, $0x1  }
0x2c9: {  	v5 =	vshll.u32 @!p1 v5, $0x4;
	v6 =	vlaneseq.u32 @!p1;
	v7 =	vimm.s32 @!p1 $0xEDCBA987  }
0x2ca: {  	v8 =	vor.u32 @!p1 s12, v6;
	v6 =	vor.u32 @!p1 $0x80000000, v6;
	v7 =	vunpack.c.l.s4.s8 @!p1 v7  }
0x2cb: {  	v5 =	vxor.u32 @!p1 v6, v5;
	v6 =	vimm.s32 @!p1 $0x65432100  }
0x2cc: {  	v6 =	vunpack.c.l.s4.s8 @!p1 v6;
	v7 =	vunpack.c.0.s8.s32 @!p1 v7;
	(xrf1) =	vsort.dscd.msk.u32 @!p1 $0xffff, v5, v8;
	_ =	sdelay $0x1  }
0x2cd: {  	v5 =	vunpack.c.0.s8.s32 @!p1 v6;
	v6 =	vand.u32 @!p1 $0xF, v7;
	_ =	sdelay $0x1  }
0x2ce: {  	v5 =	vcombine.low @!p1 v5, v6;
	_ =	sdelay $0x9  }
0x2cf: {  	v6, v7, _ =	vpop @!p1 (xrf1)  }
0x2d0: {  	v6 =	vshra.s32 @!p1 v6, $0x4  }
0x2d1: {  	v6 =	vxor.u32 @!p1 $0xF8000000, v6  }
0x2d2: {  	s12 =	simm.s32 @!p1 $0x11C00;
	[tilespmem:$0x11C00] =	vst @!p1 v6  }
0x2d3: {  	v5 =	vld.idx.msk @!p1 [tilespmem:v5+s12+$0x0], $0xffff;
	_ =	sdelay $0x5  }
0x2d4: {  	vm1 =	vmmov @!p1 $0x1;
	vm0 =	vne.s32 @!p1 v6, v5;
	v5 =	vsub.s32 @!p1 v6, v0  }
0x2d5: {  	vm0 =	vmor @!p1 vm0, vm1;
	vm1 =	vlt.u32 @!p1 v5, $0xC38  }
0x2d6: {  	vm0 =	vmand @!p1 vm1, vm0;
	_ =	sdelay $0x4  }
0x2d7: {  	s12 =	simm.s32 @!p1 $0x11C80  }
0x2d8: {  	v6 =	vld.idx.msk @!p1 [tilespmem:v5+s12+$0x0], vm0;
	_ =	sdelay $0x2  }
.Ltmp10:
0x2d9: {  	(pc) =	sbr.rel @p2 .LBB2_22-.Ltmp10, $3  }
0x2da: {  	_ =	sdelay $0x1  }
0x2db: {  	vm1 =	vgt.s32 @!p1 v6, v7  }
0x2dc: {  	v6 =	vsel @!p1 vm1, v6, v7  }
0x2dd: {  	_ =	sdelay $0x4  }
0x2de: {  	[tilespmem:v5+s12+$0x0] =	vst.idx.msk @!p1 vm0, v6  }
0x2df: {  	_ =	swait.ge [sflag:s1], $0x4400  }
0x2e0: {  	[sflag:s1] =	ssyncset.done $0x0  }
0x2e1: {  	s10 =	rddreg [dreg:$0x18];
	[sflag:s1] =	ssyncadd.s32 $0xFFFFBC00  }
0x2e2: {  	[hbm4b:s10+s3] =	stream.linear.scatter [tilespmem:s0], [sflag:$0x4], $0x4400, $0x38;
	[tilespmem:$0x18300] =	vst v63  }
0x2e3: {  	_ =	swait.ge [sflag:s4], $0x4400  }
0x2e4: {  	[sflag:s4] =	ssyncset.done $0x0  }
0x2e5: {  	s10 =	simm.s32 $0xD3A0;
	s19 =	rddreg [dreg:$0x19];
	[sflag:s4] =	ssyncadd.s32 $0xFFFFBC00  }
0x2e6: {  	[tilespmem:s3], [sflag:$0x1] =	stream.linear.gather [hbm4b:s19+s3], $0x4400, $0x38;
	[tilespmem:$0x18300] =	vst v63  }
0x2e7: {  	v5 =	vld [tilespmem:s10+$0x0];
	_ =	sdelay $0x4  }
0x2e8: {  	vm0 =	vge.s32 v5, v0;
	vm1 =	vlt.s32 v5, v1  }
0x2e9: {  	vm0 =	vmand vm0, vm1  }
0x2ea: {  	v6 =	vmpcnt.ones.xlane vm0;
	_ =	sdelay $0x1  }
0x2eb: {  	(v2sf) =	vpush v6, $0x0;
	_ =	sdelay $0xe  }
0x2ec: {  	s11 =	spop (v2sf)  }
0x2ed: {  	p1 =	slt.s32 s11, $0x1  }
0x2ee: {  	v6 =	vlaneseq.u32 @!p1  }
0x2ef: {  	s11 =	simm.s32 $0x37A0;
	v5 =	vshll.u32 @!p1 v5, $0x4;
	v7 =	vor.u32 @!p1 $0x80000000, v6  }
0x2f0: {  	v6 =	vor.u32 @!p1 s11, v6;
	v5 =	vxor.u32 @!p1 v7, v5  }
0x2f1: {  	(xrf1) =	vsort.dscd.msk.u32 @!p1 $0xffff, v5, v6;
	_ =	sdelay $0x5  }
0x2f2: {  	v5 =	vimm.s32 @!p1 $0xEDCBA987  }
0x2f3: {  	v6 =	vimm.s32 @!p1 $0x65432100;
	v5 =	vunpack.c.l.s4.s8 @!p1 v5  }
0x2f4: {  	v6 =	vunpack.c.l.s4.s8 @!p1 v6  }
0x2f5: {  	v5 =	vunpack.c.0.s8.s32 @!p1 v5  }
0x2f6: {  	v6 =	vunpack.c.0.s8.s32 @!p1 v6  }
0x2f7: {  	v5 =	vand.u32 @!p1 $0xF, v5  }
0x2f8: {  	v5 =	vcombine.low @!p1 v6, v5;
	_ =	sdelay $0x1  }
0x2f9: {  	v6, v7, _ =	vpop @!p1 (xrf1)  }
0x2fa: {  	v6 =	vshra.s32 @!p1 v6, $0x4  }
0x2fb: {  	v6 =	vxor.u32 @!p1 $0xF8000000, v6  }
0x2fc: {  	s11 =	simm.s32 @!p1 $0x11C00;
	[tilespmem:$0x11C00] =	vst @!p1 v6  }
0x2fd: {  	v5 =	vld.idx.msk @!p1 [tilespmem:v5+s11+$0x0], $0xffff;
	_ =	sdelay $0x4  }
0x2fe: {  	vm1 =	vmmov @!p1 $0x1;
	vm0 =	vne.s32 @!p1 v6, v5;
	v5 =	vsub.s32 @!p1 v6, v0  }
0x2ff: {  	vm0 =	vmor @!p1 vm0, vm1;
	vm1 =	vlt.u32 @!p1 v5, $0xC38  }
0x300: {  	vm0 =	vmand @!p1 vm1, vm0;
	_ =	sdelay $0x4  }
0x301: {  	s12 =	simm.s32 @!p1 $0x11C80  }
0x302: {  	v6 =	vld.idx.msk @!p1 [tilespmem:v5+s12+$0x0], vm0;
	_ =	sdelay $0x4  }
0x303: {  	vm1 =	vgt.s32 @!p1 v6, v7  }
0x304: {  	s11 =	simm.s32 $0x37B0;
	v6 =	vsel @!p1 vm1, v6, v7  }
.LBB2_24:
0x305: {  	[tilespmem:v5+s12+$0x0] =	vst.idx.msk @!p1 vm0, v6;
	s10 =	sadd.s32 $0x10, s10;
	s12 =	smov.u32 s11;
	s11 =	sadd.s32 $0x10, s11  }
0x306: {  	v5 =	vld [tilespmem:s10+$0x0];
	p2 =	sne.s32 s11, $0x3D30;
	_ =	sdelay $0x4  }
0x307: {  	vm0 =	vge.s32 v5, v0;
	vm1 =	vlt.s32 v5, v1  }
0x308: {  	vm0 =	vmand vm0, vm1  }
0x309: {  	v6 =	vmpcnt.ones.xlane vm0;
	_ =	sdelay $0x1  }
0x30a: {  	(v2sf) =	vpush v6, $0x0;
	_ =	sdelay $0xe  }
0x30b: {  	s13 =	spop (v2sf)  }
0x30c: {  	p1 =	slt.s32 s13, $0x1  }
0x30d: {  	v5 =	vshll.u32 @!p1 v5, $0x4;
	v6 =	vlaneseq.u32 @!p1;
	v7 =	vimm.s32 @!p1 $0xEDCBA987  }
0x30e: {  	v8 =	vor.u32 @!p1 s12, v6;
	v6 =	vor.u32 @!p1 $0x80000000, v6;
	v7 =	vunpack.c.l.s4.s8 @!p1 v7  }
0x30f: {  	v5 =	vxor.u32 @!p1 v6, v5;
	v6 =	vimm.s32 @!p1 $0x65432100  }
0x310: {  	v6 =	vunpack.c.l.s4.s8 @!p1 v6;
	v7 =	vunpack.c.0.s8.s32 @!p1 v7;
	(xrf1) =	vsort.dscd.msk.u32 @!p1 $0xffff, v5, v8;
	_ =	sdelay $0x1  }
0x311: {  	v5 =	vunpack.c.0.s8.s32 @!p1 v6;
	v6 =	vand.u32 @!p1 $0xF, v7;
	_ =	sdelay $0x1  }
0x312: {  	v5 =	vcombine.low @!p1 v5, v6;
	_ =	sdelay $0x9  }
0x313: {  	v6, v7, _ =	vpop @!p1 (xrf1)  }
0x314: {  	v6 =	vshra.s32 @!p1 v6, $0x4  }
0x315: {  	v6 =	vxor.u32 @!p1 $0xF8000000, v6  }
0x316: {  	s12 =	simm.s32 @!p1 $0x11C00;
	[tilespmem:$0x11C00] =	vst @!p1 v6  }
0x317: {  	v5 =	vld.idx.msk @!p1 [tilespmem:v5+s12+$0x0], $0xffff;
	_ =	sdelay $0x5  }
0x318: {  	vm1 =	vmmov @!p1 $0x1;
	vm0 =	vne.s32 @!p1 v6, v5;
	v5 =	vsub.s32 @!p1 v6, v0  }
0x319: {  	vm0 =	vmor @!p1 vm0, vm1;
	vm1 =	vlt.u32 @!p1 v5, $0xC38  }
0x31a: {  	vm0 =	vmand @!p1 vm1, vm0;
	_ =	sdelay $0x4  }
0x31b: {  	s12 =	simm.s32 @!p1 $0x11C80  }
0x31c: {  	v6 =	vld.idx.msk @!p1 [tilespmem:v5+s12+$0x0], vm0;
	_ =	sdelay $0x2  }
.Ltmp11:
0x31d: {  	(pc) =	sbr.rel @p2 .LBB2_24-.Ltmp11, $3  }
0x31e: {  	_ =	sdelay $0x1  }
0x31f: {  	vm1 =	vgt.s32 @!p1 v6, v7  }
0x320: {  	v6 =	vsel @!p1 vm1, v6, v7  }
0x321: {  	_ =	sdelay $0x4  }
0x322: {  	[tilespmem:v5+s12+$0x0] =	vst.idx.msk @!p1 vm0, v6  }
0x323: {  	_ =	swait.ge [sflag:s31], $0x4400  }
0x324: {  	[sflag:s31] =	ssyncset.done $0x0  }
0x325: {  	s10 =	rddreg [dreg:$0x1a];
	[sflag:s31] =	ssyncadd.s32 $0xFFFFBC00  }
0x326: {  	[hbm4b:s10+s3] =	stream.linear.scatter [tilespmem:s3], [sflag:$0x3], $0x4400, $0x38;
	[tilespmem:$0x18300] =	vst v63  }
0x327: {  	_ =	swait.ge [sflag:s6], $0x4400  }
0x328: {  	[sflag:s6] =	ssyncset.done $0x0  }
0x329: {  	s10 =	simm.s32 $0xD930;
	s19 =	rddreg [dreg:$0x1b];
	[sflag:s6] =	ssyncadd.s32 $0xFFFFBC00  }
0x32a: {  	[tilespmem:s0], [sflag:$0x2] =	stream.linear.gather [hbm4b:s19+s3], $0x4400, $0x38;
	[tilespmem:$0x18300] =	vst v63  }
0x32b: {  	v5 =	vld [tilespmem:s10+$0x0];
	_ =	sdelay $0x4  }
0x32c: {  	vm0 =	vge.s32 v5, v0;
	vm1 =	vlt.s32 v5, v1  }
0x32d: {  	vm0 =	vmand vm0, vm1  }
0x32e: {  	v6 =	vmpcnt.ones.xlane vm0;
	_ =	sdelay $0x1  }
0x32f: {  	(v2sf) =	vpush v6, $0x0;
	_ =	sdelay $0xe  }
0x330: {  	s11 =	spop (v2sf)  }
0x331: {  	p1 =	slt.s32 s11, $0x1  }
0x332: {  	v6 =	vlaneseq.u32 @!p1  }
0x333: {  	s11 =	simm.s32 $0x3D30;
	v5 =	vshll.u32 @!p1 v5, $0x4;
	v7 =	vor.u32 @!p1 $0x80000000, v6  }
0x334: {  	v6 =	vor.u32 @!p1 s11, v6;
	v5 =	vxor.u32 @!p1 v7, v5  }
0x335: {  	(xrf1) =	vsort.dscd.msk.u32 @!p1 $0xffff, v5, v6;
	_ =	sdelay $0x5  }
0x336: {  	v5 =	vimm.s32 @!p1 $0xEDCBA987  }
0x337: {  	v6 =	vimm.s32 @!p1 $0x65432100;
	v5 =	vunpack.c.l.s4.s8 @!p1 v5  }
0x338: {  	v6 =	vunpack.c.l.s4.s8 @!p1 v6  }
0x339: {  	v5 =	vunpack.c.0.s8.s32 @!p1 v5  }
0x33a: {  	v6 =	vunpack.c.0.s8.s32 @!p1 v6  }
0x33b: {  	v5 =	vand.u32 @!p1 $0xF, v5  }
0x33c: {  	v5 =	vcombine.low @!p1 v6, v5;
	_ =	sdelay $0x1  }
0x33d: {  	v6, v7, _ =	vpop @!p1 (xrf1)  }
0x33e: {  	v6 =	vshra.s32 @!p1 v6, $0x4  }
0x33f: {  	v6 =	vxor.u32 @!p1 $0xF8000000, v6  }
0x340: {  	s11 =	simm.s32 @!p1 $0x11C00;
	[tilespmem:$0x11C00] =	vst @!p1 v6  }
0x341: {  	v5 =	vld.idx.msk @!p1 [tilespmem:v5+s11+$0x0], $0xffff;
	_ =	sdelay $0x4  }
0x342: {  	vm1 =	vmmov @!p1 $0x1;
	vm0 =	vne.s32 @!p1 v6, v5;
	v5 =	vsub.s32 @!p1 v6, v0  }
0x343: {  	vm0 =	vmor @!p1 vm0, vm1;
	vm1 =	vlt.u32 @!p1 v5, $0xC38  }
0x344: {  	vm0 =	vmand @!p1 vm1, vm0;
	_ =	sdelay $0x4  }
0x345: {  	s12 =	simm.s32 @!p1 $0x11C80  }
0x346: {  	v6 =	vld.idx.msk @!p1 [tilespmem:v5+s12+$0x0], vm0;
	_ =	sdelay $0x4  }
0x347: {  	vm1 =	vgt.s32 @!p1 v6, v7  }
0x348: {  	s11 =	simm.s32 $0x3D40;
	v6 =	vsel @!p1 vm1, v6, v7  }
.LBB2_26:
0x349: {  	[tilespmem:v5+s12+$0x0] =	vst.idx.msk @!p1 vm0, v6;
	s10 =	sadd.s32 $0x10, s10;
	s12 =	smov.u32 s11;
	s11 =	sadd.s32 $0x10, s11  }
0x34a: {  	v5 =	vld [tilespmem:s10+$0x0];
	p2 =	sne.s32 s11, $0x42C0;
	_ =	sdelay $0x4  }
0x34b: {  	vm0 =	vge.s32 v5, v0;
	vm1 =	vlt.s32 v5, v1  }
0x34c: {  	vm0 =	vmand vm0, vm1  }
0x34d: {  	v6 =	vmpcnt.ones.xlane vm0;
	_ =	sdelay $0x1  }
0x34e: {  	(v2sf) =	vpush v6, $0x0;
	_ =	sdelay $0xe  }
0x34f: {  	s13 =	spop (v2sf)  }
0x350: {  	p1 =	slt.s32 s13, $0x1  }
0x351: {  	v5 =	vshll.u32 @!p1 v5, $0x4;
	v6 =	vlaneseq.u32 @!p1;
	v7 =	vimm.s32 @!p1 $0xEDCBA987  }
0x352: {  	v8 =	vor.u32 @!p1 s12, v6;
	v6 =	vor.u32 @!p1 $0x80000000, v6;
	v7 =	vunpack.c.l.s4.s8 @!p1 v7  }
0x353: {  	v5 =	vxor.u32 @!p1 v6, v5;
	v6 =	vimm.s32 @!p1 $0x65432100  }
0x354: {  	v6 =	vunpack.c.l.s4.s8 @!p1 v6;
	v7 =	vunpack.c.0.s8.s32 @!p1 v7;
	(xrf1) =	vsort.dscd.msk.u32 @!p1 $0xffff, v5, v8;
	_ =	sdelay $0x1  }
0x355: {  	v5 =	vunpack.c.0.s8.s32 @!p1 v6;
	v6 =	vand.u32 @!p1 $0xF, v7;
	_ =	sdelay $0x1  }
0x356: {  	v5 =	vcombine.low @!p1 v5, v6;
	_ =	sdelay $0x9  }
0x357: {  	v6, v7, _ =	vpop @!p1 (xrf1)  }
0x358: {  	v6 =	vshra.s32 @!p1 v6, $0x4  }
0x359: {  	v6 =	vxor.u32 @!p1 $0xF8000000, v6  }
0x35a: {  	s12 =	simm.s32 @!p1 $0x11C00;
	[tilespmem:$0x11C00] =	vst @!p1 v6  }
0x35b: {  	v5 =	vld.idx.msk @!p1 [tilespmem:v5+s12+$0x0], $0xffff;
	_ =	sdelay $0x5  }
0x35c: {  	vm1 =	vmmov @!p1 $0x1;
	vm0 =	vne.s32 @!p1 v6, v5;
	v5 =	vsub.s32 @!p1 v6, v0  }
0x35d: {  	vm0 =	vmor @!p1 vm0, vm1;
	vm1 =	vlt.u32 @!p1 v5, $0xC38  }
0x35e: {  	vm0 =	vmand @!p1 vm1, vm0;
	_ =	sdelay $0x4  }
0x35f: {  	s12 =	simm.s32 @!p1 $0x11C80  }
0x360: {  	v6 =	vld.idx.msk @!p1 [tilespmem:v5+s12+$0x0], vm0;
	_ =	sdelay $0x2  }
.Ltmp12:
0x361: {  	(pc) =	sbr.rel @p2 .LBB2_26-.Ltmp12, $3  }
0x362: {  	_ =	sdelay $0x1  }
0x363: {  	vm1 =	vgt.s32 @!p1 v6, v7  }
0x364: {  	v6 =	vsel @!p1 vm1, v6, v7  }
0x365: {  	_ =	sdelay $0x4  }
0x366: {  	[tilespmem:v5+s12+$0x0] =	vst.idx.msk @!p1 vm0, v6  }
0x367: {  	_ =	swait.ge [sflag:s1], $0x4400  }
0x368: {  	[sflag:s1] =	ssyncset.done $0x0  }
0x369: {  	s10 =	rddreg [dreg:$0x1c];
	[sflag:s1] =	ssyncadd.s32 $0xFFFFBC00  }
0x36a: {  	[hbm4b:s10+s3] =	stream.linear.scatter [tilespmem:s0], [sflag:$0x4], $0x4400, $0x38;
	[tilespmem:$0x18300] =	vst v63  }
0x36b: {  	_ =	swait.ge [sflag:s4], $0x4400  }
0x36c: {  	[sflag:s4] =	ssyncset.done $0x0  }
0x36d: {  	s10 =	simm.s32 $0xDEC0;
	s19 =	rddreg [dreg:$0x1d];
	[sflag:s4] =	ssyncadd.s32 $0xFFFFBC00  }
0x36e: {  	[tilespmem:s3], [sflag:$0x1] =	stream.linear.gather [hbm4b:s19+s3], $0x4400, $0x38;
	[tilespmem:$0x18300] =	vst v63  }
0x36f: {  	v5 =	vld [tilespmem:s10+$0x0];
	_ =	sdelay $0x4  }
0x370: {  	vm0 =	vge.s32 v5, v0;
	vm1 =	vlt.s32 v5, v1  }
0x371: {  	vm0 =	vmand vm0, vm1  }
0x372: {  	v6 =	vmpcnt.ones.xlane vm0;
	_ =	sdelay $0x1  }
0x373: {  	(v2sf) =	vpush v6, $0x0;
	_ =	sdelay $0xe  }
0x374: {  	s11 =	spop (v2sf)  }
0x375: {  	p1 =	slt.s32 s11, $0x1  }
0x376: {  	v6 =	vlaneseq.u32 @!p1  }
0x377: {  	s11 =	simm.s32 $0x42C0;
	v5 =	vshll.u32 @!p1 v5, $0x4;
	v7 =	vor.u32 @!p1 $0x80000000, v6  }
0x378: {  	v6 =	vor.u32 @!p1 s11, v6;
	v5 =	vxor.u32 @!p1 v7, v5  }
0x379: {  	(xrf1) =	vsort.dscd.msk.u32 @!p1 $0xffff, v5, v6;
	_ =	sdelay $0x5  }
0x37a: {  	v5 =	vimm.s32 @!p1 $0xEDCBA987  }
0x37b: {  	v6 =	vimm.s32 @!p1 $0x65432100;
	v5 =	vunpack.c.l.s4.s8 @!p1 v5  }
0x37c: {  	v6 =	vunpack.c.l.s4.s8 @!p1 v6  }
0x37d: {  	v5 =	vunpack.c.0.s8.s32 @!p1 v5  }
0x37e: {  	v6 =	vunpack.c.0.s8.s32 @!p1 v6  }
0x37f: {  	v5 =	vand.u32 @!p1 $0xF, v5  }
0x380: {  	v5 =	vcombine.low @!p1 v6, v5;
	_ =	sdelay $0x1  }
0x381: {  	v6, v7, _ =	vpop @!p1 (xrf1)  }
0x382: {  	v6 =	vshra.s32 @!p1 v6, $0x4  }
0x383: {  	v6 =	vxor.u32 @!p1 $0xF8000000, v6  }
0x384: {  	s11 =	simm.s32 @!p1 $0x11C00;
	[tilespmem:$0x11C00] =	vst @!p1 v6  }
0x385: {  	v5 =	vld.idx.msk @!p1 [tilespmem:v5+s11+$0x0], $0xffff;
	_ =	sdelay $0x4  }
0x386: {  	vm1 =	vmmov @!p1 $0x1;
	vm0 =	vne.s32 @!p1 v6, v5;
	v5 =	vsub.s32 @!p1 v6, v0  }
0x387: {  	vm0 =	vmor @!p1 vm0, vm1;
	vm1 =	vlt.u32 @!p1 v5, $0xC38  }
0x388: {  	vm0 =	vmand @!p1 vm1, vm0;
	_ =	sdelay $0x4  }
0x389: {  	s12 =	simm.s32 @!p1 $0x11C80  }
0x38a: {  	v6 =	vld.idx.msk @!p1 [tilespmem:v5+s12+$0x0], vm0;
	_ =	sdelay $0x4  }
0x38b: {  	vm1 =	vgt.s32 @!p1 v6, v7  }
0x38c: {  	s11 =	simm.s32 $0x42D0;
	v6 =	vsel @!p1 vm1, v6, v7  }
.LBB2_28:
0x38d: {  	[tilespmem:v5+s12+$0x0] =	vst.idx.msk @!p1 vm0, v6;
	s10 =	sadd.s32 $0x10, s10;
	s12 =	smov.u32 s11;
	s11 =	sadd.s32 $0x10, s11  }
0x38e: {  	v5 =	vld [tilespmem:s10+$0x0];
	p2 =	sne.s32 s11, $0x4850;
	_ =	sdelay $0x4  }
0x38f: {  	vm0 =	vge.s32 v5, v0;
	vm1 =	vlt.s32 v5, v1  }
0x390: {  	vm0 =	vmand vm0, vm1  }
0x391: {  	v6 =	vmpcnt.ones.xlane vm0;
	_ =	sdelay $0x1  }
0x392: {  	(v2sf) =	vpush v6, $0x0;
	_ =	sdelay $0xe  }
0x393: {  	s13 =	spop (v2sf)  }
0x394: {  	p1 =	slt.s32 s13, $0x1  }
0x395: {  	v5 =	vshll.u32 @!p1 v5, $0x4;
	v6 =	vlaneseq.u32 @!p1;
	v7 =	vimm.s32 @!p1 $0xEDCBA987  }
0x396: {  	v8 =	vor.u32 @!p1 s12, v6;
	v6 =	vor.u32 @!p1 $0x80000000, v6;
	v7 =	vunpack.c.l.s4.s8 @!p1 v7  }
0x397: {  	v5 =	vxor.u32 @!p1 v6, v5;
	v6 =	vimm.s32 @!p1 $0x65432100  }
0x398: {  	v6 =	vunpack.c.l.s4.s8 @!p1 v6;
	v7 =	vunpack.c.0.s8.s32 @!p1 v7;
	(xrf1) =	vsort.dscd.msk.u32 @!p1 $0xffff, v5, v8;
	_ =	sdelay $0x1  }
0x399: {  	v5 =	vunpack.c.0.s8.s32 @!p1 v6;
	v6 =	vand.u32 @!p1 $0xF, v7;
	_ =	sdelay $0x1  }
0x39a: {  	v5 =	vcombine.low @!p1 v5, v6;
	_ =	sdelay $0x9  }
0x39b: {  	v6, v7, _ =	vpop @!p1 (xrf1)  }
0x39c: {  	v6 =	vshra.s32 @!p1 v6, $0x4  }
0x39d: {  	v6 =	vxor.u32 @!p1 $0xF8000000, v6  }
0x39e: {  	s12 =	simm.s32 @!p1 $0x11C00;
	[tilespmem:$0x11C00] =	vst @!p1 v6  }
0x39f: {  	v5 =	vld.idx.msk @!p1 [tilespmem:v5+s12+$0x0], $0xffff;
	_ =	sdelay $0x5  }
0x3a0: {  	vm1 =	vmmov @!p1 $0x1;
	vm0 =	vne.s32 @!p1 v6, v5;
	v5 =	vsub.s32 @!p1 v6, v0  }
0x3a1: {  	vm0 =	vmor @!p1 vm0, vm1;
	vm1 =	vlt.u32 @!p1 v5, $0xC38  }
0x3a2: {  	vm0 =	vmand @!p1 vm1, vm0;
	_ =	sdelay $0x4  }
0x3a3: {  	s12 =	simm.s32 @!p1 $0x11C80  }
0x3a4: {  	v6 =	vld.idx.msk @!p1 [tilespmem:v5+s12+$0x0], vm0;
	_ =	sdelay $0x2  }
.Ltmp13:
0x3a5: {  	(pc) =	sbr.rel @p2 .LBB2_28-.Ltmp13, $3  }
0x3a6: {  	_ =	sdelay $0x1  }
0x3a7: {  	vm1 =	vgt.s32 @!p1 v6, v7  }
0x3a8: {  	v6 =	vsel @!p1 vm1, v6, v7  }
0x3a9: {  	_ =	sdelay $0x4  }
0x3aa: {  	[tilespmem:v5+s12+$0x0] =	vst.idx.msk @!p1 vm0, v6  }
0x3ab: {  	_ =	swait.ge [sflag:s31], $0x4400  }
0x3ac: {  	[sflag:s31] =	ssyncset.done $0x0  }
0x3ad: {  	s10 =	rddreg [dreg:$0x1e];
	[sflag:s31] =	ssyncadd.s32 $0xFFFFBC00  }
0x3ae: {  	[hbm4b:s10+s3] =	stream.linear.scatter [tilespmem:s3], [sflag:$0x3], $0x4400, $0x38;
	[tilespmem:$0x18300] =	vst v63  }
0x3af: {  	_ =	swait.ge [sflag:s6], $0x4400  }
0x3b0: {  	[sflag:s6] =	ssyncset.done $0x0  }
0x3b1: {  	s10 =	simm.s32 $0xE450;
	s19 =	rddreg [dreg:$0x1f];
	[sflag:s6] =	ssyncadd.s32 $0xFFFFBC00  }
0x3b2: {  	[tilespmem:s0], [sflag:$0x2] =	stream.linear.gather [hbm4b:s19+s3], $0x4400, $0x38;
	[tilespmem:$0x18300] =	vst v63  }
0x3b3: {  	v5 =	vld [tilespmem:s10+$0x0];
	_ =	sdelay $0x4  }
0x3b4: {  	vm0 =	vge.s32 v5, v0;
	vm1 =	vlt.s32 v5, v1  }
0x3b5: {  	vm0 =	vmand vm0, vm1  }
0x3b6: {  	v6 =	vmpcnt.ones.xlane vm0;
	_ =	sdelay $0x1  }
0x3b7: {  	(v2sf) =	vpush v6, $0x0;
	_ =	sdelay $0xe  }
0x3b8: {  	s11 =	spop (v2sf)  }
0x3b9: {  	p1 =	slt.s32 s11, $0x1  }
0x3ba: {  	v6 =	vlaneseq.u32 @!p1  }
0x3bb: {  	s11 =	simm.s32 $0x4850;
	v5 =	vshll.u32 @!p1 v5, $0x4;
	v7 =	vor.u32 @!p1 $0x80000000, v6  }
0x3bc: {  	v6 =	vor.u32 @!p1 s11, v6;
	v5 =	vxor.u32 @!p1 v7, v5  }
0x3bd: {  	(xrf1) =	vsort.dscd.msk.u32 @!p1 $0xffff, v5, v6;
	_ =	sdelay $0x5  }
0x3be: {  	v5 =	vimm.s32 @!p1 $0xEDCBA987  }
0x3bf: {  	v6 =	vimm.s32 @!p1 $0x65432100;
	v5 =	vunpack.c.l.s4.s8 @!p1 v5  }
0x3c0: {  	v6 =	vunpack.c.l.s4.s8 @!p1 v6  }
0x3c1: {  	v5 =	vunpack.c.0.s8.s32 @!p1 v5  }
0x3c2: {  	v6 =	vunpack.c.0.s8.s32 @!p1 v6  }
0x3c3: {  	v5 =	vand.u32 @!p1 $0xF, v5  }
0x3c4: {  	v5 =	vcombine.low @!p1 v6, v5;
	_ =	sdelay $0x1  }
0x3c5: {  	v6, v7, _ =	vpop @!p1 (xrf1)  }
0x3c6: {  	v6 =	vshra.s32 @!p1 v6, $0x4  }
0x3c7: {  	v6 =	vxor.u32 @!p1 $0xF8000000, v6  }
0x3c8: {  	s11 =	simm.s32 @!p1 $0x11C00;
	[tilespmem:$0x11C00] =	vst @!p1 v6  }
0x3c9: {  	v5 =	vld.idx.msk @!p1 [tilespmem:v5+s11+$0x0], $0xffff;
	_ =	sdelay $0x4  }
0x3ca: {  	vm1 =	vmmov @!p1 $0x1;
	vm0 =	vne.s32 @!p1 v6, v5;
	v5 =	vsub.s32 @!p1 v6, v0  }
0x3cb: {  	vm0 =	vmor @!p1 vm0, vm1;
	vm1 =	vlt.u32 @!p1 v5, $0xC38  }
0x3cc: {  	vm0 =	vmand @!p1 vm1, vm0;
	_ =	sdelay $0x4  }
0x3cd: {  	s12 =	simm.s32 @!p1 $0x11C80  }
0x3ce: {  	v6 =	vld.idx.msk @!p1 [tilespmem:v5+s12+$0x0], vm0;
	_ =	sdelay $0x4  }
0x3cf: {  	vm1 =	vgt.s32 @!p1 v6, v7  }
0x3d0: {  	s11 =	simm.s32 $0x4860;
	v6 =	vsel @!p1 vm1, v6, v7  }
.LBB2_30:
0x3d1: {  	[tilespmem:v5+s12+$0x0] =	vst.idx.msk @!p1 vm0, v6;
	s10 =	sadd.s32 $0x10, s10;
	s12 =	smov.u32 s11;
	s11 =	sadd.s32 $0x10, s11  }
0x3d2: {  	v5 =	vld [tilespmem:s10+$0x0];
	p2 =	sne.s32 s11, $0x4DE0;
	_ =	sdelay $0x4  }
0x3d3: {  	vm0 =	vge.s32 v5, v0;
	vm1 =	vlt.s32 v5, v1  }
0x3d4: {  	vm0 =	vmand vm0, vm1  }
0x3d5: {  	v6 =	vmpcnt.ones.xlane vm0;
	_ =	sdelay $0x1  }
0x3d6: {  	(v2sf) =	vpush v6, $0x0;
	_ =	sdelay $0xe  }
0x3d7: {  	s13 =	spop (v2sf)  }
0x3d8: {  	p1 =	slt.s32 s13, $0x1  }
0x3d9: {  	v5 =	vshll.u32 @!p1 v5, $0x4;
	v6 =	vlaneseq.u32 @!p1;
	v7 =	vimm.s32 @!p1 $0xEDCBA987  }
0x3da: {  	v8 =	vor.u32 @!p1 s12, v6;
	v6 =	vor.u32 @!p1 $0x80000000, v6;
	v7 =	vunpack.c.l.s4.s8 @!p1 v7  }
0x3db: {  	v5 =	vxor.u32 @!p1 v6, v5;
	v6 =	vimm.s32 @!p1 $0x65432100  }
0x3dc: {  	v6 =	vunpack.c.l.s4.s8 @!p1 v6;
	v7 =	vunpack.c.0.s8.s32 @!p1 v7;
	(xrf1) =	vsort.dscd.msk.u32 @!p1 $0xffff, v5, v8;
	_ =	sdelay $0x1  }
0x3dd: {  	v5 =	vunpack.c.0.s8.s32 @!p1 v6;
	v6 =	vand.u32 @!p1 $0xF, v7;
	_ =	sdelay $0x1  }
0x3de: {  	v5 =	vcombine.low @!p1 v5, v6;
	_ =	sdelay $0x9  }
0x3df: {  	v6, v7, _ =	vpop @!p1 (xrf1)  }
0x3e0: {  	v6 =	vshra.s32 @!p1 v6, $0x4  }
0x3e1: {  	v6 =	vxor.u32 @!p1 $0xF8000000, v6  }
0x3e2: {  	s12 =	simm.s32 @!p1 $0x11C00;
	[tilespmem:$0x11C00] =	vst @!p1 v6  }
0x3e3: {  	v5 =	vld.idx.msk @!p1 [tilespmem:v5+s12+$0x0], $0xffff;
	_ =	sdelay $0x5  }
0x3e4: {  	vm1 =	vmmov @!p1 $0x1;
	vm0 =	vne.s32 @!p1 v6, v5;
	v5 =	vsub.s32 @!p1 v6, v0  }
0x3e5: {  	vm0 =	vmor @!p1 vm0, vm1;
	vm1 =	vlt.u32 @!p1 v5, $0xC38  }
0x3e6: {  	vm0 =	vmand @!p1 vm1, vm0;
	_ =	sdelay $0x4  }
0x3e7: {  	s12 =	simm.s32 @!p1 $0x11C80  }
0x3e8: {  	v6 =	vld.idx.msk @!p1 [tilespmem:v5+s12+$0x0], vm0;
	_ =	sdelay $0x2  }
.Ltmp14:
0x3e9: {  	(pc) =	sbr.rel @p2 .LBB2_30-.Ltmp14, $3  }
0x3ea: {  	_ =	sdelay $0x1  }
0x3eb: {  	vm1 =	vgt.s32 @!p1 v6, v7  }
0x3ec: {  	v6 =	vsel @!p1 vm1, v6, v7  }
0x3ed: {  	_ =	sdelay $0x4  }
0x3ee: {  	[tilespmem:v5+s12+$0x0] =	vst.idx.msk @!p1 vm0, v6  }
0x3ef: {  	_ =	swait.ge [sflag:s1], $0x4400  }
0x3f0: {  	s10 =	sld [smem:$0x7F1]  }
0x3f1: {  	[sflag:s1] =	ssyncset.done $0x0  }
0x3f2: {  	[sflag:s1] =	ssyncadd.s32 $0xFFFFBC00  }
0x3f3: {  	[hbm4b:s10+s3] =	stream.linear.scatter [tilespmem:s0], [sflag:$0x4], $0x4400, $0x38;
	[tilespmem:$0x18300] =	vst v63  }
0x3f4: {  	_ =	swait.ge [sflag:s4], $0x4400  }
0x3f5: {  	s19 =	sld [smem:$0x7F2]  }
0x3f6: {  	[sflag:s4] =	ssyncset.done $0x0  }
0x3f7: {  	s10 =	simm.s32 $0xE9E0;
	[sflag:s4] =	ssyncadd.s32 $0xFFFFBC00  }
0x3f8: {  	[tilespmem:s3], [sflag:$0x1] =	stream.linear.gather [hbm4b:s19+s3], $0x4400, $0x38;
	[tilespmem:$0x18300] =	vst v63  }
0x3f9: {  	v5 =	vld [tilespmem:s10+$0x0];
	_ =	sdelay $0x4  }
0x3fa: {  	vm0 =	vge.s32 v5, v0;
	vm1 =	vlt.s32 v5, v1  }
0x3fb: {  	vm0 =	vmand vm0, vm1  }
0x3fc: {  	v6 =	vmpcnt.ones.xlane vm0;
	_ =	sdelay $0x1  }
0x3fd: {  	(v2sf) =	vpush v6, $0x0;
	_ =	sdelay $0xe  }
0x3fe: {  	s11 =	spop (v2sf)  }
0x3ff: {  	p1 =	slt.s32 s11, $0x1  }
0x400: {  	v6 =	vlaneseq.u32 @!p1  }
0x401: {  	s11 =	simm.s32 $0x4DE0;
	v5 =	vshll.u32 @!p1 v5, $0x4;
	v7 =	vor.u32 @!p1 $0x80000000, v6  }
0x402: {  	v6 =	vor.u32 @!p1 s11, v6;
	v5 =	vxor.u32 @!p1 v7, v5  }
0x403: {  	(xrf1) =	vsort.dscd.msk.u32 @!p1 $0xffff, v5, v6;
	_ =	sdelay $0x5  }
0x404: {  	v5 =	vimm.s32 @!p1 $0xEDCBA987  }
0x405: {  	v6 =	vimm.s32 @!p1 $0x65432100;
	v5 =	vunpack.c.l.s4.s8 @!p1 v5  }
0x406: {  	v6 =	vunpack.c.l.s4.s8 @!p1 v6  }
0x407: {  	v5 =	vunpack.c.0.s8.s32 @!p1 v5  }
0x408: {  	v6 =	vunpack.c.0.s8.s32 @!p1 v6  }
0x409: {  	v5 =	vand.u32 @!p1 $0xF, v5  }
0x40a: {  	v5 =	vcombine.low @!p1 v6, v5;
	_ =	sdelay $0x1  }
0x40b: {  	v6, v7, _ =	vpop @!p1 (xrf1)  }
0x40c: {  	v6 =	vshra.s32 @!p1 v6, $0x4  }
0x40d: {  	v6 =	vxor.u32 @!p1 $0xF8000000, v6  }
0x40e: {  	s11 =	simm.s32 @!p1 $0x11C00;
	[tilespmem:$0x11C00] =	vst @!p1 v6  }
0x40f: {  	v5 =	vld.idx.msk @!p1 [tilespmem:v5+s11+$0x0], $0xffff;
	_ =	sdelay $0x4  }
0x410: {  	vm1 =	vmmov @!p1 $0x1;
	vm0 =	vne.s32 @!p1 v6, v5;
	v5 =	vsub.s32 @!p1 v6, v0  }
0x411: {  	vm0 =	vmor @!p1 vm0, vm1;
	vm1 =	vlt.u32 @!p1 v5, $0xC38  }
0x412: {  	vm0 =	vmand @!p1 vm1, vm0;
	_ =	sdelay $0x4  }
0x413: {  	s12 =	simm.s32 @!p1 $0x11C80  }
0x414: {  	v6 =	vld.idx.msk @!p1 [tilespmem:v5+s12+$0x0], vm0;
	_ =	sdelay $0x4  }
0x415: {  	vm1 =	vgt.s32 @!p1 v6, v7  }
0x416: {  	s11 =	simm.s32 $0x4DF0;
	v6 =	vsel @!p1 vm1, v6, v7  }
.LBB2_32:
0x417: {  	[tilespmem:v5+s12+$0x0] =	vst.idx.msk @!p1 vm0, v6;
	s10 =	sadd.s32 $0x10, s10;
	s12 =	smov.u32 s11;
	s11 =	sadd.s32 $0x10, s11  }
0x418: {  	v5 =	vld [tilespmem:s10+$0x0];
	p2 =	sne.s32 s11, $0x5370;
	_ =	sdelay $0x4  }
0x419: {  	vm0 =	vge.s32 v5, v0;
	vm1 =	vlt.s32 v5, v1  }
0x41a: {  	vm0 =	vmand vm0, vm1  }
0x41b: {  	v6 =	vmpcnt.ones.xlane vm0;
	_ =	sdelay $0x1  }
0x41c: {  	(v2sf) =	vpush v6, $0x0;
	_ =	sdelay $0xe  }
0x41d: {  	s13 =	spop (v2sf)  }
0x41e: {  	p1 =	slt.s32 s13, $0x1  }
0x41f: {  	v5 =	vshll.u32 @!p1 v5, $0x4;
	v6 =	vlaneseq.u32 @!p1;
	v7 =	vimm.s32 @!p1 $0xEDCBA987  }
0x420: {  	v8 =	vor.u32 @!p1 s12, v6;
	v6 =	vor.u32 @!p1 $0x80000000, v6;
	v7 =	vunpack.c.l.s4.s8 @!p1 v7  }
0x421: {  	v5 =	vxor.u32 @!p1 v6, v5;
	v6 =	vimm.s32 @!p1 $0x65432100  }
0x422: {  	v6 =	vunpack.c.l.s4.s8 @!p1 v6;
	v7 =	vunpack.c.0.s8.s32 @!p1 v7;
	(xrf1) =	vsort.dscd.msk.u32 @!p1 $0xffff, v5, v8;
	_ =	sdelay $0x1  }
0x423: {  	v5 =	vunpack.c.0.s8.s32 @!p1 v6;
	v6 =	vand.u32 @!p1 $0xF, v7;
	_ =	sdelay $0x1  }
0x424: {  	v5 =	vcombine.low @!p1 v5, v6;
	_ =	sdelay $0x9  }
0x425: {  	v6, v7, _ =	vpop @!p1 (xrf1)  }
0x426: {  	v6 =	vshra.s32 @!p1 v6, $0x4  }
0x427: {  	v6 =	vxor.u32 @!p1 $0xF8000000, v6  }
0x428: {  	s12 =	simm.s32 @!p1 $0x11C00;
	[tilespmem:$0x11C00] =	vst @!p1 v6  }
0x429: {  	v5 =	vld.idx.msk @!p1 [tilespmem:v5+s12+$0x0], $0xffff;
	_ =	sdelay $0x5  }
0x42a: {  	vm1 =	vmmov @!p1 $0x1;
	vm0 =	vne.s32 @!p1 v6, v5;
	v5 =	vsub.s32 @!p1 v6, v0  }
0x42b: {  	vm0 =	vmor @!p1 vm0, vm1;
	vm1 =	vlt.u32 @!p1 v5, $0xC38  }
0x42c: {  	vm0 =	vmand @!p1 vm1, vm0;
	_ =	sdelay $0x4  }
0x42d: {  	s12 =	simm.s32 @!p1 $0x11C80  }
0x42e: {  	v6 =	vld.idx.msk @!p1 [tilespmem:v5+s12+$0x0], vm0;
	_ =	sdelay $0x2  }
.Ltmp15:
0x42f: {  	(pc) =	sbr.rel @p2 .LBB2_32-.Ltmp15, $3  }
0x430: {  	_ =	sdelay $0x1  }
0x431: {  	vm1 =	vgt.s32 @!p1 v6, v7  }
0x432: {  	v6 =	vsel @!p1 vm1, v6, v7  }
0x433: {  	_ =	sdelay $0x4  }
0x434: {  	[tilespmem:v5+s12+$0x0] =	vst.idx.msk @!p1 vm0, v6  }
0x435: {  	_ =	swait.ge [sflag:s31], $0x4400  }
0x436: {  	s10 =	sld [smem:$0x7F3]  }
0x437: {  	[sflag:s31] =	ssyncset.done $0x0  }
0x438: {  	[sflag:s31] =	ssyncadd.s32 $0xFFFFBC00  }
0x439: {  	[hbm4b:s10+s3] =	stream.linear.scatter [tilespmem:s3], [sflag:$0x3], $0x4400, $0x38;
	[tilespmem:$0x18300] =	vst v63  }
0x43a: {  	_ =	swait.ge [sflag:s6], $0x4400  }
0x43b: {  	s19 =	sld [smem:$0x7F4]  }
0x43c: {  	[sflag:s6] =	ssyncset.done $0x0  }
0x43d: {  	s10 =	simm.s32 $0xEF70;
	[sflag:s6] =	ssyncadd.s32 $0xFFFFBC00  }
0x43e: {  	[tilespmem:s0], [sflag:$0x2] =	stream.linear.gather [hbm4b:s19+s3], $0x4400, $0x38;
	[tilespmem:$0x18300] =	vst v63  }
0x43f: {  	v5 =	vld [tilespmem:s10+$0x0];
	_ =	sdelay $0x4  }
0x440: {  	vm0 =	vge.s32 v5, v0;
	vm1 =	vlt.s32 v5, v1  }
0x441: {  	vm0 =	vmand vm0, vm1  }
0x442: {  	v6 =	vmpcnt.ones.xlane vm0;
	_ =	sdelay $0x1  }
0x443: {  	(v2sf) =	vpush v6, $0x0;
	_ =	sdelay $0xe  }
0x444: {  	s11 =	spop (v2sf)  }
0x445: {  	p1 =	slt.s32 s11, $0x1  }
0x446: {  	v6 =	vlaneseq.u32 @!p1  }
0x447: {  	s11 =	simm.s32 $0x5370;
	v5 =	vshll.u32 @!p1 v5, $0x4;
	v7 =	vor.u32 @!p1 $0x80000000, v6  }
0x448: {  	v6 =	vor.u32 @!p1 s11, v6;
	v5 =	vxor.u32 @!p1 v7, v5  }
0x449: {  	(xrf1) =	vsort.dscd.msk.u32 @!p1 $0xffff, v5, v6;
	_ =	sdelay $0x5  }
0x44a: {  	v5 =	vimm.s32 @!p1 $0xEDCBA987  }
0x44b: {  	v6 =	vimm.s32 @!p1 $0x65432100;
	v5 =	vunpack.c.l.s4.s8 @!p1 v5  }
0x44c: {  	v6 =	vunpack.c.l.s4.s8 @!p1 v6  }
0x44d: {  	v5 =	vunpack.c.0.s8.s32 @!p1 v5  }
0x44e: {  	v6 =	vunpack.c.0.s8.s32 @!p1 v6  }
0x44f: {  	v5 =	vand.u32 @!p1 $0xF, v5  }
0x450: {  	v5 =	vcombine.low @!p1 v6, v5;
	_ =	sdelay $0x1  }
0x451: {  	v6, v7, _ =	vpop @!p1 (xrf1)  }
0x452: {  	v6 =	vshra.s32 @!p1 v6, $0x4  }
0x453: {  	v6 =	vxor.u32 @!p1 $0xF8000000, v6  }
0x454: {  	s11 =	simm.s32 @!p1 $0x11C00;
	[tilespmem:$0x11C00] =	vst @!p1 v6  }
0x455: {  	v5 =	vld.idx.msk @!p1 [tilespmem:v5+s11+$0x0], $0xffff;
	_ =	sdelay $0x4  }
0x456: {  	vm1 =	vmmov @!p1 $0x1;
	vm0 =	vne.s32 @!p1 v6, v5;
	v5 =	vsub.s32 @!p1 v6, v0  }
0x457: {  	vm0 =	vmor @!p1 vm0, vm1;
	vm1 =	vlt.u32 @!p1 v5, $0xC38  }
0x458: {  	vm0 =	vmand @!p1 vm1, vm0;
	_ =	sdelay $0x4  }
0x459: {  	s12 =	simm.s32 @!p1 $0x11C80  }
0x45a: {  	v6 =	vld.idx.msk @!p1 [tilespmem:v5+s12+$0x0], vm0;
	_ =	sdelay $0x4  }
0x45b: {  	vm1 =	vgt.s32 @!p1 v6, v7  }
0x45c: {  	s11 =	simm.s32 $0x5380;
	v6 =	vsel @!p1 vm1, v6, v7  }
.LBB2_34:
0x45d: {  	[tilespmem:v5+s12+$0x0] =	vst.idx.msk @!p1 vm0, v6;
	s10 =	sadd.s32 $0x10, s10;
	s12 =	smov.u32 s11;
	s11 =	sadd.s32 $0x10, s11  }
0x45e: {  	v5 =	vld [tilespmem:s10+$0x0];
	p2 =	sne.s32 s11, $0x5900;
	_ =	sdelay $0x4  }
0x45f: {  	vm0 =	vge.s32 v5, v0;
	vm1 =	vlt.s32 v5, v1  }
0x460: {  	vm0 =	vmand vm0, vm1  }
0x461: {  	v6 =	vmpcnt.ones.xlane vm0;
	_ =	sdelay $0x1  }
0x462: {  	(v2sf) =	vpush v6, $0x0;
	_ =	sdelay $0xe  }
0x463: {  	s13 =	spop (v2sf)  }
0x464: {  	p1 =	slt.s32 s13, $0x1  }
0x465: {  	v5 =	vshll.u32 @!p1 v5, $0x4;
	v6 =	vlaneseq.u32 @!p1;
	v7 =	vimm.s32 @!p1 $0xEDCBA987  }
0x466: {  	v8 =	vor.u32 @!p1 s12, v6;
	v6 =	vor.u32 @!p1 $0x80000000, v6;
	v7 =	vunpack.c.l.s4.s8 @!p1 v7  }
0x467: {  	v5 =	vxor.u32 @!p1 v6, v5;
	v6 =	vimm.s32 @!p1 $0x65432100  }
0x468: {  	v6 =	vunpack.c.l.s4.s8 @!p1 v6;
	v7 =	vunpack.c.0.s8.s32 @!p1 v7;
	(xrf1) =	vsort.dscd.msk.u32 @!p1 $0xffff, v5, v8;
	_ =	sdelay $0x1  }
0x469: {  	v5 =	vunpack.c.0.s8.s32 @!p1 v6;
	v6 =	vand.u32 @!p1 $0xF, v7;
	_ =	sdelay $0x1  }
0x46a: {  	v5 =	vcombine.low @!p1 v5, v6;
	_ =	sdelay $0x9  }
0x46b: {  	v6, v7, _ =	vpop @!p1 (xrf1)  }
0x46c: {  	v6 =	vshra.s32 @!p1 v6, $0x4  }
0x46d: {  	v6 =	vxor.u32 @!p1 $0xF8000000, v6  }
0x46e: {  	s12 =	simm.s32 @!p1 $0x11C00;
	[tilespmem:$0x11C00] =	vst @!p1 v6  }
0x46f: {  	v5 =	vld.idx.msk @!p1 [tilespmem:v5+s12+$0x0], $0xffff;
	_ =	sdelay $0x5  }
0x470: {  	vm1 =	vmmov @!p1 $0x1;
	vm0 =	vne.s32 @!p1 v6, v5;
	v5 =	vsub.s32 @!p1 v6, v0  }
0x471: {  	vm0 =	vmor @!p1 vm0, vm1;
	vm1 =	vlt.u32 @!p1 v5, $0xC38  }
0x472: {  	vm0 =	vmand @!p1 vm1, vm0;
	_ =	sdelay $0x4  }
0x473: {  	s12 =	simm.s32 @!p1 $0x11C80  }
0x474: {  	v6 =	vld.idx.msk @!p1 [tilespmem:v5+s12+$0x0], vm0;
	_ =	sdelay $0x2  }
.Ltmp16:
0x475: {  	(pc) =	sbr.rel @p2 .LBB2_34-.Ltmp16, $3  }
0x476: {  	_ =	sdelay $0x1  }
0x477: {  	vm1 =	vgt.s32 @!p1 v6, v7  }
0x478: {  	v6 =	vsel @!p1 vm1, v6, v7  }
0x479: {  	_ =	sdelay $0x4  }
0x47a: {  	[tilespmem:v5+s12+$0x0] =	vst.idx.msk @!p1 vm0, v6  }
0x47b: {  	_ =	swait.ge [sflag:s1], $0x4400  }
0x47c: {  	s10 =	sld [smem:$0x7F5]  }
0x47d: {  	[sflag:s1] =	ssyncset.done $0x0  }
0x47e: {  	[sflag:s1] =	ssyncadd.s32 $0xFFFFBC00  }
0x47f: {  	[hbm4b:s10+s3] =	stream.linear.scatter [tilespmem:s0], [sflag:$0x4], $0x4400, $0x38;
	[tilespmem:$0x18300] =	vst v63  }
0x480: {  	_ =	swait.ge [sflag:s4], $0x4400  }
0x481: {  	s19 =	sld [smem:$0x7F6]  }
0x482: {  	[sflag:s4] =	ssyncset.done $0x0  }
0x483: {  	s10 =	simm.s32 $0xF500;
	[sflag:s4] =	ssyncadd.s32 $0xFFFFBC00  }
0x484: {  	[tilespmem:s3], [sflag:$0x1] =	stream.linear.gather [hbm4b:s19+s3], $0x4400, $0x38;
	[tilespmem:$0x18300] =	vst v63  }
0x485: {  	v5 =	vld [tilespmem:s10+$0x0];
	_ =	sdelay $0x4  }
0x486: {  	vm0 =	vge.s32 v5, v0;
	vm1 =	vlt.s32 v5, v1  }
0x487: {  	vm0 =	vmand vm0, vm1  }
0x488: {  	v6 =	vmpcnt.ones.xlane vm0;
	_ =	sdelay $0x1  }
0x489: {  	(v2sf) =	vpush v6, $0x0;
	_ =	sdelay $0xe  }
0x48a: {  	s11 =	spop (v2sf)  }
0x48b: {  	p1 =	slt.s32 s11, $0x1  }
0x48c: {  	v6 =	vlaneseq.u32 @!p1  }
0x48d: {  	s11 =	simm.s32 $0x5900;
	v5 =	vshll.u32 @!p1 v5, $0x4;
	v7 =	vor.u32 @!p1 $0x80000000, v6  }
0x48e: {  	v6 =	vor.u32 @!p1 s11, v6;
	v5 =	vxor.u32 @!p1 v7, v5  }
0x48f: {  	(xrf1) =	vsort.dscd.msk.u32 @!p1 $0xffff, v5, v6;
	_ =	sdelay $0x5  }
0x490: {  	v5 =	vimm.s32 @!p1 $0xEDCBA987  }
0x491: {  	v6 =	vimm.s32 @!p1 $0x65432100;
	v5 =	vunpack.c.l.s4.s8 @!p1 v5  }
0x492: {  	v6 =	vunpack.c.l.s4.s8 @!p1 v6  }
0x493: {  	v5 =	vunpack.c.0.s8.s32 @!p1 v5  }
0x494: {  	v6 =	vunpack.c.0.s8.s32 @!p1 v6  }
0x495: {  	v5 =	vand.u32 @!p1 $0xF, v5  }
0x496: {  	v5 =	vcombine.low @!p1 v6, v5;
	_ =	sdelay $0x1  }
0x497: {  	v6, v7, _ =	vpop @!p1 (xrf1)  }
0x498: {  	v6 =	vshra.s32 @!p1 v6, $0x4  }
0x499: {  	v6 =	vxor.u32 @!p1 $0xF8000000, v6  }
0x49a: {  	s11 =	simm.s32 @!p1 $0x11C00;
	[tilespmem:$0x11C00] =	vst @!p1 v6  }
0x49b: {  	v5 =	vld.idx.msk @!p1 [tilespmem:v5+s11+$0x0], $0xffff;
	_ =	sdelay $0x4  }
0x49c: {  	vm1 =	vmmov @!p1 $0x1;
	vm0 =	vne.s32 @!p1 v6, v5;
	v5 =	vsub.s32 @!p1 v6, v0  }
0x49d: {  	vm0 =	vmor @!p1 vm0, vm1;
	vm1 =	vlt.u32 @!p1 v5, $0xC38  }
0x49e: {  	vm0 =	vmand @!p1 vm1, vm0;
	_ =	sdelay $0x4  }
0x49f: {  	s12 =	simm.s32 @!p1 $0x11C80  }
0x4a0: {  	v6 =	vld.idx.msk @!p1 [tilespmem:v5+s12+$0x0], vm0;
	_ =	sdelay $0x4  }
0x4a1: {  	vm1 =	vgt.s32 @!p1 v6, v7  }
0x4a2: {  	s11 =	simm.s32 $0x5910;
	v6 =	vsel @!p1 vm1, v6, v7  }
.LBB2_36:
0x4a3: {  	[tilespmem:v5+s12+$0x0] =	vst.idx.msk @!p1 vm0, v6;
	s10 =	sadd.s32 $0x10, s10;
	s12 =	smov.u32 s11;
	s11 =	sadd.s32 $0x10, s11  }
0x4a4: {  	v5 =	vld [tilespmem:s10+$0x0];
	p2 =	sne.s32 s11, $0x5E90;
	_ =	sdelay $0x4  }
0x4a5: {  	vm0 =	vge.s32 v5, v0;
	vm1 =	vlt.s32 v5, v1  }
0x4a6: {  	vm0 =	vmand vm0, vm1  }
0x4a7: {  	v6 =	vmpcnt.ones.xlane vm0;
	_ =	sdelay $0x1  }
0x4a8: {  	(v2sf) =	vpush v6, $0x0;
	_ =	sdelay $0xe  }
0x4a9: {  	s13 =	spop (v2sf)  }
0x4aa: {  	p1 =	slt.s32 s13, $0x1  }
0x4ab: {  	v5 =	vshll.u32 @!p1 v5, $0x4;
	v6 =	vlaneseq.u32 @!p1;
	v7 =	vimm.s32 @!p1 $0xEDCBA987  }
0x4ac: {  	v8 =	vor.u32 @!p1 s12, v6;
	v6 =	vor.u32 @!p1 $0x80000000, v6;
	v7 =	vunpack.c.l.s4.s8 @!p1 v7  }
0x4ad: {  	v5 =	vxor.u32 @!p1 v6, v5;
	v6 =	vimm.s32 @!p1 $0x65432100  }
0x4ae: {  	v6 =	vunpack.c.l.s4.s8 @!p1 v6;
	v7 =	vunpack.c.0.s8.s32 @!p1 v7;
	(xrf1) =	vsort.dscd.msk.u32 @!p1 $0xffff, v5, v8;
	_ =	sdelay $0x1  }
0x4af: {  	v5 =	vunpack.c.0.s8.s32 @!p1 v6;
	v6 =	vand.u32 @!p1 $0xF, v7;
	_ =	sdelay $0x1  }
0x4b0: {  	v5 =	vcombine.low @!p1 v5, v6;
	_ =	sdelay $0x9  }
0x4b1: {  	v6, v7, _ =	vpop @!p1 (xrf1)  }
0x4b2: {  	v6 =	vshra.s32 @!p1 v6, $0x4  }
0x4b3: {  	v6 =	vxor.u32 @!p1 $0xF8000000, v6  }
0x4b4: {  	s12 =	simm.s32 @!p1 $0x11C00;
	[tilespmem:$0x11C00] =	vst @!p1 v6  }
0x4b5: {  	v5 =	vld.idx.msk @!p1 [tilespmem:v5+s12+$0x0], $0xffff;
	_ =	sdelay $0x5  }
0x4b6: {  	vm1 =	vmmov @!p1 $0x1;
	vm0 =	vne.s32 @!p1 v6, v5;
	v5 =	vsub.s32 @!p1 v6, v0  }
0x4b7: {  	vm0 =	vmor @!p1 vm0, vm1;
	vm1 =	vlt.u32 @!p1 v5, $0xC38  }
0x4b8: {  	vm0 =	vmand @!p1 vm1, vm0;
	_ =	sdelay $0x4  }
0x4b9: {  	s12 =	simm.s32 @!p1 $0x11C80  }
0x4ba: {  	v6 =	vld.idx.msk @!p1 [tilespmem:v5+s12+$0x0], vm0;
	_ =	sdelay $0x2  }
.Ltmp17:
0x4bb: {  	(pc) =	sbr.rel @p2 .LBB2_36-.Ltmp17, $3  }
0x4bc: {  	_ =	sdelay $0x1  }
0x4bd: {  	vm1 =	vgt.s32 @!p1 v6, v7  }
0x4be: {  	v6 =	vsel @!p1 vm1, v6, v7  }
0x4bf: {  	_ =	sdelay $0x4  }
0x4c0: {  	[tilespmem:v5+s12+$0x0] =	vst.idx.msk @!p1 vm0, v6  }
0x4c1: {  	_ =	swait.ge [sflag:s31], $0x4400  }
0x4c2: {  	s10 =	sld [smem:$0x7F7]  }
0x4c3: {  	[sflag:s31] =	ssyncset.done $0x0  }
0x4c4: {  	[sflag:s31] =	ssyncadd.s32 $0xFFFFBC00  }
0x4c5: {  	[hbm4b:s10+s3] =	stream.linear.scatter [tilespmem:s3], [sflag:$0x3], $0x4400, $0x38;
	[tilespmem:$0x18300] =	vst v63  }
0x4c6: {  	_ =	swait.ge [sflag:s6], $0x4400  }
0x4c7: {  	s19 =	sld [smem:$0x7F8]  }
0x4c8: {  	[sflag:s6] =	ssyncset.done $0x0  }
0x4c9: {  	s10 =	simm.s32 $0xFA90;
	[sflag:s6] =	ssyncadd.s32 $0xFFFFBC00  }
0x4ca: {  	[tilespmem:s0], [sflag:$0x2] =	stream.linear.gather [hbm4b:s19+s3], $0x4400, $0x38;
	[tilespmem:$0x18300] =	vst v63  }
0x4cb: {  	v5 =	vld [tilespmem:s10+$0x0];
	_ =	sdelay $0x4  }
0x4cc: {  	vm0 =	vge.s32 v5, v0;
	vm1 =	vlt.s32 v5, v1  }
0x4cd: {  	vm0 =	vmand vm0, vm1  }
0x4ce: {  	v6 =	vmpcnt.ones.xlane vm0;
	_ =	sdelay $0x1  }
0x4cf: {  	(v2sf) =	vpush v6, $0x0;
	_ =	sdelay $0xe  }
0x4d0: {  	s11 =	spop (v2sf)  }
0x4d1: {  	p1 =	slt.s32 s11, $0x1  }
0x4d2: {  	v6 =	vlaneseq.u32 @!p1  }
0x4d3: {  	s11 =	simm.s32 $0x5E90;
	v5 =	vshll.u32 @!p1 v5, $0x4;
	v7 =	vor.u32 @!p1 $0x80000000, v6  }
0x4d4: {  	v6 =	vor.u32 @!p1 s11, v6;
	v5 =	vxor.u32 @!p1 v7, v5  }
0x4d5: {  	(xrf1) =	vsort.dscd.msk.u32 @!p1 $0xffff, v5, v6;
	_ =	sdelay $0x5  }
0x4d6: {  	v5 =	vimm.s32 @!p1 $0xEDCBA987  }
0x4d7: {  	v6 =	vimm.s32 @!p1 $0x65432100;
	v5 =	vunpack.c.l.s4.s8 @!p1 v5  }
0x4d8: {  	v6 =	vunpack.c.l.s4.s8 @!p1 v6  }
0x4d9: {  	v5 =	vunpack.c.0.s8.s32 @!p1 v5  }
0x4da: {  	v6 =	vunpack.c.0.s8.s32 @!p1 v6  }
0x4db: {  	v5 =	vand.u32 @!p1 $0xF, v5  }
0x4dc: {  	v5 =	vcombine.low @!p1 v6, v5;
	_ =	sdelay $0x1  }
0x4dd: {  	v6, v7, _ =	vpop @!p1 (xrf1)  }
0x4de: {  	v6 =	vshra.s32 @!p1 v6, $0x4  }
0x4df: {  	v6 =	vxor.u32 @!p1 $0xF8000000, v6  }
0x4e0: {  	s11 =	simm.s32 @!p1 $0x11C00;
	[tilespmem:$0x11C00] =	vst @!p1 v6  }
0x4e1: {  	v5 =	vld.idx.msk @!p1 [tilespmem:v5+s11+$0x0], $0xffff;
	_ =	sdelay $0x4  }
0x4e2: {  	vm1 =	vmmov @!p1 $0x1;
	vm0 =	vne.s32 @!p1 v6, v5;
	v5 =	vsub.s32 @!p1 v6, v0  }
0x4e3: {  	vm0 =	vmor @!p1 vm0, vm1;
	vm1 =	vlt.u32 @!p1 v5, $0xC38  }
0x4e4: {  	vm0 =	vmand @!p1 vm1, vm0;
	_ =	sdelay $0x4  }
0x4e5: {  	s12 =	simm.s32 @!p1 $0x11C80  }
0x4e6: {  	v6 =	vld.idx.msk @!p1 [tilespmem:v5+s12+$0x0], vm0;
	_ =	sdelay $0x4  }
0x4e7: {  	vm1 =	vgt.s32 @!p1 v6, v7  }
0x4e8: {  	s11 =	simm.s32 $0x5EA0;
	v6 =	vsel @!p1 vm1, v6, v7  }
.LBB2_38:
0x4e9: {  	[tilespmem:v5+s12+$0x0] =	vst.idx.msk @!p1 vm0, v6;
	s10 =	sadd.s32 $0x10, s10;
	s12 =	smov.u32 s11;
	s11 =	sadd.s32 $0x10, s11  }
0x4ea: {  	v5 =	vld [tilespmem:s10+$0x0];
	p2 =	sne.s32 s11, $0x6420;
	_ =	sdelay $0x4  }
0x4eb: {  	vm0 =	vge.s32 v5, v0;
	vm1 =	vlt.s32 v5, v1  }
0x4ec: {  	vm0 =	vmand vm0, vm1  }
0x4ed: {  	v6 =	vmpcnt.ones.xlane vm0;
	_ =	sdelay $0x1  }
0x4ee: {  	(v2sf) =	vpush v6, $0x0;
	_ =	sdelay $0xe  }
0x4ef: {  	s13 =	spop (v2sf)  }
0x4f0: {  	p1 =	slt.s32 s13, $0x1  }
0x4f1: {  	v5 =	vshll.u32 @!p1 v5, $0x4;
	v6 =	vlaneseq.u32 @!p1;
	v7 =	vimm.s32 @!p1 $0xEDCBA987  }
0x4f2: {  	v8 =	vor.u32 @!p1 s12, v6;
	v6 =	vor.u32 @!p1 $0x80000000, v6;
	v7 =	vunpack.c.l.s4.s8 @!p1 v7  }
0x4f3: {  	v5 =	vxor.u32 @!p1 v6, v5;
	v6 =	vimm.s32 @!p1 $0x65432100  }
0x4f4: {  	v6 =	vunpack.c.l.s4.s8 @!p1 v6;
	v7 =	vunpack.c.0.s8.s32 @!p1 v7;
	(xrf1) =	vsort.dscd.msk.u32 @!p1 $0xffff, v5, v8;
	_ =	sdelay $0x1  }
0x4f5: {  	v5 =	vunpack.c.0.s8.s32 @!p1 v6;
	v6 =	vand.u32 @!p1 $0xF, v7;
	_ =	sdelay $0x1  }
0x4f6: {  	v5 =	vcombine.low @!p1 v5, v6;
	_ =	sdelay $0x9  }
0x4f7: {  	v6, v7, _ =	vpop @!p1 (xrf1)  }
0x4f8: {  	v6 =	vshra.s32 @!p1 v6, $0x4  }
0x4f9: {  	v6 =	vxor.u32 @!p1 $0xF8000000, v6  }
0x4fa: {  	s12 =	simm.s32 @!p1 $0x11C00;
	[tilespmem:$0x11C00] =	vst @!p1 v6  }
0x4fb: {  	v5 =	vld.idx.msk @!p1 [tilespmem:v5+s12+$0x0], $0xffff;
	_ =	sdelay $0x5  }
0x4fc: {  	vm1 =	vmmov @!p1 $0x1;
	vm0 =	vne.s32 @!p1 v6, v5;
	v5 =	vsub.s32 @!p1 v6, v0  }
0x4fd: {  	vm0 =	vmor @!p1 vm0, vm1;
	vm1 =	vlt.u32 @!p1 v5, $0xC38  }
0x4fe: {  	vm0 =	vmand @!p1 vm1, vm0;
	_ =	sdelay $0x4  }
0x4ff: {  	s12 =	simm.s32 @!p1 $0x11C80  }
0x500: {  	v6 =	vld.idx.msk @!p1 [tilespmem:v5+s12+$0x0], vm0;
	_ =	sdelay $0x2  }
.Ltmp18:
0x501: {  	(pc) =	sbr.rel @p2 .LBB2_38-.Ltmp18, $3  }
0x502: {  	_ =	sdelay $0x1  }
0x503: {  	vm1 =	vgt.s32 @!p1 v6, v7  }
0x504: {  	v6 =	vsel @!p1 vm1, v6, v7  }
0x505: {  	_ =	sdelay $0x4  }
0x506: {  	[tilespmem:v5+s12+$0x0] =	vst.idx.msk @!p1 vm0, v6  }
0x507: {  	_ =	swait.ge [sflag:s1], $0x4400  }
0x508: {  	s10 =	sld [smem:$0x7F9]  }
0x509: {  	[sflag:s1] =	ssyncset.done $0x0  }
0x50a: {  	[sflag:s1] =	ssyncadd.s32 $0xFFFFBC00  }
0x50b: {  	[hbm4b:s10+s3] =	stream.linear.scatter [tilespmem:s0], [sflag:$0x4], $0x4400, $0x38;
	[tilespmem:$0x18300] =	vst v63  }
0x50c: {  	_ =	swait.ge [sflag:s4], $0x4400  }
0x50d: {  	s19 =	sld [smem:$0x7FA]  }
0x50e: {  	[sflag:s4] =	ssyncset.done $0x0  }
0x50f: {  	s10 =	simm.s32 $0x10020;
	[sflag:s4] =	ssyncadd.s32 $0xFFFFBC00  }
0x510: {  	[tilespmem:s3], [sflag:$0x1] =	stream.linear.gather [hbm4b:s19+s3], $0x4400, $0x38;
	[tilespmem:$0x18300] =	vst v63  }
0x511: {  	v5 =	vld [tilespmem:s10+$0x0];
	_ =	sdelay $0x4  }
0x512: {  	vm0 =	vge.s32 v5, v0;
	vm1 =	vlt.s32 v5, v1  }
0x513: {  	vm0 =	vmand vm0, vm1  }
0x514: {  	v6 =	vmpcnt.ones.xlane vm0;
	_ =	sdelay $0x1  }
0x515: {  	(v2sf) =	vpush v6, $0x0;
	_ =	sdelay $0xe  }
0x516: {  	s11 =	spop (v2sf)  }
0x517: {  	p1 =	slt.s32 s11, $0x1  }
0x518: {  	v6 =	vlaneseq.u32 @!p1  }
0x519: {  	s11 =	simm.s32 $0x6420;
	v5 =	vshll.u32 @!p1 v5, $0x4;
	v7 =	vor.u32 @!p1 $0x80000000, v6  }
0x51a: {  	v6 =	vor.u32 @!p1 s11, v6;
	v5 =	vxor.u32 @!p1 v7, v5  }
0x51b: {  	(xrf1) =	vsort.dscd.msk.u32 @!p1 $0xffff, v5, v6;
	_ =	sdelay $0x5  }
0x51c: {  	v5 =	vimm.s32 @!p1 $0xEDCBA987  }
0x51d: {  	v6 =	vimm.s32 @!p1 $0x65432100;
	v5 =	vunpack.c.l.s4.s8 @!p1 v5  }
0x51e: {  	v6 =	vunpack.c.l.s4.s8 @!p1 v6  }
0x51f: {  	v5 =	vunpack.c.0.s8.s32 @!p1 v5  }
0x520: {  	v6 =	vunpack.c.0.s8.s32 @!p1 v6  }
0x521: {  	v5 =	vand.u32 @!p1 $0xF, v5  }
0x522: {  	v5 =	vcombine.low @!p1 v6, v5;
	_ =	sdelay $0x1  }
0x523: {  	v6, v7, _ =	vpop @!p1 (xrf1)  }
0x524: {  	v6 =	vshra.s32 @!p1 v6, $0x4  }
0x525: {  	v6 =	vxor.u32 @!p1 $0xF8000000, v6  }
0x526: {  	s11 =	simm.s32 @!p1 $0x11C00;
	[tilespmem:$0x11C00] =	vst @!p1 v6  }
0x527: {  	v5 =	vld.idx.msk @!p1 [tilespmem:v5+s11+$0x0], $0xffff;
	_ =	sdelay $0x4  }
0x528: {  	vm1 =	vmmov @!p1 $0x1;
	vm0 =	vne.s32 @!p1 v6, v5;
	v5 =	vsub.s32 @!p1 v6, v0  }
0x529: {  	vm0 =	vmor @!p1 vm0, vm1;
	vm1 =	vlt.u32 @!p1 v5, $0xC38  }
0x52a: {  	vm0 =	vmand @!p1 vm1, vm0;
	_ =	sdelay $0x4  }
0x52b: {  	s12 =	simm.s32 @!p1 $0x11C80  }
0x52c: {  	v6 =	vld.idx.msk @!p1 [tilespmem:v5+s12+$0x0], vm0;
	_ =	sdelay $0x4  }
0x52d: {  	vm1 =	vgt.s32 @!p1 v6, v7  }
0x52e: {  	s11 =	simm.s32 $0x6430;
	v6 =	vsel @!p1 vm1, v6, v7  }
.LBB2_40:
0x52f: {  	[tilespmem:v5+s12+$0x0] =	vst.idx.msk @!p1 vm0, v6;
	s10 =	sadd.s32 $0x10, s10;
	s12 =	smov.u32 s11;
	s11 =	sadd.s32 $0x10, s11  }
0x530: {  	v5 =	vld [tilespmem:s10+$0x0];
	p2 =	sne.s32 s11, $0x69B0;
	_ =	sdelay $0x4  }
0x531: {  	vm0 =	vge.s32 v5, v0;
	vm1 =	vlt.s32 v5, v1  }
0x532: {  	vm0 =	vmand vm0, vm1  }
0x533: {  	v6 =	vmpcnt.ones.xlane vm0;
	_ =	sdelay $0x1  }
0x534: {  	(v2sf) =	vpush v6, $0x0;
	_ =	sdelay $0xe  }
0x535: {  	s13 =	spop (v2sf)  }
0x536: {  	p1 =	slt.s32 s13, $0x1  }
0x537: {  	v5 =	vshll.u32 @!p1 v5, $0x4;
	v6 =	vlaneseq.u32 @!p1;
	v7 =	vimm.s32 @!p1 $0xEDCBA987  }
0x538: {  	v8 =	vor.u32 @!p1 s12, v6;
	v6 =	vor.u32 @!p1 $0x80000000, v6;
	v7 =	vunpack.c.l.s4.s8 @!p1 v7  }
0x539: {  	v5 =	vxor.u32 @!p1 v6, v5;
	v6 =	vimm.s32 @!p1 $0x65432100  }
0x53a: {  	v6 =	vunpack.c.l.s4.s8 @!p1 v6;
	v7 =	vunpack.c.0.s8.s32 @!p1 v7;
	(xrf1) =	vsort.dscd.msk.u32 @!p1 $0xffff, v5, v8;
	_ =	sdelay $0x1  }
0x53b: {  	v5 =	vunpack.c.0.s8.s32 @!p1 v6;
	v6 =	vand.u32 @!p1 $0xF, v7;
	_ =	sdelay $0x1  }
0x53c: {  	v5 =	vcombine.low @!p1 v5, v6;
	_ =	sdelay $0x9  }
0x53d: {  	v6, v7, _ =	vpop @!p1 (xrf1)  }
0x53e: {  	v6 =	vshra.s32 @!p1 v6, $0x4  }
0x53f: {  	v6 =	vxor.u32 @!p1 $0xF8000000, v6  }
0x540: {  	s12 =	simm.s32 @!p1 $0x11C00;
	[tilespmem:$0x11C00] =	vst @!p1 v6  }
0x541: {  	v5 =	vld.idx.msk @!p1 [tilespmem:v5+s12+$0x0], $0xffff;
	_ =	sdelay $0x5  }
0x542: {  	vm1 =	vmmov @!p1 $0x1;
	vm0 =	vne.s32 @!p1 v6, v5;
	v5 =	vsub.s32 @!p1 v6, v0  }
0x543: {  	vm0 =	vmor @!p1 vm0, vm1;
	vm1 =	vlt.u32 @!p1 v5, $0xC38  }
0x544: {  	vm0 =	vmand @!p1 vm1, vm0;
	_ =	sdelay $0x4  }
0x545: {  	s12 =	simm.s32 @!p1 $0x11C80  }
0x546: {  	v6 =	vld.idx.msk @!p1 [tilespmem:v5+s12+$0x0], vm0;
	_ =	sdelay $0x2  }
.Ltmp19:
0x547: {  	(pc) =	sbr.rel @p2 .LBB2_40-.Ltmp19, $3  }
0x548: {  	_ =	sdelay $0x1  }
0x549: {  	vm1 =	vgt.s32 @!p1 v6, v7  }
0x54a: {  	v6 =	vsel @!p1 vm1, v6, v7  }
0x54b: {  	_ =	sdelay $0x4  }
0x54c: {  	[tilespmem:v5+s12+$0x0] =	vst.idx.msk @!p1 vm0, v6  }
0x54d: {  	_ =	swait.ge [sflag:s31], $0x4400  }
0x54e: {  	s10 =	sld [smem:$0x7FB]  }
0x54f: {  	[sflag:s31] =	ssyncset.done $0x0  }
0x550: {  	[sflag:s31] =	ssyncadd.s32 $0xFFFFBC00  }
0x551: {  	[hbm4b:s10+s3] =	stream.linear.scatter [tilespmem:s3], [sflag:$0x3], $0x4400, $0x38;
	[tilespmem:$0x18300] =	vst v63  }
0x552: {  	_ =	swait.ge [sflag:s6], $0x4400  }
0x553: {  	s19 =	sld [smem:$0x7FC]  }
0x554: {  	[sflag:s6] =	ssyncset.done $0x0  }
0x555: {  	s10 =	simm.s32 $0x105B0;
	[sflag:s6] =	ssyncadd.s32 $0xFFFFBC00  }
0x556: {  	[tilespmem:s0], [sflag:$0x2] =	stream.linear.gather [hbm4b:s19+s3], $0x4400, $0x38;
	[tilespmem:$0x18300] =	vst v63  }
0x557: {  	v5 =	vld [tilespmem:s10+$0x0];
	_ =	sdelay $0x4  }
0x558: {  	vm0 =	vge.s32 v5, v0;
	vm1 =	vlt.s32 v5, v1  }
0x559: {  	vm0 =	vmand vm0, vm1  }
0x55a: {  	v6 =	vmpcnt.ones.xlane vm0;
	_ =	sdelay $0x1  }
0x55b: {  	(v2sf) =	vpush v6, $0x0;
	_ =	sdelay $0xe  }
0x55c: {  	s11 =	spop (v2sf)  }
0x55d: {  	p1 =	slt.s32 s11, $0x1  }
0x55e: {  	v6 =	vlaneseq.u32 @!p1  }
0x55f: {  	s11 =	simm.s32 $0x69B0;
	v5 =	vshll.u32 @!p1 v5, $0x4;
	v7 =	vor.u32 @!p1 $0x80000000, v6  }
0x560: {  	v6 =	vor.u32 @!p1 s11, v6;
	v5 =	vxor.u32 @!p1 v7, v5  }
0x561: {  	(xrf1) =	vsort.dscd.msk.u32 @!p1 $0xffff, v5, v6;
	_ =	sdelay $0x5  }
0x562: {  	v5 =	vimm.s32 @!p1 $0xEDCBA987  }
0x563: {  	v6 =	vimm.s32 @!p1 $0x65432100;
	v5 =	vunpack.c.l.s4.s8 @!p1 v5  }
0x564: {  	v6 =	vunpack.c.l.s4.s8 @!p1 v6  }
0x565: {  	v5 =	vunpack.c.0.s8.s32 @!p1 v5  }
0x566: {  	v6 =	vunpack.c.0.s8.s32 @!p1 v6  }
0x567: {  	v5 =	vand.u32 @!p1 $0xF, v5  }
0x568: {  	v5 =	vcombine.low @!p1 v6, v5;
	_ =	sdelay $0x1  }
0x569: {  	v6, v7, _ =	vpop @!p1 (xrf1)  }
0x56a: {  	v6 =	vshra.s32 @!p1 v6, $0x4  }
0x56b: {  	v6 =	vxor.u32 @!p1 $0xF8000000, v6  }
0x56c: {  	s11 =	simm.s32 @!p1 $0x11C00;
	[tilespmem:$0x11C00] =	vst @!p1 v6  }
0x56d: {  	v5 =	vld.idx.msk @!p1 [tilespmem:v5+s11+$0x0], $0xffff;
	_ =	sdelay $0x4  }
0x56e: {  	vm1 =	vmmov @!p1 $0x1;
	vm0 =	vne.s32 @!p1 v6, v5;
	v5 =	vsub.s32 @!p1 v6, v0  }
0x56f: {  	vm0 =	vmor @!p1 vm0, vm1;
	vm1 =	vlt.u32 @!p1 v5, $0xC38  }
0x570: {  	vm0 =	vmand @!p1 vm1, vm0;
	_ =	sdelay $0x4  }
0x571: {  	s12 =	simm.s32 @!p1 $0x11C80  }
0x572: {  	v6 =	vld.idx.msk @!p1 [tilespmem:v5+s12+$0x0], vm0;
	_ =	sdelay $0x4  }
0x573: {  	vm1 =	vgt.s32 @!p1 v6, v7  }
0x574: {  	s11 =	simm.s32 $0x69C0;
	v6 =	vsel @!p1 vm1, v6, v7  }
.LBB2_42:
0x575: {  	[tilespmem:v5+s12+$0x0] =	vst.idx.msk @!p1 vm0, v6;
	s10 =	sadd.s32 $0x10, s10;
	s12 =	smov.u32 s11;
	s11 =	sadd.s32 $0x10, s11  }
0x576: {  	v5 =	vld [tilespmem:s10+$0x0];
	p2 =	sne.s32 s11, $0x6F40;
	_ =	sdelay $0x4  }
0x577: {  	vm0 =	vge.s32 v5, v0;
	vm1 =	vlt.s32 v5, v1  }
0x578: {  	vm0 =	vmand vm0, vm1  }
0x579: {  	v6 =	vmpcnt.ones.xlane vm0;
	_ =	sdelay $0x1  }
0x57a: {  	(v2sf) =	vpush v6, $0x0;
	_ =	sdelay $0xe  }
0x57b: {  	s13 =	spop (v2sf)  }
0x57c: {  	p1 =	slt.s32 s13, $0x1  }
0x57d: {  	v5 =	vshll.u32 @!p1 v5, $0x4;
	v6 =	vlaneseq.u32 @!p1;
	v7 =	vimm.s32 @!p1 $0xEDCBA987  }
0x57e: {  	v8 =	vor.u32 @!p1 s12, v6;
	v6 =	vor.u32 @!p1 $0x80000000, v6;
	v7 =	vunpack.c.l.s4.s8 @!p1 v7  }
0x57f: {  	v5 =	vxor.u32 @!p1 v6, v5;
	v6 =	vimm.s32 @!p1 $0x65432100  }
0x580: {  	v6 =	vunpack.c.l.s4.s8 @!p1 v6;
	v7 =	vunpack.c.0.s8.s32 @!p1 v7;
	(xrf1) =	vsort.dscd.msk.u32 @!p1 $0xffff, v5, v8;
	_ =	sdelay $0x1  }
0x581: {  	v5 =	vunpack.c.0.s8.s32 @!p1 v6;
	v6 =	vand.u32 @!p1 $0xF, v7;
	_ =	sdelay $0x1  }
0x582: {  	v5 =	vcombine.low @!p1 v5, v6;
	_ =	sdelay $0x9  }
0x583: {  	v6, v7, _ =	vpop @!p1 (xrf1)  }
0x584: {  	v6 =	vshra.s32 @!p1 v6, $0x4  }
0x585: {  	v6 =	vxor.u32 @!p1 $0xF8000000, v6  }
0x586: {  	s12 =	simm.s32 @!p1 $0x11C00;
	[tilespmem:$0x11C00] =	vst @!p1 v6  }
0x587: {  	v5 =	vld.idx.msk @!p1 [tilespmem:v5+s12+$0x0], $0xffff;
	_ =	sdelay $0x5  }
0x588: {  	vm1 =	vmmov @!p1 $0x1;
	vm0 =	vne.s32 @!p1 v6, v5;
	v5 =	vsub.s32 @!p1 v6, v0  }
0x589: {  	vm0 =	vmor @!p1 vm0, vm1;
	vm1 =	vlt.u32 @!p1 v5, $0xC38  }
0x58a: {  	vm0 =	vmand @!p1 vm1, vm0;
	_ =	sdelay $0x4  }
0x58b: {  	s12 =	simm.s32 @!p1 $0x11C80  }
0x58c: {  	v6 =	vld.idx.msk @!p1 [tilespmem:v5+s12+$0x0], vm0;
	_ =	sdelay $0x2  }
.Ltmp20:
0x58d: {  	(pc) =	sbr.rel @p2 .LBB2_42-.Ltmp20, $3  }
0x58e: {  	_ =	sdelay $0x1  }
0x58f: {  	vm1 =	vgt.s32 @!p1 v6, v7  }
0x590: {  	v6 =	vsel @!p1 vm1, v6, v7  }
0x591: {  	_ =	sdelay $0x4  }
0x592: {  	[tilespmem:v5+s12+$0x0] =	vst.idx.msk @!p1 vm0, v6  }
0x593: {  	_ =	swait.ge [sflag:s1], $0x4400  }
0x594: {  	s10 =	sld [smem:$0x7FD]  }
0x595: {  	[sflag:s1] =	ssyncset.done $0x0  }
0x596: {  	[sflag:s1] =	ssyncadd.s32 $0xFFFFBC00  }
0x597: {  	[hbm4b:s10+s3] =	stream.linear.scatter [tilespmem:s0], [sflag:$0x4], $0x4400, $0x38;
	[tilespmem:$0x18300] =	vst v63  }
0x598: {  	_ =	swait.ge [sflag:s4], $0x4400  }
0x599: {  	[sflag:s4] =	ssyncset.done $0x0  }
0x59a: {  	s10 =	simm.s32 $0x10B40;
	[sflag:s4] =	ssyncadd.s32 $0xFFFFBC00  }
0x59b: {  	[tilespmem:s3], [sflag:$0x1] =	stream.linear.gather [hbm4b:s20+s3], $0x4400, $0x38;
	[tilespmem:$0x18300] =	vst v63  }
0x59c: {  	v5 =	vld [tilespmem:s10+$0x0];
	_ =	sdelay $0x4  }
0x59d: {  	vm0 =	vge.s32 v5, v0;
	vm1 =	vlt.s32 v5, v1  }
0x59e: {  	vm0 =	vmand vm0, vm1  }
0x59f: {  	v6 =	vmpcnt.ones.xlane vm0;
	_ =	sdelay $0x1  }
0x5a0: {  	(v2sf) =	vpush v6, $0x0;
	_ =	sdelay $0xe  }
0x5a1: {  	s11 =	spop (v2sf)  }
0x5a2: {  	p1 =	slt.s32 s11, $0x1  }
0x5a3: {  	v6 =	vlaneseq.u32 @!p1  }
0x5a4: {  	s11 =	simm.s32 $0x6F40;
	v5 =	vshll.u32 @!p1 v5, $0x4;
	v7 =	vor.u32 @!p1 $0x80000000, v6  }
0x5a5: {  	v6 =	vor.u32 @!p1 s11, v6;
	v5 =	vxor.u32 @!p1 v7, v5  }
0x5a6: {  	(xrf1) =	vsort.dscd.msk.u32 @!p1 $0xffff, v5, v6;
	_ =	sdelay $0x5  }
0x5a7: {  	v5 =	vimm.s32 @!p1 $0xEDCBA987  }
0x5a8: {  	v6 =	vimm.s32 @!p1 $0x65432100;
	v5 =	vunpack.c.l.s4.s8 @!p1 v5  }
0x5a9: {  	v6 =	vunpack.c.l.s4.s8 @!p1 v6  }
0x5aa: {  	v5 =	vunpack.c.0.s8.s32 @!p1 v5  }
0x5ab: {  	v6 =	vunpack.c.0.s8.s32 @!p1 v6  }
0x5ac: {  	v5 =	vand.u32 @!p1 $0xF, v5  }
0x5ad: {  	v5 =	vcombine.low @!p1 v6, v5;
	_ =	sdelay $0x1  }
0x5ae: {  	v6, v7, _ =	vpop @!p1 (xrf1)  }
0x5af: {  	v6 =	vshra.s32 @!p1 v6, $0x4  }
0x5b0: {  	v6 =	vxor.u32 @!p1 $0xF8000000, v6  }
0x5b1: {  	s11 =	simm.s32 @!p1 $0x11C00;
	[tilespmem:$0x11C00] =	vst @!p1 v6  }
0x5b2: {  	v5 =	vld.idx.msk @!p1 [tilespmem:v5+s11+$0x0], $0xffff;
	_ =	sdelay $0x4  }
0x5b3: {  	vm1 =	vmmov @!p1 $0x1;
	vm0 =	vne.s32 @!p1 v6, v5;
	v5 =	vsub.s32 @!p1 v6, v0  }
0x5b4: {  	vm0 =	vmor @!p1 vm0, vm1;
	vm1 =	vlt.u32 @!p1 v5, $0xC38  }
0x5b5: {  	vm0 =	vmand @!p1 vm1, vm0;
	_ =	sdelay $0x4  }
0x5b6: {  	s12 =	simm.s32 @!p1 $0x11C80  }
0x5b7: {  	v6 =	vld.idx.msk @!p1 [tilespmem:v5+s12+$0x0], vm0;
	_ =	sdelay $0x4  }
0x5b8: {  	vm1 =	vgt.s32 @!p1 v6, v7  }
0x5b9: {  	s11 =	simm.s32 $0x6F50;
	v6 =	vsel @!p1 vm1, v6, v7  }
.LBB2_44:
0x5ba: {  	[tilespmem:v5+s12+$0x0] =	vst.idx.msk @!p1 vm0, v6;
	s10 =	sadd.s32 $0x10, s10;
	s12 =	smov.u32 s11;
	s11 =	sadd.s32 $0x10, s11  }
0x5bb: {  	v5 =	vld [tilespmem:s10+$0x0];
	p2 =	sne.s32 s11, $0x74D0;
	_ =	sdelay $0x4  }
0x5bc: {  	vm0 =	vge.s32 v5, v0;
	vm1 =	vlt.s32 v5, v1  }
0x5bd: {  	vm0 =	vmand vm0, vm1  }
0x5be: {  	v6 =	vmpcnt.ones.xlane vm0;
	_ =	sdelay $0x1  }
0x5bf: {  	(v2sf) =	vpush v6, $0x0;
	_ =	sdelay $0xe  }
0x5c0: {  	s13 =	spop (v2sf)  }
0x5c1: {  	p1 =	slt.s32 s13, $0x1  }
0x5c2: {  	v5 =	vshll.u32 @!p1 v5, $0x4;
	v6 =	vlaneseq.u32 @!p1;
	v7 =	vimm.s32 @!p1 $0xEDCBA987  }
0x5c3: {  	v8 =	vor.u32 @!p1 s12, v6;
	v6 =	vor.u32 @!p1 $0x80000000, v6;
	v7 =	vunpack.c.l.s4.s8 @!p1 v7  }
0x5c4: {  	v5 =	vxor.u32 @!p1 v6, v5;
	v6 =	vimm.s32 @!p1 $0x65432100  }
0x5c5: {  	v6 =	vunpack.c.l.s4.s8 @!p1 v6;
	v7 =	vunpack.c.0.s8.s32 @!p1 v7;
	(xrf1) =	vsort.dscd.msk.u32 @!p1 $0xffff, v5, v8;
	_ =	sdelay $0x1  }
0x5c6: {  	v5 =	vunpack.c.0.s8.s32 @!p1 v6;
	v6 =	vand.u32 @!p1 $0xF, v7;
	_ =	sdelay $0x1  }
0x5c7: {  	v5 =	vcombine.low @!p1 v5, v6;
	_ =	sdelay $0x9  }
0x5c8: {  	v6, v7, _ =	vpop @!p1 (xrf1)  }
0x5c9: {  	v6 =	vshra.s32 @!p1 v6, $0x4  }
0x5ca: {  	v6 =	vxor.u32 @!p1 $0xF8000000, v6  }
0x5cb: {  	s12 =	simm.s32 @!p1 $0x11C00;
	[tilespmem:$0x11C00] =	vst @!p1 v6  }
0x5cc: {  	v5 =	vld.idx.msk @!p1 [tilespmem:v5+s12+$0x0], $0xffff;
	_ =	sdelay $0x5  }
0x5cd: {  	vm1 =	vmmov @!p1 $0x1;
	vm0 =	vne.s32 @!p1 v6, v5;
	v5 =	vsub.s32 @!p1 v6, v0  }
0x5ce: {  	vm0 =	vmor @!p1 vm0, vm1;
	vm1 =	vlt.u32 @!p1 v5, $0xC38  }
0x5cf: {  	vm0 =	vmand @!p1 vm1, vm0;
	_ =	sdelay $0x4  }
0x5d0: {  	s12 =	simm.s32 @!p1 $0x11C80  }
0x5d1: {  	v6 =	vld.idx.msk @!p1 [tilespmem:v5+s12+$0x0], vm0;
	_ =	sdelay $0x2  }
.Ltmp21:
0x5d2: {  	(pc) =	sbr.rel @p2 .LBB2_44-.Ltmp21, $3  }
0x5d3: {  	_ =	sdelay $0x1  }
0x5d4: {  	vm1 =	vgt.s32 @!p1 v6, v7  }
0x5d5: {  	v6 =	vsel @!p1 vm1, v6, v7  }
0x5d6: {  	_ =	sdelay $0x4  }
0x5d7: {  	[tilespmem:v5+s12+$0x0] =	vst.idx.msk @!p1 vm0, v6  }
0x5d8: {  	_ =	swait.ge [sflag:s31], $0x4400  }
0x5d9: {  	[sflag:s31] =	ssyncset.done $0x0  }
0x5da: {  	[sflag:s31] =	ssyncadd.s32 $0xFFFFBC00  }
0x5db: {  	[hbm4b:s21+s3] =	stream.linear.scatter [tilespmem:s3], [sflag:$0x3], $0x4400, $0x38;
	[tilespmem:$0x18300] =	vst v63  }
0x5dc: {  	_ =	swait.ge [sflag:s6], $0x4400  }
0x5dd: {  	[sflag:s6] =	ssyncset.done $0x0  }
0x5de: {  	s10 =	simm.s32 $0x110D0;
	[sflag:s6] =	ssyncadd.s32 $0xFFFFBC00  }
0x5df: {  	[tilespmem:s0], [sflag:$0x2] =	stream.linear.gather [hbm4b:s22+s3], $0x4400, $0x38;
	[tilespmem:$0x18300] =	vst v63  }
0x5e0: {  	v5 =	vld [tilespmem:s10+$0x0];
	_ =	sdelay $0x4  }
0x5e1: {  	vm0 =	vge.s32 v5, v0;
	vm1 =	vlt.s32 v5, v1  }
0x5e2: {  	vm0 =	vmand vm0, vm1  }
0x5e3: {  	v6 =	vmpcnt.ones.xlane vm0;
	_ =	sdelay $0x1  }
0x5e4: {  	(v2sf) =	vpush v6, $0x0;
	_ =	sdelay $0xe  }
0x5e5: {  	s11 =	spop (v2sf)  }
0x5e6: {  	p1 =	slt.s32 s11, $0x1  }
0x5e7: {  	v6 =	vlaneseq.u32 @!p1  }
0x5e8: {  	s11 =	simm.s32 $0x74D0;
	v5 =	vshll.u32 @!p1 v5, $0x4;
	v7 =	vor.u32 @!p1 $0x80000000, v6  }
0x5e9: {  	v6 =	vor.u32 @!p1 s11, v6;
	v5 =	vxor.u32 @!p1 v7, v5  }
0x5ea: {  	(xrf1) =	vsort.dscd.msk.u32 @!p1 $0xffff, v5, v6;
	_ =	sdelay $0x5  }
0x5eb: {  	v5 =	vimm.s32 @!p1 $0xEDCBA987  }
0x5ec: {  	v6 =	vimm.s32 @!p1 $0x65432100;
	v5 =	vunpack.c.l.s4.s8 @!p1 v5  }
0x5ed: {  	v6 =	vunpack.c.l.s4.s8 @!p1 v6  }
0x5ee: {  	v5 =	vunpack.c.0.s8.s32 @!p1 v5  }
0x5ef: {  	v6 =	vunpack.c.0.s8.s32 @!p1 v6  }
0x5f0: {  	v5 =	vand.u32 @!p1 $0xF, v5  }
0x5f1: {  	v5 =	vcombine.low @!p1 v6, v5;
	_ =	sdelay $0x1  }
0x5f2: {  	v6, v7, _ =	vpop @!p1 (xrf1)  }
0x5f3: {  	v6 =	vshra.s32 @!p1 v6, $0x4  }
0x5f4: {  	v6 =	vxor.u32 @!p1 $0xF8000000, v6  }
0x5f5: {  	s11 =	simm.s32 @!p1 $0x11C00;
	[tilespmem:$0x11C00] =	vst @!p1 v6  }
0x5f6: {  	v5 =	vld.idx.msk @!p1 [tilespmem:v5+s11+$0x0], $0xffff;
	_ =	sdelay $0x4  }
0x5f7: {  	vm1 =	vmmov @!p1 $0x1;
	vm0 =	vne.s32 @!p1 v6, v5;
	v5 =	vsub.s32 @!p1 v6, v0  }
0x5f8: {  	vm0 =	vmor @!p1 vm0, vm1;
	vm1 =	vlt.u32 @!p1 v5, $0xC38  }
0x5f9: {  	vm0 =	vmand @!p1 vm1, vm0;
	_ =	sdelay $0x4  }
0x5fa: {  	s12 =	simm.s32 @!p1 $0x11C80  }
0x5fb: {  	v6 =	vld.idx.msk @!p1 [tilespmem:v5+s12+$0x0], vm0;
	_ =	sdelay $0x4  }
0x5fc: {  	vm1 =	vgt.s32 @!p1 v6, v7  }
0x5fd: {  	s11 =	simm.s32 $0x74E0;
	v6 =	vsel @!p1 vm1, v6, v7  }
.LBB2_46:
0x5fe: {  	[tilespmem:v5+s12+$0x0] =	vst.idx.msk @!p1 vm0, v6;
	s10 =	sadd.s32 $0x10, s10;
	s12 =	smov.u32 s11;
	s11 =	sadd.s32 $0x10, s11  }
0x5ff: {  	v5 =	vld [tilespmem:s10+$0x0];
	p2 =	sne.s32 s11, $0x7A60;
	_ =	sdelay $0x4  }
0x600: {  	vm0 =	vge.s32 v5, v0;
	vm1 =	vlt.s32 v5, v1  }
0x601: {  	vm0 =	vmand vm0, vm1  }
0x602: {  	v6 =	vmpcnt.ones.xlane vm0;
	_ =	sdelay $0x1  }
0x603: {  	(v2sf) =	vpush v6, $0x0;
	_ =	sdelay $0xe  }
0x604: {  	s13 =	spop (v2sf)  }
0x605: {  	p1 =	slt.s32 s13, $0x1  }
0x606: {  	v5 =	vshll.u32 @!p1 v5, $0x4;
	v6 =	vlaneseq.u32 @!p1;
	v7 =	vimm.s32 @!p1 $0xEDCBA987  }
0x607: {  	v8 =	vor.u32 @!p1 s12, v6;
	v6 =	vor.u32 @!p1 $0x80000000, v6;
	v7 =	vunpack.c.l.s4.s8 @!p1 v7  }
0x608: {  	v5 =	vxor.u32 @!p1 v6, v5;
	v6 =	vimm.s32 @!p1 $0x65432100  }
0x609: {  	v6 =	vunpack.c.l.s4.s8 @!p1 v6;
	v7 =	vunpack.c.0.s8.s32 @!p1 v7;
	(xrf1) =	vsort.dscd.msk.u32 @!p1 $0xffff, v5, v8;
	_ =	sdelay $0x1  }
0x60a: {  	v5 =	vunpack.c.0.s8.s32 @!p1 v6;
	v6 =	vand.u32 @!p1 $0xF, v7;
	_ =	sdelay $0x1  }
0x60b: {  	v5 =	vcombine.low @!p1 v5, v6;
	_ =	sdelay $0x9  }
0x60c: {  	v6, v7, _ =	vpop @!p1 (xrf1)  }
0x60d: {  	v6 =	vshra.s32 @!p1 v6, $0x4  }
0x60e: {  	v6 =	vxor.u32 @!p1 $0xF8000000, v6  }
0x60f: {  	s12 =	simm.s32 @!p1 $0x11C00;
	[tilespmem:$0x11C00] =	vst @!p1 v6  }
0x610: {  	v5 =	vld.idx.msk @!p1 [tilespmem:v5+s12+$0x0], $0xffff;
	_ =	sdelay $0x5  }
0x611: {  	vm1 =	vmmov @!p1 $0x1;
	vm0 =	vne.s32 @!p1 v6, v5;
	v5 =	vsub.s32 @!p1 v6, v0  }
0x612: {  	vm0 =	vmor @!p1 vm0, vm1;
	vm1 =	vlt.u32 @!p1 v5, $0xC38  }
0x613: {  	vm0 =	vmand @!p1 vm1, vm0;
	_ =	sdelay $0x4  }
0x614: {  	s12 =	simm.s32 @!p1 $0x11C80  }
0x615: {  	v6 =	vld.idx.msk @!p1 [tilespmem:v5+s12+$0x0], vm0;
	_ =	sdelay $0x2  }
.Ltmp22:
0x616: {  	(pc) =	sbr.rel @p2 .LBB2_46-.Ltmp22, $3  }
0x617: {  	_ =	sdelay $0x1  }
0x618: {  	vm1 =	vgt.s32 @!p1 v6, v7  }
0x619: {  	v6 =	vsel @!p1 vm1, v6, v7  }
0x61a: {  	_ =	sdelay $0x4  }
0x61b: {  	[tilespmem:v5+s12+$0x0] =	vst.idx.msk @!p1 vm0, v6  }
0x61c: {  	_ =	swait.ge [sflag:s1], $0x4400  }
0x61d: {  	[sflag:s1] =	ssyncset.done $0x0  }
0x61e: {  	s10 =	simm.s32 @!p0 $0x3;
	[sflag:s1] =	ssyncadd.s32 $0xFFFFBC00  }
0x61f: {  	[hbm4b:s23+s3] =	stream.linear.scatter [tilespmem:s0], [sflag:$0x4], $0x4400, $0x38;
	[tilespmem:$0x18300] =	vst v63  }
0x620: {  	_ =	swait.ge @!p0 [sflag:s10], $0x4400  }
0x621: {  	[sflag:s10] =	ssyncset.done @!p0 $0x0  }
0x622: {  	[sflag:s10] =	ssyncadd.s32 @!p0 $0xFFFFBC00;
	s10 =	simm.s32 @!p0 $0x0  }
0x623: {  	[tilespmem:s10], [sflag:$0x1] =	stream.linear.gather @!p0 [hbm4b:s24+s10], $0x4400, $0x38;
	[tilespmem:$0x18300] =	vst v63  }
0x624: {  	s10 =	simm.s32 $0x11660  }
0x625: {  	v5 =	vld [tilespmem:s10+$0x0];
	_ =	sdelay $0x4  }
0x626: {  	vm0 =	vge.s32 v5, v0;
	vm1 =	vlt.s32 v5, v1  }
0x627: {  	vm0 =	vmand vm0, vm1  }
0x628: {  	v6 =	vmpcnt.ones.xlane vm0;
	_ =	sdelay $0x1  }
0x629: {  	(v2sf) =	vpush v6, $0x0;
	_ =	sdelay $0xe  }
0x62a: {  	s11 =	spop (v2sf)  }
0x62b: {  	p1 =	slt.s32 s11, $0x1  }
0x62c: {  	v6 =	vlaneseq.u32 @!p1  }
0x62d: {  	s11 =	simm.s32 $0x7A60;
	v5 =	vshll.u32 @!p1 v5, $0x4;
	v7 =	vor.u32 @!p1 $0x80000000, v6  }
0x62e: {  	v6 =	vor.u32 @!p1 s11, v6;
	v5 =	vxor.u32 @!p1 v7, v5  }
0x62f: {  	(xrf1) =	vsort.dscd.msk.u32 @!p1 $0xffff, v5, v6;
	_ =	sdelay $0x5  }
0x630: {  	v5 =	vimm.s32 @!p1 $0xEDCBA987  }
0x631: {  	v6 =	vimm.s32 @!p1 $0x65432100;
	v5 =	vunpack.c.l.s4.s8 @!p1 v5  }
0x632: {  	v6 =	vunpack.c.l.s4.s8 @!p1 v6  }
0x633: {  	v5 =	vunpack.c.0.s8.s32 @!p1 v5  }
0x634: {  	v6 =	vunpack.c.0.s8.s32 @!p1 v6  }
0x635: {  	v5 =	vand.u32 @!p1 $0xF, v5  }
0x636: {  	v5 =	vcombine.low @!p1 v6, v5;
	_ =	sdelay $0x1  }
0x637: {  	v6, v7, _ =	vpop @!p1 (xrf1)  }
0x638: {  	v6 =	vshra.s32 @!p1 v6, $0x4  }
0x639: {  	v6 =	vxor.u32 @!p1 $0xF8000000, v6  }
0x63a: {  	s11 =	simm.s32 @!p1 $0x11C00;
	[tilespmem:$0x11C00] =	vst @!p1 v6  }
0x63b: {  	v5 =	vld.idx.msk @!p1 [tilespmem:v5+s11+$0x0], $0xffff;
	_ =	sdelay $0x4  }
0x63c: {  	vm1 =	vmmov @!p1 $0x1;
	vm0 =	vne.s32 @!p1 v6, v5;
	v5 =	vsub.s32 @!p1 v6, v0  }
0x63d: {  	vm0 =	vmor @!p1 vm0, vm1;
	vm1 =	vlt.u32 @!p1 v5, $0xC38  }
0x63e: {  	vm0 =	vmand @!p1 vm1, vm0;
	_ =	sdelay $0x4  }
0x63f: {  	s12 =	simm.s32 @!p1 $0x11C80  }
0x640: {  	v6 =	vld.idx.msk @!p1 [tilespmem:v5+s12+$0x0], vm0;
	_ =	sdelay $0x4  }
0x641: {  	vm1 =	vgt.s32 @!p1 v6, v7  }
0x642: {  	s11 =	simm.s32 $0x7A70;
	v6 =	vsel @!p1 vm1, v6, v7  }
.LBB2_48:
0x643: {  	[tilespmem:v5+s12+$0x0] =	vst.idx.msk @!p1 vm0, v6;
	s10 =	sadd.s32 $0x10, s10;
	s12 =	smov.u32 s11;
	s11 =	sadd.s32 $0x10, s11  }
0x644: {  	v5 =	vld [tilespmem:s10+$0x0];
	p2 =	sne.s32 s11, $0x8000;
	_ =	sdelay $0x4  }
0x645: {  	vm0 =	vge.s32 v5, v0;
	vm1 =	vlt.s32 v5, v1  }
0x646: {  	vm0 =	vmand vm0, vm1  }
0x647: {  	v6 =	vmpcnt.ones.xlane vm0;
	_ =	sdelay $0x1  }
0x648: {  	(v2sf) =	vpush v6, $0x0;
	_ =	sdelay $0xe  }
0x649: {  	s13 =	spop (v2sf)  }
0x64a: {  	p1 =	slt.s32 s13, $0x1  }
0x64b: {  	v5 =	vshll.u32 @!p1 v5, $0x4;
	v6 =	vlaneseq.u32 @!p1;
	v7 =	vimm.s32 @!p1 $0xEDCBA987  }
0x64c: {  	v8 =	vor.u32 @!p1 s12, v6;
	v6 =	vor.u32 @!p1 $0x80000000, v6;
	v7 =	vunpack.c.l.s4.s8 @!p1 v7  }
0x64d: {  	v5 =	vxor.u32 @!p1 v6, v5;
	v6 =	vimm.s32 @!p1 $0x65432100  }
0x64e: {  	v6 =	vunpack.c.l.s4.s8 @!p1 v6;
	v7 =	vunpack.c.0.s8.s32 @!p1 v7;
	(xrf1) =	vsort.dscd.msk.u32 @!p1 $0xffff, v5, v8;
	_ =	sdelay $0x1  }
0x64f: {  	v5 =	vunpack.c.0.s8.s32 @!p1 v6;
	v6 =	vand.u32 @!p1 $0xF, v7;
	_ =	sdelay $0x1  }
0x650: {  	v5 =	vcombine.low @!p1 v5, v6;
	_ =	sdelay $0x9  }
0x651: {  	v6, v7, _ =	vpop @!p1 (xrf1)  }
0x652: {  	v6 =	vshra.s32 @!p1 v6, $0x4  }
0x653: {  	v6 =	vxor.u32 @!p1 $0xF8000000, v6  }
0x654: {  	s12 =	simm.s32 @!p1 $0x11C00;
	[tilespmem:$0x11C00] =	vst @!p1 v6  }
0x655: {  	v5 =	vld.idx.msk @!p1 [tilespmem:v5+s12+$0x0], $0xffff;
	_ =	sdelay $0x5  }
0x656: {  	vm1 =	vmmov @!p1 $0x1;
	vm0 =	vne.s32 @!p1 v6, v5;
	v5 =	vsub.s32 @!p1 v6, v0  }
0x657: {  	vm0 =	vmor @!p1 vm0, vm1;
	vm1 =	vlt.u32 @!p1 v5, $0xC38  }
0x658: {  	vm0 =	vmand @!p1 vm1, vm0;
	_ =	sdelay $0x4  }
0x659: {  	s12 =	simm.s32 @!p1 $0x11C80  }
0x65a: {  	v6 =	vld.idx.msk @!p1 [tilespmem:v5+s12+$0x0], vm0;
	_ =	sdelay $0x2  }
.Ltmp23:
0x65b: {  	(pc) =	sbr.rel @p2 .LBB2_48-.Ltmp23, $3  }
0x65c: {  	_ =	sdelay $0x1  }
0x65d: {  	vm1 =	vgt.s32 @!p1 v6, v7  }
0x65e: {  	v6 =	vsel @!p1 vm1, v6, v7  }
0x65f: {  	_ =	sdelay $0x4  }
0x660: {  	[tilespmem:v5+s12+$0x0] =	vst.idx.msk @!p1 vm0, v6;
	s10 =	simm.s32 @p0 $0x0;
	s11 =	simm.s32 @p0 $0x8800;
	s12 =	simm.s32 @p0 $0x8  }
0x661: {  	[tilespmem:s11], [sflag:$0x8] =	stream.linear.gather @p0 [hbm4b:s26+s10], $0x1400, $0x38;
	[tilespmem:$0x18300] =	vst v63  }
0x662: {  	_ =	swait.ge @p0 [sflag:s12], $0x1400  }
0x663: {  	[sflag:s12] =	ssyncset.done @p0 $0x0  }
0x664: {  	[sflag:s12] =	ssyncadd.s32 @p0 $0xFFFFEC00  }
0x665: {  	[hbm4b:s29+s10] =	stream.linear.scatter @p0 [tilespmem:s11], [sflag:$0x1], $0x1400, $0x38;
	[tilespmem:$0x18300] =	vst v63  }
0x666: {  	s10 =	simm.s32 @p0 $0x1  }
0x667: {  	_ =	swait.ge @p0 [sflag:s10], $0x1400  }
0x668: {  	[sflag:s10] =	ssyncset.done @p0 $0x0  }
0x669: {  	[sflag:s10] =	ssyncadd.s32 @p0 $0xFFFFEC00;
	s10 =	simm.s32 @!p0 $0x1  }
0x66a: {  	_ =	swait.ge @!p0 [sflag:s10], $0x4400  }
0x66b: {  	[sflag:s10] =	ssyncset.done @!p0 $0x0  }
0x66c: {  	[sflag:s10] =	ssyncadd.s32 @!p0 $0xFFFFBC00;
	s10 =	simm.s32 @!p0 $0x0  }
0x66d: {  	[hbm4b:s25+s10] =	stream.linear.scatter @!p0 [tilespmem:s10], [sflag:$0x3], $0x4400, $0x38;
	[tilespmem:$0x18300] =	vst v63  }
0x66e: {  	_ =	swait.ge [sflag:s4], $0x4400  }
0x66f: {  	[sflag:s4] =	ssyncset.done $0x0  }
0x670: {  	[sflag:s4] =	ssyncadd.s32 $0xFFFFBC00  }
0x671: {  	_ =	swait.ge [sflag:s6], $0x4400  }
0x672: {  	[sflag:s6] =	ssyncset.done $0x0  }
0x673: {  	s19 =	simm.s32 $0x0;
	[sflag:s6] =	ssyncadd.s32 $0xFFFFBC00  }
0x674: {  	v5 =	vld [tilespmem:s19+$0x11C80];
	_ =	sdelay $0x4  }
0x675: {  	vm15 =	vgt.s32 v5, $0xFFFFFFFF  }
0x676: {  	v6 =	vsel vm15, $0x1, v3  }
0x677: {  	(xrf0) =	vadd.scan.msk.s32 $0xffff, v6;
	_ =	sdelay $0x1  }
0x678: {  	s11 =	simm.s32 $0x0  }
0x679: {  	v6 =	vmov s11  }
0x67a: {  	v6 =	vadd.s32 $0xFFFFFFFF, v6  }
0x67b: {  	v6 =	vbroadcast v6, $0x0  }
0x67c: {  	v7, _, _ =	vpop (xrf0)  }
0x67d: {  	v6 =	vadd.s32 v7, v6;
	(v2sf) =	vpush v7, $0xF;
	_ =	sdelay $0x4  }
0x67e: {  	[tilespmem:v6+s7+$0x0] =	vst.idx.msk vm15, v5;
	v5 =	vadd.s32 s18, v4  }
0x67f: {  	s13 =	simm.s32 $0x10;
	s12 =	simm.s32 $0x80;
	s10 =	smov.u32 s18;
	[tilespmem:v6+s8+$0x0] =	vst.idx.msk vm15, v5  }
.LBB2_50:
0x680: {  	p1 =	sne.s32 s12, $0x31C0;
	v5 =	vld [tilespmem:s13+$0x11C80];
	_ =	sdelay $0x4  }
0x681: {  	vm0 =	vgt.s32 v5, $0xFFFFFFFF  }
0x682: {  	v6 =	vsel vm0, $0x1, v3  }
0x683: {  	(xrf0) =	vadd.scan.msk.s32 $0xffff, v6  }
0x684: {  	s13 =	spop (v2sf)  }
0x685: {  	s11 =	sadd.s32 s11, s13  }
0x686: {  	v6 =	vmov s11  }
0x687: {  	v6 =	vadd.s32 $0xFFFFFFFF, v6  }
0x688: {  	v6 =	vbroadcast v6, $0x0  }
0x689: {  	v7, _, _ =	vpop (xrf0)  }
0x68a: {  	v6 =	vadd.s32 v7, v6;
	(v2sf) =	vpush v7, $0xF;
	_ =	sdelay $0x1  }
.Ltmp24:
0x68b: {  	(pc) =	sbr.rel @p1 .LBB2_50-.Ltmp24, $4  }
0x68c: {  	_ = 	snop  }
0x68d: {  	s10 =	sadd.s32 $0x10, s10  }
0x68e: {  	[tilespmem:v6+s7+$0x0] =	vst.idx.msk vm0, v5;
	v5 =	vadd.s32 s10, v4  }
0x68f: {  	s13 =	sshra.s32 s12, $0x2;
	s12 =	sadd.s32 $0x40, s12;
	[tilespmem:v6+s8+$0x0] =	vst.idx.msk vm0, v5  }
0x690: {  	v5 =	vld [tilespmem:s13+$0x11C80];
	_ =	sdelay $0x4  }
0x691: {  	vm0 =	vgt.s32 v5, $0xFFFFFFFF  }
0x692: {  	v6 =	vsel vm0, $0x1, v3  }
0x693: {  	(xrf0) =	vadd.scan.msk.s32 $0xffff, v6;
	_ =	sdelay $0x5  }
0x694: {  	v6, _, _ =	vpop (xrf0)  }
0x695: {  	(v2sf) =	vpush v6, $0xF;
	_ =	sdelay $0xd  }
0x696: {  	s12 =	spop (v2sf)  }
0x697: {  	s11 =	sadd.s32 s11, s12;
	s15 =	spop (v2sf)  }
0x698: {  	s12 =	sadd.s32 s11, s15  }
0x699: {  	s16 =	sadd.s32 $0x7F, s12  }
0x69a: {  	s17 =	sand.u32 $0x7F, s16  }
0x69b: {  	s14 =	sshra.s32 s16, $0x1F;
	p1 =	slt.s32 s16, $0x1;
	p2 =	sne.s32 s17, $0x0  }
0x69c: {  	s19 =	sshrl.u32 s14, $0x19;
	p1 =	por !p1, !p2  }
0x69d: {  	s13 =	simm.s32 $0x1;
	v7 =	vmov s11;
	s11 =	sadd.s32 s19, s16;
	p1 =	por !p1, !p1  }
0x69e: {  	s11 =	sshrl.u32 s11, $0x7;
	s13 =	simm.s32 @!p1 $0x0  }
0x69f: {  	v7 =	vadd.s32 $0xFFFFFFFF, v7;
	s11 =	ssub.s32 s11, s13  }
0x6a0: {  	v7 =	vbroadcast v7, $0x0;
	p1 =	slt.s32 s12, $0x1;
	s11 =	sshll.u32 s11, $0x7  }
0x6a1: {  	s13 =	sshrl.u32 @!p1 s12, $0x4;
	s14 =	sshra.s32 @!p1 s11, $0x4  }
0x6a2: {  	v6 =	vadd.s32 v6, v7;
	p2 =	sge.s32 @!p1 s13, s14  }
0x6a3: {  	p2 =	por p1, p2  }
.Ltmp25:
0x6a4: {  	_ = 	snop;
	(pc) =	sbr.rel @p2 .LBB2_55-.Ltmp25, $4  }
0x6a5: {  	_ = 	snop  }
0x6a6: {  	s10 =	sadd.s32 $0x10, s10  }
0x6a7: {  	v7 =	vadd.s32 s10, v4;
	[tilespmem:v6+s7+$0x0] =	vst.idx.msk vm0, v5  }
0x6a8: {  	[tilespmem:v6+s8+$0x0] =	vst.idx.msk vm0, v7  }
0x6a9: {  	s10 =	sshll.u32 s13, $0x6  }
0x6aa: {  	s15 =	simm.s32 @!p1 $0x12900;
	s16 =	sshra.s32 s10, $0x2  }
0x6ab: {  	v5 =	vld.msk @!p1 [tilespmem:s15+$0x0], $0xffff;
	s10 =	sadd.s32 $0x12900, s16  }
0x6ac: {  	v9 =	vld [tilespmem:s10+$0x0]  }
0x6ad: {  	s17 =	sshll.u32 s13, $0x4  }
0x6ae: {  	v6 =	vmov s12;
	v7 =	vmov s11;
	v8 =	vor.u32 s17, v4  }
0x6af: {  	vm0 =	vge.s32 v8, v6;
	vm1 =	vlt.s32 v8, v7  }
0x6b0: {  	vm0 =	vmand vm0, vm1  }
0x6b1: {  	s12 =	simm.s32 @!p1 $0x13580;
	s19 =	ssub.s32 s13, s14;
	v9 =	vsel vm0, v5, v9  }
0x6b2: {  	s13 =	sadd.s32 $0x1, s19;
	v8 =	vld.msk @!p1 [tilespmem:s12+$0x0], $0xffff;
	s12 =	sadd.s32 $0x13580, s16;
	[tilespmem:s10+$0x0] =	vst v9  }
0x6b3: {  	p1 =	seq.s32 s13, $0x0;
	v9 =	vld [tilespmem:s12+$0x0]  }
.Ltmp26:
0x6b4: {  	_ = 	snop;
	(pc) =	sbr.rel @p1 .LBB2_54-.Ltmp26, $2  }
0x6b5: {  	_ =	sdelay $0x2  }
0x6b6: {  	s14 =	sadd.s32 $0x10, s17;
	v9 =	vsel vm0, v8, v9  }
.LBB2_53:
0x6b7: {  	s13 =	sadd.s32 $0x1, s13;
	[tilespmem:s12+$0x0] =	vst v9;
	s10 =	sadd.s32 $0x10, s10;
	s12 =	sadd.s32 $0x10, s12  }
0x6b8: {  	v9 =	vld [tilespmem:s10+$0x0];
	p1 =	seq.s32 s13, $0x0;
	_ =	sdelay $0x1  }
0x6b9: {  	v10 =	vor.u32 s14, v4  }
0x6ba: {  	vm0 =	vge.s32 v10, v6;
	vm1 =	vlt.s32 v10, v7  }
0x6bb: {  	vm0 =	vmand vm0, vm1  }
0x6bc: {  	v9 =	vsel vm0, v5, v9  }
0x6bd: {  	[tilespmem:s10+$0x0] =	vst v9  }
0x6be: {  	v9 =	vld [tilespmem:s12+$0x0]  }
.Ltmp27:
0x6bf: {  	(pc) =	sbr.rel @!p1 .LBB2_53-.Ltmp27, $2  }
0x6c0: {  	_ =	sdelay $0x2  }
0x6c1: {  	s14 =	sadd.s32 $0x10, s14;
	v9 =	vsel vm0, v8, v9  }
.LBB2_54:
0x6c2: {  	[tilespmem:s12+$0x0] =	vst v9  }
.LBB2_55:
0x6c3: {  	s10 =	sshra.s32 s11, $0x7  }
0x6c4: {  	s11 =	simm.s32 $0x12940;
	p1 =	sle.s32 s10, $0x0  }
0x6c5: {  	v5 =	vld @!p1 [tilespmem:s11+$0xFFFFFFC0];
	_ =	sdelay $0x4  }
0x6c6: {  	s12 =	simm.s32 $0x135C0;
	[tilespmem:$0x14200] =	vst @!p1 v5  }
0x6c7: {  	v5 =	vld @!p1 [tilespmem:s12+$0xFFFFFFC0];
	_ =	sdelay $0x4  }
0x6c8: {  	[tilespmem:$0x14280] =	vst @!p1 v5  }
0x6c9: {  	v5 =	vld @!p1 [tilespmem:s11+$0xFFFFFFD0];
	_ =	sdelay $0x4  }
0x6ca: {  	[tilespmem:$0x14210] =	vst @!p1 v5  }
0x6cb: {  	v5 =	vld @!p1 [tilespmem:s12+$0xFFFFFFD0];
	_ =	sdelay $0x4  }
0x6cc: {  	[tilespmem:$0x14290] =	vst @!p1 v5  }
0x6cd: {  	v5 =	vld @!p1 [tilespmem:s11+$0xFFFFFFE0];
	_ =	sdelay $0x4  }
0x6ce: {  	[tilespmem:$0x14220] =	vst @!p1 v5  }
0x6cf: {  	v5 =	vld @!p1 [tilespmem:s12+$0xFFFFFFE0];
	_ =	sdelay $0x4  }
0x6d0: {  	[tilespmem:$0x142A0] =	vst @!p1 v5  }
0x6d1: {  	v5 =	vld @!p1 [tilespmem:s11+$0xFFFFFFF0];
	_ =	sdelay $0x4  }
0x6d2: {  	[tilespmem:$0x14230] =	vst @!p1 v5  }
0x6d3: {  	v5 =	vld @!p1 [tilespmem:s12+$0xFFFFFFF0];
	_ =	sdelay $0x4  }
0x6d4: {  	[tilespmem:$0x142B0] =	vst @!p1 v5  }
0x6d5: {  	v5 =	vld @!p1 [tilespmem:s11+$0x0];
	_ =	sdelay $0x4  }
0x6d6: {  	[tilespmem:$0x14240] =	vst @!p1 v5  }
0x6d7: {  	v5 =	vld @!p1 [tilespmem:s12+$0x0];
	_ =	sdelay $0x4  }
0x6d8: {  	[tilespmem:$0x142C0] =	vst @!p1 v5  }
0x6d9: {  	v5 =	vld @!p1 [tilespmem:s11+$0x10];
	_ =	sdelay $0x4  }
0x6da: {  	[tilespmem:$0x14250] =	vst @!p1 v5  }
0x6db: {  	v5 =	vld @!p1 [tilespmem:s12+$0x10];
	_ =	sdelay $0x4  }
0x6dc: {  	[tilespmem:$0x142D0] =	vst @!p1 v5  }
0x6dd: {  	v5 =	vld @!p1 [tilespmem:s11+$0x20];
	_ =	sdelay $0x4  }
0x6de: {  	[tilespmem:$0x14260] =	vst @!p1 v5  }
0x6df: {  	v5 =	vld @!p1 [tilespmem:s12+$0x20];
	_ =	sdelay $0x4  }
0x6e0: {  	[tilespmem:$0x142E0] =	vst @!p1 v5  }
0x6e1: {  	v5 =	vld @!p1 [tilespmem:s11+$0x30];
	_ =	sdelay $0x4  }
0x6e2: {  	[tilespmem:$0x14270] =	vst @!p1 v5  }
0x6e3: {  	v5 =	vld @!p1 [tilespmem:s12+$0x30];
	_ =	sdelay $0x3  }
0x6e4: {  	s13 =	simm.s32 @!p1 $0x14200  }
0x6e5: {  	s14 =	simm.s32 @!p1 $0x14300;
	s11 =	simm.s32 @!p1 $0x6;
	s12 =	simm.s32 @!p1 $0x80;
	[tilespmem:$0x142F0] =	vst @!p1 v5  }
0x6e6: {  	[tilespmem:s14], [sflag:$0x6] =	stream.indirect.gather @!p1 [hbm4b:s5+s12], $0x80, s13, s12, $0xb8;
	[tilespmem:$0x18300] =	vst v63  }
0x6e7: {  	_ =	swait.ge @!p1 [sflag:s11], $0x4000  }
0x6e8: {  	[sflag:s11] =	ssyncset.done @!p1 $0x0  }
0x6e9: {  	s15 =	simm.s32 @!p1 $0x7;
	[sflag:s11] =	ssyncadd.s32 @!p1 $0xFFFFC000;
	s11 =	simm.s32 @!p1 $0x14280  }
0x6ea: {  	[hbm4b:s2+s12] =	stream.indirect.scatter @!p1 [tilespmem:s14], [sflag:$0x7], $0x80, s11, s12, $0xb8;
	[tilespmem:$0x18300] =	vst v63  }
0x6eb: {  	s13 =	simm.s32 $0x1;
	s14 =	simm.s32 $0x2;
	_ =	swait.ge @!p1 [sflag:s15], $0x4000  }
0x6ec: {  	s11 =	simm.s32 $0x13640;
	s12 =	simm.s32 $0x129C0;
	[sflag:s15] =	ssyncset.done @!p1 $0x0  }
.LBB2_56:
0x6ed: {  	[sflag:s15] =	ssyncadd.s32 @!p1 $0xFFFFC000  }
0x6ee: {  	p1 =	sge.s32 s13, s10;
	s13 =	smov.u32 s14;
	s14 =	sadd.s32 $0x1, s14  }
0x6ef: {  	p2 =	sne.s32 s14, $0x19;
	v5 =	vld @!p1 [tilespmem:s12+$0xFFFFFFC0];
	_ =	sdelay $0x4  }
0x6f0: {  	[tilespmem:$0x14200] =	vst @!p1 v5  }
0x6f1: {  	v5 =	vld @!p1 [tilespmem:s11+$0xFFFFFFC0];
	_ =	sdelay $0x4  }
0x6f2: {  	[tilespmem:$0x14280] =	vst @!p1 v5  }
0x6f3: {  	v5 =	vld @!p1 [tilespmem:s12+$0xFFFFFFD0];
	_ =	sdelay $0x4  }
0x6f4: {  	[tilespmem:$0x14210] =	vst @!p1 v5  }
0x6f5: {  	v5 =	vld @!p1 [tilespmem:s11+$0xFFFFFFD0];
	_ =	sdelay $0x4  }
0x6f6: {  	[tilespmem:$0x14290] =	vst @!p1 v5  }
0x6f7: {  	v5 =	vld @!p1 [tilespmem:s12+$0xFFFFFFE0];
	_ =	sdelay $0x4  }
0x6f8: {  	[tilespmem:$0x14220] =	vst @!p1 v5  }
0x6f9: {  	v5 =	vld @!p1 [tilespmem:s11+$0xFFFFFFE0];
	_ =	sdelay $0x4  }
0x6fa: {  	[tilespmem:$0x142A0] =	vst @!p1 v5  }
0x6fb: {  	v5 =	vld @!p1 [tilespmem:s12+$0xFFFFFFF0];
	_ =	sdelay $0x4  }
0x6fc: {  	[tilespmem:$0x14230] =	vst @!p1 v5  }
0x6fd: {  	v5 =	vld @!p1 [tilespmem:s11+$0xFFFFFFF0];
	_ =	sdelay $0x4  }
0x6fe: {  	[tilespmem:$0x142B0] =	vst @!p1 v5  }
0x6ff: {  	v5 =	vld @!p1 [tilespmem:s12+$0x0];
	_ =	sdelay $0x4  }
0x700: {  	[tilespmem:$0x14240] =	vst @!p1 v5  }
0x701: {  	v5 =	vld @!p1 [tilespmem:s11+$0x0];
	_ =	sdelay $0x4  }
0x702: {  	[tilespmem:$0x142C0] =	vst @!p1 v5  }
0x703: {  	v5 =	vld @!p1 [tilespmem:s12+$0x10];
	_ =	sdelay $0x4  }
0x704: {  	[tilespmem:$0x14250] =	vst @!p1 v5  }
0x705: {  	v5 =	vld @!p1 [tilespmem:s11+$0x10];
	_ =	sdelay $0x4  }
0x706: {  	[tilespmem:$0x142D0] =	vst @!p1 v5  }
0x707: {  	v5 =	vld @!p1 [tilespmem:s12+$0x20];
	_ =	sdelay $0x4  }
0x708: {  	[tilespmem:$0x14260] =	vst @!p1 v5  }
0x709: {  	v5 =	vld @!p1 [tilespmem:s11+$0x20];
	_ =	sdelay $0x4  }
0x70a: {  	[tilespmem:$0x142E0] =	vst @!p1 v5  }
0x70b: {  	v5 =	vld @!p1 [tilespmem:s12+$0x30];
	_ =	sdelay $0x4  }
0x70c: {  	[tilespmem:$0x14270] =	vst @!p1 v5  }
0x70d: {  	v5 =	vld @!p1 [tilespmem:s11+$0x30];
	_ =	sdelay $0x3  }
0x70e: {  	s15 =	simm.s32 @!p1 $0x6  }
0x70f: {  	s16 =	simm.s32 @!p1 $0x80;
	s17 =	simm.s32 @!p1 $0x14200;
	s19 =	simm.s32 @!p1 $0x14300;
	[tilespmem:$0x142F0] =	vst @!p1 v5  }
0x710: {  	[tilespmem:s19], [sflag:$0x6] =	stream.indirect.gather @!p1 [hbm4b:s5+s16], $0x80, s17, s16, $0xb8;
	[tilespmem:$0x18300] =	vst v63  }
0x711: {  	_ =	swait.ge @!p1 [sflag:s15], $0x4000  }
.Ltmp28:
0x712: {  	[sflag:s15] =	ssyncset.done @!p1 $0x0;
	(pc) =	sbr.rel @p2 .LBB2_56-.Ltmp28, $4  }
0x713: {  	s17 =	simm.s32 @!p1 $0x14280;
	[sflag:s15] =	ssyncadd.s32 @!p1 $0xFFFFC000;
	s15 =	simm.s32 @!p1 $0x7  }
0x714: {  	[hbm4b:s2+s16] =	stream.indirect.scatter @!p1 [tilespmem:s19], [sflag:$0x7], $0x80, s17, s16, $0xb8;
	[tilespmem:$0x18300] =	vst v63  }
0x715: {  	_ =	swait.ge @!p1 [sflag:s15], $0x4000  }
0x716: {  	s12 =	sadd.s32 $0x80, s12;
	s11 =	sadd.s32 $0x80, s11;
	[sflag:s15] =	ssyncset.done @!p1 $0x0  }
0x717: {  	p2 =	sge.s32 s13, s10;
	[sflag:s15] =	ssyncadd.s32 @!p1 $0xFFFFC000  }
0x718: {  	v5 =	vld @!p2 [tilespmem:s12+$0xFFFFFFC0];
	_ =	sdelay $0x4  }
0x719: {  	[tilespmem:$0x14200] =	vst @!p2 v5  }
0x71a: {  	v5 =	vld @!p2 [tilespmem:s11+$0xFFFFFFC0];
	_ =	sdelay $0x4  }
0x71b: {  	[tilespmem:$0x14280] =	vst @!p2 v5  }
0x71c: {  	v5 =	vld @!p2 [tilespmem:s12+$0xFFFFFFD0];
	_ =	sdelay $0x4  }
0x71d: {  	[tilespmem:$0x14210] =	vst @!p2 v5  }
0x71e: {  	v5 =	vld @!p2 [tilespmem:s11+$0xFFFFFFD0];
	_ =	sdelay $0x4  }
0x71f: {  	[tilespmem:$0x14290] =	vst @!p2 v5  }
0x720: {  	v5 =	vld @!p2 [tilespmem:s12+$0xFFFFFFE0];
	_ =	sdelay $0x4  }
0x721: {  	[tilespmem:$0x14220] =	vst @!p2 v5  }
0x722: {  	v5 =	vld @!p2 [tilespmem:s11+$0xFFFFFFE0];
	_ =	sdelay $0x4  }
0x723: {  	[tilespmem:$0x142A0] =	vst @!p2 v5  }
0x724: {  	v5 =	vld @!p2 [tilespmem:s12+$0xFFFFFFF0];
	_ =	sdelay $0x4  }
0x725: {  	[tilespmem:$0x14230] =	vst @!p2 v5  }
0x726: {  	v5 =	vld @!p2 [tilespmem:s11+$0xFFFFFFF0];
	_ =	sdelay $0x4  }
0x727: {  	[tilespmem:$0x142B0] =	vst @!p2 v5  }
0x728: {  	v5 =	vld @!p2 [tilespmem:s12+$0x0];
	_ =	sdelay $0x4  }
0x729: {  	[tilespmem:$0x14240] =	vst @!p2 v5  }
0x72a: {  	v5 =	vld @!p2 [tilespmem:s11+$0x0];
	_ =	sdelay $0x4  }
0x72b: {  	[tilespmem:$0x142C0] =	vst @!p2 v5  }
0x72c: {  	v5 =	vld @!p2 [tilespmem:s12+$0x10];
	_ =	sdelay $0x4  }
0x72d: {  	[tilespmem:$0x14250] =	vst @!p2 v5  }
0x72e: {  	v5 =	vld @!p2 [tilespmem:s11+$0x10];
	_ =	sdelay $0x4  }
0x72f: {  	[tilespmem:$0x142D0] =	vst @!p2 v5  }
0x730: {  	v5 =	vld @!p2 [tilespmem:s12+$0x20];
	_ =	sdelay $0x4  }
0x731: {  	[tilespmem:$0x14260] =	vst @!p2 v5  }
0x732: {  	v5 =	vld @!p2 [tilespmem:s11+$0x20];
	_ =	sdelay $0x4  }
0x733: {  	[tilespmem:$0x142E0] =	vst @!p2 v5  }
0x734: {  	v5 =	vld @!p2 [tilespmem:s12+$0x30];
	_ =	sdelay $0x4  }
0x735: {  	[tilespmem:$0x14270] =	vst @!p2 v5  }
0x736: {  	v5 =	vld @!p2 [tilespmem:s11+$0x30];
	_ =	sdelay $0x3  }
0x737: {  	s10 =	simm.s32 @!p2 $0x6  }
0x738: {  	s13 =	simm.s32 @!p2 $0x14300;
	s12 =	simm.s32 @!p2 $0x14200;
	s11 =	simm.s32 @!p2 $0x80;
	[tilespmem:$0x142F0] =	vst @!p2 v5  }
0x739: {  	[tilespmem:s13], [sflag:$0x6] =	stream.indirect.gather @!p2 [hbm4b:s5+s11], $0x80, s12, s11, $0xb8;
	[tilespmem:$0x18300] =	vst v63  }
0x73a: {  	s9 =	sadd.s32 $0x1, s9;
	_ =	swait.ge @!p2 [sflag:s10], $0x4000  }
0x73b: {  	p1 =	sne.s32 s9, s28;
	s12 =	simm.s32 @!p2 $0x7;
	[sflag:s10] =	ssyncset.done @!p2 $0x0  }
.Ltmp29:
0x73c: {  	[sflag:s10] =	ssyncadd.s32 @!p2 $0xFFFFC000;
	s10 =	simm.s32 @!p2 $0x14280;
	(pc) =	sbr.rel @p1 .LBB2_1-.Ltmp29, $4  }
0x73d: {  	[hbm4b:s2+s11] =	stream.indirect.scatter @!p2 [tilespmem:s13], [sflag:$0x7], $0x80, s10, s11, $0xb8;
	[tilespmem:$0x18300] =	vst v63  }
0x73e: {  	_ =	swait.ge @!p2 [sflag:s12], $0x4000  }
0x73f: {  	[sflag:s12] =	ssyncset.done @!p2 $0x0  }
0x740: {  	[sflag:s12] =	ssyncadd.s32 @!p2 $0xFFFFC000  }
0x741: {  	_ =	sfence.sel $0x180000  }
0x742: {  	[bflag:$0x0] =	sbarrier.arrive $0xFFFF  }
0x743: {  	_ =	strace $0x9000004A  }
0x744: {  	s0 =	stileid.u32;
	[bflag:$0x2] =	sbarrier.arrive $0xFFFF  }
0x745: {  	p0 =	sne.s32 s0, $0x0;
	s0 =	rddreg [dreg:$0x3]  }
0x746: {  	s0 =	sadd.s32 @!p0 $0x100000, s0  }
0x747: {  	[sflag:s0] =	ssyncadd.tile.s32 @!p0 $0x1;
	_ =	shalt  }
.Lfunc_end2:
_tile_overlayer_lowered:
.L_overlay_start_2:
0x748: {  	(tag) =	ssettag $0x2  }
0x749: {  	s0 =	rddreg [dreg:$0x0];
	s2 =	stileid.u32  }
0x74a: {  	s1 =	rddreg [dreg:$0x1];
	p0 =	sne.s32 s2, $0x0  }
0x74b: {  	s3 =	rddreg [dreg:$0x2];
	[bflag:$0x3] =	sbarrier.arrive $0xFFFF;
	s2 =	simm.s32 @!p0 $0x1C08  }
0x74c: {  	[timem:s3], [sflag:s2] =	dma.local @!p0 [hbm:s0], s1  }
0x74d: {  	s0 =	simm.s32 @!p0 $0x8  }
0x74e: {  	_ =	swait.ge @!p0 [sflag:s0], s1  }
0x74f: {  	s1 =	ssub.s32 @!p0 $0x0, s1;
	[sflag:s0] =	ssyncset.done @!p0 $0x0  }
0x750: {  	[sflag:s0] =	ssyncadd.s32 @!p0 s1  }
0x751: {  	[bflag:$0x3] =	sbarrier.arrive $0xFFFF  }
0x752: {  	_ =	shalt  }

</sc_bundles>
